<compile_context>
chip_gen: v7x
topology: tpu7x:2x2x1
jax: 0.10.2.dev20260603
libtpu: 0.0.44.dev20260713+nightly
codegen_flags: <defaults>
</compile_context>

<pallas_src>
import jax
import jax.numpy as jnp
from jax import lax
from jax.experimental import pallas as pl
from jax.experimental.pallas import tpu as pltpu
from jax.experimental.pallas import tpu_sc as plsc

N = 10000
E = 320000
D = 128

NC = 2
NS = 16
NW = NC * NS

CHUNK = 128
NB = 3
ND = 2 * NB
CPW = 84
CROW = 88
NG = CPW // ND
EP = CPW * NW * CHUNK
NPAD = 10016
RPT = 632
RPT_LAST = NPAD - 15 * RPT


def _make_sc_agg(with_gather: bool):
    mesh = plsc.VectorSubcoreMesh(core_axis_name="c", subcore_axis_name="s")
    scratch = [
        pltpu.VMEM_SHARED((NPAD, D), jnp.float32),
    ]
    if with_gather:
        scratch += [
            [pltpu.VMEM((CHUNK,), jnp.int32)] * NB,
            [pltpu.VMEM((CHUNK,), jnp.int32)] * ND,
            [pltpu.VMEM((CHUNK, D), jnp.float32)] * NB,
            [pltpu.SemaphoreType.DMA] * NB,
            [pltpu.SemaphoreType.DMA] * NB,
            [pltpu.SemaphoreType.DMA] * NB,
        ]
    else:
        scratch += [
            pltpu.VMEM((CROW, CHUNK), jnp.int32),
            pltpu.VMEM((CHUNK, D), jnp.float32),
            [pltpu.SemaphoreType.DMA] * 2,
        ]

    def body(*refs):
        if with_gather:
            (x_hbm, src_hbm, dst_hbm, zbig_hbm, out_agg,
             acc, sidx, didx, rows, gsem, ssem, isem) = refs
        else:
            (ones_hbm, dst_hbm, zbig_hbm, out_agg, acc, didx2, ones_v,
             csem) = refs
        cid = lax.axis_index("c")
        sid = lax.axis_index("s")
        wid = sid * NC + cid
        row0 = wid * CROW

        @pl.when(sid < NS - 1)
        def _():
            pltpu.sync_copy(zbig_hbm, acc.at[pl.ds(sid * RPT, RPT)])

        @pl.when(sid == NS - 1)
        def _():
            pltpu.sync_copy(zbig_hbm.at[pl.ds(0, RPT_LAST)],
                            acc.at[pl.ds((NS - 1) * RPT, RPT_LAST)])

        if with_gather:
            for c in range(NB):
                pltpu.async_copy(src_hbm.at[row0 + c], sidx[c], isem[c])
                pltpu.async_copy(dst_hbm.at[row0 + c], didx[c], isem[c])
            for c in range(NB - 1):
                pltpu.make_async_copy(src_hbm.at[0], sidx[c], isem[c]).wait()
                pltpu.make_async_copy(dst_hbm.at[0], didx[c], isem[c]).wait()
                pltpu.async_copy(x_hbm.at[sidx[c]], rows[c], gsem[c])
        else:
            pltpu.sync_copy(dst_hbm.at[pl.ds(row0, CROW)], didx2)
            pltpu.sync_copy(ones_hbm, ones_v)
        plsc.subcore_barrier()

        if with_gather:
            def step(g, carry):
                for j in range(ND):
                    c = g * ND + j
                    s0 = j % NB
                    s1 = (j + 2) % NB
                    d0 = j
                    d3 = (j + 3) % ND
                    pltpu.make_async_copy(x_hbm.at[sidx[s0]], rows[s0],
                                          gsem[s0]).wait()

                    @pl.when(c + 3 < CPW)
                    def _():
                        pltpu.async_copy(src_hbm.at[row0 + c + 3],
                                         sidx[s0], isem[s0])
                        pltpu.async_copy(dst_hbm.at[row0 + c + 3],
                                         didx[d3], isem[s0])

                    pltpu.async_copy(rows[s0], acc.at[didx[d0]], ssem[s0],
                                     add=True)

                    @pl.when(c >= 1)
                    def _():
                        pltpu.make_async_copy(rows[s1], acc.at[didx[d0]],
                                              ssem[s1]).wait()

                    @pl.when(c + 2 < CPW)
                    def _():
                        pltpu.make_async_copy(src_hbm.at[0], sidx[s1],
                                              isem[s1]).wait()
                        pltpu.make_async_copy(dst_hbm.at[0], didx[(j + 2) % ND],
                                              isem[s1]).wait()
                        pltpu.async_copy(x_hbm.at[sidx[s1]], rows[s1],
                                         gsem[s1])
                return carry

            lax.fori_loop(0, NG, step, 0)
            sl = (CPW - 1) % NB
            pltpu.make_async_copy(rows[sl], acc.at[didx[0]], ssem[sl]).wait()
        else:
            def step(g, carry):
                for j in range(2):
                    c = 2 * g + j
                    pltpu.async_copy(ones_v, acc.at[didx2.at[c]], csem[j],
                                     add=True)

                    @pl.when(c >= 1)
                    def _():
                        pltpu.make_async_copy(ones_v, acc.at[didx2.at[c]],
                                              csem[1 - j]).wait()
                return carry

            lax.fori_loop(0, CPW // 2, step, 0)
            pltpu.make_async_copy(ones_v, acc.at[didx2.at[0]],
                                  csem[(CPW - 1) % 2]).wait()
        plsc.subcore_barrier()

        @pl.when(sid < NS - 1)
        def _():
            pltpu.sync_copy(acc.at[pl.ds(sid * RPT, RPT)],
                            out_agg.at[pl.ds(cid * NPAD + sid * RPT, RPT)])

        @pl.when(sid == NS - 1)
        def _():
            pltpu.sync_copy(
                acc.at[pl.ds((NS - 1) * RPT, RPT_LAST)],
                out_agg.at[pl.ds(cid * NPAD + (NS - 1) * RPT, RPT_LAST)])

    return pl.kernel(
        body,
        out_type=jax.ShapeDtypeStruct((NC * NPAD, D), jnp.float32),
        mesh=mesh,
        scratch_types=scratch,
    )


_sc_agg = _make_sc_agg(True)
_sc_cnt = _make_sc_agg(False)


def _dense_body_first(aggp, cntp, x, wlt, bl, wrt, out):
    _dense_common(False, aggp, cntp, x, wlt, bl, wrt, out)


def _dense_body_resid(aggp, cntp, x, wlt, bl, wrt, out):
    _dense_common(True, aggp, cntp, x, wlt, bl, wrt, out)


def _dense_common(residual, aggp, cntp, x, wlt, bl, wrt, out):
    c = cntp[...]
    cnt = c[0, :, 0:1] + c[1, :, 0:1]
    inv = 1.0 / jnp.maximum(cnt, 1.0)
    a = aggp[...]
    agg = (a[0] + a[1]) * inv
    h = jnp.dot(agg, wlt[...], preferred_element_type=jnp.float32)
    h = h + bl[...]
    h = h + jnp.dot(x[...], wrt[...], preferred_element_type=jnp.float32)
    h = jnp.maximum(h, 0.0)
    if residual:
        h = h + x[...]
    out[...] = h


BN = 1000


def _make_dense(residual: bool):
    return pl.pallas_call(
        _dense_body_resid if residual else _dense_body_first,
        grid=(N // BN,),
        in_specs=[
            pl.BlockSpec((NC, BN, D), lambda i: (0, i, 0)),
            pl.BlockSpec((NC, BN, D), lambda i: (0, i, 0)),
            pl.BlockSpec((BN, D), lambda i: (i, 0)),
            pl.BlockSpec((D, D), lambda i: (0, 0)),
            pl.BlockSpec((1, D), lambda i: (0, 0)),
            pl.BlockSpec((D, D), lambda i: (0, 0)),
        ],
        out_specs=pl.BlockSpec((BN, D), lambda i: (i, 0)),
        out_shape=jax.ShapeDtypeStruct((N, D), jnp.float32),
    )


_dense_first = _make_dense(False)
_dense_resid = _make_dense(True)


def kernel(x, edge_index, Wl1, bl1, Wr1, Wl2, bl2, Wr2, Wl3, bl3, Wr3,
           Wl4, bl4, Wr4):
    src = edge_index[0]
    dst = edge_index[1]
    npad = EP - E
    pad_s = (jnp.arange(npad, dtype=jnp.int32) * 61) % N
    pad_d = N + (jnp.arange(npad, dtype=jnp.int32) % (NPAD - N))
    srcw = jnp.concatenate([src, pad_s]).reshape(NW, CPW * CHUNK)
    dstw = jnp.concatenate([dst, pad_d]).reshape(NW, CPW * CHUNK)
    fill = (CROW - CPW) * CHUNK
    srcp = jnp.concatenate(
        [srcw, jnp.zeros((NW, fill), jnp.int32)], axis=1
    ).reshape(NW * CROW, CHUNK)
    dstp = jnp.concatenate(
        [dstw, jnp.full((NW, fill), N, jnp.int32)], axis=1
    ).reshape(NW * CROW, CHUNK)

    zbig = jnp.zeros((RPT, D), jnp.float32)
    ones_b = jnp.ones((CHUNK, D), jnp.float32)

    cntp = _sc_cnt(ones_b, dstp, zbig).reshape(NC, NPAD, D)
    aggp = _sc_agg(x, srcp, dstp, zbig).reshape(NC, NPAD, D)
    cur = _dense_first(aggp, cntp, x, Wl1.T, bl1[None, :], Wr1.T)
    for (Wl, bl, Wr) in ((Wl2, bl2, Wr2), (Wl3, bl3, Wr3), (Wl4, bl4, Wr4)):
        aggp = _sc_agg(cur, srcp, dstp, zbig).reshape(NC, NPAD, D)
        cur = _dense_resid(aggp, cntp, cur, Wl.T, bl[None, :], Wr.T)
    return cur

# --- scband reference (transcript-rebuilt; emitter-appended) ---
"""Pipeline reference for scband-gs-85478439125105 (READ-ONLY COPY).

The authoritative reference and input builder live on the scoring server;
editing this copy changes nothing except your own understanding.
"""

import jax, jax.numpy as jnp
import numpy as np

N = 10000
E = 320000
D = 128
H = 128


def setup_inputs(seed: int = 0) -> dict:
    key = jax.random.key(seed)
    ks = jax.random.split(key, 16)
    inp = {}
    inp["x"] = jax.random.normal(ks[0], (N, D), dtype=jnp.float32)
    inp["edge_index"] = jax.random.randint(ks[1], (2, E), 0, N, dtype=jnp.int32)
    # 4 SAGEConv layers: lin_l (neighbor aggregate, with bias) and lin_r (root, no bias)
    kidx = 2
    for layer in range(1, 5):
        in_ch = D if layer == 1 else H
        inp[f"Wl{layer}"] = jax.random.normal(ks[kidx], (H, in_ch), dtype=jnp.float32) * 0.05
        inp[f"bl{layer}"] = jax.random.normal(ks[kidx + 1], (H,), dtype=jnp.float32) * 0.05
        inp[f"Wr{layer}"] = jax.random.normal(ks[kidx + 2], (H, in_ch), dtype=jnp.float32) * 0.05
        kidx += 3
    return inp


def _sage_conv(x, edge_index, Wl, bl, Wr):
    # PyG SAGEConv with aggr='mean': out = lin_l(mean_{j in N(i)} x_j) + lin_r(x_i)
    src = edge_index[0]
    dst = edge_index[1]
    msgs = jnp.take(x, src, axis=0)
    agg = jax.ops.segment_sum(msgs, dst, num_segments=x.shape[0])
    cnt = jax.ops.segment_sum(jnp.ones((edge_index.shape[1],), dtype=x.dtype), dst, num_segments=x.shape[0])
    agg = agg / jnp.maximum(cnt, 1.0)[:, None]
    return agg @ Wl.T + bl + x @ Wr.T


def reference(x, edge_index, Wl1, bl1, Wr1, Wl2, bl2, Wr2, Wl3, bl3, Wr3, Wl4, bl4, Wr4):
    # Single node type / single edge type instantiation of the hetero GraphSAGE.
    # Layer 1: messages -> divide by message_counts (=1) -> relu
    cur = jax.nn.relu(_sage_conv(x, edge_index, Wl1, bl1, Wr1))
    # Layers 2-4: relu(conv(cur)) + residual
    for (Wl, bl, Wr) in ((Wl2, bl2, Wr2), (Wl3, bl3, Wr3), (Wl4, bl4, Wr4)):
        cur = jax.nn.relu(_sage_conv(cur, edge_index, Wl, bl, Wr)) + cur
    return cur

if __name__ == "__main__":
    import jax
    _d = setup_inputs()
    print(jax.jit(kernel)(*tuple(_d.values())))

</pallas_src>

<mosaic_0001>
#map = affine_map<(d0, d1) -> (0, 0)>
module attributes {stable_mosaic.version = 14 : i64} {
  func.func @body(%arg0: i32, %arg1: i32, %arg2: memref<10000x128xf32, #tpu.memory_space<hbm>>, %arg3: memref<2816x128xi32, #tpu.memory_space<hbm>>, %arg4: memref<2816x128xi32, #tpu.memory_space<hbm>>, %arg5: memref<632x128xf32, #tpu.memory_space<hbm>>, %arg6: memref<20032x128xf32, #tpu.memory_space<hbm>>, %arg7: memref<10016x128xf32, #tpu.memory_space<vmem_shared>>, %arg8: memref<128xi32, #tpu.memory_space<vmem>>, %arg9: memref<128xi32, #tpu.memory_space<vmem>>, %arg10: memref<128xi32, #tpu.memory_space<vmem>>, %arg11: memref<128xi32, #tpu.memory_space<vmem>>, %arg12: memref<128xi32, #tpu.memory_space<vmem>>, %arg13: memref<128xi32, #tpu.memory_space<vmem>>, %arg14: memref<128xi32, #tpu.memory_space<vmem>>, %arg15: memref<128xi32, #tpu.memory_space<vmem>>, %arg16: memref<128xi32, #tpu.memory_space<vmem>>, %arg17: memref<128x128xf32, #tpu.memory_space<vmem>>, %arg18: memref<128x128xf32, #tpu.memory_space<vmem>>, %arg19: memref<128x128xf32, #tpu.memory_space<vmem>>, %arg20: memref<!tpu.dma_semaphore, #tpu.memory_space<semaphore_mem>>, %arg21: memref<!tpu.dma_semaphore, #tpu.memory_space<semaphore_mem>>, %arg22: memref<!tpu.dma_semaphore, #tpu.memory_space<semaphore_mem>>, %arg23: memref<!tpu.dma_semaphore, #tpu.memory_space<semaphore_mem>>, %arg24: memref<!tpu.dma_semaphore, #tpu.memory_space<semaphore_mem>>, %arg25: memref<!tpu.dma_semaphore, #tpu.memory_space<semaphore_mem>>, %arg26: memref<!tpu.dma_semaphore, #tpu.memory_space<semaphore_mem>>, %arg27: memref<!tpu.dma_semaphore, #tpu.memory_space<semaphore_mem>>, %arg28: memref<!tpu.dma_semaphore, #tpu.memory_space<semaphore_mem>>) attributes {dimension_semantics = [#tpu.dimension_semantics<core_parallel>, #tpu.dimension_semantics<subcore_parallel>], iteration_bounds = array<i64: 2, 16>, scalar_prefetch = 0 : i64, scratch_operands = 22 : i64, tpu.core_type = #tpu.core_type<sc_vector_subcore>, window_params = [{transform_indices = #map}, {transform_indices = #map}, {transform_indices = #map}, {transform_indices = #map}, {transform_indices = #map}]} {
    %mul3A = arith.constant 2 : i32
    %mul3A_0 = arith.muli %arg1, %mul3A : i32
    %add3A = arith.addi %mul3A_0, %arg0 : i32
    %mul3A_1 = arith.constant 88 : i32
    %mul3A_2 = arith.muli %add3A, %mul3A_1 : i32
    %lt3A = arith.constant 15 : i32
    %lt3A_3 = arith.cmpi slt, %arg1, %lt3A : i32
    %convert_element_type3A = arith.extui %lt3A_3 : i1 to i32
    %cond3A = arith.constant 0 : i32
    %cond3A_4 = arith.cmpi ne, %convert_element_type3A, %cond3A : i32
    scf.if %cond3A_4 {
      %mul3A_108 = arith.constant 632 : i32
      %mul3A_109 = arith.muli %arg1, %mul3A_108 : i32
      "tpu.region"() ({
        %run_scoped3A = tpu.sem_alloc : memref<!tpu.dma_semaphore, #tpu.memory_space<semaphore_mem>>
        %dma_start3A_110 = arith.constant 0 : i32
        %dma_start3A_111 = tpu.memref_slice %arg7[%mul3A_109, %dma_start3A_110] : memref<10016x128xf32, #tpu.memory_space<vmem_shared>> -> memref<632x128xf32, #tpu.memory_space<vmem_shared>>
        tpu.enqueue_dma source(%arg5 : memref<632x128xf32, #tpu.memory_space<hbm>>) target(%dma_start3A_111 : memref<632x128xf32, #tpu.memory_space<vmem_shared>>) target_semaphore(%run_scoped3A : memref<!tpu.dma_semaphore, #tpu.memory_space<semaphore_mem>>)
        %dma_wait3A_112 = arith.constant 0 : i32
        %dma_wait3A_113 = tpu.memref_slice %arg7[%mul3A_109, %dma_wait3A_112] : memref<10016x128xf32, #tpu.memory_space<vmem_shared>> -> memref<632x128xf32, #tpu.memory_space<vmem_shared>>
        tpu.wait_dma2 semaphore(%run_scoped3A : memref<!tpu.dma_semaphore, #tpu.memory_space<semaphore_mem>>) src(%arg5 : memref<632x128xf32, #tpu.memory_space<hbm>>) dst(%dma_wait3A_113 : memref<632x128xf32, #tpu.memory_space<vmem_shared>>)
        tpu.yield
      }) : () -> ()
    } else {
    }
    %eq3A = arith.constant 15 : i32
    %eq3A_5 = arith.cmpi eq, %arg1, %eq3A : i32
    %convert_element_type3A_6 = arith.extui %eq3A_5 : i1 to i32
    %cond3A_7 = arith.constant 0 : i32
    %cond3A_8 = arith.cmpi ne, %convert_element_type3A_6, %cond3A_7 : i32
    scf.if %cond3A_8 {
      "tpu.region"() ({
        %run_scoped3A = tpu.sem_alloc : memref<!tpu.dma_semaphore, #tpu.memory_space<semaphore_mem>>
        %dma_start3A_108 = arith.constant 9480 : i32
        %dma_start3A_109 = arith.constant 0 : i32
        %dma_start3A_110 = tpu.memref_slice %arg7[%dma_start3A_108, %dma_start3A_109] : memref<10016x128xf32, #tpu.memory_space<vmem_shared>> -> memref<536x128xf32, #tpu.memory_space<vmem_shared>>
        %dma_start3A_111 = arith.constant 0 : i32
        %dma_start3A_112 = arith.constant 0 : i32
        %dma_start3A_113 = tpu.memref_slice %arg5[%dma_start3A_111, %dma_start3A_112] : memref<632x128xf32, #tpu.memory_space<hbm>> -> memref<536x128xf32, #tpu.memory_space<hbm>>
        tpu.enqueue_dma source(%dma_start3A_113 : memref<536x128xf32, #tpu.memory_space<hbm>>) target(%dma_start3A_110 : memref<536x128xf32, #tpu.memory_space<vmem_shared>>) target_semaphore(%run_scoped3A : memref<!tpu.dma_semaphore, #tpu.memory_space<semaphore_mem>>)
        %dma_wait3A_114 = arith.constant 9480 : i32
        %dma_wait3A_115 = arith.constant 0 : i32
        %dma_wait3A_116 = tpu.memref_slice %arg7[%dma_wait3A_114, %dma_wait3A_115] : memref<10016x128xf32, #tpu.memory_space<vmem_shared>> -> memref<536x128xf32, #tpu.memory_space<vmem_shared>>
        %dma_wait3A_117 = arith.constant 0 : i32
        %dma_wait3A_118 = arith.constant 0 : i32
        %dma_wait3A_119 = tpu.memref_slice %arg5[%dma_wait3A_117, %dma_wait3A_118] : memref<632x128xf32, #tpu.memory_space<hbm>> -> memref<536x128xf32, #tpu.memory_space<hbm>>
        tpu.wait_dma2 semaphore(%run_scoped3A : memref<!tpu.dma_semaphore, #tpu.memory_space<semaphore_mem>>) src(%dma_wait3A_119 : memref<536x128xf32, #tpu.memory_space<hbm>>) dst(%dma_wait3A_116 : memref<536x128xf32, #tpu.memory_space<vmem_shared>>)
        tpu.yield
      }) : () -> ()
    } else {
    }
    %add3A_9 = arith.constant 0 : i32
    %add3A_10 = arith.addi %mul3A_2, %add3A_9 : i32
    %dma_start3A = arith.constant 0 : i32
    %dma_start3A_11 = tpu.memref_slice %arg3[%add3A_10, %dma_start3A] : memref<2816x128xi32, #tpu.memory_space<hbm>> -> memref<1x128xi32, #tpu.memory_space<hbm>>
    %dma_start3A_12 = tpu.memref_squeeze %dma_start3A_11 : memref<1x128xi32, #tpu.memory_space<hbm>> -> memref<128xi32, #tpu.memory_space<hbm>>
    %dma_start3A_13 = arith.constant 0 : i32
    %dma_start3A_14 = tpu.memref_slice %arg3[%add3A_10, %dma_start3A_13] : memref<2816x128xi32, #tpu.memory_space<hbm>> -> memref<1x128xi32, #tpu.memory_space<hbm>>
    %dma_start3A_15 = tpu.memref_squeeze %dma_start3A_14 : memref<1x128xi32, #tpu.memory_space<hbm>> -> memref<128xi32, #tpu.memory_space<hbm>>
    tpu.enqueue_dma source(%dma_start3A_15 : memref<128xi32, #tpu.memory_space<hbm>>) target(%arg8 : memref<128xi32, #tpu.memory_space<vmem>>) target_semaphore(%arg26 : memref<!tpu.dma_semaphore, #tpu.memory_space<semaphore_mem>>)
    %add3A_16 = arith.constant 0 : i32
    %add3A_17 = arith.addi %mul3A_2, %add3A_16 : i32
    %dma_start3A_18 = arith.constant 0 : i32
    %dma_start3A_19 = tpu.memref_slice %arg4[%add3A_17, %dma_start3A_18] : memref<2816x128xi32, #tpu.memory_space<hbm>> -> memref<1x128xi32, #tpu.memory_space<hbm>>
    %dma_start3A_20 = tpu.memref_squeeze %dma_start3A_19 : memref<1x128xi32, #tpu.memory_space<hbm>> -> memref<128xi32, #tpu.memory_space<hbm>>
    %dma_start3A_21 = arith.constant 0 : i32
    %dma_start3A_22 = tpu.memref_slice %arg4[%add3A_17, %dma_start3A_21] : memref<2816x128xi32, #tpu.memory_space<hbm>> -> memref<1x128xi32, #tpu.memory_space<hbm>>
    %dma_start3A_23 = tpu.memref_squeeze %dma_start3A_22 : memref<1x128xi32, #tpu.memory_space<hbm>> -> memref<128xi32, #tpu.memory_space<hbm>>
    tpu.enqueue_dma source(%dma_start3A_23 : memref<128xi32, #tpu.memory_space<hbm>>) target(%arg11 : memref<128xi32, #tpu.memory_space<vmem>>) target_semaphore(%arg26 : memref<!tpu.dma_semaphore, #tpu.memory_space<semaphore_mem>>)
    %add3A_24 = arith.constant 1 : i32
    %add3A_25 = arith.addi %mul3A_2, %add3A_24 : i32
    %dma_start3A_26 = arith.constant 0 : i32
    %dma_start3A_27 = tpu.memref_slice %arg3[%add3A_25, %dma_start3A_26] : memref<2816x128xi32, #tpu.memory_space<hbm>> -> memref<1x128xi32, #tpu.memory_space<hbm>>
    %dma_start3A_28 = tpu.memref_squeeze %dma_start3A_27 : memref<1x128xi32, #tpu.memory_space<hbm>> -> memref<128xi32, #tpu.memory_space<hbm>>
    %dma_start3A_29 = arith.constant 0 : i32
    %dma_start3A_30 = tpu.memref_slice %arg3[%add3A_25, %dma_start3A_29] : memref<2816x128xi32, #tpu.memory_space<hbm>> -> memref<1x128xi32, #tpu.memory_space<hbm>>
    %dma_start3A_31 = tpu.memref_squeeze %dma_start3A_30 : memref<1x128xi32, #tpu.memory_space<hbm>> -> memref<128xi32, #tpu.memory_space<hbm>>
    tpu.enqueue_dma source(%dma_start3A_31 : memref<128xi32, #tpu.memory_space<hbm>>) target(%arg9 : memref<128xi32, #tpu.memory_space<vmem>>) target_semaphore(%arg27 : memref<!tpu.dma_semaphore, #tpu.memory_space<semaphore_mem>>)
    %add3A_32 = arith.constant 1 : i32
    %add3A_33 = arith.addi %mul3A_2, %add3A_32 : i32
    %dma_start3A_34 = arith.constant 0 : i32
    %dma_start3A_35 = tpu.memref_slice %arg4[%add3A_33, %dma_start3A_34] : memref<2816x128xi32, #tpu.memory_space<hbm>> -> memref<1x128xi32, #tpu.memory_space<hbm>>
    %dma_start3A_36 = tpu.memref_squeeze %dma_start3A_35 : memref<1x128xi32, #tpu.memory_space<hbm>> -> memref<128xi32, #tpu.memory_space<hbm>>
    %dma_start3A_37 = arith.constant 0 : i32
    %dma_start3A_38 = tpu.memref_slice %arg4[%add3A_33, %dma_start3A_37] : memref<2816x128xi32, #tpu.memory_space<hbm>> -> memref<1x128xi32, #tpu.memory_space<hbm>>
    %dma_start3A_39 = tpu.memref_squeeze %dma_start3A_38 : memref<1x128xi32, #tpu.memory_space<hbm>> -> memref<128xi32, #tpu.memory_space<hbm>>
    tpu.enqueue_dma source(%dma_start3A_39 : memref<128xi32, #tpu.memory_space<hbm>>) target(%arg12 : memref<128xi32, #tpu.memory_space<vmem>>) target_semaphore(%arg27 : memref<!tpu.dma_semaphore, #tpu.memory_space<semaphore_mem>>)
    %add3A_40 = arith.constant 2 : i32
    %add3A_41 = arith.addi %mul3A_2, %add3A_40 : i32
    %dma_start3A_42 = arith.constant 0 : i32
    %dma_start3A_43 = tpu.memref_slice %arg3[%add3A_41, %dma_start3A_42] : memref<2816x128xi32, #tpu.memory_space<hbm>> -> memref<1x128xi32, #tpu.memory_space<hbm>>
    %dma_start3A_44 = tpu.memref_squeeze %dma_start3A_43 : memref<1x128xi32, #tpu.memory_space<hbm>> -> memref<128xi32, #tpu.memory_space<hbm>>
    %dma_start3A_45 = arith.constant 0 : i32
    %dma_start3A_46 = tpu.memref_slice %arg3[%add3A_41, %dma_start3A_45] : memref<2816x128xi32, #tpu.memory_space<hbm>> -> memref<1x128xi32, #tpu.memory_space<hbm>>
    %dma_start3A_47 = tpu.memref_squeeze %dma_start3A_46 : memref<1x128xi32, #tpu.memory_space<hbm>> -> memref<128xi32, #tpu.memory_space<hbm>>
    tpu.enqueue_dma source(%dma_start3A_47 : memref<128xi32, #tpu.memory_space<hbm>>) target(%arg10 : memref<128xi32, #tpu.memory_space<vmem>>) target_semaphore(%arg28 : memref<!tpu.dma_semaphore, #tpu.memory_space<semaphore_mem>>)
    %add3A_48 = arith.constant 2 : i32
    %add3A_49 = arith.addi %mul3A_2, %add3A_48 : i32
    %dma_start3A_50 = arith.constant 0 : i32
    %dma_start3A_51 = tpu.memref_slice %arg4[%add3A_49, %dma_start3A_50] : memref<2816x128xi32, #tpu.memory_space<hbm>> -> memref<1x128xi32, #tpu.memory_space<hbm>>
    %dma_start3A_52 = tpu.memref_squeeze %dma_start3A_51 : memref<1x128xi32, #tpu.memory_space<hbm>> -> memref<128xi32, #tpu.memory_space<hbm>>
    %dma_start3A_53 = arith.constant 0 : i32
    %dma_start3A_54 = tpu.memref_slice %arg4[%add3A_49, %dma_start3A_53] : memref<2816x128xi32, #tpu.memory_space<hbm>> -> memref<1x128xi32, #tpu.memory_space<hbm>>
    %dma_start3A_55 = tpu.memref_squeeze %dma_start3A_54 : memref<1x128xi32, #tpu.memory_space<hbm>> -> memref<128xi32, #tpu.memory_space<hbm>>
    tpu.enqueue_dma source(%dma_start3A_55 : memref<128xi32, #tpu.memory_space<hbm>>) target(%arg13 : memref<128xi32, #tpu.memory_space<vmem>>) target_semaphore(%arg28 : memref<!tpu.dma_semaphore, #tpu.memory_space<semaphore_mem>>)
    %dma_wait3A = arith.constant 0 : i32
    %dma_wait3A_56 = arith.constant 0 : i32
    %dma_wait3A_57 = tpu.memref_slice %arg3[%dma_wait3A, %dma_wait3A_56] : memref<2816x128xi32, #tpu.memory_space<hbm>> -> memref<1x128xi32, #tpu.memory_space<hbm>>
    %dma_wait3A_58 = tpu.memref_squeeze %dma_wait3A_57 : memref<1x128xi32, #tpu.memory_space<hbm>> -> memref<128xi32, #tpu.memory_space<hbm>>
    %dma_wait3A_59 = arith.constant 0 : i32
    %dma_wait3A_60 = tpu.memref_slice %arg3[%dma_wait3A, %dma_wait3A_59] : memref<2816x128xi32, #tpu.memory_space<hbm>> -> memref<1x128xi32, #tpu.memory_space<hbm>>
    %dma_wait3A_61 = tpu.memref_squeeze %dma_wait3A_60 : memref<1x128xi32, #tpu.memory_space<hbm>> -> memref<128xi32, #tpu.memory_space<hbm>>
    tpu.wait_dma2 semaphore(%arg26 : memref<!tpu.dma_semaphore, #tpu.memory_space<semaphore_mem>>) src(%dma_wait3A_61 : memref<128xi32, #tpu.memory_space<hbm>>) dst(%arg8 : memref<128xi32, #tpu.memory_space<vmem>>)
    %dma_wait3A_62 = arith.constant 0 : i32
    %dma_wait3A_63 = arith.constant 0 : i32
    %dma_wait3A_64 = tpu.memref_slice %arg4[%dma_wait3A_62, %dma_wait3A_63] : memref<2816x128xi32, #tpu.memory_space<hbm>> -> memref<1x128xi32, #tpu.memory_space<hbm>>
    %dma_wait3A_65 = tpu.memref_squeeze %dma_wait3A_64 : memref<1x128xi32, #tpu.memory_space<hbm>> -> memref<128xi32, #tpu.memory_space<hbm>>
    %dma_wait3A_66 = arith.constant 0 : i32
    %dma_wait3A_67 = tpu.memref_slice %arg4[%dma_wait3A_62, %dma_wait3A_66] : memref<2816x128xi32, #tpu.memory_space<hbm>> -> memref<1x128xi32, #tpu.memory_space<hbm>>
    %dma_wait3A_68 = tpu.memref_squeeze %dma_wait3A_67 : memref<1x128xi32, #tpu.memory_space<hbm>> -> memref<128xi32, #tpu.memory_space<hbm>>
    tpu.wait_dma2 semaphore(%arg26 : memref<!tpu.dma_semaphore, #tpu.memory_space<semaphore_mem>>) src(%dma_wait3A_68 : memref<128xi32, #tpu.memory_space<hbm>>) dst(%arg11 : memref<128xi32, #tpu.memory_space<vmem>>)
    %dma_start3A_69 = arith.constant 0 : i32
    %dma_start3A_70 = arith.constant 0 : i32
    %dma_start3A_71 = tpu.memref_slice %arg2[%dma_start3A_69, %dma_start3A_70] : memref<10000x128xf32, #tpu.memory_space<hbm>> -> memref<10000x128xf32, #tpu.memory_space<hbm>>
    tpu.enqueue_indirect_dma source(%dma_start3A_71 : memref<10000x128xf32, #tpu.memory_space<hbm>>) target(%arg17 : memref<128x128xf32, #tpu.memory_space<vmem>>) offsets(%arg8 : memref<128xi32, #tpu.memory_space<vmem>>) semaphore(%arg20 : memref<!tpu.dma_semaphore, #tpu.memory_space<semaphore_mem>>)
    %dma_wait3A_72 = arith.constant 0 : i32
    %dma_wait3A_73 = arith.constant 0 : i32
    %dma_wait3A_74 = tpu.memref_slice %arg3[%dma_wait3A_72, %dma_wait3A_73] : memref<2816x128xi32, #tpu.memory_space<hbm>> -> memref<1x128xi32, #tpu.memory_space<hbm>>
    %dma_wait3A_75 = tpu.memref_squeeze %dma_wait3A_74 : memref<1x128xi32, #tpu.memory_space<hbm>> -> memref<128xi32, #tpu.memory_space<hbm>>
    %dma_wait3A_76 = arith.constant 0 : i32
    %dma_wait3A_77 = tpu.memref_slice %arg3[%dma_wait3A_72, %dma_wait3A_76] : memref<2816x128xi32, #tpu.memory_space<hbm>> -> memref<1x128xi32, #tpu.memory_space<hbm>>
    %dma_wait3A_78 = tpu.memref_squeeze %dma_wait3A_77 : memref<1x128xi32, #tpu.memory_space<hbm>> -> memref<128xi32, #tpu.memory_space<hbm>>
    tpu.wait_dma2 semaphore(%arg27 : memref<!tpu.dma_semaphore, #tpu.memory_space<semaphore_mem>>) src(%dma_wait3A_78 : memref<128xi32, #tpu.memory_space<hbm>>) dst(%arg9 : memref<128xi32, #tpu.memory_space<vmem>>)
    %dma_wait3A_79 = arith.constant 0 : i32
    %dma_wait3A_80 = arith.constant 0 : i32
    %dma_wait3A_81 = tpu.memref_slice %arg4[%dma_wait3A_79, %dma_wait3A_80] : memref<2816x128xi32, #tpu.memory_space<hbm>> -> memref<1x128xi32, #tpu.memory_space<hbm>>
    %dma_wait3A_82 = tpu.memref_squeeze %dma_wait3A_81 : memref<1x128xi32, #tpu.memory_space<hbm>> -> memref<128xi32, #tpu.memory_space<hbm>>
    %dma_wait3A_83 = arith.constant 0 : i32
    %dma_wait3A_84 = tpu.memref_slice %arg4[%dma_wait3A_79, %dma_wait3A_83] : memref<2816x128xi32, #tpu.memory_space<hbm>> -> memref<1x128xi32, #tpu.memory_space<hbm>>
    %dma_wait3A_85 = tpu.memref_squeeze %dma_wait3A_84 : memref<1x128xi32, #tpu.memory_space<hbm>> -> memref<128xi32, #tpu.memory_space<hbm>>
    tpu.wait_dma2 semaphore(%arg27 : memref<!tpu.dma_semaphore, #tpu.memory_space<semaphore_mem>>) src(%dma_wait3A_85 : memref<128xi32, #tpu.memory_space<hbm>>) dst(%arg12 : memref<128xi32, #tpu.memory_space<vmem>>)
    %dma_start3A_86 = arith.constant 0 : i32
    %dma_start3A_87 = arith.constant 0 : i32
    %dma_start3A_88 = tpu.memref_slice %arg2[%dma_start3A_86, %dma_start3A_87] : memref<10000x128xf32, #tpu.memory_space<hbm>> -> memref<10000x128xf32, #tpu.memory_space<hbm>>
    tpu.enqueue_indirect_dma source(%dma_start3A_88 : memref<10000x128xf32, #tpu.memory_space<hbm>>) target(%arg18 : memref<128x128xf32, #tpu.memory_space<vmem>>) offsets(%arg9 : memref<128xi32, #tpu.memory_space<vmem>>) semaphore(%arg21 : memref<!tpu.dma_semaphore, #tpu.memory_space<semaphore_mem>>)
    %barrier3A = arith.constant 0 : index
    tpu.barrier barrier_id(%barrier3A)
    %scan3A = arith.constant 0 : i32
    %scan3A_89 = arith.constant 0 : i32
    %scan3A_90 = arith.constant 14 : i32
    %scan3A_91 = arith.addi %scan3A_89, %scan3A_90 : i32
    %scan3A_92 = arith.constant 1 : i32
    scf.for %scan3A_108 = %scan3A_89 to %scan3A_91 step %scan3A_92  : i32 {
      %mul3A_109 = arith.constant 6 : i32
      %mul3A_110 = arith.muli %scan3A_108, %mul3A_109 : i32
      %add3A_111 = arith.constant 0 : i32
      %add3A_112 = arith.addi %mul3A_110, %add3A_111 : i32
      %dma_wait3A_113 = arith.constant 0 : i32
      %dma_wait3A_114 = arith.constant 0 : i32
      %dma_wait3A_115 = tpu.memref_slice %arg2[%dma_wait3A_113, %dma_wait3A_114] : memref<10000x128xf32, #tpu.memory_space<hbm>> -> memref<10000x128xf32, #tpu.memory_space<hbm>>
      tpu.wait_indirect_dma semaphore(%arg20 : memref<!tpu.dma_semaphore, #tpu.memory_space<semaphore_mem>>) src(%dma_wait3A_115 : memref<10000x128xf32, #tpu.memory_space<hbm>>) dst(%arg17 : memref<128x128xf32, #tpu.memory_space<vmem>>)
      %add3A_116 = arith.constant 3 : i32
      %add3A_117 = arith.addi %add3A_112, %add3A_116 : i32
      %lt3A_118 = arith.constant 84 : i32
      %lt3A_119 = arith.cmpi slt, %add3A_117, %lt3A_118 : i32
      %convert_element_type3A_120 = arith.extui %lt3A_119 : i1 to i32
      %cond3A_121 = arith.constant 0 : i32
      %cond3A_122 = arith.cmpi ne, %convert_element_type3A_120, %cond3A_121 : i32
      scf.if %cond3A_122 {
        %add3A_282 = arith.addi %mul3A_2, %add3A_112 : i32
        %add3A_283 = arith.constant 3 : i32
        %add3A_284 = arith.addi %add3A_282, %add3A_283 : i32
        %dma_start3A_285 = arith.constant 0 : i32
        %dma_start3A_286 = tpu.memref_slice %arg3[%add3A_284, %dma_start3A_285] : memref<2816x128xi32, #tpu.memory_space<hbm>> -> memref<1x128xi32, #tpu.memory_space<hbm>>
        %dma_start3A_287 = tpu.memref_squeeze %dma_start3A_286 : memref<1x128xi32, #tpu.memory_space<hbm>> -> memref<128xi32, #tpu.memory_space<hbm>>
        %dma_start3A_288 = arith.constant 0 : i32
        %dma_start3A_289 = tpu.memref_slice %arg3[%add3A_284, %dma_start3A_288] : memref<2816x128xi32, #tpu.memory_space<hbm>> -> memref<1x128xi32, #tpu.memory_space<hbm>>
        %dma_start3A_290 = tpu.memref_squeeze %dma_start3A_289 : memref<1x128xi32, #tpu.memory_space<hbm>> -> memref<128xi32, #tpu.memory_space<hbm>>
        tpu.enqueue_dma source(%dma_start3A_290 : memref<128xi32, #tpu.memory_space<hbm>>) target(%arg8 : memref<128xi32, #tpu.memory_space<vmem>>) target_semaphore(%arg26 : memref<!tpu.dma_semaphore, #tpu.memory_space<semaphore_mem>>)
        %add3A_291 = arith.addi %mul3A_2, %add3A_112 : i32
        %add3A_292 = arith.constant 3 : i32
        %add3A_293 = arith.addi %add3A_291, %add3A_292 : i32
        %dma_start3A_294 = arith.constant 0 : i32
        %dma_start3A_295 = tpu.memref_slice %arg4[%add3A_293, %dma_start3A_294] : memref<2816x128xi32, #tpu.memory_space<hbm>> -> memref<1x128xi32, #tpu.memory_space<hbm>>
        %dma_start3A_296 = tpu.memref_squeeze %dma_start3A_295 : memref<1x128xi32, #tpu.memory_space<hbm>> -> memref<128xi32, #tpu.memory_space<hbm>>
        %dma_start3A_297 = arith.constant 0 : i32
        %dma_start3A_298 = tpu.memref_slice %arg4[%add3A_293, %dma_start3A_297] : memref<2816x128xi32, #tpu.memory_space<hbm>> -> memref<1x128xi32, #tpu.memory_space<hbm>>
        %dma_start3A_299 = tpu.memref_squeeze %dma_start3A_298 : memref<1x128xi32, #tpu.memory_space<hbm>> -> memref<128xi32, #tpu.memory_space<hbm>>
        tpu.enqueue_dma source(%dma_start3A_299 : memref<128xi32, #tpu.memory_space<hbm>>) target(%arg14 : memref<128xi32, #tpu.memory_space<vmem>>) target_semaphore(%arg26 : memref<!tpu.dma_semaphore, #tpu.memory_space<semaphore_mem>>)
      } else {
      }
      %dma_start3A_123 = arith.constant 0 : i32
      %dma_start3A_124 = arith.constant 0 : i32
      %dma_start3A_125 = tpu.memref_slice %arg7[%dma_start3A_123, %dma_start3A_124] : memref<10016x128xf32, #tpu.memory_space<vmem_shared>> -> memref<10016x128xf32, #tpu.memory_space<vmem_shared>>
      tpu.enqueue_indirect_dma source(%arg17 : memref<128x128xf32, #tpu.memory_space<vmem>>) target(%dma_start3A_125 : memref<10016x128xf32, #tpu.memory_space<vmem_shared>>) offsets(%arg11 : memref<128xi32, #tpu.memory_space<vmem>>) semaphore(%arg23 : memref<!tpu.dma_semaphore, #tpu.memory_space<semaphore_mem>>) {add = true}
      %ge3A = arith.constant 1 : i32
      %ge3A_126 = arith.cmpi sge, %add3A_112, %ge3A : i32
      %convert_element_type3A_127 = arith.extui %ge3A_126 : i1 to i32
      %cond3A_128 = arith.constant 0 : i32
      %cond3A_129 = arith.cmpi ne, %convert_element_type3A_127, %cond3A_128 : i32
      scf.if %cond3A_129 {
        %dma_wait3A_282 = arith.constant 0 : i32
        %dma_wait3A_283 = arith.constant 0 : i32
        %dma_wait3A_284 = tpu.memref_slice %arg7[%dma_wait3A_282, %dma_wait3A_283] : memref<10016x128xf32, #tpu.memory_space<vmem_shared>> -> memref<10016x128xf32, #tpu.memory_space<vmem_shared>>
        tpu.wait_indirect_dma semaphore(%arg25 : memref<!tpu.dma_semaphore, #tpu.memory_space<semaphore_mem>>) src(%arg19 : memref<128x128xf32, #tpu.memory_space<vmem>>) dst(%dma_wait3A_284 : memref<10016x128xf32, #tpu.memory_space<vmem_shared>>)
      } else {
      }
      %add3A_130 = arith.constant 2 : i32
      %add3A_131 = arith.addi %add3A_112, %add3A_130 : i32
      %lt3A_132 = arith.constant 84 : i32
      %lt3A_133 = arith.cmpi slt, %add3A_131, %lt3A_132 : i32
      %convert_element_type3A_134 = arith.extui %lt3A_133 : i1 to i32
      %cond3A_135 = arith.constant 0 : i32
      %cond3A_136 = arith.cmpi ne, %convert_element_type3A_134, %cond3A_135 : i32
      scf.if %cond3A_136 {
        %dma_wait3A_282 = arith.constant 0 : i32
        %dma_wait3A_283 = arith.constant 0 : i32
        %dma_wait3A_284 = tpu.memref_slice %arg3[%dma_wait3A_282, %dma_wait3A_283] : memref<2816x128xi32, #tpu.memory_space<hbm>> -> memref<1x128xi32, #tpu.memory_space<hbm>>
        %dma_wait3A_285 = tpu.memref_squeeze %dma_wait3A_284 : memref<1x128xi32, #tpu.memory_space<hbm>> -> memref<128xi32, #tpu.memory_space<hbm>>
        %dma_wait3A_286 = arith.constant 0 : i32
        %dma_wait3A_287 = tpu.memref_slice %arg3[%dma_wait3A_282, %dma_wait3A_286] : memref<2816x128xi32, #tpu.memory_space<hbm>> -> memref<1x128xi32, #tpu.memory_space<hbm>>
        %dma_wait3A_288 = tpu.memref_squeeze %dma_wait3A_287 : memref<1x128xi32, #tpu.memory_space<hbm>> -> memref<128xi32, #tpu.memory_space<hbm>>
        tpu.wait_dma2 semaphore(%arg28 : memref<!tpu.dma_semaphore, #tpu.memory_space<semaphore_mem>>) src(%dma_wait3A_288 : memref<128xi32, #tpu.memory_space<hbm>>) dst(%arg10 : memref<128xi32, #tpu.memory_space<vmem>>)
        %dma_wait3A_289 = arith.constant 0 : i32
        %dma_wait3A_290 = arith.constant 0 : i32
        %dma_wait3A_291 = tpu.memref_slice %arg4[%dma_wait3A_289, %dma_wait3A_290] : memref<2816x128xi32, #tpu.memory_space<hbm>> -> memref<1x128xi32, #tpu.memory_space<hbm>>
        %dma_wait3A_292 = tpu.memref_squeeze %dma_wait3A_291 : memref<1x128xi32, #tpu.memory_space<hbm>> -> memref<128xi32, #tpu.memory_space<hbm>>
        %dma_wait3A_293 = arith.constant 0 : i32
        %dma_wait3A_294 = tpu.memref_slice %arg4[%dma_wait3A_289, %dma_wait3A_293] : memref<2816x128xi32, #tpu.memory_space<hbm>> -> memref<1x128xi32, #tpu.memory_space<hbm>>
        %dma_wait3A_295 = tpu.memref_squeeze %dma_wait3A_294 : memref<1x128xi32, #tpu.memory_space<hbm>> -> memref<128xi32, #tpu.memory_space<hbm>>
        tpu.wait_dma2 semaphore(%arg28 : memref<!tpu.dma_semaphore, #tpu.memory_space<semaphore_mem>>) src(%dma_wait3A_295 : memref<128xi32, #tpu.memory_space<hbm>>) dst(%arg13 : memref<128xi32, #tpu.memory_space<vmem>>)
        %dma_start3A_296 = arith.constant 0 : i32
        %dma_start3A_297 = arith.constant 0 : i32
        %dma_start3A_298 = tpu.memref_slice %arg2[%dma_start3A_296, %dma_start3A_297] : memref<10000x128xf32, #tpu.memory_space<hbm>> -> memref<10000x128xf32, #tpu.memory_space<hbm>>
        tpu.enqueue_indirect_dma source(%dma_start3A_298 : memref<10000x128xf32, #tpu.memory_space<hbm>>) target(%arg19 : memref<128x128xf32, #tpu.memory_space<vmem>>) offsets(%arg10 : memref<128xi32, #tpu.memory_space<vmem>>) semaphore(%arg22 : memref<!tpu.dma_semaphore, #tpu.memory_space<semaphore_mem>>)
      } else {
      }
      %mul3A_137 = arith.constant 6 : i32
      %mul3A_138 = arith.muli %scan3A_108, %mul3A_137 : i32
      %add3A_139 = arith.constant 1 : i32
      %add3A_140 = arith.addi %mul3A_138, %add3A_139 : i32
      %dma_wait3A_141 = arith.constant 0 : i32
      %dma_wait3A_142 = arith.constant 0 : i32
      %dma_wait3A_143 = tpu.memref_slice %arg2[%dma_wait3A_141, %dma_wait3A_142] : memref<10000x128xf32, #tpu.memory_space<hbm>> -> memref<10000x128xf32, #tpu.memory_space<hbm>>
      tpu.wait_indirect_dma semaphore(%arg21 : memref<!tpu.dma_semaphore, #tpu.memory_space<semaphore_mem>>) src(%dma_wait3A_143 : memref<10000x128xf32, #tpu.memory_space<hbm>>) dst(%arg18 : memref<128x128xf32, #tpu.memory_space<vmem>>)
      %add3A_144 = arith.constant 3 : i32
      %add3A_145 = arith.addi %add3A_140, %add3A_144 : i32
      %lt3A_146 = arith.constant 84 : i32
      %lt3A_147 = arith.cmpi slt, %add3A_145, %lt3A_146 : i32
      %convert_element_type3A_148 = arith.extui %lt3A_147 : i1 to i32
      %cond3A_149 = arith.constant 0 : i32
      %cond3A_150 = arith.cmpi ne, %convert_element_type3A_148, %cond3A_149 : i32
      scf.if %cond3A_150 {
        %add3A_282 = arith.addi %mul3A_2, %add3A_140 : i32
        %add3A_283 = arith.constant 3 : i32
        %add3A_284 = arith.addi %add3A_282, %add3A_283 : i32
        %dma_start3A_285 = arith.constant 0 : i32
        %dma_start3A_286 = tpu.memref_slice %arg3[%add3A_284, %dma_start3A_285] : memref<2816x128xi32, #tpu.memory_space<hbm>> -> memref<1x128xi32, #tpu.memory_space<hbm>>
        %dma_start3A_287 = tpu.memref_squeeze %dma_start3A_286 : memref<1x128xi32, #tpu.memory_space<hbm>> -> memref<128xi32, #tpu.memory_space<hbm>>
        %dma_start3A_288 = arith.constant 0 : i32
        %dma_start3A_289 = tpu.memref_slice %arg3[%add3A_284, %dma_start3A_288] : memref<2816x128xi32, #tpu.memory_space<hbm>> -> memref<1x128xi32, #tpu.memory_space<hbm>>
        %dma_start3A_290 = tpu.memref_squeeze %dma_start3A_289 : memref<1x128xi32, #tpu.memory_space<hbm>> -> memref<128xi32, #tpu.memory_space<hbm>>
        tpu.enqueue_dma source(%dma_start3A_290 : memref<128xi32, #tpu.memory_space<hbm>>) target(%arg9 : memref<128xi32, #tpu.memory_space<vmem>>) target_semaphore(%arg27 : memref<!tpu.dma_semaphore, #tpu.memory_space<semaphore_mem>>)
        %add3A_291 = arith.addi %mul3A_2, %add3A_140 : i32
        %add3A_292 = arith.constant 3 : i32
        %add3A_293 = arith.addi %add3A_291, %add3A_292 : i32
        %dma_start3A_294 = arith.constant 0 : i32
        %dma_start3A_295 = tpu.memref_slice %arg4[%add3A_293, %dma_start3A_294] : memref<2816x128xi32, #tpu.memory_space<hbm>> -> memref<1x128xi32, #tpu.memory_space<hbm>>
        %dma_start3A_296 = tpu.memref_squeeze %dma_start3A_295 : memref<1x128xi32, #tpu.memory_space<hbm>> -> memref<128xi32, #tpu.memory_space<hbm>>
        %dma_start3A_297 = arith.constant 0 : i32
        %dma_start3A_298 = tpu.memref_slice %arg4[%add3A_293, %dma_start3A_297] : memref<2816x128xi32, #tpu.memory_space<hbm>> -> memref<1x128xi32, #tpu.memory_space<hbm>>
        %dma_start3A_299 = tpu.memref_squeeze %dma_start3A_298 : memref<1x128xi32, #tpu.memory_space<hbm>> -> memref<128xi32, #tpu.memory_space<hbm>>
        tpu.enqueue_dma source(%dma_start3A_299 : memref<128xi32, #tpu.memory_space<hbm>>) target(%arg15 : memref<128xi32, #tpu.memory_space<vmem>>) target_semaphore(%arg27 : memref<!tpu.dma_semaphore, #tpu.memory_space<semaphore_mem>>)
      } else {
      }
      %dma_start3A_151 = arith.constant 0 : i32
      %dma_start3A_152 = arith.constant 0 : i32
      %dma_start3A_153 = tpu.memref_slice %arg7[%dma_start3A_151, %dma_start3A_152] : memref<10016x128xf32, #tpu.memory_space<vmem_shared>> -> memref<10016x128xf32, #tpu.memory_space<vmem_shared>>
      tpu.enqueue_indirect_dma source(%arg18 : memref<128x128xf32, #tpu.memory_space<vmem>>) target(%dma_start3A_153 : memref<10016x128xf32, #tpu.memory_space<vmem_shared>>) offsets(%arg12 : memref<128xi32, #tpu.memory_space<vmem>>) semaphore(%arg24 : memref<!tpu.dma_semaphore, #tpu.memory_space<semaphore_mem>>) {add = true}
      %ge3A_154 = arith.constant 1 : i32
      %ge3A_155 = arith.cmpi sge, %add3A_140, %ge3A_154 : i32
      %convert_element_type3A_156 = arith.extui %ge3A_155 : i1 to i32
      %cond3A_157 = arith.constant 0 : i32
      %cond3A_158 = arith.cmpi ne, %convert_element_type3A_156, %cond3A_157 : i32
      scf.if %cond3A_158 {
        %dma_wait3A_282 = arith.constant 0 : i32
        %dma_wait3A_283 = arith.constant 0 : i32
        %dma_wait3A_284 = tpu.memref_slice %arg7[%dma_wait3A_282, %dma_wait3A_283] : memref<10016x128xf32, #tpu.memory_space<vmem_shared>> -> memref<10016x128xf32, #tpu.memory_space<vmem_shared>>
        tpu.wait_indirect_dma semaphore(%arg23 : memref<!tpu.dma_semaphore, #tpu.memory_space<semaphore_mem>>) src(%arg17 : memref<128x128xf32, #tpu.memory_space<vmem>>) dst(%dma_wait3A_284 : memref<10016x128xf32, #tpu.memory_space<vmem_shared>>)
      } else {
      }
      %add3A_159 = arith.constant 2 : i32
      %add3A_160 = arith.addi %add3A_140, %add3A_159 : i32
      %lt3A_161 = arith.constant 84 : i32
      %lt3A_162 = arith.cmpi slt, %add3A_160, %lt3A_161 : i32
      %convert_element_type3A_163 = arith.extui %lt3A_162 : i1 to i32
      %cond3A_164 = arith.constant 0 : i32
      %cond3A_165 = arith.cmpi ne, %convert_element_type3A_163, %cond3A_164 : i32
      scf.if %cond3A_165 {
        %dma_wait3A_282 = arith.constant 0 : i32
        %dma_wait3A_283 = arith.constant 0 : i32
        %dma_wait3A_284 = tpu.memref_slice %arg3[%dma_wait3A_282, %dma_wait3A_283] : memref<2816x128xi32, #tpu.memory_space<hbm>> -> memref<1x128xi32, #tpu.memory_space<hbm>>
        %dma_wait3A_285 = tpu.memref_squeeze %dma_wait3A_284 : memref<1x128xi32, #tpu.memory_space<hbm>> -> memref<128xi32, #tpu.memory_space<hbm>>
        %dma_wait3A_286 = arith.constant 0 : i32
        %dma_wait3A_287 = tpu.memref_slice %arg3[%dma_wait3A_282, %dma_wait3A_286] : memref<2816x128xi32, #tpu.memory_space<hbm>> -> memref<1x128xi32, #tpu.memory_space<hbm>>
        %dma_wait3A_288 = tpu.memref_squeeze %dma_wait3A_287 : memref<1x128xi32, #tpu.memory_space<hbm>> -> memref<128xi32, #tpu.memory_space<hbm>>
        tpu.wait_dma2 semaphore(%arg26 : memref<!tpu.dma_semaphore, #tpu.memory_space<semaphore_mem>>) src(%dma_wait3A_288 : memref<128xi32, #tpu.memory_space<hbm>>) dst(%arg8 : memref<128xi32, #tpu.memory_space<vmem>>)
        %dma_wait3A_289 = arith.constant 0 : i32
        %dma_wait3A_290 = arith.constant 0 : i32
        %dma_wait3A_291 = tpu.memref_slice %arg4[%dma_wait3A_289, %dma_wait3A_290] : memref<2816x128xi32, #tpu.memory_space<hbm>> -> memref<1x128xi32, #tpu.memory_space<hbm>>
        %dma_wait3A_292 = tpu.memref_squeeze %dma_wait3A_291 : memref<1x128xi32, #tpu.memory_space<hbm>> -> memref<128xi32, #tpu.memory_space<hbm>>
        %dma_wait3A_293 = arith.constant 0 : i32
        %dma_wait3A_294 = tpu.memref_slice %arg4[%dma_wait3A_289, %dma_wait3A_293] : memref<2816x128xi32, #tpu.memory_space<hbm>> -> memref<1x128xi32, #tpu.memory_space<hbm>>
        %dma_wait3A_295 = tpu.memref_squeeze %dma_wait3A_294 : memref<1x128xi32, #tpu.memory_space<hbm>> -> memref<128xi32, #tpu.memory_space<hbm>>
        tpu.wait_dma2 semaphore(%arg26 : memref<!tpu.dma_semaphore, #tpu.memory_space<semaphore_mem>>) src(%dma_wait3A_295 : memref<128xi32, #tpu.memory_space<hbm>>) dst(%arg14 : memref<128xi32, #tpu.memory_space<vmem>>)
        %dma_start3A_296 = arith.constant 0 : i32
        %dma_start3A_297 = arith.constant 0 : i32
        %dma_start3A_298 = tpu.memref_slice %arg2[%dma_start3A_296, %dma_start3A_297] : memref<10000x128xf32, #tpu.memory_space<hbm>> -> memref<10000x128xf32, #tpu.memory_space<hbm>>
        tpu.enqueue_indirect_dma source(%dma_start3A_298 : memref<10000x128xf32, #tpu.memory_space<hbm>>) target(%arg17 : memref<128x128xf32, #tpu.memory_space<vmem>>) offsets(%arg8 : memref<128xi32, #tpu.memory_space<vmem>>) semaphore(%arg20 : memref<!tpu.dma_semaphore, #tpu.memory_space<semaphore_mem>>)
      } else {
      }
      %mul3A_166 = arith.constant 6 : i32
      %mul3A_167 = arith.muli %scan3A_108, %mul3A_166 : i32
      %add3A_168 = arith.constant 2 : i32
      %add3A_169 = arith.addi %mul3A_167, %add3A_168 : i32
      %dma_wait3A_170 = arith.constant 0 : i32
      %dma_wait3A_171 = arith.constant 0 : i32
      %dma_wait3A_172 = tpu.memref_slice %arg2[%dma_wait3A_170, %dma_wait3A_171] : memref<10000x128xf32, #tpu.memory_space<hbm>> -> memref<10000x128xf32, #tpu.memory_space<hbm>>
      tpu.wait_indirect_dma semaphore(%arg22 : memref<!tpu.dma_semaphore, #tpu.memory_space<semaphore_mem>>) src(%dma_wait3A_172 : memref<10000x128xf32, #tpu.memory_space<hbm>>) dst(%arg19 : memref<128x128xf32, #tpu.memory_space<vmem>>)
      %add3A_173 = arith.constant 3 : i32
      %add3A_174 = arith.addi %add3A_169, %add3A_173 : i32
      %lt3A_175 = arith.constant 84 : i32
      %lt3A_176 = arith.cmpi slt, %add3A_174, %lt3A_175 : i32
      %convert_element_type3A_177 = arith.extui %lt3A_176 : i1 to i32
      %cond3A_178 = arith.constant 0 : i32
      %cond3A_179 = arith.cmpi ne, %convert_element_type3A_177, %cond3A_178 : i32
      scf.if %cond3A_179 {
        %add3A_282 = arith.addi %mul3A_2, %add3A_169 : i32
        %add3A_283 = arith.constant 3 : i32
        %add3A_284 = arith.addi %add3A_282, %add3A_283 : i32
        %dma_start3A_285 = arith.constant 0 : i32
        %dma_start3A_286 = tpu.memref_slice %arg3[%add3A_284, %dma_start3A_285] : memref<2816x128xi32, #tpu.memory_space<hbm>> -> memref<1x128xi32, #tpu.memory_space<hbm>>
        %dma_start3A_287 = tpu.memref_squeeze %dma_start3A_286 : memref<1x128xi32, #tpu.memory_space<hbm>> -> memref<128xi32, #tpu.memory_space<hbm>>
        %dma_start3A_288 = arith.constant 0 : i32
        %dma_start3A_289 = tpu.memref_slice %arg3[%add3A_284, %dma_start3A_288] : memref<2816x128xi32, #tpu.memory_space<hbm>> -> memref<1x128xi32, #tpu.memory_space<hbm>>
        %dma_start3A_290 = tpu.memref_squeeze %dma_start3A_289 : memref<1x128xi32, #tpu.memory_space<hbm>> -> memref<128xi32, #tpu.memory_space<hbm>>
        tpu.enqueue_dma source(%dma_start3A_290 : memref<128xi32, #tpu.memory_space<hbm>>) target(%arg10 : memref<128xi32, #tpu.memory_space<vmem>>) target_semaphore(%arg28 : memref<!tpu.dma_semaphore, #tpu.memory_space<semaphore_mem>>)
        %add3A_291 = arith.addi %mul3A_2, %add3A_169 : i32
        %add3A_292 = arith.constant 3 : i32
        %add3A_293 = arith.addi %add3A_291, %add3A_292 : i32
        %dma_start3A_294 = arith.constant 0 : i32
        %dma_start3A_295 = tpu.memref_slice %arg4[%add3A_293, %dma_start3A_294] : memref<2816x128xi32, #tpu.memory_space<hbm>> -> memref<1x128xi32, #tpu.memory_space<hbm>>
        %dma_start3A_296 = tpu.memref_squeeze %dma_start3A_295 : memref<1x128xi32, #tpu.memory_space<hbm>> -> memref<128xi32, #tpu.memory_space<hbm>>
        %dma_start3A_297 = arith.constant 0 : i32
        %dma_start3A_298 = tpu.memref_slice %arg4[%add3A_293, %dma_start3A_297] : memref<2816x128xi32, #tpu.memory_space<hbm>> -> memref<1x128xi32, #tpu.memory_space<hbm>>
        %dma_start3A_299 = tpu.memref_squeeze %dma_start3A_298 : memref<1x128xi32, #tpu.memory_space<hbm>> -> memref<128xi32, #tpu.memory_space<hbm>>
        tpu.enqueue_dma source(%dma_start3A_299 : memref<128xi32, #tpu.memory_space<hbm>>) target(%arg16 : memref<128xi32, #tpu.memory_space<vmem>>) target_semaphore(%arg28 : memref<!tpu.dma_semaphore, #tpu.memory_space<semaphore_mem>>)
      } else {
      }
      %dma_start3A_180 = arith.constant 0 : i32
      %dma_start3A_181 = arith.constant 0 : i32
      %dma_start3A_182 = tpu.memref_slice %arg7[%dma_start3A_180, %dma_start3A_181] : memref<10016x128xf32, #tpu.memory_space<vmem_shared>> -> memref<10016x128xf32, #tpu.memory_space<vmem_shared>>
      tpu.enqueue_indirect_dma source(%arg19 : memref<128x128xf32, #tpu.memory_space<vmem>>) target(%dma_start3A_182 : memref<10016x128xf32, #tpu.memory_space<vmem_shared>>) offsets(%arg13 : memref<128xi32, #tpu.memory_space<vmem>>) semaphore(%arg25 : memref<!tpu.dma_semaphore, #tpu.memory_space<semaphore_mem>>) {add = true}
      %ge3A_183 = arith.constant 1 : i32
      %ge3A_184 = arith.cmpi sge, %add3A_169, %ge3A_183 : i32
      %convert_element_type3A_185 = arith.extui %ge3A_184 : i1 to i32
      %cond3A_186 = arith.constant 0 : i32
      %cond3A_187 = arith.cmpi ne, %convert_element_type3A_185, %cond3A_186 : i32
      scf.if %cond3A_187 {
        %dma_wait3A_282 = arith.constant 0 : i32
        %dma_wait3A_283 = arith.constant 0 : i32
        %dma_wait3A_284 = tpu.memref_slice %arg7[%dma_wait3A_282, %dma_wait3A_283] : memref<10016x128xf32, #tpu.memory_space<vmem_shared>> -> memref<10016x128xf32, #tpu.memory_space<vmem_shared>>
        tpu.wait_indirect_dma semaphore(%arg24 : memref<!tpu.dma_semaphore, #tpu.memory_space<semaphore_mem>>) src(%arg18 : memref<128x128xf32, #tpu.memory_space<vmem>>) dst(%dma_wait3A_284 : memref<10016x128xf32, #tpu.memory_space<vmem_shared>>)
      } else {
      }
      %add3A_188 = arith.constant 2 : i32
      %add3A_189 = arith.addi %add3A_169, %add3A_188 : i32
      %lt3A_190 = arith.constant 84 : i32
      %lt3A_191 = arith.cmpi slt, %add3A_189, %lt3A_190 : i32
      %convert_element_type3A_192 = arith.extui %lt3A_191 : i1 to i32
      %cond3A_193 = arith.constant 0 : i32
      %cond3A_194 = arith.cmpi ne, %convert_element_type3A_192, %cond3A_193 : i32
      scf.if %cond3A_194 {
        %dma_wait3A_282 = arith.constant 0 : i32
        %dma_wait3A_283 = arith.constant 0 : i32
        %dma_wait3A_284 = tpu.memref_slice %arg3[%dma_wait3A_282, %dma_wait3A_283] : memref<2816x128xi32, #tpu.memory_space<hbm>> -> memref<1x128xi32, #tpu.memory_space<hbm>>
        %dma_wait3A_285 = tpu.memref_squeeze %dma_wait3A_284 : memref<1x128xi32, #tpu.memory_space<hbm>> -> memref<128xi32, #tpu.memory_space<hbm>>
        %dma_wait3A_286 = arith.constant 0 : i32
        %dma_wait3A_287 = tpu.memref_slice %arg3[%dma_wait3A_282, %dma_wait3A_286] : memref<2816x128xi32, #tpu.memory_space<hbm>> -> memref<1x128xi32, #tpu.memory_space<hbm>>
        %dma_wait3A_288 = tpu.memref_squeeze %dma_wait3A_287 : memref<1x128xi32, #tpu.memory_space<hbm>> -> memref<128xi32, #tpu.memory_space<hbm>>
        tpu.wait_dma2 semaphore(%arg27 : memref<!tpu.dma_semaphore, #tpu.memory_space<semaphore_mem>>) src(%dma_wait3A_288 : memref<128xi32, #tpu.memory_space<hbm>>) dst(%arg9 : memref<128xi32, #tpu.memory_space<vmem>>)
        %dma_wait3A_289 = arith.constant 0 : i32
        %dma_wait3A_290 = arith.constant 0 : i32
        %dma_wait3A_291 = tpu.memref_slice %arg4[%dma_wait3A_289, %dma_wait3A_290] : memref<2816x128xi32, #tpu.memory_space<hbm>> -> memref<1x128xi32, #tpu.memory_space<hbm>>
        %dma_wait3A_292 = tpu.memref_squeeze %dma_wait3A_291 : memref<1x128xi32, #tpu.memory_space<hbm>> -> memref<128xi32, #tpu.memory_space<hbm>>
        %dma_wait3A_293 = arith.constant 0 : i32
        %dma_wait3A_294 = tpu.memref_slice %arg4[%dma_wait3A_289, %dma_wait3A_293] : memref<2816x128xi32, #tpu.memory_space<hbm>> -> memref<1x128xi32, #tpu.memory_space<hbm>>
        %dma_wait3A_295 = tpu.memref_squeeze %dma_wait3A_294 : memref<1x128xi32, #tpu.memory_space<hbm>> -> memref<128xi32, #tpu.memory_space<hbm>>
        tpu.wait_dma2 semaphore(%arg27 : memref<!tpu.dma_semaphore, #tpu.memory_space<semaphore_mem>>) src(%dma_wait3A_295 : memref<128xi32, #tpu.memory_space<hbm>>) dst(%arg15 : memref<128xi32, #tpu.memory_space<vmem>>)
        %dma_start3A_296 = arith.constant 0 : i32
        %dma_start3A_297 = arith.constant 0 : i32
        %dma_start3A_298 = tpu.memref_slice %arg2[%dma_start3A_296, %dma_start3A_297] : memref<10000x128xf32, #tpu.memory_space<hbm>> -> memref<10000x128xf32, #tpu.memory_space<hbm>>
        tpu.enqueue_indirect_dma source(%dma_start3A_298 : memref<10000x128xf32, #tpu.memory_space<hbm>>) target(%arg18 : memref<128x128xf32, #tpu.memory_space<vmem>>) offsets(%arg9 : memref<128xi32, #tpu.memory_space<vmem>>) semaphore(%arg21 : memref<!tpu.dma_semaphore, #tpu.memory_space<semaphore_mem>>)
      } else {
      }
      %mul3A_195 = arith.constant 6 : i32
      %mul3A_196 = arith.muli %scan3A_108, %mul3A_195 : i32
      %add3A_197 = arith.constant 3 : i32
      %add3A_198 = arith.addi %mul3A_196, %add3A_197 : i32
      %dma_wait3A_199 = arith.constant 0 : i32
      %dma_wait3A_200 = arith.constant 0 : i32
      %dma_wait3A_201 = tpu.memref_slice %arg2[%dma_wait3A_199, %dma_wait3A_200] : memref<10000x128xf32, #tpu.memory_space<hbm>> -> memref<10000x128xf32, #tpu.memory_space<hbm>>
      tpu.wait_indirect_dma semaphore(%arg20 : memref<!tpu.dma_semaphore, #tpu.memory_space<semaphore_mem>>) src(%dma_wait3A_201 : memref<10000x128xf32, #tpu.memory_space<hbm>>) dst(%arg17 : memref<128x128xf32, #tpu.memory_space<vmem>>)
      %add3A_202 = arith.constant 3 : i32
      %add3A_203 = arith.addi %add3A_198, %add3A_202 : i32
      %lt3A_204 = arith.constant 84 : i32
      %lt3A_205 = arith.cmpi slt, %add3A_203, %lt3A_204 : i32
      %convert_element_type3A_206 = arith.extui %lt3A_205 : i1 to i32
      %cond3A_207 = arith.constant 0 : i32
      %cond3A_208 = arith.cmpi ne, %convert_element_type3A_206, %cond3A_207 : i32
      scf.if %cond3A_208 {
        %add3A_282 = arith.addi %mul3A_2, %add3A_198 : i32
        %add3A_283 = arith.constant 3 : i32
        %add3A_284 = arith.addi %add3A_282, %add3A_283 : i32
        %dma_start3A_285 = arith.constant 0 : i32
        %dma_start3A_286 = tpu.memref_slice %arg3[%add3A_284, %dma_start3A_285] : memref<2816x128xi32, #tpu.memory_space<hbm>> -> memref<1x128xi32, #tpu.memory_space<hbm>>
        %dma_start3A_287 = tpu.memref_squeeze %dma_start3A_286 : memref<1x128xi32, #tpu.memory_space<hbm>> -> memref<128xi32, #tpu.memory_space<hbm>>
        %dma_start3A_288 = arith.constant 0 : i32
        %dma_start3A_289 = tpu.memref_slice %arg3[%add3A_284, %dma_start3A_288] : memref<2816x128xi32, #tpu.memory_space<hbm>> -> memref<1x128xi32, #tpu.memory_space<hbm>>
        %dma_start3A_290 = tpu.memref_squeeze %dma_start3A_289 : memref<1x128xi32, #tpu.memory_space<hbm>> -> memref<128xi32, #tpu.memory_space<hbm>>
        tpu.enqueue_dma source(%dma_start3A_290 : memref<128xi32, #tpu.memory_space<hbm>>) target(%arg8 : memref<128xi32, #tpu.memory_space<vmem>>) target_semaphore(%arg26 : memref<!tpu.dma_semaphore, #tpu.memory_space<semaphore_mem>>)
        %add3A_291 = arith.addi %mul3A_2, %add3A_198 : i32
        %add3A_292 = arith.constant 3 : i32
        %add3A_293 = arith.addi %add3A_291, %add3A_292 : i32
        %dma_start3A_294 = arith.constant 0 : i32
        %dma_start3A_295 = tpu.memref_slice %arg4[%add3A_293, %dma_start3A_294] : memref<2816x128xi32, #tpu.memory_space<hbm>> -> memref<1x128xi32, #tpu.memory_space<hbm>>
        %dma_start3A_296 = tpu.memref_squeeze %dma_start3A_295 : memref<1x128xi32, #tpu.memory_space<hbm>> -> memref<128xi32, #tpu.memory_space<hbm>>
        %dma_start3A_297 = arith.constant 0 : i32
        %dma_start3A_298 = tpu.memref_slice %arg4[%add3A_293, %dma_start3A_297] : memref<2816x128xi32, #tpu.memory_space<hbm>> -> memref<1x128xi32, #tpu.memory_space<hbm>>
        %dma_start3A_299 = tpu.memref_squeeze %dma_start3A_298 : memref<1x128xi32, #tpu.memory_space<hbm>> -> memref<128xi32, #tpu.memory_space<hbm>>
        tpu.enqueue_dma source(%dma_start3A_299 : memref<128xi32, #tpu.memory_space<hbm>>) target(%arg11 : memref<128xi32, #tpu.memory_space<vmem>>) target_semaphore(%arg26 : memref<!tpu.dma_semaphore, #tpu.memory_space<semaphore_mem>>)
      } else {
      }
      %dma_start3A_209 = arith.constant 0 : i32
      %dma_start3A_210 = arith.constant 0 : i32
      %dma_start3A_211 = tpu.memref_slice %arg7[%dma_start3A_209, %dma_start3A_210] : memref<10016x128xf32, #tpu.memory_space<vmem_shared>> -> memref<10016x128xf32, #tpu.memory_space<vmem_shared>>
      tpu.enqueue_indirect_dma source(%arg17 : memref<128x128xf32, #tpu.memory_space<vmem>>) target(%dma_start3A_211 : memref<10016x128xf32, #tpu.memory_space<vmem_shared>>) offsets(%arg14 : memref<128xi32, #tpu.memory_space<vmem>>) semaphore(%arg23 : memref<!tpu.dma_semaphore, #tpu.memory_space<semaphore_mem>>) {add = true}
      %ge3A_212 = arith.constant 1 : i32
      %ge3A_213 = arith.cmpi sge, %add3A_198, %ge3A_212 : i32
      %convert_element_type3A_214 = arith.extui %ge3A_213 : i1 to i32
      %cond3A_215 = arith.constant 0 : i32
      %cond3A_216 = arith.cmpi ne, %convert_element_type3A_214, %cond3A_215 : i32
      scf.if %cond3A_216 {
        %dma_wait3A_282 = arith.constant 0 : i32
        %dma_wait3A_283 = arith.constant 0 : i32
        %dma_wait3A_284 = tpu.memref_slice %arg7[%dma_wait3A_282, %dma_wait3A_283] : memref<10016x128xf32, #tpu.memory_space<vmem_shared>> -> memref<10016x128xf32, #tpu.memory_space<vmem_shared>>
        tpu.wait_indirect_dma semaphore(%arg25 : memref<!tpu.dma_semaphore, #tpu.memory_space<semaphore_mem>>) src(%arg19 : memref<128x128xf32, #tpu.memory_space<vmem>>) dst(%dma_wait3A_284 : memref<10016x128xf32, #tpu.memory_space<vmem_shared>>)
      } else {
      }
      %add3A_217 = arith.constant 2 : i32
      %add3A_218 = arith.addi %add3A_198, %add3A_217 : i32
      %lt3A_219 = arith.constant 84 : i32
      %lt3A_220 = arith.cmpi slt, %add3A_218, %lt3A_219 : i32
      %convert_element_type3A_221 = arith.extui %lt3A_220 : i1 to i32
      %cond3A_222 = arith.constant 0 : i32
      %cond3A_223 = arith.cmpi ne, %convert_element_type3A_221, %cond3A_222 : i32
      scf.if %cond3A_223 {
        %dma_wait3A_282 = arith.constant 0 : i32
        %dma_wait3A_283 = arith.constant 0 : i32
        %dma_wait3A_284 = tpu.memref_slice %arg3[%dma_wait3A_282, %dma_wait3A_283] : memref<2816x128xi32, #tpu.memory_space<hbm>> -> memref<1x128xi32, #tpu.memory_space<hbm>>
        %dma_wait3A_285 = tpu.memref_squeeze %dma_wait3A_284 : memref<1x128xi32, #tpu.memory_space<hbm>> -> memref<128xi32, #tpu.memory_space<hbm>>
        %dma_wait3A_286 = arith.constant 0 : i32
        %dma_wait3A_287 = tpu.memref_slice %arg3[%dma_wait3A_282, %dma_wait3A_286] : memref<2816x128xi32, #tpu.memory_space<hbm>> -> memref<1x128xi32, #tpu.memory_space<hbm>>
        %dma_wait3A_288 = tpu.memref_squeeze %dma_wait3A_287 : memref<1x128xi32, #tpu.memory_space<hbm>> -> memref<128xi32, #tpu.memory_space<hbm>>
        tpu.wait_dma2 semaphore(%arg28 : memref<!tpu.dma_semaphore, #tpu.memory_space<semaphore_mem>>) src(%dma_wait3A_288 : memref<128xi32, #tpu.memory_space<hbm>>) dst(%arg10 : memref<128xi32, #tpu.memory_space<vmem>>)
        %dma_wait3A_289 = arith.constant 0 : i32
        %dma_wait3A_290 = arith.constant 0 : i32
        %dma_wait3A_291 = tpu.memref_slice %arg4[%dma_wait3A_289, %dma_wait3A_290] : memref<2816x128xi32, #tpu.memory_space<hbm>> -> memref<1x128xi32, #tpu.memory_space<hbm>>
        %dma_wait3A_292 = tpu.memref_squeeze %dma_wait3A_291 : memref<1x128xi32, #tpu.memory_space<hbm>> -> memref<128xi32, #tpu.memory_space<hbm>>
        %dma_wait3A_293 = arith.constant 0 : i32
        %dma_wait3A_294 = tpu.memref_slice %arg4[%dma_wait3A_289, %dma_wait3A_293] : memref<2816x128xi32, #tpu.memory_space<hbm>> -> memref<1x128xi32, #tpu.memory_space<hbm>>
        %dma_wait3A_295 = tpu.memref_squeeze %dma_wait3A_294 : memref<1x128xi32, #tpu.memory_space<hbm>> -> memref<128xi32, #tpu.memory_space<hbm>>
        tpu.wait_dma2 semaphore(%arg28 : memref<!tpu.dma_semaphore, #tpu.memory_space<semaphore_mem>>) src(%dma_wait3A_295 : memref<128xi32, #tpu.memory_space<hbm>>) dst(%arg16 : memref<128xi32, #tpu.memory_space<vmem>>)
        %dma_start3A_296 = arith.constant 0 : i32
        %dma_start3A_297 = arith.constant 0 : i32
        %dma_start3A_298 = tpu.memref_slice %arg2[%dma_start3A_296, %dma_start3A_297] : memref<10000x128xf32, #tpu.memory_space<hbm>> -> memref<10000x128xf32, #tpu.memory_space<hbm>>
        tpu.enqueue_indirect_dma source(%dma_start3A_298 : memref<10000x128xf32, #tpu.memory_space<hbm>>) target(%arg19 : memref<128x128xf32, #tpu.memory_space<vmem>>) offsets(%arg10 : memref<128xi32, #tpu.memory_space<vmem>>) semaphore(%arg22 : memref<!tpu.dma_semaphore, #tpu.memory_space<semaphore_mem>>)
      } else {
      }
      %mul3A_224 = arith.constant 6 : i32
      %mul3A_225 = arith.muli %scan3A_108, %mul3A_224 : i32
      %add3A_226 = arith.constant 4 : i32
      %add3A_227 = arith.addi %mul3A_225, %add3A_226 : i32
      %dma_wait3A_228 = arith.constant 0 : i32
      %dma_wait3A_229 = arith.constant 0 : i32
      %dma_wait3A_230 = tpu.memref_slice %arg2[%dma_wait3A_228, %dma_wait3A_229] : memref<10000x128xf32, #tpu.memory_space<hbm>> -> memref<10000x128xf32, #tpu.memory_space<hbm>>
      tpu.wait_indirect_dma semaphore(%arg21 : memref<!tpu.dma_semaphore, #tpu.memory_space<semaphore_mem>>) src(%dma_wait3A_230 : memref<10000x128xf32, #tpu.memory_space<hbm>>) dst(%arg18 : memref<128x128xf32, #tpu.memory_space<vmem>>)
      %add3A_231 = arith.constant 3 : i32
      %add3A_232 = arith.addi %add3A_227, %add3A_231 : i32
      %lt3A_233 = arith.constant 84 : i32
      %lt3A_234 = arith.cmpi slt, %add3A_232, %lt3A_233 : i32
      %convert_element_type3A_235 = arith.extui %lt3A_234 : i1 to i32
      %cond3A_236 = arith.constant 0 : i32
      %cond3A_237 = arith.cmpi ne, %convert_element_type3A_235, %cond3A_236 : i32
      scf.if %cond3A_237 {
        %add3A_282 = arith.addi %mul3A_2, %add3A_227 : i32
        %add3A_283 = arith.constant 3 : i32
        %add3A_284 = arith.addi %add3A_282, %add3A_283 : i32
        %dma_start3A_285 = arith.constant 0 : i32
        %dma_start3A_286 = tpu.memref_slice %arg3[%add3A_284, %dma_start3A_285] : memref<2816x128xi32, #tpu.memory_space<hbm>> -> memref<1x128xi32, #tpu.memory_space<hbm>>
        %dma_start3A_287 = tpu.memref_squeeze %dma_start3A_286 : memref<1x128xi32, #tpu.memory_space<hbm>> -> memref<128xi32, #tpu.memory_space<hbm>>
        %dma_start3A_288 = arith.constant 0 : i32
        %dma_start3A_289 = tpu.memref_slice %arg3[%add3A_284, %dma_start3A_288] : memref<2816x128xi32, #tpu.memory_space<hbm>> -> memref<1x128xi32, #tpu.memory_space<hbm>>
        %dma_start3A_290 = tpu.memref_squeeze %dma_start3A_289 : memref<1x128xi32, #tpu.memory_space<hbm>> -> memref<128xi32, #tpu.memory_space<hbm>>
        tpu.enqueue_dma source(%dma_start3A_290 : memref<128xi32, #tpu.memory_space<hbm>>) target(%arg9 : memref<128xi32, #tpu.memory_space<vmem>>) target_semaphore(%arg27 : memref<!tpu.dma_semaphore, #tpu.memory_space<semaphore_mem>>)
        %add3A_291 = arith.addi %mul3A_2, %add3A_227 : i32
        %add3A_292 = arith.constant 3 : i32
        %add3A_293 = arith.addi %add3A_291, %add3A_292 : i32
        %dma_start3A_294 = arith.constant 0 : i32
        %dma_start3A_295 = tpu.memref_slice %arg4[%add3A_293, %dma_start3A_294] : memref<2816x128xi32, #tpu.memory_space<hbm>> -> memref<1x128xi32, #tpu.memory_space<hbm>>
        %dma_start3A_296 = tpu.memref_squeeze %dma_start3A_295 : memref<1x128xi32, #tpu.memory_space<hbm>> -> memref<128xi32, #tpu.memory_space<hbm>>
        %dma_start3A_297 = arith.constant 0 : i32
        %dma_start3A_298 = tpu.memref_slice %arg4[%add3A_293, %dma_start3A_297] : memref<2816x128xi32, #tpu.memory_space<hbm>> -> memref<1x128xi32, #tpu.memory_space<hbm>>
        %dma_start3A_299 = tpu.memref_squeeze %dma_start3A_298 : memref<1x128xi32, #tpu.memory_space<hbm>> -> memref<128xi32, #tpu.memory_space<hbm>>
        tpu.enqueue_dma source(%dma_start3A_299 : memref<128xi32, #tpu.memory_space<hbm>>) target(%arg12 : memref<128xi32, #tpu.memory_space<vmem>>) target_semaphore(%arg27 : memref<!tpu.dma_semaphore, #tpu.memory_space<semaphore_mem>>)
      } else {
      }
      %dma_start3A_238 = arith.constant 0 : i32
      %dma_start3A_239 = arith.constant 0 : i32
      %dma_start3A_240 = tpu.memref_slice %arg7[%dma_start3A_238, %dma_start3A_239] : memref<10016x128xf32, #tpu.memory_space<vmem_shared>> -> memref<10016x128xf32, #tpu.memory_space<vmem_shared>>
      tpu.enqueue_indirect_dma source(%arg18 : memref<128x128xf32, #tpu.memory_space<vmem>>) target(%dma_start3A_240 : memref<10016x128xf32, #tpu.memory_space<vmem_shared>>) offsets(%arg15 : memref<128xi32, #tpu.memory_space<vmem>>) semaphore(%arg24 : memref<!tpu.dma_semaphore, #tpu.memory_space<semaphore_mem>>) {add = true}
      %ge3A_241 = arith.constant 1 : i32
      %ge3A_242 = arith.cmpi sge, %add3A_227, %ge3A_241 : i32
      %convert_element_type3A_243 = arith.extui %ge3A_242 : i1 to i32
      %cond3A_244 = arith.constant 0 : i32
      %cond3A_245 = arith.cmpi ne, %convert_element_type3A_243, %cond3A_244 : i32
      scf.if %cond3A_245 {
        %dma_wait3A_282 = arith.constant 0 : i32
        %dma_wait3A_283 = arith.constant 0 : i32
        %dma_wait3A_284 = tpu.memref_slice %arg7[%dma_wait3A_282, %dma_wait3A_283] : memref<10016x128xf32, #tpu.memory_space<vmem_shared>> -> memref<10016x128xf32, #tpu.memory_space<vmem_shared>>
        tpu.wait_indirect_dma semaphore(%arg23 : memref<!tpu.dma_semaphore, #tpu.memory_space<semaphore_mem>>) src(%arg17 : memref<128x128xf32, #tpu.memory_space<vmem>>) dst(%dma_wait3A_284 : memref<10016x128xf32, #tpu.memory_space<vmem_shared>>)
      } else {
      }
      %add3A_246 = arith.constant 2 : i32
      %add3A_247 = arith.addi %add3A_227, %add3A_246 : i32
      %lt3A_248 = arith.constant 84 : i32
      %lt3A_249 = arith.cmpi slt, %add3A_247, %lt3A_248 : i32
      %convert_element_type3A_250 = arith.extui %lt3A_249 : i1 to i32
      %cond3A_251 = arith.constant 0 : i32
      %cond3A_252 = arith.cmpi ne, %convert_element_type3A_250, %cond3A_251 : i32
      scf.if %cond3A_252 {
        %dma_wait3A_282 = arith.constant 0 : i32
        %dma_wait3A_283 = arith.constant 0 : i32
        %dma_wait3A_284 = tpu.memref_slice %arg3[%dma_wait3A_282, %dma_wait3A_283] : memref<2816x128xi32, #tpu.memory_space<hbm>> -> memref<1x128xi32, #tpu.memory_space<hbm>>
        %dma_wait3A_285 = tpu.memref_squeeze %dma_wait3A_284 : memref<1x128xi32, #tpu.memory_space<hbm>> -> memref<128xi32, #tpu.memory_space<hbm>>
        %dma_wait3A_286 = arith.constant 0 : i32
        %dma_wait3A_287 = tpu.memref_slice %arg3[%dma_wait3A_282, %dma_wait3A_286] : memref<2816x128xi32, #tpu.memory_space<hbm>> -> memref<1x128xi32, #tpu.memory_space<hbm>>
        %dma_wait3A_288 = tpu.memref_squeeze %dma_wait3A_287 : memref<1x128xi32, #tpu.memory_space<hbm>> -> memref<128xi32, #tpu.memory_space<hbm>>
        tpu.wait_dma2 semaphore(%arg26 : memref<!tpu.dma_semaphore, #tpu.memory_space<semaphore_mem>>) src(%dma_wait3A_288 : memref<128xi32, #tpu.memory_space<hbm>>) dst(%arg8 : memref<128xi32, #tpu.memory_space<vmem>>)
        %dma_wait3A_289 = arith.constant 0 : i32
        %dma_wait3A_290 = arith.constant 0 : i32
        %dma_wait3A_291 = tpu.memref_slice %arg4[%dma_wait3A_289, %dma_wait3A_290] : memref<2816x128xi32, #tpu.memory_space<hbm>> -> memref<1x128xi32, #tpu.memory_space<hbm>>
        %dma_wait3A_292 = tpu.memref_squeeze %dma_wait3A_291 : memref<1x128xi32, #tpu.memory_space<hbm>> -> memref<128xi32, #tpu.memory_space<hbm>>
        %dma_wait3A_293 = arith.constant 0 : i32
        %dma_wait3A_294 = tpu.memref_slice %arg4[%dma_wait3A_289, %dma_wait3A_293] : memref<2816x128xi32, #tpu.memory_space<hbm>> -> memref<1x128xi32, #tpu.memory_space<hbm>>
        %dma_wait3A_295 = tpu.memref_squeeze %dma_wait3A_294 : memref<1x128xi32, #tpu.memory_space<hbm>> -> memref<128xi32, #tpu.memory_space<hbm>>
        tpu.wait_dma2 semaphore(%arg26 : memref<!tpu.dma_semaphore, #tpu.memory_space<semaphore_mem>>) src(%dma_wait3A_295 : memref<128xi32, #tpu.memory_space<hbm>>) dst(%arg11 : memref<128xi32, #tpu.memory_space<vmem>>)
        %dma_start3A_296 = arith.constant 0 : i32
        %dma_start3A_297 = arith.constant 0 : i32
        %dma_start3A_298 = tpu.memref_slice %arg2[%dma_start3A_296, %dma_start3A_297] : memref<10000x128xf32, #tpu.memory_space<hbm>> -> memref<10000x128xf32, #tpu.memory_space<hbm>>
        tpu.enqueue_indirect_dma source(%dma_start3A_298 : memref<10000x128xf32, #tpu.memory_space<hbm>>) target(%arg17 : memref<128x128xf32, #tpu.memory_space<vmem>>) offsets(%arg8 : memref<128xi32, #tpu.memory_space<vmem>>) semaphore(%arg20 : memref<!tpu.dma_semaphore, #tpu.memory_space<semaphore_mem>>)
      } else {
      }
      %mul3A_253 = arith.constant 6 : i32
      %mul3A_254 = arith.muli %scan3A_108, %mul3A_253 : i32
      %add3A_255 = arith.constant 5 : i32
      %add3A_256 = arith.addi %mul3A_254, %add3A_255 : i32
      %dma_wait3A_257 = arith.constant 0 : i32
      %dma_wait3A_258 = arith.constant 0 : i32
      %dma_wait3A_259 = tpu.memref_slice %arg2[%dma_wait3A_257, %dma_wait3A_258] : memref<10000x128xf32, #tpu.memory_space<hbm>> -> memref<10000x128xf32, #tpu.memory_space<hbm>>
      tpu.wait_indirect_dma semaphore(%arg22 : memref<!tpu.dma_semaphore, #tpu.memory_space<semaphore_mem>>) src(%dma_wait3A_259 : memref<10000x128xf32, #tpu.memory_space<hbm>>) dst(%arg19 : memref<128x128xf32, #tpu.memory_space<vmem>>)
      %add3A_260 = arith.constant 3 : i32
      %add3A_261 = arith.addi %add3A_256, %add3A_260 : i32
      %lt3A_262 = arith.constant 84 : i32
      %lt3A_263 = arith.cmpi slt, %add3A_261, %lt3A_262 : i32
      %convert_element_type3A_264 = arith.extui %lt3A_263 : i1 to i32
      %cond3A_265 = arith.constant 0 : i32
      %cond3A_266 = arith.cmpi ne, %convert_element_type3A_264, %cond3A_265 : i32
      scf.if %cond3A_266 {
        %add3A_282 = arith.addi %mul3A_2, %add3A_256 : i32
        %add3A_283 = arith.constant 3 : i32
        %add3A_284 = arith.addi %add3A_282, %add3A_283 : i32
        %dma_start3A_285 = arith.constant 0 : i32
        %dma_start3A_286 = tpu.memref_slice %arg3[%add3A_284, %dma_start3A_285] : memref<2816x128xi32, #tpu.memory_space<hbm>> -> memref<1x128xi32, #tpu.memory_space<hbm>>
        %dma_start3A_287 = tpu.memref_squeeze %dma_start3A_286 : memref<1x128xi32, #tpu.memory_space<hbm>> -> memref<128xi32, #tpu.memory_space<hbm>>
        %dma_start3A_288 = arith.constant 0 : i32
        %dma_start3A_289 = tpu.memref_slice %arg3[%add3A_284, %dma_start3A_288] : memref<2816x128xi32, #tpu.memory_space<hbm>> -> memref<1x128xi32, #tpu.memory_space<hbm>>
        %dma_start3A_290 = tpu.memref_squeeze %dma_start3A_289 : memref<1x128xi32, #tpu.memory_space<hbm>> -> memref<128xi32, #tpu.memory_space<hbm>>
        tpu.enqueue_dma source(%dma_start3A_290 : memref<128xi32, #tpu.memory_space<hbm>>) target(%arg10 : memref<128xi32, #tpu.memory_space<vmem>>) target_semaphore(%arg28 : memref<!tpu.dma_semaphore, #tpu.memory_space<semaphore_mem>>)
        %add3A_291 = arith.addi %mul3A_2, %add3A_256 : i32
        %add3A_292 = arith.constant 3 : i32
        %add3A_293 = arith.addi %add3A_291, %add3A_292 : i32
        %dma_start3A_294 = arith.constant 0 : i32
        %dma_start3A_295 = tpu.memref_slice %arg4[%add3A_293, %dma_start3A_294] : memref<2816x128xi32, #tpu.memory_space<hbm>> -> memref<1x128xi32, #tpu.memory_space<hbm>>
        %dma_start3A_296 = tpu.memref_squeeze %dma_start3A_295 : memref<1x128xi32, #tpu.memory_space<hbm>> -> memref<128xi32, #tpu.memory_space<hbm>>
        %dma_start3A_297 = arith.constant 0 : i32
        %dma_start3A_298 = tpu.memref_slice %arg4[%add3A_293, %dma_start3A_297] : memref<2816x128xi32, #tpu.memory_space<hbm>> -> memref<1x128xi32, #tpu.memory_space<hbm>>
        %dma_start3A_299 = tpu.memref_squeeze %dma_start3A_298 : memref<1x128xi32, #tpu.memory_space<hbm>> -> memref<128xi32, #tpu.memory_space<hbm>>
        tpu.enqueue_dma source(%dma_start3A_299 : memref<128xi32, #tpu.memory_space<hbm>>) target(%arg13 : memref<128xi32, #tpu.memory_space<vmem>>) target_semaphore(%arg28 : memref<!tpu.dma_semaphore, #tpu.memory_space<semaphore_mem>>)
      } else {
      }
      %dma_start3A_267 = arith.constant 0 : i32
      %dma_start3A_268 = arith.constant 0 : i32
      %dma_start3A_269 = tpu.memref_slice %arg7[%dma_start3A_267, %dma_start3A_268] : memref<10016x128xf32, #tpu.memory_space<vmem_shared>> -> memref<10016x128xf32, #tpu.memory_space<vmem_shared>>
      tpu.enqueue_indirect_dma source(%arg19 : memref<128x128xf32, #tpu.memory_space<vmem>>) target(%dma_start3A_269 : memref<10016x128xf32, #tpu.memory_space<vmem_shared>>) offsets(%arg16 : memref<128xi32, #tpu.memory_space<vmem>>) semaphore(%arg25 : memref<!tpu.dma_semaphore, #tpu.memory_space<semaphore_mem>>) {add = true}
      %ge3A_270 = arith.constant 1 : i32
      %ge3A_271 = arith.cmpi sge, %add3A_256, %ge3A_270 : i32
      %convert_element_type3A_272 = arith.extui %ge3A_271 : i1 to i32
      %cond3A_273 = arith.constant 0 : i32
      %cond3A_274 = arith.cmpi ne, %convert_element_type3A_272, %cond3A_273 : i32
      scf.if %cond3A_274 {
        %dma_wait3A_282 = arith.constant 0 : i32
        %dma_wait3A_283 = arith.constant 0 : i32
        %dma_wait3A_284 = tpu.memref_slice %arg7[%dma_wait3A_282, %dma_wait3A_283] : memref<10016x128xf32, #tpu.memory_space<vmem_shared>> -> memref<10016x128xf32, #tpu.memory_space<vmem_shared>>
        tpu.wait_indirect_dma semaphore(%arg24 : memref<!tpu.dma_semaphore, #tpu.memory_space<semaphore_mem>>) src(%arg18 : memref<128x128xf32, #tpu.memory_space<vmem>>) dst(%dma_wait3A_284 : memref<10016x128xf32, #tpu.memory_space<vmem_shared>>)
      } else {
      }
      %add3A_275 = arith.constant 2 : i32
      %add3A_276 = arith.addi %add3A_256, %add3A_275 : i32
      %lt3A_277 = arith.constant 84 : i32
      %lt3A_278 = arith.cmpi slt, %add3A_276, %lt3A_277 : i32
      %convert_element_type3A_279 = arith.extui %lt3A_278 : i1 to i32
      %cond3A_280 = arith.constant 0 : i32
      %cond3A_281 = arith.cmpi ne, %convert_element_type3A_279, %cond3A_280 : i32
      scf.if %cond3A_281 {
        %dma_wait3A_282 = arith.constant 0 : i32
        %dma_wait3A_283 = arith.constant 0 : i32
        %dma_wait3A_284 = tpu.memref_slice %arg3[%dma_wait3A_282, %dma_wait3A_283] : memref<2816x128xi32, #tpu.memory_space<hbm>> -> memref<1x128xi32, #tpu.memory_space<hbm>>
        %dma_wait3A_285 = tpu.memref_squeeze %dma_wait3A_284 : memref<1x128xi32, #tpu.memory_space<hbm>> -> memref<128xi32, #tpu.memory_space<hbm>>
        %dma_wait3A_286 = arith.constant 0 : i32
        %dma_wait3A_287 = tpu.memref_slice %arg3[%dma_wait3A_282, %dma_wait3A_286] : memref<2816x128xi32, #tpu.memory_space<hbm>> -> memref<1x128xi32, #tpu.memory_space<hbm>>
        %dma_wait3A_288 = tpu.memref_squeeze %dma_wait3A_287 : memref<1x128xi32, #tpu.memory_space<hbm>> -> memref<128xi32, #tpu.memory_space<hbm>>
        tpu.wait_dma2 semaphore(%arg27 : memref<!tpu.dma_semaphore, #tpu.memory_space<semaphore_mem>>) src(%dma_wait3A_288 : memref<128xi32, #tpu.memory_space<hbm>>) dst(%arg9 : memref<128xi32, #tpu.memory_space<vmem>>)
        %dma_wait3A_289 = arith.constant 0 : i32
        %dma_wait3A_290 = arith.constant 0 : i32
        %dma_wait3A_291 = tpu.memref_slice %arg4[%dma_wait3A_289, %dma_wait3A_290] : memref<2816x128xi32, #tpu.memory_space<hbm>> -> memref<1x128xi32, #tpu.memory_space<hbm>>
        %dma_wait3A_292 = tpu.memref_squeeze %dma_wait3A_291 : memref<1x128xi32, #tpu.memory_space<hbm>> -> memref<128xi32, #tpu.memory_space<hbm>>
        %dma_wait3A_293 = arith.constant 0 : i32
        %dma_wait3A_294 = tpu.memref_slice %arg4[%dma_wait3A_289, %dma_wait3A_293] : memref<2816x128xi32, #tpu.memory_space<hbm>> -> memref<1x128xi32, #tpu.memory_space<hbm>>
        %dma_wait3A_295 = tpu.memref_squeeze %dma_wait3A_294 : memref<1x128xi32, #tpu.memory_space<hbm>> -> memref<128xi32, #tpu.memory_space<hbm>>
        tpu.wait_dma2 semaphore(%arg27 : memref<!tpu.dma_semaphore, #tpu.memory_space<semaphore_mem>>) src(%dma_wait3A_295 : memref<128xi32, #tpu.memory_space<hbm>>) dst(%arg12 : memref<128xi32, #tpu.memory_space<vmem>>)
        %dma_start3A_296 = arith.constant 0 : i32
        %dma_start3A_297 = arith.constant 0 : i32
        %dma_start3A_298 = tpu.memref_slice %arg2[%dma_start3A_296, %dma_start3A_297] : memref<10000x128xf32, #tpu.memory_space<hbm>> -> memref<10000x128xf32, #tpu.memory_space<hbm>>
        tpu.enqueue_indirect_dma source(%dma_start3A_298 : memref<10000x128xf32, #tpu.memory_space<hbm>>) target(%arg18 : memref<128x128xf32, #tpu.memory_space<vmem>>) offsets(%arg9 : memref<128xi32, #tpu.memory_space<vmem>>) semaphore(%arg21 : memref<!tpu.dma_semaphore, #tpu.memory_space<semaphore_mem>>)
      } else {
      }
    }
    %scan3A_93 = arith.constant 14 : i32
    %dma_wait3A_94 = arith.constant 0 : i32
    %dma_wait3A_95 = arith.constant 0 : i32
    %dma_wait3A_96 = tpu.memref_slice %arg7[%dma_wait3A_94, %dma_wait3A_95] : memref<10016x128xf32, #tpu.memory_space<vmem_shared>> -> memref<10016x128xf32, #tpu.memory_space<vmem_shared>>
    tpu.wait_indirect_dma semaphore(%arg25 : memref<!tpu.dma_semaphore, #tpu.memory_space<semaphore_mem>>) src(%arg19 : memref<128x128xf32, #tpu.memory_space<vmem>>) dst(%dma_wait3A_96 : memref<10016x128xf32, #tpu.memory_space<vmem_shared>>)
    %barrier3A_97 = arith.constant 0 : index
    tpu.barrier barrier_id(%barrier3A_97)
    %lt3A_98 = arith.constant 15 : i32
    %lt3A_99 = arith.cmpi slt, %arg1, %lt3A_98 : i32
    %convert_element_type3A_100 = arith.extui %lt3A_99 : i1 to i32
    %cond3A_101 = arith.constant 0 : i32
    %cond3A_102 = arith.cmpi ne, %convert_element_type3A_100, %cond3A_101 : i32
    scf.if %cond3A_102 {
      %mul3A_108 = arith.constant 632 : i32
      %mul3A_109 = arith.muli %arg1, %mul3A_108 : i32
      %mul3A_110 = arith.constant 10016 : i32
      %mul3A_111 = arith.muli %arg0, %mul3A_110 : i32
      %mul3A_112 = arith.constant 632 : i32
      %mul3A_113 = arith.muli %arg1, %mul3A_112 : i32
      %add3A_114 = arith.addi %mul3A_111, %mul3A_113 : i32
      "tpu.region"() ({
        %run_scoped3A = tpu.sem_alloc : memref<!tpu.dma_semaphore, #tpu.memory_space<semaphore_mem>>
        %dma_start3A_115 = arith.constant 0 : i32
        %dma_start3A_116 = tpu.memref_slice %arg6[%add3A_114, %dma_start3A_115] : memref<20032x128xf32, #tpu.memory_space<hbm>> -> memref<632x128xf32, #tpu.memory_space<hbm>>
        %dma_start3A_117 = arith.constant 0 : i32
        %dma_start3A_118 = tpu.memref_slice %arg7[%mul3A_109, %dma_start3A_117] : memref<10016x128xf32, #tpu.memory_space<vmem_shared>> -> memref<632x128xf32, #tpu.memory_space<vmem_shared>>
        tpu.enqueue_dma source(%dma_start3A_118 : memref<632x128xf32, #tpu.memory_space<vmem_shared>>) target(%dma_start3A_116 : memref<632x128xf32, #tpu.memory_space<hbm>>) target_semaphore(%run_scoped3A : memref<!tpu.dma_semaphore, #tpu.memory_space<semaphore_mem>>)
        %dma_wait3A_119 = arith.constant 0 : i32
        %dma_wait3A_120 = tpu.memref_slice %arg6[%add3A_114, %dma_wait3A_119] : memref<20032x128xf32, #tpu.memory_space<hbm>> -> memref<632x128xf32, #tpu.memory_space<hbm>>
        %dma_wait3A_121 = arith.constant 0 : i32
        %dma_wait3A_122 = tpu.memref_slice %arg7[%mul3A_109, %dma_wait3A_121] : memref<10016x128xf32, #tpu.memory_space<vmem_shared>> -> memref<632x128xf32, #tpu.memory_space<vmem_shared>>
        tpu.wait_dma2 semaphore(%run_scoped3A : memref<!tpu.dma_semaphore, #tpu.memory_space<semaphore_mem>>) src(%dma_wait3A_122 : memref<632x128xf32, #tpu.memory_space<vmem_shared>>) dst(%dma_wait3A_120 : memref<632x128xf32, #tpu.memory_space<hbm>>)
        tpu.yield
      }) : () -> ()
    } else {
    }
    %eq3A_103 = arith.constant 15 : i32
    %eq3A_104 = arith.cmpi eq, %arg1, %eq3A_103 : i32
    %convert_element_type3A_105 = arith.extui %eq3A_104 : i1 to i32
    %cond3A_106 = arith.constant 0 : i32
    %cond3A_107 = arith.cmpi ne, %convert_element_type3A_105, %cond3A_106 : i32
    scf.if %cond3A_107 {
      %mul3A_108 = arith.constant 10016 : i32
      %mul3A_109 = arith.muli %arg0, %mul3A_108 : i32
      %add3A_110 = arith.constant 9480 : i32
      %add3A_111 = arith.addi %mul3A_109, %add3A_110 : i32
      "tpu.region"() ({
        %run_scoped3A = tpu.sem_alloc : memref<!tpu.dma_semaphore, #tpu.memory_space<semaphore_mem>>
        %dma_start3A_112 = arith.constant 0 : i32
        %dma_start3A_113 = tpu.memref_slice %arg6[%add3A_111, %dma_start3A_112] : memref<20032x128xf32, #tpu.memory_space<hbm>> -> memref<536x128xf32, #tpu.memory_space<hbm>>
        %dma_start3A_114 = arith.constant 9480 : i32
        %dma_start3A_115 = arith.constant 0 : i32
        %dma_start3A_116 = tpu.memref_slice %arg7[%dma_start3A_114, %dma_start3A_115] : memref<10016x128xf32, #tpu.memory_space<vmem_shared>> -> memref<536x128xf32, #tpu.memory_space<vmem_shared>>
        tpu.enqueue_dma source(%dma_start3A_116 : memref<536x128xf32, #tpu.memory_space<vmem_shared>>) target(%dma_start3A_113 : memref<536x128xf32, #tpu.memory_space<hbm>>) target_semaphore(%run_scoped3A : memref<!tpu.dma_semaphore, #tpu.memory_space<semaphore_mem>>)
        %dma_wait3A_117 = arith.constant 0 : i32
        %dma_wait3A_118 = tpu.memref_slice %arg6[%add3A_111, %dma_wait3A_117] : memref<20032x128xf32, #tpu.memory_space<hbm>> -> memref<536x128xf32, #tpu.memory_space<hbm>>
        %dma_wait3A_119 = arith.constant 9480 : i32
        %dma_wait3A_120 = arith.constant 0 : i32
        %dma_wait3A_121 = tpu.memref_slice %arg7[%dma_wait3A_119, %dma_wait3A_120] : memref<10016x128xf32, #tpu.memory_space<vmem_shared>> -> memref<536x128xf32, #tpu.memory_space<vmem_shared>>
        tpu.wait_dma2 semaphore(%run_scoped3A : memref<!tpu.dma_semaphore, #tpu.memory_space<semaphore_mem>>) src(%dma_wait3A_121 : memref<536x128xf32, #tpu.memory_space<vmem_shared>>) dst(%dma_wait3A_118 : memref<536x128xf32, #tpu.memory_space<hbm>>)
        tpu.yield
      }) : () -> ()
    } else {
    }
    return
  }
}

#map = affine_map<(d0, d1) -> (0, 0)>
module attributes {stable_mosaic.version = 14 : i64} {
  func.func @body(%arg0: i32, %arg1: i32, %arg2: memref<10000x128xf32, #tpu.memory_space<hbm>>, %arg3: memref<2816x128xi32, #tpu.memory_space<hbm>>, %arg4: memref<2816x128xi32, #tpu.memory_space<hbm>>, %arg5: memref<632x128xf32, #tpu.memory_space<hbm>>, %arg6: memref<20032x128xf32, #tpu.memory_space<hbm>>, %arg7: memref<10016x128xf32, #tpu.memory_space<vmem_shared>>, %arg8: memref<128xi32, #tpu.memory_space<vmem>>, %arg9: memref<128xi32, #tpu.memory_space<vmem>>, %arg10: memref<128xi32, #tpu.memory_space<vmem>>, %arg11: memref<128xi32, #tpu.memory_space<vmem>>, %arg12: memref<128xi32, #tpu.memory_space<vmem>>, %arg13: memref<128xi32, #tpu.memory_space<vmem>>, %arg14: memref<128xi32, #tpu.memory_space<vmem>>, %arg15: memref<128xi32, #tpu.memory_space<vmem>>, %arg16: memref<128xi32, #tpu.memory_space<vmem>>, %arg17: memref<128x128xf32, #tpu.memory_space<vmem>>, %arg18: memref<128x128xf32, #tpu.memory_space<vmem>>, %arg19: memref<128x128xf32, #tpu.memory_space<vmem>>, %arg20: memref<!tpu.dma_semaphore, #tpu.memory_space<semaphore_mem>>, %arg21: memref<!tpu.dma_semaphore, #tpu.memory_space<semaphore_mem>>, %arg22: memref<!tpu.dma_semaphore, #tpu.memory_space<semaphore_mem>>, %arg23: memref<!tpu.dma_semaphore, #tpu.memory_space<semaphore_mem>>, %arg24: memref<!tpu.dma_semaphore, #tpu.memory_space<semaphore_mem>>, %arg25: memref<!tpu.dma_semaphore, #tpu.memory_space<semaphore_mem>>, %arg26: memref<!tpu.dma_semaphore, #tpu.memory_space<semaphore_mem>>, %arg27: memref<!tpu.dma_semaphore, #tpu.memory_space<semaphore_mem>>, %arg28: memref<!tpu.dma_semaphore, #tpu.memory_space<semaphore_mem>>) attributes {dimension_semantics = [#tpu.dimension_semantics<core_parallel>, #tpu.dimension_semantics<subcore_parallel>], iteration_bounds = array<i64: 2, 16>, scalar_prefetch = 0 : i64, scratch_operands = 22 : i64, tpu.core_type = #tpu.core_type<sc_vector_subcore>, window_params = [{transform_indices = #map}, {transform_indices = #map}, {transform_indices = #map}, {transform_indices = #map}, {transform_indices = #map}]} {
    %mul3A = arith.constant 2 : i32
    %mul3A_0 = arith.muli %arg1, %mul3A : i32
    %add3A = arith.addi %mul3A_0, %arg0 : i32
    %mul3A_1 = arith.constant 88 : i32
    %mul3A_2 = arith.muli %add3A, %mul3A_1 : i32
    %lt3A = arith.constant 15 : i32
    %lt3A_3 = arith.cmpi slt, %arg1, %lt3A : i32
    %convert_element_type3A = arith.extui %lt3A_3 : i1 to i32
    %cond3A = arith.constant 0 : i32
    %cond3A_4 = arith.cmpi ne, %convert_element_type3A, %cond3A : i32
    scf.if %cond3A_4 {
      %mul3A_108 = arith.constant 632 : i32
      %mul3A_109 = arith.muli %arg1, %mul3A_108 : i32
      "tpu.region"() ({
        %run_scoped3A = tpu.sem_alloc : memref<!tpu.dma_semaphore, #tpu.memory_space<semaphore_mem>>
        %dma_start3A_110 = arith.constant 0 : i32
        %dma_start3A_111 = tpu.memref_slice %arg7[%mul3A_109, %dma_start3A_110] : memref<10016x128xf32, #tpu.memory_space<vmem_shared>> -> memref<632x128xf32, #tpu.memory_space<vmem_shared>>
        tpu.enqueue_dma source(%arg5 : memref<632x128xf32, #tpu.memory_space<hbm>>) target(%dma_start3A_111 : memref<632x128xf32, #tpu.memory_space<vmem_shared>>) target_semaphore(%run_scoped3A : memref<!tpu.dma_semaphore, #tpu.memory_space<semaphore_mem>>)
        %dma_wait3A_112 = arith.constant 0 : i32
        %dma_wait3A_113 = tpu.memref_slice %arg7[%mul3A_109, %dma_wait3A_112] : memref<10016x128xf32, #tpu.memory_space<vmem_shared>> -> memref<632x128xf32, #tpu.memory_space<vmem_shared>>
        tpu.wait_dma2 semaphore(%run_scoped3A : memref<!tpu.dma_semaphore, #tpu.memory_space<semaphore_mem>>) src(%arg5 : memref<632x128xf32, #tpu.memory_space<hbm>>) dst(%dma_wait3A_113 : memref<632x128xf32, #tpu.memory_space<vmem_shared>>)
        tpu.yield
      }) : () -> ()
    } else {
    }
    %eq3A = arith.constant 15 : i32
    %eq3A_5 = arith.cmpi eq, %arg1, %eq3A : i32
    %convert_element_type3A_6 = arith.extui %eq3A_5 : i1 to i32
    %cond3A_7 = arith.constant 0 : i32
    %cond3A_8 = arith.cmpi ne, %convert_element_type3A_6, %cond3A_7 : i32
    scf.if %cond3A_8 {
      "tpu.region"() ({
        %run_scoped3A = tpu.sem_alloc : memref<!tpu.dma_semaphore, #tpu.memory_space<semaphore_mem>>
        %dma_start3A_108 = arith.constant 9480 : i32
        %dma_start3A_109 = arith.constant 0 : i32
        %dma_start3A_110 = tpu.memref_slice %arg7[%dma_start3A_108, %dma_start3A_109] : memref<10016x128xf32, #tpu.memory_space<vmem_shared>> -> memref<536x128xf32, #tpu.memory_space<vmem_shared>>
        %dma_start3A_111 = arith.constant 0 : i32
        %dma_start3A_112 = arith.constant 0 : i32
        %dma_start3A_113 = tpu.memref_slice %arg5[%dma_start3A_111, %dma_start3A_112] : memref<632x128xf32, #tpu.memory_space<hbm>> -> memref<536x128xf32, #tpu.memory_space<hbm>>
        tpu.enqueue_dma source(%dma_start3A_113 : memref<536x128xf32, #tpu.memory_space<hbm>>) target(%dma_start3A_110 : memref<536x128xf32, #tpu.memory_space<vmem_shared>>) target_semaphore(%run_scoped3A : memref<!tpu.dma_semaphore, #tpu.memory_space<semaphore_mem>>)
        %dma_wait3A_114 = arith.constant 9480 : i32
        %dma_wait3A_115 = arith.constant 0 : i32
        %dma_wait3A_116 = tpu.memref_slice %arg7[%dma_wait3A_114, %dma_wait3A_115] : memref<10016x128xf32, #tpu.memory_space<vmem_shared>> -> memref<536x128xf32, #tpu.memory_space<vmem_shared>>
        %dma_wait3A_117 = arith.constant 0 : i32
        %dma_wait3A_118 = arith.constant 0 : i32
        %dma_wait3A_119 = tpu.memref_slice %arg5[%dma_wait3A_117, %dma_wait3A_118] : memref<632x128xf32, #tpu.memory_space<hbm>> -> memref<536x128xf32, #tpu.memory_space<hbm>>
        tpu.wait_dma2 semaphore(%run_scoped3A : memref<!tpu.dma_semaphore, #tpu.memory_space<semaphore_mem>>) src(%dma_wait3A_119 : memref<536x128xf32, #tpu.memory_space<hbm>>) dst(%dma_wait3A_116 : memref<536x128xf32, #tpu.memory_space<vmem_shared>>)
        tpu.yield
      }) : () -> ()
    } else {
    }
    %add3A_9 = arith.constant 0 : i32
    %add3A_10 = arith.addi %mul3A_2, %add3A_9 : i32
    %dma_start3A = arith.constant 0 : i32
    %dma_start3A_11 = tpu.memref_slice %arg3[%add3A_10, %dma_start3A] : memref<2816x128xi32, #tpu.memory_space<hbm>> -> memref<1x128xi32, #tpu.memory_space<hbm>>
    %dma_start3A_12 = tpu.memref_squeeze %dma_start3A_11 : memref<1x128xi32, #tpu.memory_space<hbm>> -> memref<128xi32, #tpu.memory_space<hbm>>
    %dma_start3A_13 = arith.constant 0 : i32
    %dma_start3A_14 = tpu.memref_slice %arg3[%add3A_10, %dma_start3A_13] : memref<2816x128xi32, #tpu.memory_space<hbm>> -> memref<1x128xi32, #tpu.memory_space<hbm>>
    %dma_start3A_15 = tpu.memref_squeeze %dma_start3A_14 : memref<1x128xi32, #tpu.memory_space<hbm>> -> memref<128xi32, #tpu.memory_space<hbm>>
    tpu.enqueue_dma source(%dma_start3A_15 : memref<128xi32, #tpu.memory_space<hbm>>) target(%arg8 : memref<128xi32, #tpu.memory_space<vmem>>) target_semaphore(%arg26 : memref<!tpu.dma_semaphore, #tpu.memory_space<semaphore_mem>>)
    %add3A_16 = arith.constant 0 : i32
    %add3A_17 = arith.addi %mul3A_2, %add3A_16 : i32
    %dma_start3A_18 = arith.constant 0 : i32
    %dma_start3A_19 = tpu.memref_slice %arg4[%add3A_17, %dma_start3A_18] : memref<2816x128xi32, #tpu.memory_space<hbm>> -> memref<1x128xi32, #tpu.memory_space<hbm>>
    %dma_start3A_20 = tpu.memref_squeeze %dma_start3A_19 : memref<1x128xi32, #tpu.memory_space<hbm>> -> memref<128xi32, #tpu.memory_space<hbm>>
    %dma_start3A_21 = arith.constant 0 : i32
    %dma_start3A_22 = tpu.memref_slice %arg4[%add3A_17, %dma_start3A_21] : memref<2816x128xi32, #tpu.memory_space<hbm>> -> memref<1x128xi32, #tpu.memory_space<hbm>>
    %dma_start3A_23 = tpu.memref_squeeze %dma_start3A_22 : memref<1x128xi32, #tpu.memory_space<hbm>> -> memref<128xi32, #tpu.memory_space<hbm>>
    tpu.enqueue_dma source(%dma_start3A_23 : memref<128xi32, #tpu.memory_space<hbm>>) target(%arg11 : memref<128xi32, #tpu.memory_space<vmem>>) target_semaphore(%arg26 : memref<!tpu.dma_semaphore, #tpu.memory_space<semaphore_mem>>)
    %add3A_24 = arith.constant 1 : i32
    %add3A_25 = arith.addi %mul3A_2, %add3A_24 : i32
    %dma_start3A_26 = arith.constant 0 : i32
    %dma_start3A_27 = tpu.memref_slice %arg3[%add3A_25, %dma_start3A_26] : memref<2816x128xi32, #tpu.memory_space<hbm>> -> memref<1x128xi32, #tpu.memory_space<hbm>>
    %dma_start3A_28 = tpu.memref_squeeze %dma_start3A_27 : memref<1x128xi32, #tpu.memory_space<hbm>> -> memref<128xi32, #tpu.memory_space<hbm>>
    %dma_start3A_29 = arith.constant 0 : i32
    %dma_start3A_30 = tpu.memref_slice %arg3[%add3A_25, %dma_start3A_29] : memref<2816x128xi32, #tpu.memory_space<hbm>> -> memref<1x128xi32, #tpu.memory_space<hbm>>
    %dma_start3A_31 = tpu.memref_squeeze %dma_start3A_30 : memref<1x128xi32, #tpu.memory_space<hbm>> -> memref<128xi32, #tpu.memory_space<hbm>>
    tpu.enqueue_dma source(%dma_start3A_31 : memref<128xi32, #tpu.memory_space<hbm>>) target(%arg9 : memref<128xi32, #tpu.memory_space<vmem>>) target_semaphore(%arg27 : memref<!tpu.dma_semaphore, #tpu.memory_space<semaphore_mem>>)
    %add3A_32 = arith.constant 1 : i32
    %add3A_33 = arith.addi %mul3A_2, %add3A_32 : i32
    %dma_start3A_34 = arith.constant 0 : i32
    %dma_start3A_35 = tpu.memref_slice %arg4[%add3A_33, %dma_start3A_34] : memref<2816x128xi32, #tpu.memory_space<hbm>> -> memref<1x128xi32, #tpu.memory_space<hbm>>
    %dma_start3A_36 = tpu.memref_squeeze %dma_start3A_35 : memref<1x128xi32, #tpu.memory_space<hbm>> -> memref<128xi32, #tpu.memory_space<hbm>>
    %dma_start3A_37 = arith.constant 0 : i32
    %dma_start3A_38 = tpu.memref_slice %arg4[%add3A_33, %dma_start3A_37] : memref<2816x128xi32, #tpu.memory_space<hbm>> -> memref<1x128xi32, #tpu.memory_space<hbm>>
    %dma_start3A_39 = tpu.memref_squeeze %dma_start3A_38 : memref<1x128xi32, #tpu.memory_space<hbm>> -> memref<128xi32, #tpu.memory_space<hbm>>
    tpu.enqueue_dma source(%dma_start3A_39 : memref<128xi32, #tpu.memory_space<hbm>>) target(%arg12 : memref<128xi32, #tpu.memory_space<vmem>>) target_semaphore(%arg27 : memref<!tpu.dma_semaphore, #tpu.memory_space<semaphore_mem>>)
    %add3A_40 = arith.constant 2 : i32
    %add3A_41 = arith.addi %mul3A_2, %add3A_40 : i32
    %dma_start3A_42 = arith.constant 0 : i32
    %dma_start3A_43 = tpu.memref_slice %arg3[%add3A_41, %dma_start3A_42] : memref<2816x128xi32, #tpu.memory_space<hbm>> -> memref<1x128xi32, #tpu.memory_space<hbm>>
    %dma_start3A_44 = tpu.memref_squeeze %dma_start3A_43 : memref<1x128xi32, #tpu.memory_space<hbm>> -> memref<128xi32, #tpu.memory_space<hbm>>
    %dma_start3A_45 = arith.constant 0 : i32
    %dma_start3A_46 = tpu.memref_slice %arg3[%add3A_41, %dma_start3A_45] : memref<2816x128xi32, #tpu.memory_space<hbm>> -> memref<1x128xi32, #tpu.memory_space<hbm>>
    %dma_start3A_47 = tpu.memref_squeeze %dma_start3A_46 : memref<1x128xi32, #tpu.memory_space<hbm>> -> memref<128xi32, #tpu.memory_space<hbm>>
    tpu.enqueue_dma source(%dma_start3A_47 : memref<128xi32, #tpu.memory_space<hbm>>) target(%arg10 : memref<128xi32, #tpu.memory_space<vmem>>) target_semaphore(%arg28 : memref<!tpu.dma_semaphore, #tpu.memory_space<semaphore_mem>>)
    %add3A_48 = arith.constant 2 : i32
    %add3A_49 = arith.addi %mul3A_2, %add3A_48 : i32
    %dma_start3A_50 = arith.constant 0 : i32
    %dma_start3A_51 = tpu.memref_slice %arg4[%add3A_49, %dma_start3A_50] : memref<2816x128xi32, #tpu.memory_space<hbm>> -> memref<1x128xi32, #tpu.memory_space<hbm>>
    %dma_start3A_52 = tpu.memref_squeeze %dma_start3A_51 : memref<1x128xi32, #tpu.memory_space<hbm>> -> memref<128xi32, #tpu.memory_space<hbm>>
    %dma_start3A_53 = arith.constant 0 : i32
    %dma_start3A_54 = tpu.memref_slice %arg4[%add3A_49, %dma_start3A_53] : memref<2816x128xi32, #tpu.memory_space<hbm>> -> memref<1x128xi32, #tpu.memory_space<hbm>>
    %dma_start3A_55 = tpu.memref_squeeze %dma_start3A_54 : memref<1x128xi32, #tpu.memory_space<hbm>> -> memref<128xi32, #tpu.memory_space<hbm>>
    tpu.enqueue_dma source(%dma_start3A_55 : memref<128xi32, #tpu.memory_space<hbm>>) target(%arg13 : memref<128xi32, #tpu.memory_space<vmem>>) target_semaphore(%arg28 : memref<!tpu.dma_semaphore, #tpu.memory_space<semaphore_mem>>)
    %dma_wait3A = arith.constant 0 : i32
    %dma_wait3A_56 = arith.constant 0 : i32
    %dma_wait3A_57 = tpu.memref_slice %arg3[%dma_wait3A, %dma_wait3A_56] : memref<2816x128xi32, #tpu.memory_space<hbm>> -> memref<1x128xi32, #tpu.memory_space<hbm>>
    %dma_wait3A_58 = tpu.memref_squeeze %dma_wait3A_57 : memref<1x128xi32, #tpu.memory_space<hbm>> -> memref<128xi32, #tpu.memory_space<hbm>>
    %dma_wait3A_59 = arith.constant 0 : i32
    %dma_wait3A_60 = tpu.memref_slice %arg3[%dma_wait3A, %dma_wait3A_59] : memref<2816x128xi32, #tpu.memory_space<hbm>> -> memref<1x128xi32, #tpu.memory_space<hbm>>
    %dma_wait3A_61 = tpu.memref_squeeze %dma_wait3A_60 : memref<1x128xi32, #tpu.memory_space<hbm>> -> memref<128xi32, #tpu.memory_space<hbm>>
    tpu.wait_dma2 semaphore(%arg26 : memref<!tpu.dma_semaphore, #tpu.memory_space<semaphore_mem>>) src(%dma_wait3A_61 : memref<128xi32, #tpu.memory_space<hbm>>) dst(%arg8 : memref<128xi32, #tpu.memory_space<vmem>>)
    %dma_wait3A_62 = arith.constant 0 : i32
    %dma_wait3A_63 = arith.constant 0 : i32
    %dma_wait3A_64 = tpu.memref_slice %arg4[%dma_wait3A_62, %dma_wait3A_63] : memref<2816x128xi32, #tpu.memory_space<hbm>> -> memref<1x128xi32, #tpu.memory_space<hbm>>
    %dma_wait3A_65 = tpu.memref_squeeze %dma_wait3A_64 : memref<1x128xi32, #tpu.memory_space<hbm>> -> memref<128xi32, #tpu.memory_space<hbm>>
    %dma_wait3A_66 = arith.constant 0 : i32
    %dma_wait3A_67 = tpu.memref_slice %arg4[%dma_wait3A_62, %dma_wait3A_66] : memref<2816x128xi32, #tpu.memory_space<hbm>> -> memref<1x128xi32, #tpu.memory_space<hbm>>
    %dma_wait3A_68 = tpu.memref_squeeze %dma_wait3A_67 : memref<1x128xi32, #tpu.memory_space<hbm>> -> memref<128xi32, #tpu.memory_space<hbm>>
    tpu.wait_dma2 semaphore(%arg26 : memref<!tpu.dma_semaphore, #tpu.memory_space<semaphore_mem>>) src(%dma_wait3A_68 : memref<128xi32, #tpu.memory_space<hbm>>) dst(%arg11 : memref<128xi32, #tpu.memory_space<vmem>>)
    %dma_start3A_69 = arith.constant 0 : i32
    %dma_start3A_70 = arith.constant 0 : i32
    %dma_start3A_71 = tpu.memref_slice %arg2[%dma_start3A_69, %dma_start3A_70] : memref<10000x128xf32, #tpu.memory_space<hbm>> -> memref<10000x128xf32, #tpu.memory_space<hbm>>
    tpu.enqueue_indirect_dma source(%dma_start3A_71 : memref<10000x128xf32, #tpu.memory_space<hbm>>) target(%arg17 : memref<128x128xf32, #tpu.memory_space<vmem>>) offsets(%arg8 : memref<128xi32, #tpu.memory_space<vmem>>) semaphore(%arg20 : memref<!tpu.dma_semaphore, #tpu.memory_space<semaphore_mem>>)
    %dma_wait3A_72 = arith.constant 0 : i32
    %dma_wait3A_73 = arith.constant 0 : i32
    %dma_wait3A_74 = tpu.memref_slice %arg3[%dma_wait3A_72, %dma_wait3A_73] : memref<2816x128xi32, #tpu.memory_space<hbm>> -> memref<1x128xi32, #tpu.memory_space<hbm>>
    %dma_wait3A_75 = tpu.memref_squeeze %dma_wait3A_74 : memref<1x128xi32, #tpu.memory_space<hbm>> -> memref<128xi32, #tpu.memory_space<hbm>>
    %dma_wait3A_76 = arith.constant 0 : i32
    %dma_wait3A_77 = tpu.memref_slice %arg3[%dma_wait3A_72, %dma_wait3A_76] : memref<2816x128xi32, #tpu.memory_space<hbm>> -> memref<1x128xi32, #tpu.memory_space<hbm>>
    %dma_wait3A_78 = tpu.memref_squeeze %dma_wait3A_77 : memref<1x128xi32, #tpu.memory_space<hbm>> -> memref<128xi32, #tpu.memory_space<hbm>>
    tpu.wait_dma2 semaphore(%arg27 : memref<!tpu.dma_semaphore, #tpu.memory_space<semaphore_mem>>) src(%dma_wait3A_78 : memref<128xi32, #tpu.memory_space<hbm>>) dst(%arg9 : memref<128xi32, #tpu.memory_space<vmem>>)
    %dma_wait3A_79 = arith.constant 0 : i32
    %dma_wait3A_80 = arith.constant 0 : i32
    %dma_wait3A_81 = tpu.memref_slice %arg4[%dma_wait3A_79, %dma_wait3A_80] : memref<2816x128xi32, #tpu.memory_space<hbm>> -> memref<1x128xi32, #tpu.memory_space<hbm>>
    %dma_wait3A_82 = tpu.memref_squeeze %dma_wait3A_81 : memref<1x128xi32, #tpu.memory_space<hbm>> -> memref<128xi32, #tpu.memory_space<hbm>>
    %dma_wait3A_83 = arith.constant 0 : i32
    %dma_wait3A_84 = tpu.memref_slice %arg4[%dma_wait3A_79, %dma_wait3A_83] : memref<2816x128xi32, #tpu.memory_space<hbm>> -> memref<1x128xi32, #tpu.memory_space<hbm>>
    %dma_wait3A_85 = tpu.memref_squeeze %dma_wait3A_84 : memref<1x128xi32, #tpu.memory_space<hbm>> -> memref<128xi32, #tpu.memory_space<hbm>>
    tpu.wait_dma2 semaphore(%arg27 : memref<!tpu.dma_semaphore, #tpu.memory_space<semaphore_mem>>) src(%dma_wait3A_85 : memref<128xi32, #tpu.memory_space<hbm>>) dst(%arg12 : memref<128xi32, #tpu.memory_space<vmem>>)
    %dma_start3A_86 = arith.constant 0 : i32
    %dma_start3A_87 = arith.constant 0 : i32
    %dma_start3A_88 = tpu.memref_slice %arg2[%dma_start3A_86, %dma_start3A_87] : memref<10000x128xf32, #tpu.memory_space<hbm>> -> memref<10000x128xf32, #tpu.memory_space<hbm>>
    tpu.enqueue_indirect_dma source(%dma_start3A_88 : memref<10000x128xf32, #tpu.memory_space<hbm>>) target(%arg18 : memref<128x128xf32, #tpu.memory_space<vmem>>) offsets(%arg9 : memref<128xi32, #tpu.memory_space<vmem>>) semaphore(%arg21 : memref<!tpu.dma_semaphore, #tpu.memory_space<semaphore_mem>>)
    %barrier3A = arith.constant 0 : index
    tpu.barrier barrier_id(%barrier3A)
    %scan3A = arith.constant 0 : i32
    %scan3A_89 = arith.constant 0 : i32
    %scan3A_90 = arith.constant 14 : i32
    %scan3A_91 = arith.addi %scan3A_89, %scan3A_90 : i32
    %scan3A_92 = arith.constant 1 : i32
    scf.for %scan3A_108 = %scan3A_89 to %scan3A_91 step %scan3A_92  : i32 {
      %mul3A_109 = arith.constant 6 : i32
      %mul3A_110 = arith.muli %scan3A_108, %mul3A_109 : i32
      %add3A_111 = arith.constant 0 : i32
      %add3A_112 = arith.addi %mul3A_110, %add3A_111 : i32
      %dma_wait3A_113 = arith.constant 0 : i32
      %dma_wait3A_114 = arith.constant 0 : i32
      %dma_wait3A_115 = tpu.memref_slice %arg2[%dma_wait3A_113, %dma_wait3A_114] : memref<10000x128xf32, #tpu.memory_space<hbm>> -> memref<10000x128xf32, #tpu.memory_space<hbm>>
      tpu.wait_indirect_dma semaphore(%arg20 : memref<!tpu.dma_semaphore, #tpu.memory_space<semaphore_mem>>) src(%dma_wait3A_115 : memref<10000x128xf32, #tpu.memory_space<hbm>>) dst(%arg17 : memref<128x128xf32, #tpu.memory_space<vmem>>)
      %add3A_116 = arith.constant 3 : i32
      %add3A_117 = arith.addi %add3A_112, %add3A_116 : i32
      %lt3A_118 = arith.constant 84 : i32
      %lt3A_119 = arith.cmpi slt, %add3A_117, %lt3A_118 : i32
      %convert_element_type3A_120 = arith.extui %lt3A_119 : i1 to i32
      %cond3A_121 = arith.constant 0 : i32
      %cond3A_122 = arith.cmpi ne, %convert_element_type3A_120, %cond3A_121 : i32
      scf.if %cond3A_122 {
        %add3A_282 = arith.addi %mul3A_2, %add3A_112 : i32
        %add3A_283 = arith.constant 3 : i32
        %add3A_284 = arith.addi %add3A_282, %add3A_283 : i32
        %dma_start3A_285 = arith.constant 0 : i32
        %dma_start3A_286 = tpu.memref_slice %arg3[%add3A_284, %dma_start3A_285] : memref<2816x128xi32, #tpu.memory_space<hbm>> -> memref<1x128xi32, #tpu.memory_space<hbm>>
        %dma_start3A_287 = tpu.memref_squeeze %dma_start3A_286 : memref<1x128xi32, #tpu.memory_space<hbm>> -> memref<128xi32, #tpu.memory_space<hbm>>
        %dma_start3A_288 = arith.constant 0 : i32
        %dma_start3A_289 = tpu.memref_slice %arg3[%add3A_284, %dma_start3A_288] : memref<2816x128xi32, #tpu.memory_space<hbm>> -> memref<1x128xi32, #tpu.memory_space<hbm>>
        %dma_start3A_290 = tpu.memref_squeeze %dma_start3A_289 : memref<1x128xi32, #tpu.memory_space<hbm>> -> memref<128xi32, #tpu.memory_space<hbm>>
        tpu.enqueue_dma source(%dma_start3A_290 : memref<128xi32, #tpu.memory_space<hbm>>) target(%arg8 : memref<128xi32, #tpu.memory_space<vmem>>) target_semaphore(%arg26 : memref<!tpu.dma_semaphore, #tpu.memory_space<semaphore_mem>>)
        %add3A_291 = arith.addi %mul3A_2, %add3A_112 : i32
        %add3A_292 = arith.constant 3 : i32
        %add3A_293 = arith.addi %add3A_291, %add3A_292 : i32
        %dma_start3A_294 = arith.constant 0 : i32
        %dma_start3A_295 = tpu.memref_slice %arg4[%add3A_293, %dma_start3A_294] : memref<2816x128xi32, #tpu.memory_space<hbm>> -> memref<1x128xi32, #tpu.memory_space<hbm>>
        %dma_start3A_296 = tpu.memref_squeeze %dma_start3A_295 : memref<1x128xi32, #tpu.memory_space<hbm>> -> memref<128xi32, #tpu.memory_space<hbm>>
        %dma_start3A_297 = arith.constant 0 : i32
        %dma_start3A_298 = tpu.memref_slice %arg4[%add3A_293, %dma_start3A_297] : memref<2816x128xi32, #tpu.memory_space<hbm>> -> memref<1x128xi32, #tpu.memory_space<hbm>>
        %dma_start3A_299 = tpu.memref_squeeze %dma_start3A_298 : memref<1x128xi32, #tpu.memory_space<hbm>> -> memref<128xi32, #tpu.memory_space<hbm>>
        tpu.enqueue_dma source(%dma_start3A_299 : memref<128xi32, #tpu.memory_space<hbm>>) target(%arg14 : memref<128xi32, #tpu.memory_space<vmem>>) target_semaphore(%arg26 : memref<!tpu.dma_semaphore, #tpu.memory_space<semaphore_mem>>)
      } else {
      }
      %dma_start3A_123 = arith.constant 0 : i32
      %dma_start3A_124 = arith.constant 0 : i32
      %dma_start3A_125 = tpu.memref_slice %arg7[%dma_start3A_123, %dma_start3A_124] : memref<10016x128xf32, #tpu.memory_space<vmem_shared>> -> memref<10016x128xf32, #tpu.memory_space<vmem_shared>>
      tpu.enqueue_indirect_dma source(%arg17 : memref<128x128xf32, #tpu.memory_space<vmem>>) target(%dma_start3A_125 : memref<10016x128xf32, #tpu.memory_space<vmem_shared>>) offsets(%arg11 : memref<128xi32, #tpu.memory_space<vmem>>) semaphore(%arg23 : memref<!tpu.dma_semaphore, #tpu.memory_space<semaphore_mem>>) {add = true}
      %ge3A = arith.constant 1 : i32
      %ge3A_126 = arith.cmpi sge, %add3A_112, %ge3A : i32
      %convert_element_type3A_127 = arith.extui %ge3A_126 : i1 to i32
      %cond3A_128 = arith.constant 0 : i32
      %cond3A_129 = arith.cmpi ne, %convert_element_type3A_127, %cond3A_128 : i32
      scf.if %cond3A_129 {
        %dma_wait3A_282 = arith.constant 0 : i32
        %dma_wait3A_283 = arith.constant 0 : i32
        %dma_wait3A_284 = tpu.memref_slice %arg7[%dma_wait3A_282, %dma_wait3A_283] : memref<10016x128xf32, #tpu.memory_space<vmem_shared>> -> memref<10016x128xf32, #tpu.memory_space<vmem_shared>>
        tpu.wait_indirect_dma semaphore(%arg25 : memref<!tpu.dma_semaphore, #tpu.memory_space<semaphore_mem>>) src(%arg19 : memref<128x128xf32, #tpu.memory_space<vmem>>) dst(%dma_wait3A_284 : memref<10016x128xf32, #tpu.memory_space<vmem_shared>>)
      } else {
      }
      %add3A_130 = arith.constant 2 : i32
      %add3A_131 = arith.addi %add3A_112, %add3A_130 : i32
      %lt3A_132 = arith.constant 84 : i32
      %lt3A_133 = arith.cmpi slt, %add3A_131, %lt3A_132 : i32
      %convert_element_type3A_134 = arith.extui %lt3A_133 : i1 to i32
      %cond3A_135 = arith.constant 0 : i32
      %cond3A_136 = arith.cmpi ne, %convert_element_type3A_134, %cond3A_135 : i32
      scf.if %cond3A_136 {
        %dma_wait3A_282 = arith.constant 0 : i32
        %dma_wait3A_283 = arith.constant 0 : i32
        %dma_wait3A_284 = tpu.memref_slice %arg3[%dma_wait3A_282, %dma_wait3A_283] : memref<2816x128xi32, #tpu.memory_space<hbm>> -> memref<1x128xi32, #tpu.memory_space<hbm>>
        %dma_wait3A_285 = tpu.memref_squeeze %dma_wait3A_284 : memref<1x128xi32, #tpu.memory_space<hbm>> -> memref<128xi32, #tpu.memory_space<hbm>>
        %dma_wait3A_286 = arith.constant 0 : i32
        %dma_wait3A_287 = tpu.memref_slice %arg3[%dma_wait3A_282, %dma_wait3A_286] : memref<2816x128xi32, #tpu.memory_space<hbm>> -> memref<1x128xi32, #tpu.memory_space<hbm>>
        %dma_wait3A_288 = tpu.memref_squeeze %dma_wait3A_287 : memref<1x128xi32, #tpu.memory_space<hbm>> -> memref<128xi32, #tpu.memory_space<hbm>>
        tpu.wait_dma2 semaphore(%arg28 : memref<!tpu.dma_semaphore, #tpu.memory_space<semaphore_mem>>) src(%dma_wait3A_288 : memref<128xi32, #tpu.memory_space<hbm>>) dst(%arg10 : memref<128xi32, #tpu.memory_space<vmem>>)
        %dma_wait3A_289 = arith.constant 0 : i32
        %dma_wait3A_290 = arith.constant 0 : i32
        %dma_wait3A_291 = tpu.memref_slice %arg4[%dma_wait3A_289, %dma_wait3A_290] : memref<2816x128xi32, #tpu.memory_space<hbm>> -> memref<1x128xi32, #tpu.memory_space<hbm>>
        %dma_wait3A_292 = tpu.memref_squeeze %dma_wait3A_291 : memref<1x128xi32, #tpu.memory_space<hbm>> -> memref<128xi32, #tpu.memory_space<hbm>>
        %dma_wait3A_293 = arith.constant 0 : i32
        %dma_wait3A_294 = tpu.memref_slice %arg4[%dma_wait3A_289, %dma_wait3A_293] : memref<2816x128xi32, #tpu.memory_space<hbm>> -> memref<1x128xi32, #tpu.memory_space<hbm>>
        %dma_wait3A_295 = tpu.memref_squeeze %dma_wait3A_294 : memref<1x128xi32, #tpu.memory_space<hbm>> -> memref<128xi32, #tpu.memory_space<hbm>>
        tpu.wait_dma2 semaphore(%arg28 : memref<!tpu.dma_semaphore, #tpu.memory_space<semaphore_mem>>) src(%dma_wait3A_295 : memref<128xi32, #tpu.memory_space<hbm>>) dst(%arg13 : memref<128xi32, #tpu.memory_space<vmem>>)
        %dma_start3A_296 = arith.constant 0 : i32
        %dma_start3A_297 = arith.constant 0 : i32
        %dma_start3A_298 = tpu.memref_slice %arg2[%dma_start3A_296, %dma_start3A_297] : memref<10000x128xf32, #tpu.memory_space<hbm>> -> memref<10000x128xf32, #tpu.memory_space<hbm>>
        tpu.enqueue_indirect_dma source(%dma_start3A_298 : memref<10000x128xf32, #tpu.memory_space<hbm>>) target(%arg19 : memref<128x128xf32, #tpu.memory_space<vmem>>) offsets(%arg10 : memref<128xi32, #tpu.memory_space<vmem>>) semaphore(%arg22 : memref<!tpu.dma_semaphore, #tpu.memory_space<semaphore_mem>>)
      } else {
      }
      %mul3A_137 = arith.constant 6 : i32
      %mul3A_138 = arith.muli %scan3A_108, %mul3A_137 : i32
      %add3A_139 = arith.constant 1 : i32
      %add3A_140 = arith.addi %mul3A_138, %add3A_139 : i32
      %dma_wait3A_141 = arith.constant 0 : i32
      %dma_wait3A_142 = arith.constant 0 : i32
      %dma_wait3A_143 = tpu.memref_slice %arg2[%dma_wait3A_141, %dma_wait3A_142] : memref<10000x128xf32, #tpu.memory_space<hbm>> -> memref<10000x128xf32, #tpu.memory_space<hbm>>
      tpu.wait_indirect_dma semaphore(%arg21 : memref<!tpu.dma_semaphore, #tpu.memory_space<semaphore_mem>>) src(%dma_wait3A_143 : memref<10000x128xf32, #tpu.memory_space<hbm>>) dst(%arg18 : memref<128x128xf32, #tpu.memory_space<vmem>>)
      %add3A_144 = arith.constant 3 : i32
      %add3A_145 = arith.addi %add3A_140, %add3A_144 : i32
      %lt3A_146 = arith.constant 84 : i32
      %lt3A_147 = arith.cmpi slt, %add3A_145, %lt3A_146 : i32
      %convert_element_type3A_148 = arith.extui %lt3A_147 : i1 to i32
      %cond3A_149 = arith.constant 0 : i32
      %cond3A_150 = arith.cmpi ne, %convert_element_type3A_148, %cond3A_149 : i32
      scf.if %cond3A_150 {
        %add3A_282 = arith.addi %mul3A_2, %add3A_140 : i32
        %add3A_283 = arith.constant 3 : i32
        %add3A_284 = arith.addi %add3A_282, %add3A_283 : i32
        %dma_start3A_285 = arith.constant 0 : i32
        %dma_start3A_286 = tpu.memref_slice %arg3[%add3A_284, %dma_start3A_285] : memref<2816x128xi32, #tpu.memory_space<hbm>> -> memref<1x128xi32, #tpu.memory_space<hbm>>
        %dma_start3A_287 = tpu.memref_squeeze %dma_start3A_286 : memref<1x128xi32, #tpu.memory_space<hbm>> -> memref<128xi32, #tpu.memory_space<hbm>>
        %dma_start3A_288 = arith.constant 0 : i32
        %dma_start3A_289 = tpu.memref_slice %arg3[%add3A_284, %dma_start3A_288] : memref<2816x128xi32, #tpu.memory_space<hbm>> -> memref<1x128xi32, #tpu.memory_space<hbm>>
        %dma_start3A_290 = tpu.memref_squeeze %dma_start3A_289 : memref<1x128xi32, #tpu.memory_space<hbm>> -> memref<128xi32, #tpu.memory_space<hbm>>
        tpu.enqueue_dma source(%dma_start3A_290 : memref<128xi32, #tpu.memory_space<hbm>>) target(%arg9 : memref<128xi32, #tpu.memory_space<vmem>>) target_semaphore(%arg27 : memref<!tpu.dma_semaphore, #tpu.memory_space<semaphore_mem>>)
        %add3A_291 = arith.addi %mul3A_2, %add3A_140 : i32
        %add3A_292 = arith.constant 3 : i32
        %add3A_293 = arith.addi %add3A_291, %add3A_292 : i32
        %dma_start3A_294 = arith.constant 0 : i32
        %dma_start3A_295 = tpu.memref_slice %arg4[%add3A_293, %dma_start3A_294] : memref<2816x128xi32, #tpu.memory_space<hbm>> -> memref<1x128xi32, #tpu.memory_space<hbm>>
        %dma_start3A_296 = tpu.memref_squeeze %dma_start3A_295 : memref<1x128xi32, #tpu.memory_space<hbm>> -> memref<128xi32, #tpu.memory_space<hbm>>
        %dma_start3A_297 = arith.constant 0 : i32
        %dma_start3A_298 = tpu.memref_slice %arg4[%add3A_293, %dma_start3A_297] : memref<2816x128xi32, #tpu.memory_space<hbm>> -> memref<1x128xi32, #tpu.memory_space<hbm>>
        %dma_start3A_299 = tpu.memref_squeeze %dma_start3A_298 : memref<1x128xi32, #tpu.memory_space<hbm>> -> memref<128xi32, #tpu.memory_space<hbm>>
        tpu.enqueue_dma source(%dma_start3A_299 : memref<128xi32, #tpu.memory_space<hbm>>) target(%arg15 : memref<128xi32, #tpu.memory_space<vmem>>) target_semaphore(%arg27 : memref<!tpu.dma_semaphore, #tpu.memory_space<semaphore_mem>>)
      } else {
      }
      %dma_start3A_151 = arith.constant 0 : i32
      %dma_start3A_152 = arith.constant 0 : i32
      %dma_start3A_153 = tpu.memref_slice %arg7[%dma_start3A_151, %dma_start3A_152] : memref<10016x128xf32, #tpu.memory_space<vmem_shared>> -> memref<10016x128xf32, #tpu.memory_space<vmem_shared>>
      tpu.enqueue_indirect_dma source(%arg18 : memref<128x128xf32, #tpu.memory_space<vmem>>) target(%dma_start3A_153 : memref<10016x128xf32, #tpu.memory_space<vmem_shared>>) offsets(%arg12 : memref<128xi32, #tpu.memory_space<vmem>>) semaphore(%arg24 : memref<!tpu.dma_semaphore, #tpu.memory_space<semaphore_mem>>) {add = true}
      %ge3A_154 = arith.constant 1 : i32
      %ge3A_155 = arith.cmpi sge, %add3A_140, %ge3A_154 : i32
      %convert_element_type3A_156 = arith.extui %ge3A_155 : i1 to i32
      %cond3A_157 = arith.constant 0 : i32
      %cond3A_158 = arith.cmpi ne, %convert_element_type3A_156, %cond3A_157 : i32
      scf.if %cond3A_158 {
        %dma_wait3A_282 = arith.constant 0 : i32
        %dma_wait3A_283 = arith.constant 0 : i32
        %dma_wait3A_284 = tpu.memref_slice %arg7[%dma_wait3A_282, %dma_wait3A_283] : memref<10016x128xf32, #tpu.memory_space<vmem_shared>> -> memref<10016x128xf32, #tpu.memory_space<vmem_shared>>
        tpu.wait_indirect_dma semaphore(%arg23 : memref<!tpu.dma_semaphore, #tpu.memory_space<semaphore_mem>>) src(%arg17 : memref<128x128xf32, #tpu.memory_space<vmem>>) dst(%dma_wait3A_284 : memref<10016x128xf32, #tpu.memory_space<vmem_shared>>)
      } else {
      }
      %add3A_159 = arith.constant 2 : i32
      %add3A_160 = arith.addi %add3A_140, %add3A_159 : i32
      %lt3A_161 = arith.constant 84 : i32
      %lt3A_162 = arith.cmpi slt, %add3A_160, %lt3A_161 : i32
      %convert_element_type3A_163 = arith.extui %lt3A_162 : i1 to i32
      %cond3A_164 = arith.constant 0 : i32
      %cond3A_165 = arith.cmpi ne, %convert_element_type3A_163, %cond3A_164 : i32
      scf.if %cond3A_165 {
        %dma_wait3A_282 = arith.constant 0 : i32
        %dma_wait3A_283 = arith.constant 0 : i32
        %dma_wait3A_284 = tpu.memref_slice %arg3[%dma_wait3A_282, %dma_wait3A_283] : memref<2816x128xi32, #tpu.memory_space<hbm>> -> memref<1x128xi32, #tpu.memory_space<hbm>>
        %dma_wait3A_285 = tpu.memref_squeeze %dma_wait3A_284 : memref<1x128xi32, #tpu.memory_space<hbm>> -> memref<128xi32, #tpu.memory_space<hbm>>
        %dma_wait3A_286 = arith.constant 0 : i32
        %dma_wait3A_287 = tpu.memref_slice %arg3[%dma_wait3A_282, %dma_wait3A_286] : memref<2816x128xi32, #tpu.memory_space<hbm>> -> memref<1x128xi32, #tpu.memory_space<hbm>>
        %dma_wait3A_288 = tpu.memref_squeeze %dma_wait3A_287 : memref<1x128xi32, #tpu.memory_space<hbm>> -> memref<128xi32, #tpu.memory_space<hbm>>
        tpu.wait_dma2 semaphore(%arg26 : memref<!tpu.dma_semaphore, #tpu.memory_space<semaphore_mem>>) src(%dma_wait3A_288 : memref<128xi32, #tpu.memory_space<hbm>>) dst(%arg8 : memref<128xi32, #tpu.memory_space<vmem>>)
        %dma_wait3A_289 = arith.constant 0 : i32
        %dma_wait3A_290 = arith.constant 0 : i32
        %dma_wait3A_291 = tpu.memref_slice %arg4[%dma_wait3A_289, %dma_wait3A_290] : memref<2816x128xi32, #tpu.memory_space<hbm>> -> memref<1x128xi32, #tpu.memory_space<hbm>>
        %dma_wait3A_292 = tpu.memref_squeeze %dma_wait3A_291 : memref<1x128xi32, #tpu.memory_space<hbm>> -> memref<128xi32, #tpu.memory_space<hbm>>
        %dma_wait3A_293 = arith.constant 0 : i32
        %dma_wait3A_294 = tpu.memref_slice %arg4[%dma_wait3A_289, %dma_wait3A_293] : memref<2816x128xi32, #tpu.memory_space<hbm>> -> memref<1x128xi32, #tpu.memory_space<hbm>>
        %dma_wait3A_295 = tpu.memref_squeeze %dma_wait3A_294 : memref<1x128xi32, #tpu.memory_space<hbm>> -> memref<128xi32, #tpu.memory_space<hbm>>
        tpu.wait_dma2 semaphore(%arg26 : memref<!tpu.dma_semaphore, #tpu.memory_space<semaphore_mem>>) src(%dma_wait3A_295 : memref<128xi32, #tpu.memory_space<hbm>>) dst(%arg14 : memref<128xi32, #tpu.memory_space<vmem>>)
        %dma_start3A_296 = arith.constant 0 : i32
        %dma_start3A_297 = arith.constant 0 : i32
        %dma_start3A_298 = tpu.memref_slice %arg2[%dma_start3A_296, %dma_start3A_297] : memref<10000x128xf32, #tpu.memory_space<hbm>> -> memref<10000x128xf32, #tpu.memory_space<hbm>>
        tpu.enqueue_indirect_dma source(%dma_start3A_298 : memref<10000x128xf32, #tpu.memory_space<hbm>>) target(%arg17 : memref<128x128xf32, #tpu.memory_space<vmem>>) offsets(%arg8 : memref<128xi32, #tpu.memory_space<vmem>>) semaphore(%arg20 : memref<!tpu.dma_semaphore, #tpu.memory_space<semaphore_mem>>)
      } else {
      }
      %mul3A_166 = arith.constant 6 : i32
      %mul3A_167 = arith.muli %scan3A_108, %mul3A_166 : i32
      %add3A_168 = arith.constant 2 : i32
      %add3A_169 = arith.addi %mul3A_167, %add3A_168 : i32
      %dma_wait3A_170 = arith.constant 0 : i32
      %dma_wait3A_171 = arith.constant 0 : i32
      %dma_wait3A_172 = tpu.memref_slice %arg2[%dma_wait3A_170, %dma_wait3A_171] : memref<10000x128xf32, #tpu.memory_space<hbm>> -> memref<10000x128xf32, #tpu.memory_space<hbm>>
      tpu.wait_indirect_dma semaphore(%arg22 : memref<!tpu.dma_semaphore, #tpu.memory_space<semaphore_mem>>) src(%dma_wait3A_172 : memref<10000x128xf32, #tpu.memory_space<hbm>>) dst(%arg19 : memref<128x128xf32, #tpu.memory_space<vmem>>)
      %add3A_173 = arith.constant 3 : i32
      %add3A_174 = arith.addi %add3A_169, %add3A_173 : i32
      %lt3A_175 = arith.constant 84 : i32
      %lt3A_176 = arith.cmpi slt, %add3A_174, %lt3A_175 : i32
      %convert_element_type3A_177 = arith.extui %lt3A_176 : i1 to i32
      %cond3A_178 = arith.constant 0 : i32
      %cond3A_179 = arith.cmpi ne, %convert_element_type3A_177, %cond3A_178 : i32
      scf.if %cond3A_179 {
        %add3A_282 = arith.addi %mul3A_2, %add3A_169 : i32
        %add3A_283 = arith.constant 3 : i32
        %add3A_284 = arith.addi %add3A_282, %add3A_283 : i32
        %dma_start3A_285 = arith.constant 0 : i32
        %dma_start3A_286 = tpu.memref_slice %arg3[%add3A_284, %dma_start3A_285] : memref<2816x128xi32, #tpu.memory_space<hbm>> -> memref<1x128xi32, #tpu.memory_space<hbm>>
        %dma_start3A_287 = tpu.memref_squeeze %dma_start3A_286 : memref<1x128xi32, #tpu.memory_space<hbm>> -> memref<128xi32, #tpu.memory_space<hbm>>
        %dma_start3A_288 = arith.constant 0 : i32
        %dma_start3A_289 = tpu.memref_slice %arg3[%add3A_284, %dma_start3A_288] : memref<2816x128xi32, #tpu.memory_space<hbm>> -> memref<1x128xi32, #tpu.memory_space<hbm>>
        %dma_start3A_290 = tpu.memref_squeeze %dma_start3A_289 : memref<1x128xi32, #tpu.memory_space<hbm>> -> memref<128xi32, #tpu.memory_space<hbm>>
        tpu.enqueue_dma source(%dma_start3A_290 : memref<128xi32, #tpu.memory_space<hbm>>) target(%arg10 : memref<128xi32, #tpu.memory_space<vmem>>) target_semaphore(%arg28 : memref<!tpu.dma_semaphore, #tpu.memory_space<semaphore_mem>>)
        %add3A_291 = arith.addi %mul3A_2, %add3A_169 : i32
        %add3A_292 = arith.constant 3 : i32
        %add3A_293 = arith.addi %add3A_291, %add3A_292 : i32
        %dma_start3A_294 = arith.constant 0 : i32
        %dma_start3A_295 = tpu.memref_slice %arg4[%add3A_293, %dma_start3A_294] : memref<2816x128xi32, #tpu.memory_space<hbm>> -> memref<1x128xi32, #tpu.memory_space<hbm>>
        %dma_start3A_296 = tpu.memref_squeeze %dma_start3A_295 : memref<1x128xi32, #tpu.memory_space<hbm>> -> memref<128xi32, #tpu.memory_space<hbm>>
        %dma_start3A_297 = arith.constant 0 : i32
        %dma_start3A_298 = tpu.memref_slice %arg4[%add3A_293, %dma_start3A_297] : memref<2816x128xi32, #tpu.memory_space<hbm>> -> memref<1x128xi32, #tpu.memory_space<hbm>>
        %dma_start3A_299 = tpu.memref_squeeze %dma_start3A_298 : memref<1x128xi32, #tpu.memory_space<hbm>> -> memref<128xi32, #tpu.memory_space<hbm>>
        tpu.enqueue_dma source(%dma_start3A_299 : memref<128xi32, #tpu.memory_space<hbm>>) target(%arg16 : memref<128xi32, #tpu.memory_space<vmem>>) target_semaphore(%arg28 : memref<!tpu.dma_semaphore, #tpu.memory_space<semaphore_mem>>)
      } else {
      }
      %dma_start3A_180 = arith.constant 0 : i32
      %dma_start3A_181 = arith.constant 0 : i32
      %dma_start3A_182 = tpu.memref_slice %arg7[%dma_start3A_180, %dma_start3A_181] : memref<10016x128xf32, #tpu.memory_space<vmem_shared>> -> memref<10016x128xf32, #tpu.memory_space<vmem_shared>>
      tpu.enqueue_indirect_dma source(%arg19 : memref<128x128xf32, #tpu.memory_space<vmem>>) target(%dma_start3A_182 : memref<10016x128xf32, #tpu.memory_space<vmem_shared>>) offsets(%arg13 : memref<128xi32, #tpu.memory_space<vmem>>) semaphore(%arg25 : memref<!tpu.dma_semaphore, #tpu.memory_space<semaphore_mem>>) {add = true}
      %ge3A_183 = arith.constant 1 : i32
      %ge3A_184 = arith.cmpi sge, %add3A_169, %ge3A_183 : i32
      %convert_element_type3A_185 = arith.extui %ge3A_184 : i1 to i32
      %cond3A_186 = arith.constant 0 : i32
      %cond3A_187 = arith.cmpi ne, %convert_element_type3A_185, %cond3A_186 : i32
      scf.if %cond3A_187 {
        %dma_wait3A_282 = arith.constant 0 : i32
        %dma_wait3A_283 = arith.constant 0 : i32
        %dma_wait3A_284 = tpu.memref_slice %arg7[%dma_wait3A_282, %dma_wait3A_283] : memref<10016x128xf32, #tpu.memory_space<vmem_shared>> -> memref<10016x128xf32, #tpu.memory_space<vmem_shared>>
        tpu.wait_indirect_dma semaphore(%arg24 : memref<!tpu.dma_semaphore, #tpu.memory_space<semaphore_mem>>) src(%arg18 : memref<128x128xf32, #tpu.memory_space<vmem>>) dst(%dma_wait3A_284 : memref<10016x128xf32, #tpu.memory_space<vmem_shared>>)
      } else {
      }
      %add3A_188 = arith.constant 2 : i32
      %add3A_189 = arith.addi %add3A_169, %add3A_188 : i32
      %lt3A_190 = arith.constant 84 : i32
      %lt3A_191 = arith.cmpi slt, %add3A_189, %lt3A_190 : i32
      %convert_element_type3A_192 = arith.extui %lt3A_191 : i1 to i32
      %cond3A_193 = arith.constant 0 : i32
      %cond3A_194 = arith.cmpi ne, %convert_element_type3A_192, %cond3A_193 : i32
      scf.if %cond3A_194 {
        %dma_wait3A_282 = arith.constant 0 : i32
        %dma_wait3A_283 = arith.constant 0 : i32
        %dma_wait3A_284 = tpu.memref_slice %arg3[%dma_wait3A_282, %dma_wait3A_283] : memref<2816x128xi32, #tpu.memory_space<hbm>> -> memref<1x128xi32, #tpu.memory_space<hbm>>
        %dma_wait3A_285 = tpu.memref_squeeze %dma_wait3A_284 : memref<1x128xi32, #tpu.memory_space<hbm>> -> memref<128xi32, #tpu.memory_space<hbm>>
        %dma_wait3A_286 = arith.constant 0 : i32
        %dma_wait3A_287 = tpu.memref_slice %arg3[%dma_wait3A_282, %dma_wait3A_286] : memref<2816x128xi32, #tpu.memory_space<hbm>> -> memref<1x128xi32, #tpu.memory_space<hbm>>
        %dma_wait3A_288 = tpu.memref_squeeze %dma_wait3A_287 : memref<1x128xi32, #tpu.memory_space<hbm>> -> memref<128xi32, #tpu.memory_space<hbm>>
        tpu.wait_dma2 semaphore(%arg27 : memref<!tpu.dma_semaphore, #tpu.memory_space<semaphore_mem>>) src(%dma_wait3A_288 : memref<128xi32, #tpu.memory_space<hbm>>) dst(%arg9 : memref<128xi32, #tpu.memory_space<vmem>>)
        %dma_wait3A_289 = arith.constant 0 : i32
        %dma_wait3A_290 = arith.constant 0 : i32
        %dma_wait3A_291 = tpu.memref_slice %arg4[%dma_wait3A_289, %dma_wait3A_290] : memref<2816x128xi32, #tpu.memory_space<hbm>> -> memref<1x128xi32, #tpu.memory_space<hbm>>
        %dma_wait3A_292 = tpu.memref_squeeze %dma_wait3A_291 : memref<1x128xi32, #tpu.memory_space<hbm>> -> memref<128xi32, #tpu.memory_space<hbm>>
        %dma_wait3A_293 = arith.constant 0 : i32
        %dma_wait3A_294 = tpu.memref_slice %arg4[%dma_wait3A_289, %dma_wait3A_293] : memref<2816x128xi32, #tpu.memory_space<hbm>> -> memref<1x128xi32, #tpu.memory_space<hbm>>
        %dma_wait3A_295 = tpu.memref_squeeze %dma_wait3A_294 : memref<1x128xi32, #tpu.memory_space<hbm>> -> memref<128xi32, #tpu.memory_space<hbm>>
        tpu.wait_dma2 semaphore(%arg27 : memref<!tpu.dma_semaphore, #tpu.memory_space<semaphore_mem>>) src(%dma_wait3A_295 : memref<128xi32, #tpu.memory_space<hbm>>) dst(%arg15 : memref<128xi32, #tpu.memory_space<vmem>>)
        %dma_start3A_296 = arith.constant 0 : i32
        %dma_start3A_297 = arith.constant 0 : i32
        %dma_start3A_298 = tpu.memref_slice %arg2[%dma_start3A_296, %dma_start3A_297] : memref<10000x128xf32, #tpu.memory_space<hbm>> -> memref<10000x128xf32, #tpu.memory_space<hbm>>
        tpu.enqueue_indirect_dma source(%dma_start3A_298 : memref<10000x128xf32, #tpu.memory_space<hbm>>) target(%arg18 : memref<128x128xf32, #tpu.memory_space<vmem>>) offsets(%arg9 : memref<128xi32, #tpu.memory_space<vmem>>) semaphore(%arg21 : memref<!tpu.dma_semaphore, #tpu.memory_space<semaphore_mem>>)
      } else {
      }
      %mul3A_195 = arith.constant 6 : i32
      %mul3A_196 = arith.muli %scan3A_108, %mul3A_195 : i32
      %add3A_197 = arith.constant 3 : i32
      %add3A_198 = arith.addi %mul3A_196, %add3A_197 : i32
      %dma_wait3A_199 = arith.constant 0 : i32
      %dma_wait3A_200 = arith.constant 0 : i32
      %dma_wait3A_201 = tpu.memref_slice %arg2[%dma_wait3A_199, %dma_wait3A_200] : memref<10000x128xf32, #tpu.memory_space<hbm>> -> memref<10000x128xf32, #tpu.memory_space<hbm>>
      tpu.wait_indirect_dma semaphore(%arg20 : memref<!tpu.dma_semaphore, #tpu.memory_space<semaphore_mem>>) src(%dma_wait3A_201 : memref<10000x128xf32, #tpu.memory_space<hbm>>) dst(%arg17 : memref<128x128xf32, #tpu.memory_space<vmem>>)
      %add3A_202 = arith.constant 3 : i32
      %add3A_203 = arith.addi %add3A_198, %add3A_202 : i32
      %lt3A_204 = arith.constant 84 : i32
      %lt3A_205 = arith.cmpi slt, %add3A_203, %lt3A_204 : i32
      %convert_element_type3A_206 = arith.extui %lt3A_205 : i1 to i32
      %cond3A_207 = arith.constant 0 : i32
      %cond3A_208 = arith.cmpi ne, %convert_element_type3A_206, %cond3A_207 : i32
      scf.if %cond3A_208 {
        %add3A_282 = arith.addi %mul3A_2, %add3A_198 : i32
        %add3A_283 = arith.constant 3 : i32
        %add3A_284 = arith.addi %add3A_282, %add3A_283 : i32
        %dma_start3A_285 = arith.constant 0 : i32
        %dma_start3A_286 = tpu.memref_slice %arg3[%add3A_284, %dma_start3A_285] : memref<2816x128xi32, #tpu.memory_space<hbm>> -> memref<1x128xi32, #tpu.memory_space<hbm>>
        %dma_start3A_287 = tpu.memref_squeeze %dma_start3A_286 : memref<1x128xi32, #tpu.memory_space<hbm>> -> memref<128xi32, #tpu.memory_space<hbm>>
        %dma_start3A_288 = arith.constant 0 : i32
        %dma_start3A_289 = tpu.memref_slice %arg3[%add3A_284, %dma_start3A_288] : memref<2816x128xi32, #tpu.memory_space<hbm>> -> memref<1x128xi32, #tpu.memory_space<hbm>>
        %dma_start3A_290 = tpu.memref_squeeze %dma_start3A_289 : memref<1x128xi32, #tpu.memory_space<hbm>> -> memref<128xi32, #tpu.memory_space<hbm>>
        tpu.enqueue_dma source(%dma_start3A_290 : memref<128xi32, #tpu.memory_space<hbm>>) target(%arg8 : memref<128xi32, #tpu.memory_space<vmem>>) target_semaphore(%arg26 : memref<!tpu.dma_semaphore, #tpu.memory_space<semaphore_mem>>)
        %add3A_291 = arith.addi %mul3A_2, %add3A_198 : i32
        %add3A_292 = arith.constant 3 : i32
        %add3A_293 = arith.addi %add3A_291, %add3A_292 : i32
        %dma_start3A_294 = arith.constant 0 : i32
        %dma_start3A_295 = tpu.memref_slice %arg4[%add3A_293, %dma_start3A_294] : memref<2816x128xi32, #tpu.memory_space<hbm>> -> memref<1x128xi32, #tpu.memory_space<hbm>>
        %dma_start3A_296 = tpu.memref_squeeze %dma_start3A_295 : memref<1x128xi32, #tpu.memory_space<hbm>> -> memref<128xi32, #tpu.memory_space<hbm>>
        %dma_start3A_297 = arith.constant 0 : i32
        %dma_start3A_298 = tpu.memref_slice %arg4[%add3A_293, %dma_start3A_297] : memref<2816x128xi32, #tpu.memory_space<hbm>> -> memref<1x128xi32, #tpu.memory_space<hbm>>
        %dma_start3A_299 = tpu.memref_squeeze %dma_start3A_298 : memref<1x128xi32, #tpu.memory_space<hbm>> -> memref<128xi32, #tpu.memory_space<hbm>>
        tpu.enqueue_dma source(%dma_start3A_299 : memref<128xi32, #tpu.memory_space<hbm>>) target(%arg11 : memref<128xi32, #tpu.memory_space<vmem>>) target_semaphore(%arg26 : memref<!tpu.dma_semaphore, #tpu.memory_space<semaphore_mem>>)
      } else {
      }
      %dma_start3A_209 = arith.constant 0 : i32
      %dma_start3A_210 = arith.constant 0 : i32
      %dma_start3A_211 = tpu.memref_slice %arg7[%dma_start3A_209, %dma_start3A_210] : memref<10016x128xf32, #tpu.memory_space<vmem_shared>> -> memref<10016x128xf32, #tpu.memory_space<vmem_shared>>
      tpu.enqueue_indirect_dma source(%arg17 : memref<128x128xf32, #tpu.memory_space<vmem>>) target(%dma_start3A_211 : memref<10016x128xf32, #tpu.memory_space<vmem_shared>>) offsets(%arg14 : memref<128xi32, #tpu.memory_space<vmem>>) semaphore(%arg23 : memref<!tpu.dma_semaphore, #tpu.memory_space<semaphore_mem>>) {add = true}
      %ge3A_212 = arith.constant 1 : i32
      %ge3A_213 = arith.cmpi sge, %add3A_198, %ge3A_212 : i32
      %convert_element_type3A_214 = arith.extui %ge3A_213 : i1 to i32
      %cond3A_215 = arith.constant 0 : i32
      %cond3A_216 = arith.cmpi ne, %convert_element_type3A_214, %cond3A_215 : i32
      scf.if %cond3A_216 {
        %dma_wait3A_282 = arith.constant 0 : i32
        %dma_wait3A_283 = arith.constant 0 : i32
        %dma_wait3A_284 = tpu.memref_slice %arg7[%dma_wait3A_282, %dma_wait3A_283] : memref<10016x128xf32, #tpu.memory_space<vmem_shared>> -> memref<10016x128xf32, #tpu.memory_space<vmem_shared>>
        tpu.wait_indirect_dma semaphore(%arg25 : memref<!tpu.dma_semaphore, #tpu.memory_space<semaphore_mem>>) src(%arg19 : memref<128x128xf32, #tpu.memory_space<vmem>>) dst(%dma_wait3A_284 : memref<10016x128xf32, #tpu.memory_space<vmem_shared>>)
      } else {
      }
      %add3A_217 = arith.constant 2 : i32
      %add3A_218 = arith.addi %add3A_198, %add3A_217 : i32
      %lt3A_219 = arith.constant 84 : i32
      %lt3A_220 = arith.cmpi slt, %add3A_218, %lt3A_219 : i32
      %convert_element_type3A_221 = arith.extui %lt3A_220 : i1 to i32
      %cond3A_222 = arith.constant 0 : i32
      %cond3A_223 = arith.cmpi ne, %convert_element_type3A_221, %cond3A_222 : i32
      scf.if %cond3A_223 {
        %dma_wait3A_282 = arith.constant 0 : i32
        %dma_wait3A_283 = arith.constant 0 : i32
        %dma_wait3A_284 = tpu.memref_slice %arg3[%dma_wait3A_282, %dma_wait3A_283] : memref<2816x128xi32, #tpu.memory_space<hbm>> -> memref<1x128xi32, #tpu.memory_space<hbm>>
        %dma_wait3A_285 = tpu.memref_squeeze %dma_wait3A_284 : memref<1x128xi32, #tpu.memory_space<hbm>> -> memref<128xi32, #tpu.memory_space<hbm>>
        %dma_wait3A_286 = arith.constant 0 : i32
        %dma_wait3A_287 = tpu.memref_slice %arg3[%dma_wait3A_282, %dma_wait3A_286] : memref<2816x128xi32, #tpu.memory_space<hbm>> -> memref<1x128xi32, #tpu.memory_space<hbm>>
        %dma_wait3A_288 = tpu.memref_squeeze %dma_wait3A_287 : memref<1x128xi32, #tpu.memory_space<hbm>> -> memref<128xi32, #tpu.memory_space<hbm>>
        tpu.wait_dma2 semaphore(%arg28 : memref<!tpu.dma_semaphore, #tpu.memory_space<semaphore_mem>>) src(%dma_wait3A_288 : memref<128xi32, #tpu.memory_space<hbm>>) dst(%arg10 : memref<128xi32, #tpu.memory_space<vmem>>)
        %dma_wait3A_289 = arith.constant 0 : i32
        %dma_wait3A_290 = arith.constant 0 : i32
        %dma_wait3A_291 = tpu.memref_slice %arg4[%dma_wait3A_289, %dma_wait3A_290] : memref<2816x128xi32, #tpu.memory_space<hbm>> -> memref<1x128xi32, #tpu.memory_space<hbm>>
        %dma_wait3A_292 = tpu.memref_squeeze %dma_wait3A_291 : memref<1x128xi32, #tpu.memory_space<hbm>> -> memref<128xi32, #tpu.memory_space<hbm>>
        %dma_wait3A_293 = arith.constant 0 : i32
        %dma_wait3A_294 = tpu.memref_slice %arg4[%dma_wait3A_289, %dma_wait3A_293] : memref<2816x128xi32, #tpu.memory_space<hbm>> -> memref<1x128xi32, #tpu.memory_space<hbm>>
        %dma_wait3A_295 = tpu.memref_squeeze %dma_wait3A_294 : memref<1x128xi32, #tpu.memory_space<hbm>> -> memref<128xi32, #tpu.memory_space<hbm>>
        tpu.wait_dma2 semaphore(%arg28 : memref<!tpu.dma_semaphore, #tpu.memory_space<semaphore_mem>>) src(%dma_wait3A_295 : memref<128xi32, #tpu.memory_space<hbm>>) dst(%arg16 : memref<128xi32, #tpu.memory_space<vmem>>)
        %dma_start3A_296 = arith.constant 0 : i32
        %dma_start3A_297 = arith.constant 0 : i32
        %dma_start3A_298 = tpu.memref_slice %arg2[%dma_start3A_296, %dma_start3A_297] : memref<10000x128xf32, #tpu.memory_space<hbm>> -> memref<10000x128xf32, #tpu.memory_space<hbm>>
        tpu.enqueue_indirect_dma source(%dma_start3A_298 : memref<10000x128xf32, #tpu.memory_space<hbm>>) target(%arg19 : memref<128x128xf32, #tpu.memory_space<vmem>>) offsets(%arg10 : memref<128xi32, #tpu.memory_space<vmem>>) semaphore(%arg22 : memref<!tpu.dma_semaphore, #tpu.memory_space<semaphore_mem>>)
      } else {
      }
      %mul3A_224 = arith.constant 6 : i32
      %mul3A_225 = arith.muli %scan3A_108, %mul3A_224 : i32
      %add3A_226 = arith.constant 4 : i32
      %add3A_227 = arith.addi %mul3A_225, %add3A_226 : i32
      %dma_wait3A_228 = arith.constant 0 : i32
      %dma_wait3A_229 = arith.constant 0 : i32
      %dma_wait3A_230 = tpu.memref_slice %arg2[%dma_wait3A_228, %dma_wait3A_229] : memref<10000x128xf32, #tpu.memory_space<hbm>> -> memref<10000x128xf32, #tpu.memory_space<hbm>>
      tpu.wait_indirect_dma semaphore(%arg21 : memref<!tpu.dma_semaphore, #tpu.memory_space<semaphore_mem>>) src(%dma_wait3A_230 : memref<10000x128xf32, #tpu.memory_space<hbm>>) dst(%arg18 : memref<128x128xf32, #tpu.memory_space<vmem>>)
      %add3A_231 = arith.constant 3 : i32
      %add3A_232 = arith.addi %add3A_227, %add3A_231 : i32
      %lt3A_233 = arith.constant 84 : i32
      %lt3A_234 = arith.cmpi slt, %add3A_232, %lt3A_233 : i32
      %convert_element_type3A_235 = arith.extui %lt3A_234 : i1 to i32
      %cond3A_236 = arith.constant 0 : i32
      %cond3A_237 = arith.cmpi ne, %convert_element_type3A_235, %cond3A_236 : i32
      scf.if %cond3A_237 {
        %add3A_282 = arith.addi %mul3A_2, %add3A_227 : i32
        %add3A_283 = arith.constant 3 : i32
        %add3A_284 = arith.addi %add3A_282, %add3A_283 : i32
        %dma_start3A_285 = arith.constant 0 : i32
        %dma_start3A_286 = tpu.memref_slice %arg3[%add3A_284, %dma_start3A_285] : memref<2816x128xi32, #tpu.memory_space<hbm>> -> memref<1x128xi32, #tpu.memory_space<hbm>>
        %dma_start3A_287 = tpu.memref_squeeze %dma_start3A_286 : memref<1x128xi32, #tpu.memory_space<hbm>> -> memref<128xi32, #tpu.memory_space<hbm>>
        %dma_start3A_288 = arith.constant 0 : i32
        %dma_start3A_289 = tpu.memref_slice %arg3[%add3A_284, %dma_start3A_288] : memref<2816x128xi32, #tpu.memory_space<hbm>> -> memref<1x128xi32, #tpu.memory_space<hbm>>
        %dma_start3A_290 = tpu.memref_squeeze %dma_start3A_289 : memref<1x128xi32, #tpu.memory_space<hbm>> -> memref<128xi32, #tpu.memory_space<hbm>>
        tpu.enqueue_dma source(%dma_start3A_290 : memref<128xi32, #tpu.memory_space<hbm>>) target(%arg9 : memref<128xi32, #tpu.memory_space<vmem>>) target_semaphore(%arg27 : memref<!tpu.dma_semaphore, #tpu.memory_space<semaphore_mem>>)
        %add3A_291 = arith.addi %mul3A_2, %add3A_227 : i32
        %add3A_292 = arith.constant 3 : i32
        %add3A_293 = arith.addi %add3A_291, %add3A_292 : i32
        %dma_start3A_294 = arith.constant 0 : i32
        %dma_start3A_295 = tpu.memref_slice %arg4[%add3A_293, %dma_start3A_294] : memref<2816x128xi32, #tpu.memory_space<hbm>> -> memref<1x128xi32, #tpu.memory_space<hbm>>
        %dma_start3A_296 = tpu.memref_squeeze %dma_start3A_295 : memref<1x128xi32, #tpu.memory_space<hbm>> -> memref<128xi32, #tpu.memory_space<hbm>>
        %dma_start3A_297 = arith.constant 0 : i32
        %dma_start3A_298 = tpu.memref_slice %arg4[%add3A_293, %dma_start3A_297] : memref<2816x128xi32, #tpu.memory_space<hbm>> -> memref<1x128xi32, #tpu.memory_space<hbm>>
        %dma_start3A_299 = tpu.memref_squeeze %dma_start3A_298 : memref<1x128xi32, #tpu.memory_space<hbm>> -> memref<128xi32, #tpu.memory_space<hbm>>
        tpu.enqueue_dma source(%dma_start3A_299 : memref<128xi32, #tpu.memory_space<hbm>>) target(%arg12 : memref<128xi32, #tpu.memory_space<vmem>>) target_semaphore(%arg27 : memref<!tpu.dma_semaphore, #tpu.memory_space<semaphore_mem>>)
      } else {
      }
      %dma_start3A_238 = arith.constant 0 : i32
      %dma_start3A_239 = arith.constant 0 : i32
      %dma_start3A_240 = tpu.memref_slice %arg7[%dma_start3A_238, %dma_start3A_239] : memref<10016x128xf32, #tpu.memory_space<vmem_shared>> -> memref<10016x128xf32, #tpu.memory_space<vmem_shared>>
      tpu.enqueue_indirect_dma source(%arg18 : memref<128x128xf32, #tpu.memory_space<vmem>>) target(%dma_start3A_240 : memref<10016x128xf32, #tpu.memory_space<vmem_shared>>) offsets(%arg15 : memref<128xi32, #tpu.memory_space<vmem>>) semaphore(%arg24 : memref<!tpu.dma_semaphore, #tpu.memory_space<semaphore_mem>>) {add = true}
      %ge3A_241 = arith.constant 1 : i32
      %ge3A_242 = arith.cmpi sge, %add3A_227, %ge3A_241 : i32
      %convert_element_type3A_243 = arith.extui %ge3A_242 : i1 to i32
      %cond3A_244 = arith.constant 0 : i32
      %cond3A_245 = arith.cmpi ne, %convert_element_type3A_243, %cond3A_244 : i32
      scf.if %cond3A_245 {
        %dma_wait3A_282 = arith.constant 0 : i32
        %dma_wait3A_283 = arith.constant 0 : i32
        %dma_wait3A_284 = tpu.memref_slice %arg7[%dma_wait3A_282, %dma_wait3A_283] : memref<10016x128xf32, #tpu.memory_space<vmem_shared>> -> memref<10016x128xf32, #tpu.memory_space<vmem_shared>>
        tpu.wait_indirect_dma semaphore(%arg23 : memref<!tpu.dma_semaphore, #tpu.memory_space<semaphore_mem>>) src(%arg17 : memref<128x128xf32, #tpu.memory_space<vmem>>) dst(%dma_wait3A_284 : memref<10016x128xf32, #tpu.memory_space<vmem_shared>>)
      } else {
      }
      %add3A_246 = arith.constant 2 : i32
      %add3A_247 = arith.addi %add3A_227, %add3A_246 : i32
      %lt3A_248 = arith.constant 84 : i32
      %lt3A_249 = arith.cmpi slt, %add3A_247, %lt3A_248 : i32
      %convert_element_type3A_250 = arith.extui %lt3A_249 : i1 to i32
      %cond3A_251 = arith.constant 0 : i32
      %cond3A_252 = arith.cmpi ne, %convert_element_type3A_250, %cond3A_251 : i32
      scf.if %cond3A_252 {
        %dma_wait3A_282 = arith.constant 0 : i32
        %dma_wait3A_283 = arith.constant 0 : i32
        %dma_wait3A_284 = tpu.memref_slice %arg3[%dma_wait3A_282, %dma_wait3A_283] : memref<2816x128xi32, #tpu.memory_space<hbm>> -> memref<1x128xi32, #tpu.memory_space<hbm>>
        %dma_wait3A_285 = tpu.memref_squeeze %dma_wait3A_284 : memref<1x128xi32, #tpu.memory_space<hbm>> -> memref<128xi32, #tpu.memory_space<hbm>>
        %dma_wait3A_286 = arith.constant 0 : i32
        %dma_wait3A_287 = tpu.memref_slice %arg3[%dma_wait3A_282, %dma_wait3A_286] : memref<2816x128xi32, #tpu.memory_space<hbm>> -> memref<1x128xi32, #tpu.memory_space<hbm>>
        %dma_wait3A_288 = tpu.memref_squeeze %dma_wait3A_287 : memref<1x128xi32, #tpu.memory_space<hbm>> -> memref<128xi32, #tpu.memory_space<hbm>>
        tpu.wait_dma2 semaphore(%arg26 : memref<!tpu.dma_semaphore, #tpu.memory_space<semaphore_mem>>) src(%dma_wait3A_288 : memref<128xi32, #tpu.memory_space<hbm>>) dst(%arg8 : memref<128xi32, #tpu.memory_space<vmem>>)
        %dma_wait3A_289 = arith.constant 0 : i32
        %dma_wait3A_290 = arith.constant 0 : i32
        %dma_wait3A_291 = tpu.memref_slice %arg4[%dma_wait3A_289, %dma_wait3A_290] : memref<2816x128xi32, #tpu.memory_space<hbm>> -> memref<1x128xi32, #tpu.memory_space<hbm>>
        %dma_wait3A_292 = tpu.memref_squeeze %dma_wait3A_291 : memref<1x128xi32, #tpu.memory_space<hbm>> -> memref<128xi32, #tpu.memory_space<hbm>>
        %dma_wait3A_293 = arith.constant 0 : i32
        %dma_wait3A_294 = tpu.memref_slice %arg4[%dma_wait3A_289, %dma_wait3A_293] : memref<2816x128xi32, #tpu.memory_space<hbm>> -> memref<1x128xi32, #tpu.memory_space<hbm>>
        %dma_wait3A_295 = tpu.memref_squeeze %dma_wait3A_294 : memref<1x128xi32, #tpu.memory_space<hbm>> -> memref<128xi32, #tpu.memory_space<hbm>>
        tpu.wait_dma2 semaphore(%arg26 : memref<!tpu.dma_semaphore, #tpu.memory_space<semaphore_mem>>) src(%dma_wait3A_295 : memref<128xi32, #tpu.memory_space<hbm>>) dst(%arg11 : memref<128xi32, #tpu.memory_space<vmem>>)
        %dma_start3A_296 = arith.constant 0 : i32
        %dma_start3A_297 = arith.constant 0 : i32
        %dma_start3A_298 = tpu.memref_slice %arg2[%dma_start3A_296, %dma_start3A_297] : memref<10000x128xf32, #tpu.memory_space<hbm>> -> memref<10000x128xf32, #tpu.memory_space<hbm>>
        tpu.enqueue_indirect_dma source(%dma_start3A_298 : memref<10000x128xf32, #tpu.memory_space<hbm>>) target(%arg17 : memref<128x128xf32, #tpu.memory_space<vmem>>) offsets(%arg8 : memref<128xi32, #tpu.memory_space<vmem>>) semaphore(%arg20 : memref<!tpu.dma_semaphore, #tpu.memory_space<semaphore_mem>>)
      } else {
      }
      %mul3A_253 = arith.constant 6 : i32
      %mul3A_254 = arith.muli %scan3A_108, %mul3A_253 : i32
      %add3A_255 = arith.constant 5 : i32
      %add3A_256 = arith.addi %mul3A_254, %add3A_255 : i32
      %dma_wait3A_257 = arith.constant 0 : i32
      %dma_wait3A_258 = arith.constant 0 : i32
      %dma_wait3A_259 = tpu.memref_slice %arg2[%dma_wait3A_257, %dma_wait3A_258] : memref<10000x128xf32, #tpu.memory_space<hbm>> -> memref<10000x128xf32, #tpu.memory_space<hbm>>
      tpu.wait_indirect_dma semaphore(%arg22 : memref<!tpu.dma_semaphore, #tpu.memory_space<semaphore_mem>>) src(%dma_wait3A_259 : memref<10000x128xf32, #tpu.memory_space<hbm>>) dst(%arg19 : memref<128x128xf32, #tpu.memory_space<vmem>>)
      %add3A_260 = arith.constant 3 : i32
      %add3A_261 = arith.addi %add3A_256, %add3A_260 : i32
      %lt3A_262 = arith.constant 84 : i32
      %lt3A_263 = arith.cmpi slt, %add3A_261, %lt3A_262 : i32
      %convert_element_type3A_264 = arith.extui %lt3A_263 : i1 to i32
      %cond3A_265 = arith.constant 0 : i32
      %cond3A_266 = arith.cmpi ne, %convert_element_type3A_264, %cond3A_265 : i32
      scf.if %cond3A_266 {
        %add3A_282 = arith.addi %mul3A_2, %add3A_256 : i32
        %add3A_283 = arith.constant 3 : i32
        %add3A_284 = arith.addi %add3A_282, %add3A_283 : i32
        %dma_start3A_285 = arith.constant 0 : i32
        %dma_start3A_286 = tpu.memref_slice %arg3[%add3A_284, %dma_start3A_285] : memref<2816x128xi32, #tpu.memory_space<hbm>> -> memref<1x128xi32, #tpu.memory_space<hbm>>
        %dma_start3A_287 = tpu.memref_squeeze %dma_start3A_286 : memref<1x128xi32, #tpu.memory_space<hbm>> -> memref<128xi32, #tpu.memory_space<hbm>>
        %dma_start3A_288 = arith.constant 0 : i32
        %dma_start3A_289 = tpu.memref_slice %arg3[%add3A_284, %dma_start3A_288] : memref<2816x128xi32, #tpu.memory_space<hbm>> -> memref<1x128xi32, #tpu.memory_space<hbm>>
        %dma_start3A_290 = tpu.memref_squeeze %dma_start3A_289 : memref<1x128xi32, #tpu.memory_space<hbm>> -> memref<128xi32, #tpu.memory_space<hbm>>
        tpu.enqueue_dma source(%dma_start3A_290 : memref<128xi32, #tpu.memory_space<hbm>>) target(%arg10 : memref<128xi32, #tpu.memory_space<vmem>>) target_semaphore(%arg28 : memref<!tpu.dma_semaphore, #tpu.memory_space<semaphore_mem>>)
        %add3A_291 = arith.addi %mul3A_2, %add3A_256 : i32
        %add3A_292 = arith.constant 3 : i32
        %add3A_293 = arith.addi %add3A_291, %add3A_292 : i32
        %dma_start3A_294 = arith.constant 0 : i32
        %dma_start3A_295 = tpu.memref_slice %arg4[%add3A_293, %dma_start3A_294] : memref<2816x128xi32, #tpu.memory_space<hbm>> -> memref<1x128xi32, #tpu.memory_space<hbm>>
        %dma_start3A_296 = tpu.memref_squeeze %dma_start3A_295 : memref<1x128xi32, #tpu.memory_space<hbm>> -> memref<128xi32, #tpu.memory_space<hbm>>
        %dma_start3A_297 = arith.constant 0 : i32
        %dma_start3A_298 = tpu.memref_slice %arg4[%add3A_293, %dma_start3A_297] : memref<2816x128xi32, #tpu.memory_space<hbm>> -> memref<1x128xi32, #tpu.memory_space<hbm>>
        %dma_start3A_299 = tpu.memref_squeeze %dma_start3A_298 : memref<1x128xi32, #tpu.memory_space<hbm>> -> memref<128xi32, #tpu.memory_space<hbm>>
        tpu.enqueue_dma source(%dma_start3A_299 : memref<128xi32, #tpu.memory_space<hbm>>) target(%arg13 : memref<128xi32, #tpu.memory_space<vmem>>) target_semaphore(%arg28 : memref<!tpu.dma_semaphore, #tpu.memory_space<semaphore_mem>>)
      } else {
      }
      %dma_start3A_267 = arith.constant 0 : i32
      %dma_start3A_268 = arith.constant 0 : i32
      %dma_start3A_269 = tpu.memref_slice %arg7[%dma_start3A_267, %dma_start3A_268] : memref<10016x128xf32, #tpu.memory_space<vmem_shared>> -> memref<10016x128xf32, #tpu.memory_space<vmem_shared>>
      tpu.enqueue_indirect_dma source(%arg19 : memref<128x128xf32, #tpu.memory_space<vmem>>) target(%dma_start3A_269 : memref<10016x128xf32, #tpu.memory_space<vmem_shared>>) offsets(%arg16 : memref<128xi32, #tpu.memory_space<vmem>>) semaphore(%arg25 : memref<!tpu.dma_semaphore, #tpu.memory_space<semaphore_mem>>) {add = true}
      %ge3A_270 = arith.constant 1 : i32
      %ge3A_271 = arith.cmpi sge, %add3A_256, %ge3A_270 : i32
      %convert_element_type3A_272 = arith.extui %ge3A_271 : i1 to i32
      %cond3A_273 = arith.constant 0 : i32
      %cond3A_274 = arith.cmpi ne, %convert_element_type3A_272, %cond3A_273 : i32
      scf.if %cond3A_274 {
        %dma_wait3A_282 = arith.constant 0 : i32
        %dma_wait3A_283 = arith.constant 0 : i32
        %dma_wait3A_284 = tpu.memref_slice %arg7[%dma_wait3A_282, %dma_wait3A_283] : memref<10016x128xf32, #tpu.memory_space<vmem_shared>> -> memref<10016x128xf32, #tpu.memory_space<vmem_shared>>
        tpu.wait_indirect_dma semaphore(%arg24 : memref<!tpu.dma_semaphore, #tpu.memory_space<semaphore_mem>>) src(%arg18 : memref<128x128xf32, #tpu.memory_space<vmem>>) dst(%dma_wait3A_284 : memref<10016x128xf32, #tpu.memory_space<vmem_shared>>)
      } else {
      }
      %add3A_275 = arith.constant 2 : i32
      %add3A_276 = arith.addi %add3A_256, %add3A_275 : i32
      %lt3A_277 = arith.constant 84 : i32
      %lt3A_278 = arith.cmpi slt, %add3A_276, %lt3A_277 : i32
      %convert_element_type3A_279 = arith.extui %lt3A_278 : i1 to i32
      %cond3A_280 = arith.constant 0 : i32
      %cond3A_281 = arith.cmpi ne, %convert_element_type3A_279, %cond3A_280 : i32
      scf.if %cond3A_281 {
        %dma_wait3A_282 = arith.constant 0 : i32
        %dma_wait3A_283 = arith.constant 0 : i32
        %dma_wait3A_284 = tpu.memref_slice %arg3[%dma_wait3A_282, %dma_wait3A_283] : memref<2816x128xi32, #tpu.memory_space<hbm>> -> memref<1x128xi32, #tpu.memory_space<hbm>>
        %dma_wait3A_285 = tpu.memref_squeeze %dma_wait3A_284 : memref<1x128xi32, #tpu.memory_space<hbm>> -> memref<128xi32, #tpu.memory_space<hbm>>
        %dma_wait3A_286 = arith.constant 0 : i32
        %dma_wait3A_287 = tpu.memref_slice %arg3[%dma_wait3A_282, %dma_wait3A_286] : memref<2816x128xi32, #tpu.memory_space<hbm>> -> memref<1x128xi32, #tpu.memory_space<hbm>>
        %dma_wait3A_288 = tpu.memref_squeeze %dma_wait3A_287 : memref<1x128xi32, #tpu.memory_space<hbm>> -> memref<128xi32, #tpu.memory_space<hbm>>
        tpu.wait_dma2 semaphore(%arg27 : memref<!tpu.dma_semaphore, #tpu.memory_space<semaphore_mem>>) src(%dma_wait3A_288 : memref<128xi32, #tpu.memory_space<hbm>>) dst(%arg9 : memref<128xi32, #tpu.memory_space<vmem>>)
        %dma_wait3A_289 = arith.constant 0 : i32
        %dma_wait3A_290 = arith.constant 0 : i32
        %dma_wait3A_291 = tpu.memref_slice %arg4[%dma_wait3A_289, %dma_wait3A_290] : memref<2816x128xi32, #tpu.memory_space<hbm>> -> memref<1x128xi32, #tpu.memory_space<hbm>>
        %dma_wait3A_292 = tpu.memref_squeeze %dma_wait3A_291 : memref<1x128xi32, #tpu.memory_space<hbm>> -> memref<128xi32, #tpu.memory_space<hbm>>
        %dma_wait3A_293 = arith.constant 0 : i32
        %dma_wait3A_294 = tpu.memref_slice %arg4[%dma_wait3A_289, %dma_wait3A_293] : memref<2816x128xi32, #tpu.memory_space<hbm>> -> memref<1x128xi32, #tpu.memory_space<hbm>>
        %dma_wait3A_295 = tpu.memref_squeeze %dma_wait3A_294 : memref<1x128xi32, #tpu.memory_space<hbm>> -> memref<128xi32, #tpu.memory_space<hbm>>
        tpu.wait_dma2 semaphore(%arg27 : memref<!tpu.dma_semaphore, #tpu.memory_space<semaphore_mem>>) src(%dma_wait3A_295 : memref<128xi32, #tpu.memory_space<hbm>>) dst(%arg12 : memref<128xi32, #tpu.memory_space<vmem>>)
        %dma_start3A_296 = arith.constant 0 : i32
        %dma_start3A_297 = arith.constant 0 : i32
        %dma_start3A_298 = tpu.memref_slice %arg2[%dma_start3A_296, %dma_start3A_297] : memref<10000x128xf32, #tpu.memory_space<hbm>> -> memref<10000x128xf32, #tpu.memory_space<hbm>>
        tpu.enqueue_indirect_dma source(%dma_start3A_298 : memref<10000x128xf32, #tpu.memory_space<hbm>>) target(%arg18 : memref<128x128xf32, #tpu.memory_space<vmem>>) offsets(%arg9 : memref<128xi32, #tpu.memory_space<vmem>>) semaphore(%arg21 : memref<!tpu.dma_semaphore, #tpu.memory_space<semaphore_mem>>)
      } else {
      }
    }
    %scan3A_93 = arith.constant 14 : i32
    %dma_wait3A_94 = arith.constant 0 : i32
    %dma_wait3A_95 = arith.constant 0 : i32
    %dma_wait3A_96 = tpu.memref_slice %arg7[%dma_wait3A_94, %dma_wait3A_95] : memref<10016x128xf32, #tpu.memory_space<vmem_shared>> -> memref<10016x128xf32, #tpu.memory_space<vmem_shared>>
    tpu.wait_indirect_dma semaphore(%arg25 : memref<!tpu.dma_semaphore, #tpu.memory_space<semaphore_mem>>) src(%arg19 : memref<128x128xf32, #tpu.memory_space<vmem>>) dst(%dma_wait3A_96 : memref<10016x128xf32, #tpu.memory_space<vmem_shared>>)
    %barrier3A_97 = arith.constant 0 : index
    tpu.barrier barrier_id(%barrier3A_97)
    %lt3A_98 = arith.constant 15 : i32
    %lt3A_99 = arith.cmpi slt, %arg1, %lt3A_98 : i32
    %convert_element_type3A_100 = arith.extui %lt3A_99 : i1 to i32
    %cond3A_101 = arith.constant 0 : i32
    %cond3A_102 = arith.cmpi ne, %convert_element_type3A_100, %cond3A_101 : i32
    scf.if %cond3A_102 {
      %mul3A_108 = arith.constant 632 : i32
      %mul3A_109 = arith.muli %arg1, %mul3A_108 : i32
      %mul3A_110 = arith.constant 10016 : i32
      %mul3A_111 = arith.muli %arg0, %mul3A_110 : i32
      %mul3A_112 = arith.constant 632 : i32
      %mul3A_113 = arith.muli %arg1, %mul3A_112 : i32
      %add3A_114 = arith.addi %mul3A_111, %mul3A_113 : i32
      "tpu.region"() ({
        %run_scoped3A = tpu.sem_alloc : memref<!tpu.dma_semaphore, #tpu.memory_space<semaphore_mem>>
        %dma_start3A_115 = arith.constant 0 : i32
        %dma_start3A_116 = tpu.memref_slice %arg6[%add3A_114, %dma_start3A_115] : memref<20032x128xf32, #tpu.memory_space<hbm>> -> memref<632x128xf32, #tpu.memory_space<hbm>>
        %dma_start3A_117 = arith.constant 0 : i32
        %dma_start3A_118 = tpu.memref_slice %arg7[%mul3A_109, %dma_start3A_117] : memref<10016x128xf32, #tpu.memory_space<vmem_shared>> -> memref<632x128xf32, #tpu.memory_space<vmem_shared>>
        tpu.enqueue_dma source(%dma_start3A_118 : memref<632x128xf32, #tpu.memory_space<vmem_shared>>) target(%dma_start3A_116 : memref<632x128xf32, #tpu.memory_space<hbm>>) target_semaphore(%run_scoped3A : memref<!tpu.dma_semaphore, #tpu.memory_space<semaphore_mem>>)
        %dma_wait3A_119 = arith.constant 0 : i32
        %dma_wait3A_120 = tpu.memref_slice %arg6[%add3A_114, %dma_wait3A_119] : memref<20032x128xf32, #tpu.memory_space<hbm>> -> memref<632x128xf32, #tpu.memory_space<hbm>>
        %dma_wait3A_121 = arith.constant 0 : i32
        %dma_wait3A_122 = tpu.memref_slice %arg7[%mul3A_109, %dma_wait3A_121] : memref<10016x128xf32, #tpu.memory_space<vmem_shared>> -> memref<632x128xf32, #tpu.memory_space<vmem_shared>>
        tpu.wait_dma2 semaphore(%run_scoped3A : memref<!tpu.dma_semaphore, #tpu.memory_space<semaphore_mem>>) src(%dma_wait3A_122 : memref<632x128xf32, #tpu.memory_space<vmem_shared>>) dst(%dma_wait3A_120 : memref<632x128xf32, #tpu.memory_space<hbm>>)
        tpu.yield
      }) : () -> ()
    } else {
    }
    %eq3A_103 = arith.constant 15 : i32
    %eq3A_104 = arith.cmpi eq, %arg1, %eq3A_103 : i32
    %convert_element_type3A_105 = arith.extui %eq3A_104 : i1 to i32
    %cond3A_106 = arith.constant 0 : i32
    %cond3A_107 = arith.cmpi ne, %convert_element_type3A_105, %cond3A_106 : i32
    scf.if %cond3A_107 {
      %mul3A_108 = arith.constant 10016 : i32
      %mul3A_109 = arith.muli %arg0, %mul3A_108 : i32
      %add3A_110 = arith.constant 9480 : i32
      %add3A_111 = arith.addi %mul3A_109, %add3A_110 : i32
      "tpu.region"() ({
        %run_scoped3A = tpu.sem_alloc : memref<!tpu.dma_semaphore, #tpu.memory_space<semaphore_mem>>
        %dma_start3A_112 = arith.constant 0 : i32
        %dma_start3A_113 = tpu.memref_slice %arg6[%add3A_111, %dma_start3A_112] : memref<20032x128xf32, #tpu.memory_space<hbm>> -> memref<536x128xf32, #tpu.memory_space<hbm>>
        %dma_start3A_114 = arith.constant 9480 : i32
        %dma_start3A_115 = arith.constant 0 : i32
        %dma_start3A_116 = tpu.memref_slice %arg7[%dma_start3A_114, %dma_start3A_115] : memref<10016x128xf32, #tpu.memory_space<vmem_shared>> -> memref<536x128xf32, #tpu.memory_space<vmem_shared>>
        tpu.enqueue_dma source(%dma_start3A_116 : memref<536x128xf32, #tpu.memory_space<vmem_shared>>) target(%dma_start3A_113 : memref<536x128xf32, #tpu.memory_space<hbm>>) target_semaphore(%run_scoped3A : memref<!tpu.dma_semaphore, #tpu.memory_space<semaphore_mem>>)
        %dma_wait3A_117 = arith.constant 0 : i32
        %dma_wait3A_118 = tpu.memref_slice %arg6[%add3A_111, %dma_wait3A_117] : memref<20032x128xf32, #tpu.memory_space<hbm>> -> memref<536x128xf32, #tpu.memory_space<hbm>>
        %dma_wait3A_119 = arith.constant 9480 : i32
        %dma_wait3A_120 = arith.constant 0 : i32
        %dma_wait3A_121 = tpu.memref_slice %arg7[%dma_wait3A_119, %dma_wait3A_120] : memref<10016x128xf32, #tpu.memory_space<vmem_shared>> -> memref<536x128xf32, #tpu.memory_space<vmem_shared>>
        tpu.wait_dma2 semaphore(%run_scoped3A : memref<!tpu.dma_semaphore, #tpu.memory_space<semaphore_mem>>) src(%dma_wait3A_121 : memref<536x128xf32, #tpu.memory_space<vmem_shared>>) dst(%dma_wait3A_118 : memref<536x128xf32, #tpu.memory_space<hbm>>)
        tpu.yield
      }) : () -> ()
    } else {
    }
    return
  }
}

#map = affine_map<(d0, d1) -> (0, 0)>
module attributes {stable_mosaic.version = 14 : i64} {
  func.func @body(%arg0: i32, %arg1: i32, %arg2: memref<128x128xf32, #tpu.memory_space<hbm>>, %arg3: memref<2816x128xi32, #tpu.memory_space<hbm>>, %arg4: memref<632x128xf32, #tpu.memory_space<hbm>>, %arg5: memref<20032x128xf32, #tpu.memory_space<hbm>>, %arg6: memref<10016x128xf32, #tpu.memory_space<vmem_shared>>, %arg7: memref<88x128xi32, #tpu.memory_space<vmem>>, %arg8: memref<128x128xf32, #tpu.memory_space<vmem>>, %arg9: memref<!tpu.dma_semaphore, #tpu.memory_space<semaphore_mem>>, %arg10: memref<!tpu.dma_semaphore, #tpu.memory_space<semaphore_mem>>) attributes {dimension_semantics = [#tpu.dimension_semantics<core_parallel>, #tpu.dimension_semantics<subcore_parallel>], iteration_bounds = array<i64: 2, 16>, scalar_prefetch = 0 : i64, scratch_operands = 5 : i64, tpu.core_type = #tpu.core_type<sc_vector_subcore>, window_params = [{transform_indices = #map}, {transform_indices = #map}, {transform_indices = #map}, {transform_indices = #map}]} {
    %mul3A = arith.constant 2 : i32
    %mul3A_0 = arith.muli %arg1, %mul3A : i32
    %add3A = arith.addi %mul3A_0, %arg0 : i32
    %mul3A_1 = arith.constant 88 : i32
    %mul3A_2 = arith.muli %add3A, %mul3A_1 : i32
    %lt3A = arith.constant 15 : i32
    %lt3A_3 = arith.cmpi slt, %arg1, %lt3A : i32
    %convert_element_type3A = arith.extui %lt3A_3 : i1 to i32
    %cond3A = arith.constant 0 : i32
    %cond3A_4 = arith.cmpi ne, %convert_element_type3A, %cond3A : i32
    scf.if %cond3A_4 {
      %mul3A_31 = arith.constant 632 : i32
      %mul3A_32 = arith.muli %arg1, %mul3A_31 : i32
      "tpu.region"() ({
        %run_scoped3A = tpu.sem_alloc : memref<!tpu.dma_semaphore, #tpu.memory_space<semaphore_mem>>
        %dma_start3A = arith.constant 0 : i32
        %dma_start3A_33 = tpu.memref_slice %arg6[%mul3A_32, %dma_start3A] : memref<10016x128xf32, #tpu.memory_space<vmem_shared>> -> memref<632x128xf32, #tpu.memory_space<vmem_shared>>
        tpu.enqueue_dma source(%arg4 : memref<632x128xf32, #tpu.memory_space<hbm>>) target(%dma_start3A_33 : memref<632x128xf32, #tpu.memory_space<vmem_shared>>) target_semaphore(%run_scoped3A : memref<!tpu.dma_semaphore, #tpu.memory_space<semaphore_mem>>)
        %dma_wait3A_34 = arith.constant 0 : i32
        %dma_wait3A_35 = tpu.memref_slice %arg6[%mul3A_32, %dma_wait3A_34] : memref<10016x128xf32, #tpu.memory_space<vmem_shared>> -> memref<632x128xf32, #tpu.memory_space<vmem_shared>>
        tpu.wait_dma2 semaphore(%run_scoped3A : memref<!tpu.dma_semaphore, #tpu.memory_space<semaphore_mem>>) src(%arg4 : memref<632x128xf32, #tpu.memory_space<hbm>>) dst(%dma_wait3A_35 : memref<632x128xf32, #tpu.memory_space<vmem_shared>>)
        tpu.yield
      }) : () -> ()
    } else {
    }
    %eq3A = arith.constant 15 : i32
    %eq3A_5 = arith.cmpi eq, %arg1, %eq3A : i32
    %convert_element_type3A_6 = arith.extui %eq3A_5 : i1 to i32
    %cond3A_7 = arith.constant 0 : i32
    %cond3A_8 = arith.cmpi ne, %convert_element_type3A_6, %cond3A_7 : i32
    scf.if %cond3A_8 {
      "tpu.region"() ({
        %run_scoped3A = tpu.sem_alloc : memref<!tpu.dma_semaphore, #tpu.memory_space<semaphore_mem>>
        %dma_start3A = arith.constant 9480 : i32
        %dma_start3A_31 = arith.constant 0 : i32
        %dma_start3A_32 = tpu.memref_slice %arg6[%dma_start3A, %dma_start3A_31] : memref<10016x128xf32, #tpu.memory_space<vmem_shared>> -> memref<536x128xf32, #tpu.memory_space<vmem_shared>>
        %dma_start3A_33 = arith.constant 0 : i32
        %dma_start3A_34 = arith.constant 0 : i32
        %dma_start3A_35 = tpu.memref_slice %arg4[%dma_start3A_33, %dma_start3A_34] : memref<632x128xf32, #tpu.memory_space<hbm>> -> memref<536x128xf32, #tpu.memory_space<hbm>>
        tpu.enqueue_dma source(%dma_start3A_35 : memref<536x128xf32, #tpu.memory_space<hbm>>) target(%dma_start3A_32 : memref<536x128xf32, #tpu.memory_space<vmem_shared>>) target_semaphore(%run_scoped3A : memref<!tpu.dma_semaphore, #tpu.memory_space<semaphore_mem>>)
        %dma_wait3A_36 = arith.constant 9480 : i32
        %dma_wait3A_37 = arith.constant 0 : i32
        %dma_wait3A_38 = tpu.memref_slice %arg6[%dma_wait3A_36, %dma_wait3A_37] : memref<10016x128xf32, #tpu.memory_space<vmem_shared>> -> memref<536x128xf32, #tpu.memory_space<vmem_shared>>
        %dma_wait3A_39 = arith.constant 0 : i32
        %dma_wait3A_40 = arith.constant 0 : i32
        %dma_wait3A_41 = tpu.memref_slice %arg4[%dma_wait3A_39, %dma_wait3A_40] : memref<632x128xf32, #tpu.memory_space<hbm>> -> memref<536x128xf32, #tpu.memory_space<hbm>>
        tpu.wait_dma2 semaphore(%run_scoped3A : memref<!tpu.dma_semaphore, #tpu.memory_space<semaphore_mem>>) src(%dma_wait3A_41 : memref<536x128xf32, #tpu.memory_space<hbm>>) dst(%dma_wait3A_38 : memref<536x128xf32, #tpu.memory_space<vmem_shared>>)
        tpu.yield
      }) : () -> ()
    } else {
    }
    "tpu.region"() ({
      %run_scoped3A = tpu.sem_alloc : memref<!tpu.dma_semaphore, #tpu.memory_space<semaphore_mem>>
      %dma_start3A = arith.constant 0 : i32
      %dma_start3A_31 = tpu.memref_slice %arg3[%mul3A_2, %dma_start3A] : memref<2816x128xi32, #tpu.memory_space<hbm>> -> memref<88x128xi32, #tpu.memory_space<hbm>>
      %dma_start3A_32 = arith.constant 0 : i32
      %dma_start3A_33 = tpu.memref_slice %arg3[%mul3A_2, %dma_start3A_32] : memref<2816x128xi32, #tpu.memory_space<hbm>> -> memref<88x128xi32, #tpu.memory_space<hbm>>
      tpu.enqueue_dma source(%dma_start3A_33 : memref<88x128xi32, #tpu.memory_space<hbm>>) target(%arg7 : memref<88x128xi32, #tpu.memory_space<vmem>>) target_semaphore(%run_scoped3A : memref<!tpu.dma_semaphore, #tpu.memory_space<semaphore_mem>>)
      %dma_wait3A_34 = arith.constant 0 : i32
      %dma_wait3A_35 = tpu.memref_slice %arg3[%mul3A_2, %dma_wait3A_34] : memref<2816x128xi32, #tpu.memory_space<hbm>> -> memref<88x128xi32, #tpu.memory_space<hbm>>
      %dma_wait3A_36 = arith.constant 0 : i32
      %dma_wait3A_37 = tpu.memref_slice %arg3[%mul3A_2, %dma_wait3A_36] : memref<2816x128xi32, #tpu.memory_space<hbm>> -> memref<88x128xi32, #tpu.memory_space<hbm>>
      tpu.wait_dma2 semaphore(%run_scoped3A : memref<!tpu.dma_semaphore, #tpu.memory_space<semaphore_mem>>) src(%dma_wait3A_37 : memref<88x128xi32, #tpu.memory_space<hbm>>) dst(%arg7 : memref<88x128xi32, #tpu.memory_space<vmem>>)
      tpu.yield
    }) : () -> ()
    "tpu.region"() ({
      %run_scoped3A = tpu.sem_alloc : memref<!tpu.dma_semaphore, #tpu.memory_space<semaphore_mem>>
      tpu.enqueue_dma source(%arg2 : memref<128x128xf32, #tpu.memory_space<hbm>>) target(%arg8 : memref<128x128xf32, #tpu.memory_space<vmem>>) target_semaphore(%run_scoped3A : memref<!tpu.dma_semaphore, #tpu.memory_space<semaphore_mem>>)
      tpu.wait_dma2 semaphore(%run_scoped3A : memref<!tpu.dma_semaphore, #tpu.memory_space<semaphore_mem>>) src(%arg2 : memref<128x128xf32, #tpu.memory_space<hbm>>) dst(%arg8 : memref<128x128xf32, #tpu.memory_space<vmem>>)
      tpu.yield
    }) : () -> ()
    %barrier3A = arith.constant 0 : index
    tpu.barrier barrier_id(%barrier3A)
    %scan3A = arith.constant 0 : i32
    %scan3A_9 = arith.constant 0 : i32
    %scan3A_10 = arith.constant 42 : i32
    %scan3A_11 = arith.addi %scan3A_9, %scan3A_10 : i32
    %scan3A_12 = arith.constant 1 : i32
    scf.for %scan3A_31 = %scan3A_9 to %scan3A_11 step %scan3A_12  : i32 {
      %mul3A_32 = arith.constant 2 : i32
      %mul3A_33 = arith.muli %mul3A_32, %scan3A_31 : i32
      %add3A_34 = arith.constant 0 : i32
      %add3A_35 = arith.addi %mul3A_33, %add3A_34 : i32
      %dma_start3A = arith.constant 0 : i32
      %dma_start3A_36 = tpu.memref_slice %arg7[%add3A_35, %dma_start3A] : memref<88x128xi32, #tpu.memory_space<vmem>> -> memref<1x128xi32, #tpu.memory_space<vmem>>
      %dma_start3A_37 = tpu.memref_squeeze %dma_start3A_36 : memref<1x128xi32, #tpu.memory_space<vmem>> -> memref<128xi32, #tpu.memory_space<vmem>>
      %dma_start3A_38 = arith.constant 0 : i32
      %dma_start3A_39 = arith.constant 0 : i32
      %dma_start3A_40 = tpu.memref_slice %arg6[%dma_start3A_38, %dma_start3A_39] : memref<10016x128xf32, #tpu.memory_space<vmem_shared>> -> memref<10016x128xf32, #tpu.memory_space<vmem_shared>>
      tpu.enqueue_indirect_dma source(%arg8 : memref<128x128xf32, #tpu.memory_space<vmem>>) target(%dma_start3A_40 : memref<10016x128xf32, #tpu.memory_space<vmem_shared>>) offsets(%dma_start3A_37 : memref<128xi32, #tpu.memory_space<vmem>>) semaphore(%arg9 : memref<!tpu.dma_semaphore, #tpu.memory_space<semaphore_mem>>) {add = true}
      %ge3A = arith.constant 1 : i32
      %ge3A_41 = arith.cmpi sge, %add3A_35, %ge3A : i32
      %convert_element_type3A_42 = arith.extui %ge3A_41 : i1 to i32
      %cond3A_43 = arith.constant 0 : i32
      %cond3A_44 = arith.cmpi ne, %convert_element_type3A_42, %cond3A_43 : i32
      scf.if %cond3A_44 {
        %dma_wait3A_60 = arith.constant 0 : i32
        %dma_wait3A_61 = tpu.memref_slice %arg7[%add3A_35, %dma_wait3A_60] : memref<88x128xi32, #tpu.memory_space<vmem>> -> memref<1x128xi32, #tpu.memory_space<vmem>>
        %dma_wait3A_62 = tpu.memref_squeeze %dma_wait3A_61 : memref<1x128xi32, #tpu.memory_space<vmem>> -> memref<128xi32, #tpu.memory_space<vmem>>
        %dma_wait3A_63 = arith.constant 0 : i32
        %dma_wait3A_64 = arith.constant 0 : i32
        %dma_wait3A_65 = tpu.memref_slice %arg6[%dma_wait3A_63, %dma_wait3A_64] : memref<10016x128xf32, #tpu.memory_space<vmem_shared>> -> memref<10016x128xf32, #tpu.memory_space<vmem_shared>>
        tpu.wait_indirect_dma semaphore(%arg10 : memref<!tpu.dma_semaphore, #tpu.memory_space<semaphore_mem>>) src(%arg8 : memref<128x128xf32, #tpu.memory_space<vmem>>) dst(%dma_wait3A_65 : memref<10016x128xf32, #tpu.memory_space<vmem_shared>>)
      } else {
      }
      %mul3A_45 = arith.constant 2 : i32
      %mul3A_46 = arith.muli %mul3A_45, %scan3A_31 : i32
      %add3A_47 = arith.constant 1 : i32
      %add3A_48 = arith.addi %mul3A_46, %add3A_47 : i32
      %dma_start3A_49 = arith.constant 0 : i32
      %dma_start3A_50 = tpu.memref_slice %arg7[%add3A_48, %dma_start3A_49] : memref<88x128xi32, #tpu.memory_space<vmem>> -> memref<1x128xi32, #tpu.memory_space<vmem>>
      %dma_start3A_51 = tpu.memref_squeeze %dma_start3A_50 : memref<1x128xi32, #tpu.memory_space<vmem>> -> memref<128xi32, #tpu.memory_space<vmem>>
      %dma_start3A_52 = arith.constant 0 : i32
      %dma_start3A_53 = arith.constant 0 : i32
      %dma_start3A_54 = tpu.memref_slice %arg6[%dma_start3A_52, %dma_start3A_53] : memref<10016x128xf32, #tpu.memory_space<vmem_shared>> -> memref<10016x128xf32, #tpu.memory_space<vmem_shared>>
      tpu.enqueue_indirect_dma source(%arg8 : memref<128x128xf32, #tpu.memory_space<vmem>>) target(%dma_start3A_54 : memref<10016x128xf32, #tpu.memory_space<vmem_shared>>) offsets(%dma_start3A_51 : memref<128xi32, #tpu.memory_space<vmem>>) semaphore(%arg10 : memref<!tpu.dma_semaphore, #tpu.memory_space<semaphore_mem>>) {add = true}
      %ge3A_55 = arith.constant 1 : i32
      %ge3A_56 = arith.cmpi sge, %add3A_48, %ge3A_55 : i32
      %convert_element_type3A_57 = arith.extui %ge3A_56 : i1 to i32
      %cond3A_58 = arith.constant 0 : i32
      %cond3A_59 = arith.cmpi ne, %convert_element_type3A_57, %cond3A_58 : i32
      scf.if %cond3A_59 {
        %dma_wait3A_60 = arith.constant 0 : i32
        %dma_wait3A_61 = tpu.memref_slice %arg7[%add3A_48, %dma_wait3A_60] : memref<88x128xi32, #tpu.memory_space<vmem>> -> memref<1x128xi32, #tpu.memory_space<vmem>>
        %dma_wait3A_62 = tpu.memref_squeeze %dma_wait3A_61 : memref<1x128xi32, #tpu.memory_space<vmem>> -> memref<128xi32, #tpu.memory_space<vmem>>
        %dma_wait3A_63 = arith.constant 0 : i32
        %dma_wait3A_64 = arith.constant 0 : i32
        %dma_wait3A_65 = tpu.memref_slice %arg6[%dma_wait3A_63, %dma_wait3A_64] : memref<10016x128xf32, #tpu.memory_space<vmem_shared>> -> memref<10016x128xf32, #tpu.memory_space<vmem_shared>>
        tpu.wait_indirect_dma semaphore(%arg9 : memref<!tpu.dma_semaphore, #tpu.memory_space<semaphore_mem>>) src(%arg8 : memref<128x128xf32, #tpu.memory_space<vmem>>) dst(%dma_wait3A_65 : memref<10016x128xf32, #tpu.memory_space<vmem_shared>>)
      } else {
      }
    }
    %scan3A_13 = arith.constant 42 : i32
    %dma_wait3A = arith.constant 0 : i32
    %dma_wait3A_14 = arith.constant 0 : i32
    %dma_wait3A_15 = tpu.memref_slice %arg7[%dma_wait3A, %dma_wait3A_14] : memref<88x128xi32, #tpu.memory_space<vmem>> -> memref<1x128xi32, #tpu.memory_space<vmem>>
    %dma_wait3A_16 = tpu.memref_squeeze %dma_wait3A_15 : memref<1x128xi32, #tpu.memory_space<vmem>> -> memref<128xi32, #tpu.memory_space<vmem>>
    %dma_wait3A_17 = arith.constant 0 : i32
    %dma_wait3A_18 = arith.constant 0 : i32
    %dma_wait3A_19 = tpu.memref_slice %arg6[%dma_wait3A_17, %dma_wait3A_18] : memref<10016x128xf32, #tpu.memory_space<vmem_shared>> -> memref<10016x128xf32, #tpu.memory_space<vmem_shared>>
    tpu.wait_indirect_dma semaphore(%arg10 : memref<!tpu.dma_semaphore, #tpu.memory_space<semaphore_mem>>) src(%arg8 : memref<128x128xf32, #tpu.memory_space<vmem>>) dst(%dma_wait3A_19 : memref<10016x128xf32, #tpu.memory_space<vmem_shared>>)
    %barrier3A_20 = arith.constant 0 : index
    tpu.barrier barrier_id(%barrier3A_20)
    %lt3A_21 = arith.constant 15 : i32
    %lt3A_22 = arith.cmpi slt, %arg1, %lt3A_21 : i32
    %convert_element_type3A_23 = arith.extui %lt3A_22 : i1 to i32
    %cond3A_24 = arith.constant 0 : i32
    %cond3A_25 = arith.cmpi ne, %convert_element_type3A_23, %cond3A_24 : i32
    scf.if %cond3A_25 {
      %mul3A_31 = arith.constant 632 : i32
      %mul3A_32 = arith.muli %arg1, %mul3A_31 : i32
      %mul3A_33 = arith.constant 10016 : i32
      %mul3A_34 = arith.muli %arg0, %mul3A_33 : i32
      %mul3A_35 = arith.constant 632 : i32
      %mul3A_36 = arith.muli %arg1, %mul3A_35 : i32
      %add3A_37 = arith.addi %mul3A_34, %mul3A_36 : i32
      "tpu.region"() ({
        %run_scoped3A = tpu.sem_alloc : memref<!tpu.dma_semaphore, #tpu.memory_space<semaphore_mem>>
        %dma_start3A = arith.constant 0 : i32
        %dma_start3A_38 = tpu.memref_slice %arg5[%add3A_37, %dma_start3A] : memref<20032x128xf32, #tpu.memory_space<hbm>> -> memref<632x128xf32, #tpu.memory_space<hbm>>
        %dma_start3A_39 = arith.constant 0 : i32
        %dma_start3A_40 = tpu.memref_slice %arg6[%mul3A_32, %dma_start3A_39] : memref<10016x128xf32, #tpu.memory_space<vmem_shared>> -> memref<632x128xf32, #tpu.memory_space<vmem_shared>>
        tpu.enqueue_dma source(%dma_start3A_40 : memref<632x128xf32, #tpu.memory_space<vmem_shared>>) target(%dma_start3A_38 : memref<632x128xf32, #tpu.memory_space<hbm>>) target_semaphore(%run_scoped3A : memref<!tpu.dma_semaphore, #tpu.memory_space<semaphore_mem>>)
        %dma_wait3A_41 = arith.constant 0 : i32
        %dma_wait3A_42 = tpu.memref_slice %arg5[%add3A_37, %dma_wait3A_41] : memref<20032x128xf32, #tpu.memory_space<hbm>> -> memref<632x128xf32, #tpu.memory_space<hbm>>
        %dma_wait3A_43 = arith.constant 0 : i32
        %dma_wait3A_44 = tpu.memref_slice %arg6[%mul3A_32, %dma_wait3A_43] : memref<10016x128xf32, #tpu.memory_space<vmem_shared>> -> memref<632x128xf32, #tpu.memory_space<vmem_shared>>
        tpu.wait_dma2 semaphore(%run_scoped3A : memref<!tpu.dma_semaphore, #tpu.memory_space<semaphore_mem>>) src(%dma_wait3A_44 : memref<632x128xf32, #tpu.memory_space<vmem_shared>>) dst(%dma_wait3A_42 : memref<632x128xf32, #tpu.memory_space<hbm>>)
        tpu.yield
      }) : () -> ()
    } else {
    }
    %eq3A_26 = arith.constant 15 : i32
    %eq3A_27 = arith.cmpi eq, %arg1, %eq3A_26 : i32
    %convert_element_type3A_28 = arith.extui %eq3A_27 : i1 to i32
    %cond3A_29 = arith.constant 0 : i32
    %cond3A_30 = arith.cmpi ne, %convert_element_type3A_28, %cond3A_29 : i32
    scf.if %cond3A_30 {
      %mul3A_31 = arith.constant 10016 : i32
      %mul3A_32 = arith.muli %arg0, %mul3A_31 : i32
      %add3A_33 = arith.constant 9480 : i32
      %add3A_34 = arith.addi %mul3A_32, %add3A_33 : i32
      "tpu.region"() ({
        %run_scoped3A = tpu.sem_alloc : memref<!tpu.dma_semaphore, #tpu.memory_space<semaphore_mem>>
        %dma_start3A = arith.constant 0 : i32
        %dma_start3A_35 = tpu.memref_slice %arg5[%add3A_34, %dma_start3A] : memref<20032x128xf32, #tpu.memory_space<hbm>> -> memref<536x128xf32, #tpu.memory_space<hbm>>
        %dma_start3A_36 = arith.constant 9480 : i32
        %dma_start3A_37 = arith.constant 0 : i32
        %dma_start3A_38 = tpu.memref_slice %arg6[%dma_start3A_36, %dma_start3A_37] : memref<10016x128xf32, #tpu.memory_space<vmem_shared>> -> memref<536x128xf32, #tpu.memory_space<vmem_shared>>
        tpu.enqueue_dma source(%dma_start3A_38 : memref<536x128xf32, #tpu.memory_space<vmem_shared>>) target(%dma_start3A_35 : memref<536x128xf32, #tpu.memory_space<hbm>>) target_semaphore(%run_scoped3A : memref<!tpu.dma_semaphore, #tpu.memory_space<semaphore_mem>>)
        %dma_wait3A_39 = arith.constant 0 : i32
        %dma_wait3A_40 = tpu.memref_slice %arg5[%add3A_34, %dma_wait3A_39] : memref<20032x128xf32, #tpu.memory_space<hbm>> -> memref<536x128xf32, #tpu.memory_space<hbm>>
        %dma_wait3A_41 = arith.constant 9480 : i32
        %dma_wait3A_42 = arith.constant 0 : i32
        %dma_wait3A_43 = tpu.memref_slice %arg6[%dma_wait3A_41, %dma_wait3A_42] : memref<10016x128xf32, #tpu.memory_space<vmem_shared>> -> memref<536x128xf32, #tpu.memory_space<vmem_shared>>
        tpu.wait_dma2 semaphore(%run_scoped3A : memref<!tpu.dma_semaphore, #tpu.memory_space<semaphore_mem>>) src(%dma_wait3A_43 : memref<536x128xf32, #tpu.memory_space<vmem_shared>>) dst(%dma_wait3A_40 : memref<536x128xf32, #tpu.memory_space<hbm>>)
        tpu.yield
      }) : () -> ()
    } else {
    }
    return
  }
}

#map = affine_map<(d0, d1) -> (0, 0)>
module attributes {stable_mosaic.version = 14 : i64} {
  func.func @body(%arg0: i32, %arg1: i32, %arg2: memref<10000x128xf32, #tpu.memory_space<hbm>>, %arg3: memref<2816x128xi32, #tpu.memory_space<hbm>>, %arg4: memref<2816x128xi32, #tpu.memory_space<hbm>>, %arg5: memref<632x128xf32, #tpu.memory_space<hbm>>, %arg6: memref<20032x128xf32, #tpu.memory_space<hbm>>, %arg7: memref<10016x128xf32, #tpu.memory_space<vmem_shared>>, %arg8: memref<128xi32, #tpu.memory_space<vmem>>, %arg9: memref<128xi32, #tpu.memory_space<vmem>>, %arg10: memref<128xi32, #tpu.memory_space<vmem>>, %arg11: memref<128xi32, #tpu.memory_space<vmem>>, %arg12: memref<128xi32, #tpu.memory_space<vmem>>, %arg13: memref<128xi32, #tpu.memory_space<vmem>>, %arg14: memref<128xi32, #tpu.memory_space<vmem>>, %arg15: memref<128xi32, #tpu.memory_space<vmem>>, %arg16: memref<128xi32, #tpu.memory_space<vmem>>, %arg17: memref<128x128xf32, #tpu.memory_space<vmem>>, %arg18: memref<128x128xf32, #tpu.memory_space<vmem>>, %arg19: memref<128x128xf32, #tpu.memory_space<vmem>>, %arg20: memref<!tpu.dma_semaphore, #tpu.memory_space<semaphore_mem>>, %arg21: memref<!tpu.dma_semaphore, #tpu.memory_space<semaphore_mem>>, %arg22: memref<!tpu.dma_semaphore, #tpu.memory_space<semaphore_mem>>, %arg23: memref<!tpu.dma_semaphore, #tpu.memory_space<semaphore_mem>>, %arg24: memref<!tpu.dma_semaphore, #tpu.memory_space<semaphore_mem>>, %arg25: memref<!tpu.dma_semaphore, #tpu.memory_space<semaphore_mem>>, %arg26: memref<!tpu.dma_semaphore, #tpu.memory_space<semaphore_mem>>, %arg27: memref<!tpu.dma_semaphore, #tpu.memory_space<semaphore_mem>>, %arg28: memref<!tpu.dma_semaphore, #tpu.memory_space<semaphore_mem>>) attributes {dimension_semantics = [#tpu.dimension_semantics<core_parallel>, #tpu.dimension_semantics<subcore_parallel>], iteration_bounds = array<i64: 2, 16>, scalar_prefetch = 0 : i64, scratch_operands = 22 : i64, tpu.core_type = #tpu.core_type<sc_vector_subcore>, window_params = [{transform_indices = #map}, {transform_indices = #map}, {transform_indices = #map}, {transform_indices = #map}, {transform_indices = #map}]} {
    %mul3A = arith.constant 2 : i32
    %mul3A_0 = arith.muli %arg1, %mul3A : i32
    %add3A = arith.addi %mul3A_0, %arg0 : i32
    %mul3A_1 = arith.constant 88 : i32
    %mul3A_2 = arith.muli %add3A, %mul3A_1 : i32
    %lt3A = arith.constant 15 : i32
    %lt3A_3 = arith.cmpi slt, %arg1, %lt3A : i32
    %convert_element_type3A = arith.extui %lt3A_3 : i1 to i32
    %cond3A = arith.constant 0 : i32
    %cond3A_4 = arith.cmpi ne, %convert_element_type3A, %cond3A : i32
    scf.if %cond3A_4 {
      %mul3A_108 = arith.constant 632 : i32
      %mul3A_109 = arith.muli %arg1, %mul3A_108 : i32
      "tpu.region"() ({
        %run_scoped3A = tpu.sem_alloc : memref<!tpu.dma_semaphore, #tpu.memory_space<semaphore_mem>>
        %dma_start3A_110 = arith.constant 0 : i32
        %dma_start3A_111 = tpu.memref_slice %arg7[%mul3A_109, %dma_start3A_110] : memref<10016x128xf32, #tpu.memory_space<vmem_shared>> -> memref<632x128xf32, #tpu.memory_space<vmem_shared>>
        tpu.enqueue_dma source(%arg5 : memref<632x128xf32, #tpu.memory_space<hbm>>) target(%dma_start3A_111 : memref<632x128xf32, #tpu.memory_space<vmem_shared>>) target_semaphore(%run_scoped3A : memref<!tpu.dma_semaphore, #tpu.memory_space<semaphore_mem>>)
        %dma_wait3A_112 = arith.constant 0 : i32
        %dma_wait3A_113 = tpu.memref_slice %arg7[%mul3A_109, %dma_wait3A_112] : memref<10016x128xf32, #tpu.memory_space<vmem_shared>> -> memref<632x128xf32, #tpu.memory_space<vmem_shared>>
        tpu.wait_dma2 semaphore(%run_scoped3A : memref<!tpu.dma_semaphore, #tpu.memory_space<semaphore_mem>>) src(%arg5 : memref<632x128xf32, #tpu.memory_space<hbm>>) dst(%dma_wait3A_113 : memref<632x128xf32, #tpu.memory_space<vmem_shared>>)
        tpu.yield
      }) : () -> ()
    } else {
    }
    %eq3A = arith.constant 15 : i32
    %eq3A_5 = arith.cmpi eq, %arg1, %eq3A : i32
    %convert_element_type3A_6 = arith.extui %eq3A_5 : i1 to i32
    %cond3A_7 = arith.constant 0 : i32
    %cond3A_8 = arith.cmpi ne, %convert_element_type3A_6, %cond3A_7 : i32
    scf.if %cond3A_8 {
      "tpu.region"() ({
        %run_scoped3A = tpu.sem_alloc : memref<!tpu.dma_semaphore, #tpu.memory_space<semaphore_mem>>
        %dma_start3A_108 = arith.constant 9480 : i32
        %dma_start3A_109 = arith.constant 0 : i32
        %dma_start3A_110 = tpu.memref_slice %arg7[%dma_start3A_108, %dma_start3A_109] : memref<10016x128xf32, #tpu.memory_space<vmem_shared>> -> memref<536x128xf32, #tpu.memory_space<vmem_shared>>
        %dma_start3A_111 = arith.constant 0 : i32
        %dma_start3A_112 = arith.constant 0 : i32
        %dma_start3A_113 = tpu.memref_slice %arg5[%dma_start3A_111, %dma_start3A_112] : memref<632x128xf32, #tpu.memory_space<hbm>> -> memref<536x128xf32, #tpu.memory_space<hbm>>
        tpu.enqueue_dma source(%dma_start3A_113 : memref<536x128xf32, #tpu.memory_space<hbm>>) target(%dma_start3A_110 : memref<536x128xf32, #tpu.memory_space<vmem_shared>>) target_semaphore(%run_scoped3A : memref<!tpu.dma_semaphore, #tpu.memory_space<semaphore_mem>>)
        %dma_wait3A_114 = arith.constant 9480 : i32
        %dma_wait3A_115 = arith.constant 0 : i32
        %dma_wait3A_116 = tpu.memref_slice %arg7[%dma_wait3A_114, %dma_wait3A_115] : memref<10016x128xf32, #tpu.memory_space<vmem_shared>> -> memref<536x128xf32, #tpu.memory_space<vmem_shared>>
        %dma_wait3A_117 = arith.constant 0 : i32
        %dma_wait3A_118 = arith.constant 0 : i32
        %dma_wait3A_119 = tpu.memref_slice %arg5[%dma_wait3A_117, %dma_wait3A_118] : memref<632x128xf32, #tpu.memory_space<hbm>> -> memref<536x128xf32, #tpu.memory_space<hbm>>
        tpu.wait_dma2 semaphore(%run_scoped3A : memref<!tpu.dma_semaphore, #tpu.memory_space<semaphore_mem>>) src(%dma_wait3A_119 : memref<536x128xf32, #tpu.memory_space<hbm>>) dst(%dma_wait3A_116 : memref<536x128xf32, #tpu.memory_space<vmem_shared>>)
        tpu.yield
      }) : () -> ()
    } else {
    }
    %add3A_9 = arith.constant 0 : i32
    %add3A_10 = arith.addi %mul3A_2, %add3A_9 : i32
    %dma_start3A = arith.constant 0 : i32
    %dma_start3A_11 = tpu.memref_slice %arg3[%add3A_10, %dma_start3A] : memref<2816x128xi32, #tpu.memory_space<hbm>> -> memref<1x128xi32, #tpu.memory_space<hbm>>
    %dma_start3A_12 = tpu.memref_squeeze %dma_start3A_11 : memref<1x128xi32, #tpu.memory_space<hbm>> -> memref<128xi32, #tpu.memory_space<hbm>>
    %dma_start3A_13 = arith.constant 0 : i32
    %dma_start3A_14 = tpu.memref_slice %arg3[%add3A_10, %dma_start3A_13] : memref<2816x128xi32, #tpu.memory_space<hbm>> -> memref<1x128xi32, #tpu.memory_space<hbm>>
    %dma_start3A_15 = tpu.memref_squeeze %dma_start3A_14 : memref<1x128xi32, #tpu.memory_space<hbm>> -> memref<128xi32, #tpu.memory_space<hbm>>
    tpu.enqueue_dma source(%dma_start3A_15 : memref<128xi32, #tpu.memory_space<hbm>>) target(%arg8 : memref<128xi32, #tpu.memory_space<vmem>>) target_semaphore(%arg26 : memref<!tpu.dma_semaphore, #tpu.memory_space<semaphore_mem>>)
    %add3A_16 = arith.constant 0 : i32
    %add3A_17 = arith.addi %mul3A_2, %add3A_16 : i32
    %dma_start3A_18 = arith.constant 0 : i32
    %dma_start3A_19 = tpu.memref_slice %arg4[%add3A_17, %dma_start3A_18] : memref<2816x128xi32, #tpu.memory_space<hbm>> -> memref<1x128xi32, #tpu.memory_space<hbm>>
    %dma_start3A_20 = tpu.memref_squeeze %dma_start3A_19 : memref<1x128xi32, #tpu.memory_space<hbm>> -> memref<128xi32, #tpu.memory_space<hbm>>
    %dma_start3A_21 = arith.constant 0 : i32
    %dma_start3A_22 = tpu.memref_slice %arg4[%add3A_17, %dma_start3A_21] : memref<2816x128xi32, #tpu.memory_space<hbm>> -> memref<1x128xi32, #tpu.memory_space<hbm>>
    %dma_start3A_23 = tpu.memref_squeeze %dma_start3A_22 : memref<1x128xi32, #tpu.memory_space<hbm>> -> memref<128xi32, #tpu.memory_space<hbm>>
    tpu.enqueue_dma source(%dma_start3A_23 : memref<128xi32, #tpu.memory_space<hbm>>) target(%arg11 : memref<128xi32, #tpu.memory_space<vmem>>) target_semaphore(%arg26 : memref<!tpu.dma_semaphore, #tpu.memory_space<semaphore_mem>>)
    %add3A_24 = arith.constant 1 : i32
    %add3A_25 = arith.addi %mul3A_2, %add3A_24 : i32
    %dma_start3A_26 = arith.constant 0 : i32
    %dma_start3A_27 = tpu.memref_slice %arg3[%add3A_25, %dma_start3A_26] : memref<2816x128xi32, #tpu.memory_space<hbm>> -> memref<1x128xi32, #tpu.memory_space<hbm>>
    %dma_start3A_28 = tpu.memref_squeeze %dma_start3A_27 : memref<1x128xi32, #tpu.memory_space<hbm>> -> memref<128xi32, #tpu.memory_space<hbm>>
    %dma_start3A_29 = arith.constant 0 : i32
    %dma_start3A_30 = tpu.memref_slice %arg3[%add3A_25, %dma_start3A_29] : memref<2816x128xi32, #tpu.memory_space<hbm>> -> memref<1x128xi32, #tpu.memory_space<hbm>>
    %dma_start3A_31 = tpu.memref_squeeze %dma_start3A_30 : memref<1x128xi32, #tpu.memory_space<hbm>> -> memref<128xi32, #tpu.memory_space<hbm>>
    tpu.enqueue_dma source(%dma_start3A_31 : memref<128xi32, #tpu.memory_space<hbm>>) target(%arg9 : memref<128xi32, #tpu.memory_space<vmem>>) target_semaphore(%arg27 : memref<!tpu.dma_semaphore, #tpu.memory_space<semaphore_mem>>)
    %add3A_32 = arith.constant 1 : i32
    %add3A_33 = arith.addi %mul3A_2, %add3A_32 : i32
    %dma_start3A_34 = arith.constant 0 : i32
    %dma_start3A_35 = tpu.memref_slice %arg4[%add3A_33, %dma_start3A_34] : memref<2816x128xi32, #tpu.memory_space<hbm>> -> memref<1x128xi32, #tpu.memory_space<hbm>>
    %dma_start3A_36 = tpu.memref_squeeze %dma_start3A_35 : memref<1x128xi32, #tpu.memory_space<hbm>> -> memref<128xi32, #tpu.memory_space<hbm>>
    %dma_start3A_37 = arith.constant 0 : i32
    %dma_start3A_38 = tpu.memref_slice %arg4[%add3A_33, %dma_start3A_37] : memref<2816x128xi32, #tpu.memory_space<hbm>> -> memref<1x128xi32, #tpu.memory_space<hbm>>
    %dma_start3A_39 = tpu.memref_squeeze %dma_start3A_38 : memref<1x128xi32, #tpu.memory_space<hbm>> -> memref<128xi32, #tpu.memory_space<hbm>>
    tpu.enqueue_dma source(%dma_start3A_39 : memref<128xi32, #tpu.memory_space<hbm>>) target(%arg12 : memref<128xi32, #tpu.memory_space<vmem>>) target_semaphore(%arg27 : memref<!tpu.dma_semaphore, #tpu.memory_space<semaphore_mem>>)
    %add3A_40 = arith.constant 2 : i32
    %add3A_41 = arith.addi %mul3A_2, %add3A_40 : i32
    %dma_start3A_42 = arith.constant 0 : i32
    %dma_start3A_43 = tpu.memref_slice %arg3[%add3A_41, %dma_start3A_42] : memref<2816x128xi32, #tpu.memory_space<hbm>> -> memref<1x128xi32, #tpu.memory_space<hbm>>
    %dma_start3A_44 = tpu.memref_squeeze %dma_start3A_43 : memref<1x128xi32, #tpu.memory_space<hbm>> -> memref<128xi32, #tpu.memory_space<hbm>>
    %dma_start3A_45 = arith.constant 0 : i32
    %dma_start3A_46 = tpu.memref_slice %arg3[%add3A_41, %dma_start3A_45] : memref<2816x128xi32, #tpu.memory_space<hbm>> -> memref<1x128xi32, #tpu.memory_space<hbm>>
    %dma_start3A_47 = tpu.memref_squeeze %dma_start3A_46 : memref<1x128xi32, #tpu.memory_space<hbm>> -> memref<128xi32, #tpu.memory_space<hbm>>
    tpu.enqueue_dma source(%dma_start3A_47 : memref<128xi32, #tpu.memory_space<hbm>>) target(%arg10 : memref<128xi32, #tpu.memory_space<vmem>>) target_semaphore(%arg28 : memref<!tpu.dma_semaphore, #tpu.memory_space<semaphore_mem>>)
    %add3A_48 = arith.constant 2 : i32
    %add3A_49 = arith.addi %mul3A_2, %add3A_48 : i32
    %dma_start3A_50 = arith.constant 0 : i32
    %dma_start3A_51 = tpu.memref_slice %arg4[%add3A_49, %dma_start3A_50] : memref<2816x128xi32, #tpu.memory_space<hbm>> -> memref<1x128xi32, #tpu.memory_space<hbm>>
    %dma_start3A_52 = tpu.memref_squeeze %dma_start3A_51 : memref<1x128xi32, #tpu.memory_space<hbm>> -> memref<128xi32, #tpu.memory_space<hbm>>
    %dma_start3A_53 = arith.constant 0 : i32
    %dma_start3A_54 = tpu.memref_slice %arg4[%add3A_49, %dma_start3A_53] : memref<2816x128xi32, #tpu.memory_space<hbm>> -> memref<1x128xi32, #tpu.memory_space<hbm>>
    %dma_start3A_55 = tpu.memref_squeeze %dma_start3A_54 : memref<1x128xi32, #tpu.memory_space<hbm>> -> memref<128xi32, #tpu.memory_space<hbm>>
    tpu.enqueue_dma source(%dma_start3A_55 : memref<128xi32, #tpu.memory_space<hbm>>) target(%arg13 : memref<128xi32, #tpu.memory_space<vmem>>) target_semaphore(%arg28 : memref<!tpu.dma_semaphore, #tpu.memory_space<semaphore_mem>>)
    %dma_wait3A = arith.constant 0 : i32
    %dma_wait3A_56 = arith.constant 0 : i32
    %dma_wait3A_57 = tpu.memref_slice %arg3[%dma_wait3A, %dma_wait3A_56] : memref<2816x128xi32, #tpu.memory_space<hbm>> -> memref<1x128xi32, #tpu.memory_space<hbm>>
    %dma_wait3A_58 = tpu.memref_squeeze %dma_wait3A_57 : memref<1x128xi32, #tpu.memory_space<hbm>> -> memref<128xi32, #tpu.memory_space<hbm>>
    %dma_wait3A_59 = arith.constant 0 : i32
    %dma_wait3A_60 = tpu.memref_slice %arg3[%dma_wait3A, %dma_wait3A_59] : memref<2816x128xi32, #tpu.memory_space<hbm>> -> memref<1x128xi32, #tpu.memory_space<hbm>>
    %dma_wait3A_61 = tpu.memref_squeeze %dma_wait3A_60 : memref<1x128xi32, #tpu.memory_space<hbm>> -> memref<128xi32, #tpu.memory_space<hbm>>
    tpu.wait_dma2 semaphore(%arg26 : memref<!tpu.dma_semaphore, #tpu.memory_space<semaphore_mem>>) src(%dma_wait3A_61 : memref<128xi32, #tpu.memory_space<hbm>>) dst(%arg8 : memref<128xi32, #tpu.memory_space<vmem>>)
    %dma_wait3A_62 = arith.constant 0 : i32
    %dma_wait3A_63 = arith.constant 0 : i32
    %dma_wait3A_64 = tpu.memref_slice %arg4[%dma_wait3A_62, %dma_wait3A_63] : memref<2816x128xi32, #tpu.memory_space<hbm>> -> memref<1x128xi32, #tpu.memory_space<hbm>>
    %dma_wait3A_65 = tpu.memref_squeeze %dma_wait3A_64 : memref<1x128xi32, #tpu.memory_space<hbm>> -> memref<128xi32, #tpu.memory_space<hbm>>
    %dma_wait3A_66 = arith.constant 0 : i32
    %dma_wait3A_67 = tpu.memref_slice %arg4[%dma_wait3A_62, %dma_wait3A_66] : memref<2816x128xi32, #tpu.memory_space<hbm>> -> memref<1x128xi32, #tpu.memory_space<hbm>>
    %dma_wait3A_68 = tpu.memref_squeeze %dma_wait3A_67 : memref<1x128xi32, #tpu.memory_space<hbm>> -> memref<128xi32, #tpu.memory_space<hbm>>
    tpu.wait_dma2 semaphore(%arg26 : memref<!tpu.dma_semaphore, #tpu.memory_space<semaphore_mem>>) src(%dma_wait3A_68 : memref<128xi32, #tpu.memory_space<hbm>>) dst(%arg11 : memref<128xi32, #tpu.memory_space<vmem>>)
    %dma_start3A_69 = arith.constant 0 : i32
    %dma_start3A_70 = arith.constant 0 : i32
    %dma_start3A_71 = tpu.memref_slice %arg2[%dma_start3A_69, %dma_start3A_70] : memref<10000x128xf32, #tpu.memory_space<hbm>> -> memref<10000x128xf32, #tpu.memory_space<hbm>>
    tpu.enqueue_indirect_dma source(%dma_start3A_71 : memref<10000x128xf32, #tpu.memory_space<hbm>>) target(%arg17 : memref<128x128xf32, #tpu.memory_space<vmem>>) offsets(%arg8 : memref<128xi32, #tpu.memory_space<vmem>>) semaphore(%arg20 : memref<!tpu.dma_semaphore, #tpu.memory_space<semaphore_mem>>)
    %dma_wait3A_72 = arith.constant 0 : i32
    %dma_wait3A_73 = arith.constant 0 : i32
    %dma_wait3A_74 = tpu.memref_slice %arg3[%dma_wait3A_72, %dma_wait3A_73] : memref<2816x128xi32, #tpu.memory_space<hbm>> -> memref<1x128xi32, #tpu.memory_space<hbm>>
    %dma_wait3A_75 = tpu.memref_squeeze %dma_wait3A_74 : memref<1x128xi32, #tpu.memory_space<hbm>> -> memref<128xi32, #tpu.memory_space<hbm>>
    %dma_wait3A_76 = arith.constant 0 : i32
    %dma_wait3A_77 = tpu.memref_slice %arg3[%dma_wait3A_72, %dma_wait3A_76] : memref<2816x128xi32, #tpu.memory_space<hbm>> -> memref<1x128xi32, #tpu.memory_space<hbm>>
    %dma_wait3A_78 = tpu.memref_squeeze %dma_wait3A_77 : memref<1x128xi32, #tpu.memory_space<hbm>> -> memref<128xi32, #tpu.memory_space<hbm>>
    tpu.wait_dma2 semaphore(%arg27 : memref<!tpu.dma_semaphore, #tpu.memory_space<semaphore_mem>>) src(%dma_wait3A_78 : memref<128xi32, #tpu.memory_space<hbm>>) dst(%arg9 : memref<128xi32, #tpu.memory_space<vmem>>)
    %dma_wait3A_79 = arith.constant 0 : i32
    %dma_wait3A_80 = arith.constant 0 : i32
    %dma_wait3A_81 = tpu.memref_slice %arg4[%dma_wait3A_79, %dma_wait3A_80] : memref<2816x128xi32, #tpu.memory_space<hbm>> -> memref<1x128xi32, #tpu.memory_space<hbm>>
    %dma_wait3A_82 = tpu.memref_squeeze %dma_wait3A_81 : memref<1x128xi32, #tpu.memory_space<hbm>> -> memref<128xi32, #tpu.memory_space<hbm>>
    %dma_wait3A_83 = arith.constant 0 : i32
    %dma_wait3A_84 = tpu.memref_slice %arg4[%dma_wait3A_79, %dma_wait3A_83] : memref<2816x128xi32, #tpu.memory_space<hbm>> -> memref<1x128xi32, #tpu.memory_space<hbm>>
    %dma_wait3A_85 = tpu.memref_squeeze %dma_wait3A_84 : memref<1x128xi32, #tpu.memory_space<hbm>> -> memref<128xi32, #tpu.memory_space<hbm>>
    tpu.wait_dma2 semaphore(%arg27 : memref<!tpu.dma_semaphore, #tpu.memory_space<semaphore_mem>>) src(%dma_wait3A_85 : memref<128xi32, #tpu.memory_space<hbm>>) dst(%arg12 : memref<128xi32, #tpu.memory_space<vmem>>)
    %dma_start3A_86 = arith.constant 0 : i32
    %dma_start3A_87 = arith.constant 0 : i32
    %dma_start3A_88 = tpu.memref_slice %arg2[%dma_start3A_86, %dma_start3A_87] : memref<10000x128xf32, #tpu.memory_space<hbm>> -> memref<10000x128xf32, #tpu.memory_space<hbm>>
    tpu.enqueue_indirect_dma source(%dma_start3A_88 : memref<10000x128xf32, #tpu.memory_space<hbm>>) target(%arg18 : memref<128x128xf32, #tpu.memory_space<vmem>>) offsets(%arg9 : memref<128xi32, #tpu.memory_space<vmem>>) semaphore(%arg21 : memref<!tpu.dma_semaphore, #tpu.memory_space<semaphore_mem>>)
    %barrier3A = arith.constant 0 : index
    tpu.barrier barrier_id(%barrier3A)
    %scan3A = arith.constant 0 : i32
    %scan3A_89 = arith.constant 0 : i32
    %scan3A_90 = arith.constant 14 : i32
    %scan3A_91 = arith.addi %scan3A_89, %scan3A_90 : i32
    %scan3A_92 = arith.constant 1 : i32
    scf.for %scan3A_108 = %scan3A_89 to %scan3A_91 step %scan3A_92  : i32 {
      %mul3A_109 = arith.constant 6 : i32
      %mul3A_110 = arith.muli %scan3A_108, %mul3A_109 : i32
      %add3A_111 = arith.constant 0 : i32
      %add3A_112 = arith.addi %mul3A_110, %add3A_111 : i32
      %dma_wait3A_113 = arith.constant 0 : i32
      %dma_wait3A_114 = arith.constant 0 : i32
      %dma_wait3A_115 = tpu.memref_slice %arg2[%dma_wait3A_113, %dma_wait3A_114] : memref<10000x128xf32, #tpu.memory_space<hbm>> -> memref<10000x128xf32, #tpu.memory_space<hbm>>
      tpu.wait_indirect_dma semaphore(%arg20 : memref<!tpu.dma_semaphore, #tpu.memory_space<semaphore_mem>>) src(%dma_wait3A_115 : memref<10000x128xf32, #tpu.memory_space<hbm>>) dst(%arg17 : memref<128x128xf32, #tpu.memory_space<vmem>>)
      %add3A_116 = arith.constant 3 : i32
      %add3A_117 = arith.addi %add3A_112, %add3A_116 : i32
      %lt3A_118 = arith.constant 84 : i32
      %lt3A_119 = arith.cmpi slt, %add3A_117, %lt3A_118 : i32
      %convert_element_type3A_120 = arith.extui %lt3A_119 : i1 to i32
      %cond3A_121 = arith.constant 0 : i32
      %cond3A_122 = arith.cmpi ne, %convert_element_type3A_120, %cond3A_121 : i32
      scf.if %cond3A_122 {
        %add3A_282 = arith.addi %mul3A_2, %add3A_112 : i32
        %add3A_283 = arith.constant 3 : i32
        %add3A_284 = arith.addi %add3A_282, %add3A_283 : i32
        %dma_start3A_285 = arith.constant 0 : i32
        %dma_start3A_286 = tpu.memref_slice %arg3[%add3A_284, %dma_start3A_285] : memref<2816x128xi32, #tpu.memory_space<hbm>> -> memref<1x128xi32, #tpu.memory_space<hbm>>
        %dma_start3A_287 = tpu.memref_squeeze %dma_start3A_286 : memref<1x128xi32, #tpu.memory_space<hbm>> -> memref<128xi32, #tpu.memory_space<hbm>>
        %dma_start3A_288 = arith.constant 0 : i32
        %dma_start3A_289 = tpu.memref_slice %arg3[%add3A_284, %dma_start3A_288] : memref<2816x128xi32, #tpu.memory_space<hbm>> -> memref<1x128xi32, #tpu.memory_space<hbm>>
        %dma_start3A_290 = tpu.memref_squeeze %dma_start3A_289 : memref<1x128xi32, #tpu.memory_space<hbm>> -> memref<128xi32, #tpu.memory_space<hbm>>
        tpu.enqueue_dma source(%dma_start3A_290 : memref<128xi32, #tpu.memory_space<hbm>>) target(%arg8 : memref<128xi32, #tpu.memory_space<vmem>>) target_semaphore(%arg26 : memref<!tpu.dma_semaphore, #tpu.memory_space<semaphore_mem>>)
        %add3A_291 = arith.addi %mul3A_2, %add3A_112 : i32
        %add3A_292 = arith.constant 3 : i32
        %add3A_293 = arith.addi %add3A_291, %add3A_292 : i32
        %dma_start3A_294 = arith.constant 0 : i32
        %dma_start3A_295 = tpu.memref_slice %arg4[%add3A_293, %dma_start3A_294] : memref<2816x128xi32, #tpu.memory_space<hbm>> -> memref<1x128xi32, #tpu.memory_space<hbm>>
        %dma_start3A_296 = tpu.memref_squeeze %dma_start3A_295 : memref<1x128xi32, #tpu.memory_space<hbm>> -> memref<128xi32, #tpu.memory_space<hbm>>
        %dma_start3A_297 = arith.constant 0 : i32
        %dma_start3A_298 = tpu.memref_slice %arg4[%add3A_293, %dma_start3A_297] : memref<2816x128xi32, #tpu.memory_space<hbm>> -> memref<1x128xi32, #tpu.memory_space<hbm>>
        %dma_start3A_299 = tpu.memref_squeeze %dma_start3A_298 : memref<1x128xi32, #tpu.memory_space<hbm>> -> memref<128xi32, #tpu.memory_space<hbm>>
        tpu.enqueue_dma source(%dma_start3A_299 : memref<128xi32, #tpu.memory_space<hbm>>) target(%arg14 : memref<128xi32, #tpu.memory_space<vmem>>) target_semaphore(%arg26 : memref<!tpu.dma_semaphore, #tpu.memory_space<semaphore_mem>>)
      } else {
      }
      %dma_start3A_123 = arith.constant 0 : i32
      %dma_start3A_124 = arith.constant 0 : i32
      %dma_start3A_125 = tpu.memref_slice %arg7[%dma_start3A_123, %dma_start3A_124] : memref<10016x128xf32, #tpu.memory_space<vmem_shared>> -> memref<10016x128xf32, #tpu.memory_space<vmem_shared>>
      tpu.enqueue_indirect_dma source(%arg17 : memref<128x128xf32, #tpu.memory_space<vmem>>) target(%dma_start3A_125 : memref<10016x128xf32, #tpu.memory_space<vmem_shared>>) offsets(%arg11 : memref<128xi32, #tpu.memory_space<vmem>>) semaphore(%arg23 : memref<!tpu.dma_semaphore, #tpu.memory_space<semaphore_mem>>) {add = true}
      %ge3A = arith.constant 1 : i32
      %ge3A_126 = arith.cmpi sge, %add3A_112, %ge3A : i32
      %convert_element_type3A_127 = arith.extui %ge3A_126 : i1 to i32
      %cond3A_128 = arith.constant 0 : i32
      %cond3A_129 = arith.cmpi ne, %convert_element_type3A_127, %cond3A_128 : i32
      scf.if %cond3A_129 {
        %dma_wait3A_282 = arith.constant 0 : i32
        %dma_wait3A_283 = arith.constant 0 : i32
        %dma_wait3A_284 = tpu.memref_slice %arg7[%dma_wait3A_282, %dma_wait3A_283] : memref<10016x128xf32, #tpu.memory_space<vmem_shared>> -> memref<10016x128xf32, #tpu.memory_space<vmem_shared>>
        tpu.wait_indirect_dma semaphore(%arg25 : memref<!tpu.dma_semaphore, #tpu.memory_space<semaphore_mem>>) src(%arg19 : memref<128x128xf32, #tpu.memory_space<vmem>>) dst(%dma_wait3A_284 : memref<10016x128xf32, #tpu.memory_space<vmem_shared>>)
      } else {
      }
      %add3A_130 = arith.constant 2 : i32
      %add3A_131 = arith.addi %add3A_112, %add3A_130 : i32
      %lt3A_132 = arith.constant 84 : i32
      %lt3A_133 = arith.cmpi slt, %add3A_131, %lt3A_132 : i32
      %convert_element_type3A_134 = arith.extui %lt3A_133 : i1 to i32
      %cond3A_135 = arith.constant 0 : i32
      %cond3A_136 = arith.cmpi ne, %convert_element_type3A_134, %cond3A_135 : i32
      scf.if %cond3A_136 {
        %dma_wait3A_282 = arith.constant 0 : i32
        %dma_wait3A_283 = arith.constant 0 : i32
        %dma_wait3A_284 = tpu.memref_slice %arg3[%dma_wait3A_282, %dma_wait3A_283] : memref<2816x128xi32, #tpu.memory_space<hbm>> -> memref<1x128xi32, #tpu.memory_space<hbm>>
        %dma_wait3A_285 = tpu.memref_squeeze %dma_wait3A_284 : memref<1x128xi32, #tpu.memory_space<hbm>> -> memref<128xi32, #tpu.memory_space<hbm>>
        %dma_wait3A_286 = arith.constant 0 : i32
        %dma_wait3A_287 = tpu.memref_slice %arg3[%dma_wait3A_282, %dma_wait3A_286] : memref<2816x128xi32, #tpu.memory_space<hbm>> -> memref<1x128xi32, #tpu.memory_space<hbm>>
        %dma_wait3A_288 = tpu.memref_squeeze %dma_wait3A_287 : memref<1x128xi32, #tpu.memory_space<hbm>> -> memref<128xi32, #tpu.memory_space<hbm>>
        tpu.wait_dma2 semaphore(%arg28 : memref<!tpu.dma_semaphore, #tpu.memory_space<semaphore_mem>>) src(%dma_wait3A_288 : memref<128xi32, #tpu.memory_space<hbm>>) dst(%arg10 : memref<128xi32, #tpu.memory_space<vmem>>)
        %dma_wait3A_289 = arith.constant 0 : i32
        %dma_wait3A_290 = arith.constant 0 : i32
        %dma_wait3A_291 = tpu.memref_slice %arg4[%dma_wait3A_289, %dma_wait3A_290] : memref<2816x128xi32, #tpu.memory_space<hbm>> -> memref<1x128xi32, #tpu.memory_space<hbm>>
        %dma_wait3A_292 = tpu.memref_squeeze %dma_wait3A_291 : memref<1x128xi32, #tpu.memory_space<hbm>> -> memref<128xi32, #tpu.memory_space<hbm>>
        %dma_wait3A_293 = arith.constant 0 : i32
        %dma_wait3A_294 = tpu.memref_slice %arg4[%dma_wait3A_289, %dma_wait3A_293] : memref<2816x128xi32, #tpu.memory_space<hbm>> -> memref<1x128xi32, #tpu.memory_space<hbm>>
        %dma_wait3A_295 = tpu.memref_squeeze %dma_wait3A_294 : memref<1x128xi32, #tpu.memory_space<hbm>> -> memref<128xi32, #tpu.memory_space<hbm>>
        tpu.wait_dma2 semaphore(%arg28 : memref<!tpu.dma_semaphore, #tpu.memory_space<semaphore_mem>>) src(%dma_wait3A_295 : memref<128xi32, #tpu.memory_space<hbm>>) dst(%arg13 : memref<128xi32, #tpu.memory_space<vmem>>)
        %dma_start3A_296 = arith.constant 0 : i32
        %dma_start3A_297 = arith.constant 0 : i32
        %dma_start3A_298 = tpu.memref_slice %arg2[%dma_start3A_296, %dma_start3A_297] : memref<10000x128xf32, #tpu.memory_space<hbm>> -> memref<10000x128xf32, #tpu.memory_space<hbm>>
        tpu.enqueue_indirect_dma source(%dma_start3A_298 : memref<10000x128xf32, #tpu.memory_space<hbm>>) target(%arg19 : memref<128x128xf32, #tpu.memory_space<vmem>>) offsets(%arg10 : memref<128xi32, #tpu.memory_space<vmem>>) semaphore(%arg22 : memref<!tpu.dma_semaphore, #tpu.memory_space<semaphore_mem>>)
      } else {
      }
      %mul3A_137 = arith.constant 6 : i32
      %mul3A_138 = arith.muli %scan3A_108, %mul3A_137 : i32
      %add3A_139 = arith.constant 1 : i32
      %add3A_140 = arith.addi %mul3A_138, %add3A_139 : i32
      %dma_wait3A_141 = arith.constant 0 : i32
      %dma_wait3A_142 = arith.constant 0 : i32
      %dma_wait3A_143 = tpu.memref_slice %arg2[%dma_wait3A_141, %dma_wait3A_142] : memref<10000x128xf32, #tpu.memory_space<hbm>> -> memref<10000x128xf32, #tpu.memory_space<hbm>>
      tpu.wait_indirect_dma semaphore(%arg21 : memref<!tpu.dma_semaphore, #tpu.memory_space<semaphore_mem>>) src(%dma_wait3A_143 : memref<10000x128xf32, #tpu.memory_space<hbm>>) dst(%arg18 : memref<128x128xf32, #tpu.memory_space<vmem>>)
      %add3A_144 = arith.constant 3 : i32
      %add3A_145 = arith.addi %add3A_140, %add3A_144 : i32
      %lt3A_146 = arith.constant 84 : i32
      %lt3A_147 = arith.cmpi slt, %add3A_145, %lt3A_146 : i32
      %convert_element_type3A_148 = arith.extui %lt3A_147 : i1 to i32
      %cond3A_149 = arith.constant 0 : i32
      %cond3A_150 = arith.cmpi ne, %convert_element_type3A_148, %cond3A_149 : i32
      scf.if %cond3A_150 {
        %add3A_282 = arith.addi %mul3A_2, %add3A_140 : i32
        %add3A_283 = arith.constant 3 : i32
        %add3A_284 = arith.addi %add3A_282, %add3A_283 : i32
        %dma_start3A_285 = arith.constant 0 : i32
        %dma_start3A_286 = tpu.memref_slice %arg3[%add3A_284, %dma_start3A_285] : memref<2816x128xi32, #tpu.memory_space<hbm>> -> memref<1x128xi32, #tpu.memory_space<hbm>>
        %dma_start3A_287 = tpu.memref_squeeze %dma_start3A_286 : memref<1x128xi32, #tpu.memory_space<hbm>> -> memref<128xi32, #tpu.memory_space<hbm>>
        %dma_start3A_288 = arith.constant 0 : i32
        %dma_start3A_289 = tpu.memref_slice %arg3[%add3A_284, %dma_start3A_288] : memref<2816x128xi32, #tpu.memory_space<hbm>> -> memref<1x128xi32, #tpu.memory_space<hbm>>
        %dma_start3A_290 = tpu.memref_squeeze %dma_start3A_289 : memref<1x128xi32, #tpu.memory_space<hbm>> -> memref<128xi32, #tpu.memory_space<hbm>>
        tpu.enqueue_dma source(%dma_start3A_290 : memref<128xi32, #tpu.memory_space<hbm>>) target(%arg9 : memref<128xi32, #tpu.memory_space<vmem>>) target_semaphore(%arg27 : memref<!tpu.dma_semaphore, #tpu.memory_space<semaphore_mem>>)
        %add3A_291 = arith.addi %mul3A_2, %add3A_140 : i32
        %add3A_292 = arith.constant 3 : i32
        %add3A_293 = arith.addi %add3A_291, %add3A_292 : i32
        %dma_start3A_294 = arith.constant 0 : i32
        %dma_start3A_295 = tpu.memref_slice %arg4[%add3A_293, %dma_start3A_294] : memref<2816x128xi32, #tpu.memory_space<hbm>> -> memref<1x128xi32, #tpu.memory_space<hbm>>
        %dma_start3A_296 = tpu.memref_squeeze %dma_start3A_295 : memref<1x128xi32, #tpu.memory_space<hbm>> -> memref<128xi32, #tpu.memory_space<hbm>>
        %dma_start3A_297 = arith.constant 0 : i32
        %dma_start3A_298 = tpu.memref_slice %arg4[%add3A_293, %dma_start3A_297] : memref<2816x128xi32, #tpu.memory_space<hbm>> -> memref<1x128xi32, #tpu.memory_space<hbm>>
        %dma_start3A_299 = tpu.memref_squeeze %dma_start3A_298 : memref<1x128xi32, #tpu.memory_space<hbm>> -> memref<128xi32, #tpu.memory_space<hbm>>
        tpu.enqueue_dma source(%dma_start3A_299 : memref<128xi32, #tpu.memory_space<hbm>>) target(%arg15 : memref<128xi32, #tpu.memory_space<vmem>>) target_semaphore(%arg27 : memref<!tpu.dma_semaphore, #tpu.memory_space<semaphore_mem>>)
      } else {
      }
      %dma_start3A_151 = arith.constant 0 : i32
      %dma_start3A_152 = arith.constant 0 : i32
      %dma_start3A_153 = tpu.memref_slice %arg7[%dma_start3A_151, %dma_start3A_152] : memref<10016x128xf32, #tpu.memory_space<vmem_shared>> -> memref<10016x128xf32, #tpu.memory_space<vmem_shared>>
      tpu.enqueue_indirect_dma source(%arg18 : memref<128x128xf32, #tpu.memory_space<vmem>>) target(%dma_start3A_153 : memref<10016x128xf32, #tpu.memory_space<vmem_shared>>) offsets(%arg12 : memref<128xi32, #tpu.memory_space<vmem>>) semaphore(%arg24 : memref<!tpu.dma_semaphore, #tpu.memory_space<semaphore_mem>>) {add = true}
      %ge3A_154 = arith.constant 1 : i32
      %ge3A_155 = arith.cmpi sge, %add3A_140, %ge3A_154 : i32
      %convert_element_type3A_156 = arith.extui %ge3A_155 : i1 to i32
      %cond3A_157 = arith.constant 0 : i32
      %cond3A_158 = arith.cmpi ne, %convert_element_type3A_156, %cond3A_157 : i32
      scf.if %cond3A_158 {
        %dma_wait3A_282 = arith.constant 0 : i32
        %dma_wait3A_283 = arith.constant 0 : i32
        %dma_wait3A_284 = tpu.memref_slice %arg7[%dma_wait3A_282, %dma_wait3A_283] : memref<10016x128xf32, #tpu.memory_space<vmem_shared>> -> memref<10016x128xf32, #tpu.memory_space<vmem_shared>>
        tpu.wait_indirect_dma semaphore(%arg23 : memref<!tpu.dma_semaphore, #tpu.memory_space<semaphore_mem>>) src(%arg17 : memref<128x128xf32, #tpu.memory_space<vmem>>) dst(%dma_wait3A_284 : memref<10016x128xf32, #tpu.memory_space<vmem_shared>>)
      } else {
      }
      %add3A_159 = arith.constant 2 : i32
      %add3A_160 = arith.addi %add3A_140, %add3A_159 : i32
      %lt3A_161 = arith.constant 84 : i32
      %lt3A_162 = arith.cmpi slt, %add3A_160, %lt3A_161 : i32
      %convert_element_type3A_163 = arith.extui %lt3A_162 : i1 to i32
      %cond3A_164 = arith.constant 0 : i32
      %cond3A_165 = arith.cmpi ne, %convert_element_type3A_163, %cond3A_164 : i32
      scf.if %cond3A_165 {
        %dma_wait3A_282 = arith.constant 0 : i32
        %dma_wait3A_283 = arith.constant 0 : i32
        %dma_wait3A_284 = tpu.memref_slice %arg3[%dma_wait3A_282, %dma_wait3A_283] : memref<2816x128xi32, #tpu.memory_space<hbm>> -> memref<1x128xi32, #tpu.memory_space<hbm>>
        %dma_wait3A_285 = tpu.memref_squeeze %dma_wait3A_284 : memref<1x128xi32, #tpu.memory_space<hbm>> -> memref<128xi32, #tpu.memory_space<hbm>>
        %dma_wait3A_286 = arith.constant 0 : i32
        %dma_wait3A_287 = tpu.memref_slice %arg3[%dma_wait3A_282, %dma_wait3A_286] : memref<2816x128xi32, #tpu.memory_space<hbm>> -> memref<1x128xi32, #tpu.memory_space<hbm>>
        %dma_wait3A_288 = tpu.memref_squeeze %dma_wait3A_287 : memref<1x128xi32, #tpu.memory_space<hbm>> -> memref<128xi32, #tpu.memory_space<hbm>>
        tpu.wait_dma2 semaphore(%arg26 : memref<!tpu.dma_semaphore, #tpu.memory_space<semaphore_mem>>) src(%dma_wait3A_288 : memref<128xi32, #tpu.memory_space<hbm>>) dst(%arg8 : memref<128xi32, #tpu.memory_space<vmem>>)
        %dma_wait3A_289 = arith.constant 0 : i32
        %dma_wait3A_290 = arith.constant 0 : i32
        %dma_wait3A_291 = tpu.memref_slice %arg4[%dma_wait3A_289, %dma_wait3A_290] : memref<2816x128xi32, #tpu.memory_space<hbm>> -> memref<1x128xi32, #tpu.memory_space<hbm>>
        %dma_wait3A_292 = tpu.memref_squeeze %dma_wait3A_291 : memref<1x128xi32, #tpu.memory_space<hbm>> -> memref<128xi32, #tpu.memory_space<hbm>>
        %dma_wait3A_293 = arith.constant 0 : i32
        %dma_wait3A_294 = tpu.memref_slice %arg4[%dma_wait3A_289, %dma_wait3A_293] : memref<2816x128xi32, #tpu.memory_space<hbm>> -> memref<1x128xi32, #tpu.memory_space<hbm>>
        %dma_wait3A_295 = tpu.memref_squeeze %dma_wait3A_294 : memref<1x128xi32, #tpu.memory_space<hbm>> -> memref<128xi32, #tpu.memory_space<hbm>>
        tpu.wait_dma2 semaphore(%arg26 : memref<!tpu.dma_semaphore, #tpu.memory_space<semaphore_mem>>) src(%dma_wait3A_295 : memref<128xi32, #tpu.memory_space<hbm>>) dst(%arg14 : memref<128xi32, #tpu.memory_space<vmem>>)
        %dma_start3A_296 = arith.constant 0 : i32
        %dma_start3A_297 = arith.constant 0 : i32
        %dma_start3A_298 = tpu.memref_slice %arg2[%dma_start3A_296, %dma_start3A_297] : memref<10000x128xf32, #tpu.memory_space<hbm>> -> memref<10000x128xf32, #tpu.memory_space<hbm>>
        tpu.enqueue_indirect_dma source(%dma_start3A_298 : memref<10000x128xf32, #tpu.memory_space<hbm>>) target(%arg17 : memref<128x128xf32, #tpu.memory_space<vmem>>) offsets(%arg8 : memref<128xi32, #tpu.memory_space<vmem>>) semaphore(%arg20 : memref<!tpu.dma_semaphore, #tpu.memory_space<semaphore_mem>>)
      } else {
      }
      %mul3A_166 = arith.constant 6 : i32
      %mul3A_167 = arith.muli %scan3A_108, %mul3A_166 : i32
      %add3A_168 = arith.constant 2 : i32
      %add3A_169 = arith.addi %mul3A_167, %add3A_168 : i32
      %dma_wait3A_170 = arith.constant 0 : i32
      %dma_wait3A_171 = arith.constant 0 : i32
      %dma_wait3A_172 = tpu.memref_slice %arg2[%dma_wait3A_170, %dma_wait3A_171] : memref<10000x128xf32, #tpu.memory_space<hbm>> -> memref<10000x128xf32, #tpu.memory_space<hbm>>
      tpu.wait_indirect_dma semaphore(%arg22 : memref<!tpu.dma_semaphore, #tpu.memory_space<semaphore_mem>>) src(%dma_wait3A_172 : memref<10000x128xf32, #tpu.memory_space<hbm>>) dst(%arg19 : memref<128x128xf32, #tpu.memory_space<vmem>>)
      %add3A_173 = arith.constant 3 : i32
      %add3A_174 = arith.addi %add3A_169, %add3A_173 : i32
      %lt3A_175 = arith.constant 84 : i32
      %lt3A_176 = arith.cmpi slt, %add3A_174, %lt3A_175 : i32
      %convert_element_type3A_177 = arith.extui %lt3A_176 : i1 to i32
      %cond3A_178 = arith.constant 0 : i32
      %cond3A_179 = arith.cmpi ne, %convert_element_type3A_177, %cond3A_178 : i32
      scf.if %cond3A_179 {
        %add3A_282 = arith.addi %mul3A_2, %add3A_169 : i32
        %add3A_283 = arith.constant 3 : i32
        %add3A_284 = arith.addi %add3A_282, %add3A_283 : i32
        %dma_start3A_285 = arith.constant 0 : i32
        %dma_start3A_286 = tpu.memref_slice %arg3[%add3A_284, %dma_start3A_285] : memref<2816x128xi32, #tpu.memory_space<hbm>> -> memref<1x128xi32, #tpu.memory_space<hbm>>
        %dma_start3A_287 = tpu.memref_squeeze %dma_start3A_286 : memref<1x128xi32, #tpu.memory_space<hbm>> -> memref<128xi32, #tpu.memory_space<hbm>>
        %dma_start3A_288 = arith.constant 0 : i32
        %dma_start3A_289 = tpu.memref_slice %arg3[%add3A_284, %dma_start3A_288] : memref<2816x128xi32, #tpu.memory_space<hbm>> -> memref<1x128xi32, #tpu.memory_space<hbm>>
        %dma_start3A_290 = tpu.memref_squeeze %dma_start3A_289 : memref<1x128xi32, #tpu.memory_space<hbm>> -> memref<128xi32, #tpu.memory_space<hbm>>
        tpu.enqueue_dma source(%dma_start3A_290 : memref<128xi32, #tpu.memory_space<hbm>>) target(%arg10 : memref<128xi32, #tpu.memory_space<vmem>>) target_semaphore(%arg28 : memref<!tpu.dma_semaphore, #tpu.memory_space<semaphore_mem>>)
        %add3A_291 = arith.addi %mul3A_2, %add3A_169 : i32
        %add3A_292 = arith.constant 3 : i32
        %add3A_293 = arith.addi %add3A_291, %add3A_292 : i32
        %dma_start3A_294 = arith.constant 0 : i32
        %dma_start3A_295 = tpu.memref_slice %arg4[%add3A_293, %dma_start3A_294] : memref<2816x128xi32, #tpu.memory_space<hbm>> -> memref<1x128xi32, #tpu.memory_space<hbm>>
        %dma_start3A_296 = tpu.memref_squeeze %dma_start3A_295 : memref<1x128xi32, #tpu.memory_space<hbm>> -> memref<128xi32, #tpu.memory_space<hbm>>
        %dma_start3A_297 = arith.constant 0 : i32
        %dma_start3A_298 = tpu.memref_slice %arg4[%add3A_293, %dma_start3A_297] : memref<2816x128xi32, #tpu.memory_space<hbm>> -> memref<1x128xi32, #tpu.memory_space<hbm>>
        %dma_start3A_299 = tpu.memref_squeeze %dma_start3A_298 : memref<1x128xi32, #tpu.memory_space<hbm>> -> memref<128xi32, #tpu.memory_space<hbm>>
        tpu.enqueue_dma source(%dma_start3A_299 : memref<128xi32, #tpu.memory_space<hbm>>) target(%arg16 : memref<128xi32, #tpu.memory_space<vmem>>) target_semaphore(%arg28 : memref<!tpu.dma_semaphore, #tpu.memory_space<semaphore_mem>>)
      } else {
      }
      %dma_start3A_180 = arith.constant 0 : i32
      %dma_start3A_181 = arith.constant 0 : i32
      %dma_start3A_182 = tpu.memref_slice %arg7[%dma_start3A_180, %dma_start3A_181] : memref<10016x128xf32, #tpu.memory_space<vmem_shared>> -> memref<10016x128xf32, #tpu.memory_space<vmem_shared>>
      tpu.enqueue_indirect_dma source(%arg19 : memref<128x128xf32, #tpu.memory_space<vmem>>) target(%dma_start3A_182 : memref<10016x128xf32, #tpu.memory_space<vmem_shared>>) offsets(%arg13 : memref<128xi32, #tpu.memory_space<vmem>>) semaphore(%arg25 : memref<!tpu.dma_semaphore, #tpu.memory_space<semaphore_mem>>) {add = true}
      %ge3A_183 = arith.constant 1 : i32
      %ge3A_184 = arith.cmpi sge, %add3A_169, %ge3A_183 : i32
      %convert_element_type3A_185 = arith.extui %ge3A_184 : i1 to i32
      %cond3A_186 = arith.constant 0 : i32
      %cond3A_187 = arith.cmpi ne, %convert_element_type3A_185, %cond3A_186 : i32
      scf.if %cond3A_187 {
        %dma_wait3A_282 = arith.constant 0 : i32
        %dma_wait3A_283 = arith.constant 0 : i32
        %dma_wait3A_284 = tpu.memref_slice %arg7[%dma_wait3A_282, %dma_wait3A_283] : memref<10016x128xf32, #tpu.memory_space<vmem_shared>> -> memref<10016x128xf32, #tpu.memory_space<vmem_shared>>
        tpu.wait_indirect_dma semaphore(%arg24 : memref<!tpu.dma_semaphore, #tpu.memory_space<semaphore_mem>>) src(%arg18 : memref<128x128xf32, #tpu.memory_space<vmem>>) dst(%dma_wait3A_284 : memref<10016x128xf32, #tpu.memory_space<vmem_shared>>)
      } else {
      }
      %add3A_188 = arith.constant 2 : i32
      %add3A_189 = arith.addi %add3A_169, %add3A_188 : i32
      %lt3A_190 = arith.constant 84 : i32
      %lt3A_191 = arith.cmpi slt, %add3A_189, %lt3A_190 : i32
      %convert_element_type3A_192 = arith.extui %lt3A_191 : i1 to i32
      %cond3A_193 = arith.constant 0 : i32
      %cond3A_194 = arith.cmpi ne, %convert_element_type3A_192, %cond3A_193 : i32
      scf.if %cond3A_194 {
        %dma_wait3A_282 = arith.constant 0 : i32
        %dma_wait3A_283 = arith.constant 0 : i32
        %dma_wait3A_284 = tpu.memref_slice %arg3[%dma_wait3A_282, %dma_wait3A_283] : memref<2816x128xi32, #tpu.memory_space<hbm>> -> memref<1x128xi32, #tpu.memory_space<hbm>>
        %dma_wait3A_285 = tpu.memref_squeeze %dma_wait3A_284 : memref<1x128xi32, #tpu.memory_space<hbm>> -> memref<128xi32, #tpu.memory_space<hbm>>
        %dma_wait3A_286 = arith.constant 0 : i32
        %dma_wait3A_287 = tpu.memref_slice %arg3[%dma_wait3A_282, %dma_wait3A_286] : memref<2816x128xi32, #tpu.memory_space<hbm>> -> memref<1x128xi32, #tpu.memory_space<hbm>>
        %dma_wait3A_288 = tpu.memref_squeeze %dma_wait3A_287 : memref<1x128xi32, #tpu.memory_space<hbm>> -> memref<128xi32, #tpu.memory_space<hbm>>
        tpu.wait_dma2 semaphore(%arg27 : memref<!tpu.dma_semaphore, #tpu.memory_space<semaphore_mem>>) src(%dma_wait3A_288 : memref<128xi32, #tpu.memory_space<hbm>>) dst(%arg9 : memref<128xi32, #tpu.memory_space<vmem>>)
        %dma_wait3A_289 = arith.constant 0 : i32
        %dma_wait3A_290 = arith.constant 0 : i32
        %dma_wait3A_291 = tpu.memref_slice %arg4[%dma_wait3A_289, %dma_wait3A_290] : memref<2816x128xi32, #tpu.memory_space<hbm>> -> memref<1x128xi32, #tpu.memory_space<hbm>>
        %dma_wait3A_292 = tpu.memref_squeeze %dma_wait3A_291 : memref<1x128xi32, #tpu.memory_space<hbm>> -> memref<128xi32, #tpu.memory_space<hbm>>
        %dma_wait3A_293 = arith.constant 0 : i32
        %dma_wait3A_294 = tpu.memref_slice %arg4[%dma_wait3A_289, %dma_wait3A_293] : memref<2816x128xi32, #tpu.memory_space<hbm>> -> memref<1x128xi32, #tpu.memory_space<hbm>>
        %dma_wait3A_295 = tpu.memref_squeeze %dma_wait3A_294 : memref<1x128xi32, #tpu.memory_space<hbm>> -> memref<128xi32, #tpu.memory_space<hbm>>
        tpu.wait_dma2 semaphore(%arg27 : memref<!tpu.dma_semaphore, #tpu.memory_space<semaphore_mem>>) src(%dma_wait3A_295 : memref<128xi32, #tpu.memory_space<hbm>>) dst(%arg15 : memref<128xi32, #tpu.memory_space<vmem>>)
        %dma_start3A_296 = arith.constant 0 : i32
        %dma_start3A_297 = arith.constant 0 : i32
        %dma_start3A_298 = tpu.memref_slice %arg2[%dma_start3A_296, %dma_start3A_297] : memref<10000x128xf32, #tpu.memory_space<hbm>> -> memref<10000x128xf32, #tpu.memory_space<hbm>>
        tpu.enqueue_indirect_dma source(%dma_start3A_298 : memref<10000x128xf32, #tpu.memory_space<hbm>>) target(%arg18 : memref<128x128xf32, #tpu.memory_space<vmem>>) offsets(%arg9 : memref<128xi32, #tpu.memory_space<vmem>>) semaphore(%arg21 : memref<!tpu.dma_semaphore, #tpu.memory_space<semaphore_mem>>)
      } else {
      }
      %mul3A_195 = arith.constant 6 : i32
      %mul3A_196 = arith.muli %scan3A_108, %mul3A_195 : i32
      %add3A_197 = arith.constant 3 : i32
      %add3A_198 = arith.addi %mul3A_196, %add3A_197 : i32
      %dma_wait3A_199 = arith.constant 0 : i32
      %dma_wait3A_200 = arith.constant 0 : i32
      %dma_wait3A_201 = tpu.memref_slice %arg2[%dma_wait3A_199, %dma_wait3A_200] : memref<10000x128xf32, #tpu.memory_space<hbm>> -> memref<10000x128xf32, #tpu.memory_space<hbm>>
      tpu.wait_indirect_dma semaphore(%arg20 : memref<!tpu.dma_semaphore, #tpu.memory_space<semaphore_mem>>) src(%dma_wait3A_201 : memref<10000x128xf32, #tpu.memory_space<hbm>>) dst(%arg17 : memref<128x128xf32, #tpu.memory_space<vmem>>)
      %add3A_202 = arith.constant 3 : i32
      %add3A_203 = arith.addi %add3A_198, %add3A_202 : i32
      %lt3A_204 = arith.constant 84 : i32
      %lt3A_205 = arith.cmpi slt, %add3A_203, %lt3A_204 : i32
      %convert_element_type3A_206 = arith.extui %lt3A_205 : i1 to i32
      %cond3A_207 = arith.constant 0 : i32
      %cond3A_208 = arith.cmpi ne, %convert_element_type3A_206, %cond3A_207 : i32
      scf.if %cond3A_208 {
        %add3A_282 = arith.addi %mul3A_2, %add3A_198 : i32
        %add3A_283 = arith.constant 3 : i32
        %add3A_284 = arith.addi %add3A_282, %add3A_283 : i32
        %dma_start3A_285 = arith.constant 0 : i32
        %dma_start3A_286 = tpu.memref_slice %arg3[%add3A_284, %dma_start3A_285] : memref<2816x128xi32, #tpu.memory_space<hbm>> -> memref<1x128xi32, #tpu.memory_space<hbm>>
        %dma_start3A_287 = tpu.memref_squeeze %dma_start3A_286 : memref<1x128xi32, #tpu.memory_space<hbm>> -> memref<128xi32, #tpu.memory_space<hbm>>
        %dma_start3A_288 = arith.constant 0 : i32
        %dma_start3A_289 = tpu.memref_slice %arg3[%add3A_284, %dma_start3A_288] : memref<2816x128xi32, #tpu.memory_space<hbm>> -> memref<1x128xi32, #tpu.memory_space<hbm>>
        %dma_start3A_290 = tpu.memref_squeeze %dma_start3A_289 : memref<1x128xi32, #tpu.memory_space<hbm>> -> memref<128xi32, #tpu.memory_space<hbm>>
        tpu.enqueue_dma source(%dma_start3A_290 : memref<128xi32, #tpu.memory_space<hbm>>) target(%arg8 : memref<128xi32, #tpu.memory_space<vmem>>) target_semaphore(%arg26 : memref<!tpu.dma_semaphore, #tpu.memory_space<semaphore_mem>>)
        %add3A_291 = arith.addi %mul3A_2, %add3A_198 : i32
        %add3A_292 = arith.constant 3 : i32
        %add3A_293 = arith.addi %add3A_291, %add3A_292 : i32
        %dma_start3A_294 = arith.constant 0 : i32
        %dma_start3A_295 = tpu.memref_slice %arg4[%add3A_293, %dma_start3A_294] : memref<2816x128xi32, #tpu.memory_space<hbm>> -> memref<1x128xi32, #tpu.memory_space<hbm>>
        %dma_start3A_296 = tpu.memref_squeeze %dma_start3A_295 : memref<1x128xi32, #tpu.memory_space<hbm>> -> memref<128xi32, #tpu.memory_space<hbm>>
        %dma_start3A_297 = arith.constant 0 : i32
        %dma_start3A_298 = tpu.memref_slice %arg4[%add3A_293, %dma_start3A_297] : memref<2816x128xi32, #tpu.memory_space<hbm>> -> memref<1x128xi32, #tpu.memory_space<hbm>>
        %dma_start3A_299 = tpu.memref_squeeze %dma_start3A_298 : memref<1x128xi32, #tpu.memory_space<hbm>> -> memref<128xi32, #tpu.memory_space<hbm>>
        tpu.enqueue_dma source(%dma_start3A_299 : memref<128xi32, #tpu.memory_space<hbm>>) target(%arg11 : memref<128xi32, #tpu.memory_space<vmem>>) target_semaphore(%arg26 : memref<!tpu.dma_semaphore, #tpu.memory_space<semaphore_mem>>)
      } else {
      }
      %dma_start3A_209 = arith.constant 0 : i32
      %dma_start3A_210 = arith.constant 0 : i32
      %dma_start3A_211 = tpu.memref_slice %arg7[%dma_start3A_209, %dma_start3A_210] : memref<10016x128xf32, #tpu.memory_space<vmem_shared>> -> memref<10016x128xf32, #tpu.memory_space<vmem_shared>>
      tpu.enqueue_indirect_dma source(%arg17 : memref<128x128xf32, #tpu.memory_space<vmem>>) target(%dma_start3A_211 : memref<10016x128xf32, #tpu.memory_space<vmem_shared>>) offsets(%arg14 : memref<128xi32, #tpu.memory_space<vmem>>) semaphore(%arg23 : memref<!tpu.dma_semaphore, #tpu.memory_space<semaphore_mem>>) {add = true}
      %ge3A_212 = arith.constant 1 : i32
      %ge3A_213 = arith.cmpi sge, %add3A_198, %ge3A_212 : i32
      %convert_element_type3A_214 = arith.extui %ge3A_213 : i1 to i32
      %cond3A_215 = arith.constant 0 : i32
      %cond3A_216 = arith.cmpi ne, %convert_element_type3A_214, %cond3A_215 : i32
      scf.if %cond3A_216 {
        %dma_wait3A_282 = arith.constant 0 : i32
        %dma_wait3A_283 = arith.constant 0 : i32
        %dma_wait3A_284 = tpu.memref_slice %arg7[%dma_wait3A_282, %dma_wait3A_283] : memref<10016x128xf32, #tpu.memory_space<vmem_shared>> -> memref<10016x128xf32, #tpu.memory_space<vmem_shared>>
        tpu.wait_indirect_dma semaphore(%arg25 : memref<!tpu.dma_semaphore, #tpu.memory_space<semaphore_mem>>) src(%arg19 : memref<128x128xf32, #tpu.memory_space<vmem>>) dst(%dma_wait3A_284 : memref<10016x128xf32, #tpu.memory_space<vmem_shared>>)
      } else {
      }
      %add3A_217 = arith.constant 2 : i32
      %add3A_218 = arith.addi %add3A_198, %add3A_217 : i32
      %lt3A_219 = arith.constant 84 : i32
      %lt3A_220 = arith.cmpi slt, %add3A_218, %lt3A_219 : i32
      %convert_element_type3A_221 = arith.extui %lt3A_220 : i1 to i32
      %cond3A_222 = arith.constant 0 : i32
      %cond3A_223 = arith.cmpi ne, %convert_element_type3A_221, %cond3A_222 : i32
      scf.if %cond3A_223 {
        %dma_wait3A_282 = arith.constant 0 : i32
        %dma_wait3A_283 = arith.constant 0 : i32
        %dma_wait3A_284 = tpu.memref_slice %arg3[%dma_wait3A_282, %dma_wait3A_283] : memref<2816x128xi32, #tpu.memory_space<hbm>> -> memref<1x128xi32, #tpu.memory_space<hbm>>
        %dma_wait3A_285 = tpu.memref_squeeze %dma_wait3A_284 : memref<1x128xi32, #tpu.memory_space<hbm>> -> memref<128xi32, #tpu.memory_space<hbm>>
        %dma_wait3A_286 = arith.constant 0 : i32
        %dma_wait3A_287 = tpu.memref_slice %arg3[%dma_wait3A_282, %dma_wait3A_286] : memref<2816x128xi32, #tpu.memory_space<hbm>> -> memref<1x128xi32, #tpu.memory_space<hbm>>
        %dma_wait3A_288 = tpu.memref_squeeze %dma_wait3A_287 : memref<1x128xi32, #tpu.memory_space<hbm>> -> memref<128xi32, #tpu.memory_space<hbm>>
        tpu.wait_dma2 semaphore(%arg28 : memref<!tpu.dma_semaphore, #tpu.memory_space<semaphore_mem>>) src(%dma_wait3A_288 : memref<128xi32, #tpu.memory_space<hbm>>) dst(%arg10 : memref<128xi32, #tpu.memory_space<vmem>>)
        %dma_wait3A_289 = arith.constant 0 : i32
        %dma_wait3A_290 = arith.constant 0 : i32
        %dma_wait3A_291 = tpu.memref_slice %arg4[%dma_wait3A_289, %dma_wait3A_290] : memref<2816x128xi32, #tpu.memory_space<hbm>> -> memref<1x128xi32, #tpu.memory_space<hbm>>
        %dma_wait3A_292 = tpu.memref_squeeze %dma_wait3A_291 : memref<1x128xi32, #tpu.memory_space<hbm>> -> memref<128xi32, #tpu.memory_space<hbm>>
        %dma_wait3A_293 = arith.constant 0 : i32
        %dma_wait3A_294 = tpu.memref_slice %arg4[%dma_wait3A_289, %dma_wait3A_293] : memref<2816x128xi32, #tpu.memory_space<hbm>> -> memref<1x128xi32, #tpu.memory_space<hbm>>
        %dma_wait3A_295 = tpu.memref_squeeze %dma_wait3A_294 : memref<1x128xi32, #tpu.memory_space<hbm>> -> memref<128xi32, #tpu.memory_space<hbm>>
        tpu.wait_dma2 semaphore(%arg28 : memref<!tpu.dma_semaphore, #tpu.memory_space<semaphore_mem>>) src(%dma_wait3A_295 : memref<128xi32, #tpu.memory_space<hbm>>) dst(%arg16 : memref<128xi32, #tpu.memory_space<vmem>>)
        %dma_start3A_296 = arith.constant 0 : i32
        %dma_start3A_297 = arith.constant 0 : i32
        %dma_start3A_298 = tpu.memref_slice %arg2[%dma_start3A_296, %dma_start3A_297] : memref<10000x128xf32, #tpu.memory_space<hbm>> -> memref<10000x128xf32, #tpu.memory_space<hbm>>
        tpu.enqueue_indirect_dma source(%dma_start3A_298 : memref<10000x128xf32, #tpu.memory_space<hbm>>) target(%arg19 : memref<128x128xf32, #tpu.memory_space<vmem>>) offsets(%arg10 : memref<128xi32, #tpu.memory_space<vmem>>) semaphore(%arg22 : memref<!tpu.dma_semaphore, #tpu.memory_space<semaphore_mem>>)
      } else {
      }
      %mul3A_224 = arith.constant 6 : i32
      %mul3A_225 = arith.muli %scan3A_108, %mul3A_224 : i32
      %add3A_226 = arith.constant 4 : i32
      %add3A_227 = arith.addi %mul3A_225, %add3A_226 : i32
      %dma_wait3A_228 = arith.constant 0 : i32
      %dma_wait3A_229 = arith.constant 0 : i32
      %dma_wait3A_230 = tpu.memref_slice %arg2[%dma_wait3A_228, %dma_wait3A_229] : memref<10000x128xf32, #tpu.memory_space<hbm>> -> memref<10000x128xf32, #tpu.memory_space<hbm>>
      tpu.wait_indirect_dma semaphore(%arg21 : memref<!tpu.dma_semaphore, #tpu.memory_space<semaphore_mem>>) src(%dma_wait3A_230 : memref<10000x128xf32, #tpu.memory_space<hbm>>) dst(%arg18 : memref<128x128xf32, #tpu.memory_space<vmem>>)
      %add3A_231 = arith.constant 3 : i32
      %add3A_232 = arith.addi %add3A_227, %add3A_231 : i32
      %lt3A_233 = arith.constant 84 : i32
      %lt3A_234 = arith.cmpi slt, %add3A_232, %lt3A_233 : i32
      %convert_element_type3A_235 = arith.extui %lt3A_234 : i1 to i32
      %cond3A_236 = arith.constant 0 : i32
      %cond3A_237 = arith.cmpi ne, %convert_element_type3A_235, %cond3A_236 : i32
      scf.if %cond3A_237 {
        %add3A_282 = arith.addi %mul3A_2, %add3A_227 : i32
        %add3A_283 = arith.constant 3 : i32
        %add3A_284 = arith.addi %add3A_282, %add3A_283 : i32
        %dma_start3A_285 = arith.constant 0 : i32
        %dma_start3A_286 = tpu.memref_slice %arg3[%add3A_284, %dma_start3A_285] : memref<2816x128xi32, #tpu.memory_space<hbm>> -> memref<1x128xi32, #tpu.memory_space<hbm>>
        %dma_start3A_287 = tpu.memref_squeeze %dma_start3A_286 : memref<1x128xi32, #tpu.memory_space<hbm>> -> memref<128xi32, #tpu.memory_space<hbm>>
        %dma_start3A_288 = arith.constant 0 : i32
        %dma_start3A_289 = tpu.memref_slice %arg3[%add3A_284, %dma_start3A_288] : memref<2816x128xi32, #tpu.memory_space<hbm>> -> memref<1x128xi32, #tpu.memory_space<hbm>>
        %dma_start3A_290 = tpu.memref_squeeze %dma_start3A_289 : memref<1x128xi32, #tpu.memory_space<hbm>> -> memref<128xi32, #tpu.memory_space<hbm>>
        tpu.enqueue_dma source(%dma_start3A_290 : memref<128xi32, #tpu.memory_space<hbm>>) target(%arg9 : memref<128xi32, #tpu.memory_space<vmem>>) target_semaphore(%arg27 : memref<!tpu.dma_semaphore, #tpu.memory_space<semaphore_mem>>)
        %add3A_291 = arith.addi %mul3A_2, %add3A_227 : i32
        %add3A_292 = arith.constant 3 : i32
        %add3A_293 = arith.addi %add3A_291, %add3A_292 : i32
        %dma_start3A_294 = arith.constant 0 : i32
        %dma_start3A_295 = tpu.memref_slice %arg4[%add3A_293, %dma_start3A_294] : memref<2816x128xi32, #tpu.memory_space<hbm>> -> memref<1x128xi32, #tpu.memory_space<hbm>>
        %dma_start3A_296 = tpu.memref_squeeze %dma_start3A_295 : memref<1x128xi32, #tpu.memory_space<hbm>> -> memref<128xi32, #tpu.memory_space<hbm>>
        %dma_start3A_297 = arith.constant 0 : i32
        %dma_start3A_298 = tpu.memref_slice %arg4[%add3A_293, %dma_start3A_297] : memref<2816x128xi32, #tpu.memory_space<hbm>> -> memref<1x128xi32, #tpu.memory_space<hbm>>
        %dma_start3A_299 = tpu.memref_squeeze %dma_start3A_298 : memref<1x128xi32, #tpu.memory_space<hbm>> -> memref<128xi32, #tpu.memory_space<hbm>>
        tpu.enqueue_dma source(%dma_start3A_299 : memref<128xi32, #tpu.memory_space<hbm>>) target(%arg12 : memref<128xi32, #tpu.memory_space<vmem>>) target_semaphore(%arg27 : memref<!tpu.dma_semaphore, #tpu.memory_space<semaphore_mem>>)
      } else {
      }
      %dma_start3A_238 = arith.constant 0 : i32
      %dma_start3A_239 = arith.constant 0 : i32
      %dma_start3A_240 = tpu.memref_slice %arg7[%dma_start3A_238, %dma_start3A_239] : memref<10016x128xf32, #tpu.memory_space<vmem_shared>> -> memref<10016x128xf32, #tpu.memory_space<vmem_shared>>
      tpu.enqueue_indirect_dma source(%arg18 : memref<128x128xf32, #tpu.memory_space<vmem>>) target(%dma_start3A_240 : memref<10016x128xf32, #tpu.memory_space<vmem_shared>>) offsets(%arg15 : memref<128xi32, #tpu.memory_space<vmem>>) semaphore(%arg24 : memref<!tpu.dma_semaphore, #tpu.memory_space<semaphore_mem>>) {add = true}
      %ge3A_241 = arith.constant 1 : i32
      %ge3A_242 = arith.cmpi sge, %add3A_227, %ge3A_241 : i32
      %convert_element_type3A_243 = arith.extui %ge3A_242 : i1 to i32
      %cond3A_244 = arith.constant 0 : i32
      %cond3A_245 = arith.cmpi ne, %convert_element_type3A_243, %cond3A_244 : i32
      scf.if %cond3A_245 {
        %dma_wait3A_282 = arith.constant 0 : i32
        %dma_wait3A_283 = arith.constant 0 : i32
        %dma_wait3A_284 = tpu.memref_slice %arg7[%dma_wait3A_282, %dma_wait3A_283] : memref<10016x128xf32, #tpu.memory_space<vmem_shared>> -> memref<10016x128xf32, #tpu.memory_space<vmem_shared>>
        tpu.wait_indirect_dma semaphore(%arg23 : memref<!tpu.dma_semaphore, #tpu.memory_space<semaphore_mem>>) src(%arg17 : memref<128x128xf32, #tpu.memory_space<vmem>>) dst(%dma_wait3A_284 : memref<10016x128xf32, #tpu.memory_space<vmem_shared>>)
      } else {
      }
      %add3A_246 = arith.constant 2 : i32
      %add3A_247 = arith.addi %add3A_227, %add3A_246 : i32
      %lt3A_248 = arith.constant 84 : i32
      %lt3A_249 = arith.cmpi slt, %add3A_247, %lt3A_248 : i32
      %convert_element_type3A_250 = arith.extui %lt3A_249 : i1 to i32
      %cond3A_251 = arith.constant 0 : i32
      %cond3A_252 = arith.cmpi ne, %convert_element_type3A_250, %cond3A_251 : i32
      scf.if %cond3A_252 {
        %dma_wait3A_282 = arith.constant 0 : i32
        %dma_wait3A_283 = arith.constant 0 : i32
        %dma_wait3A_284 = tpu.memref_slice %arg3[%dma_wait3A_282, %dma_wait3A_283] : memref<2816x128xi32, #tpu.memory_space<hbm>> -> memref<1x128xi32, #tpu.memory_space<hbm>>
        %dma_wait3A_285 = tpu.memref_squeeze %dma_wait3A_284 : memref<1x128xi32, #tpu.memory_space<hbm>> -> memref<128xi32, #tpu.memory_space<hbm>>
        %dma_wait3A_286 = arith.constant 0 : i32
        %dma_wait3A_287 = tpu.memref_slice %arg3[%dma_wait3A_282, %dma_wait3A_286] : memref<2816x128xi32, #tpu.memory_space<hbm>> -> memref<1x128xi32, #tpu.memory_space<hbm>>
        %dma_wait3A_288 = tpu.memref_squeeze %dma_wait3A_287 : memref<1x128xi32, #tpu.memory_space<hbm>> -> memref<128xi32, #tpu.memory_space<hbm>>
        tpu.wait_dma2 semaphore(%arg26 : memref<!tpu.dma_semaphore, #tpu.memory_space<semaphore_mem>>) src(%dma_wait3A_288 : memref<128xi32, #tpu.memory_space<hbm>>) dst(%arg8 : memref<128xi32, #tpu.memory_space<vmem>>)
        %dma_wait3A_289 = arith.constant 0 : i32
        %dma_wait3A_290 = arith.constant 0 : i32
        %dma_wait3A_291 = tpu.memref_slice %arg4[%dma_wait3A_289, %dma_wait3A_290] : memref<2816x128xi32, #tpu.memory_space<hbm>> -> memref<1x128xi32, #tpu.memory_space<hbm>>
        %dma_wait3A_292 = tpu.memref_squeeze %dma_wait3A_291 : memref<1x128xi32, #tpu.memory_space<hbm>> -> memref<128xi32, #tpu.memory_space<hbm>>
        %dma_wait3A_293 = arith.constant 0 : i32
        %dma_wait3A_294 = tpu.memref_slice %arg4[%dma_wait3A_289, %dma_wait3A_293] : memref<2816x128xi32, #tpu.memory_space<hbm>> -> memref<1x128xi32, #tpu.memory_space<hbm>>
        %dma_wait3A_295 = tpu.memref_squeeze %dma_wait3A_294 : memref<1x128xi32, #tpu.memory_space<hbm>> -> memref<128xi32, #tpu.memory_space<hbm>>
        tpu.wait_dma2 semaphore(%arg26 : memref<!tpu.dma_semaphore, #tpu.memory_space<semaphore_mem>>) src(%dma_wait3A_295 : memref<128xi32, #tpu.memory_space<hbm>>) dst(%arg11 : memref<128xi32, #tpu.memory_space<vmem>>)
        %dma_start3A_296 = arith.constant 0 : i32
        %dma_start3A_297 = arith.constant 0 : i32
        %dma_start3A_298 = tpu.memref_slice %arg2[%dma_start3A_296, %dma_start3A_297] : memref<10000x128xf32, #tpu.memory_space<hbm>> -> memref<10000x128xf32, #tpu.memory_space<hbm>>
        tpu.enqueue_indirect_dma source(%dma_start3A_298 : memref<10000x128xf32, #tpu.memory_space<hbm>>) target(%arg17 : memref<128x128xf32, #tpu.memory_space<vmem>>) offsets(%arg8 : memref<128xi32, #tpu.memory_space<vmem>>) semaphore(%arg20 : memref<!tpu.dma_semaphore, #tpu.memory_space<semaphore_mem>>)
      } else {
      }
      %mul3A_253 = arith.constant 6 : i32
      %mul3A_254 = arith.muli %scan3A_108, %mul3A_253 : i32
      %add3A_255 = arith.constant 5 : i32
      %add3A_256 = arith.addi %mul3A_254, %add3A_255 : i32
      %dma_wait3A_257 = arith.constant 0 : i32
      %dma_wait3A_258 = arith.constant 0 : i32
      %dma_wait3A_259 = tpu.memref_slice %arg2[%dma_wait3A_257, %dma_wait3A_258] : memref<10000x128xf32, #tpu.memory_space<hbm>> -> memref<10000x128xf32, #tpu.memory_space<hbm>>
      tpu.wait_indirect_dma semaphore(%arg22 : memref<!tpu.dma_semaphore, #tpu.memory_space<semaphore_mem>>) src(%dma_wait3A_259 : memref<10000x128xf32, #tpu.memory_space<hbm>>) dst(%arg19 : memref<128x128xf32, #tpu.memory_space<vmem>>)
      %add3A_260 = arith.constant 3 : i32
      %add3A_261 = arith.addi %add3A_256, %add3A_260 : i32
      %lt3A_262 = arith.constant 84 : i32
      %lt3A_263 = arith.cmpi slt, %add3A_261, %lt3A_262 : i32
      %convert_element_type3A_264 = arith.extui %lt3A_263 : i1 to i32
      %cond3A_265 = arith.constant 0 : i32
      %cond3A_266 = arith.cmpi ne, %convert_element_type3A_264, %cond3A_265 : i32
      scf.if %cond3A_266 {
        %add3A_282 = arith.addi %mul3A_2, %add3A_256 : i32
        %add3A_283 = arith.constant 3 : i32
        %add3A_284 = arith.addi %add3A_282, %add3A_283 : i32
        %dma_start3A_285 = arith.constant 0 : i32
        %dma_start3A_286 = tpu.memref_slice %arg3[%add3A_284, %dma_start3A_285] : memref<2816x128xi32, #tpu.memory_space<hbm>> -> memref<1x128xi32, #tpu.memory_space<hbm>>
        %dma_start3A_287 = tpu.memref_squeeze %dma_start3A_286 : memref<1x128xi32, #tpu.memory_space<hbm>> -> memref<128xi32, #tpu.memory_space<hbm>>
        %dma_start3A_288 = arith.constant 0 : i32
        %dma_start3A_289 = tpu.memref_slice %arg3[%add3A_284, %dma_start3A_288] : memref<2816x128xi32, #tpu.memory_space<hbm>> -> memref<1x128xi32, #tpu.memory_space<hbm>>
        %dma_start3A_290 = tpu.memref_squeeze %dma_start3A_289 : memref<1x128xi32, #tpu.memory_space<hbm>> -> memref<128xi32, #tpu.memory_space<hbm>>
        tpu.enqueue_dma source(%dma_start3A_290 : memref<128xi32, #tpu.memory_space<hbm>>) target(%arg10 : memref<128xi32, #tpu.memory_space<vmem>>) target_semaphore(%arg28 : memref<!tpu.dma_semaphore, #tpu.memory_space<semaphore_mem>>)
        %add3A_291 = arith.addi %mul3A_2, %add3A_256 : i32
        %add3A_292 = arith.constant 3 : i32
        %add3A_293 = arith.addi %add3A_291, %add3A_292 : i32
        %dma_start3A_294 = arith.constant 0 : i32
        %dma_start3A_295 = tpu.memref_slice %arg4[%add3A_293, %dma_start3A_294] : memref<2816x128xi32, #tpu.memory_space<hbm>> -> memref<1x128xi32, #tpu.memory_space<hbm>>
        %dma_start3A_296 = tpu.memref_squeeze %dma_start3A_295 : memref<1x128xi32, #tpu.memory_space<hbm>> -> memref<128xi32, #tpu.memory_space<hbm>>
        %dma_start3A_297 = arith.constant 0 : i32
        %dma_start3A_298 = tpu.memref_slice %arg4[%add3A_293, %dma_start3A_297] : memref<2816x128xi32, #tpu.memory_space<hbm>> -> memref<1x128xi32, #tpu.memory_space<hbm>>
        %dma_start3A_299 = tpu.memref_squeeze %dma_start3A_298 : memref<1x128xi32, #tpu.memory_space<hbm>> -> memref<128xi32, #tpu.memory_space<hbm>>
        tpu.enqueue_dma source(%dma_start3A_299 : memref<128xi32, #tpu.memory_space<hbm>>) target(%arg13 : memref<128xi32, #tpu.memory_space<vmem>>) target_semaphore(%arg28 : memref<!tpu.dma_semaphore, #tpu.memory_space<semaphore_mem>>)
      } else {
      }
      %dma_start3A_267 = arith.constant 0 : i32
      %dma_start3A_268 = arith.constant 0 : i32
      %dma_start3A_269 = tpu.memref_slice %arg7[%dma_start3A_267, %dma_start3A_268] : memref<10016x128xf32, #tpu.memory_space<vmem_shared>> -> memref<10016x128xf32, #tpu.memory_space<vmem_shared>>
      tpu.enqueue_indirect_dma source(%arg19 : memref<128x128xf32, #tpu.memory_space<vmem>>) target(%dma_start3A_269 : memref<10016x128xf32, #tpu.memory_space<vmem_shared>>) offsets(%arg16 : memref<128xi32, #tpu.memory_space<vmem>>) semaphore(%arg25 : memref<!tpu.dma_semaphore, #tpu.memory_space<semaphore_mem>>) {add = true}
      %ge3A_270 = arith.constant 1 : i32
      %ge3A_271 = arith.cmpi sge, %add3A_256, %ge3A_270 : i32
      %convert_element_type3A_272 = arith.extui %ge3A_271 : i1 to i32
      %cond3A_273 = arith.constant 0 : i32
      %cond3A_274 = arith.cmpi ne, %convert_element_type3A_272, %cond3A_273 : i32
      scf.if %cond3A_274 {
        %dma_wait3A_282 = arith.constant 0 : i32
        %dma_wait3A_283 = arith.constant 0 : i32
        %dma_wait3A_284 = tpu.memref_slice %arg7[%dma_wait3A_282, %dma_wait3A_283] : memref<10016x128xf32, #tpu.memory_space<vmem_shared>> -> memref<10016x128xf32, #tpu.memory_space<vmem_shared>>
        tpu.wait_indirect_dma semaphore(%arg24 : memref<!tpu.dma_semaphore, #tpu.memory_space<semaphore_mem>>) src(%arg18 : memref<128x128xf32, #tpu.memory_space<vmem>>) dst(%dma_wait3A_284 : memref<10016x128xf32, #tpu.memory_space<vmem_shared>>)
      } else {
      }
      %add3A_275 = arith.constant 2 : i32
      %add3A_276 = arith.addi %add3A_256, %add3A_275 : i32
      %lt3A_277 = arith.constant 84 : i32
      %lt3A_278 = arith.cmpi slt, %add3A_276, %lt3A_277 : i32
      %convert_element_type3A_279 = arith.extui %lt3A_278 : i1 to i32
      %cond3A_280 = arith.constant 0 : i32
      %cond3A_281 = arith.cmpi ne, %convert_element_type3A_279, %cond3A_280 : i32
      scf.if %cond3A_281 {
        %dma_wait3A_282 = arith.constant 0 : i32
        %dma_wait3A_283 = arith.constant 0 : i32
        %dma_wait3A_284 = tpu.memref_slice %arg3[%dma_wait3A_282, %dma_wait3A_283] : memref<2816x128xi32, #tpu.memory_space<hbm>> -> memref<1x128xi32, #tpu.memory_space<hbm>>
        %dma_wait3A_285 = tpu.memref_squeeze %dma_wait3A_284 : memref<1x128xi32, #tpu.memory_space<hbm>> -> memref<128xi32, #tpu.memory_space<hbm>>
        %dma_wait3A_286 = arith.constant 0 : i32
        %dma_wait3A_287 = tpu.memref_slice %arg3[%dma_wait3A_282, %dma_wait3A_286] : memref<2816x128xi32, #tpu.memory_space<hbm>> -> memref<1x128xi32, #tpu.memory_space<hbm>>
        %dma_wait3A_288 = tpu.memref_squeeze %dma_wait3A_287 : memref<1x128xi32, #tpu.memory_space<hbm>> -> memref<128xi32, #tpu.memory_space<hbm>>
        tpu.wait_dma2 semaphore(%arg27 : memref<!tpu.dma_semaphore, #tpu.memory_space<semaphore_mem>>) src(%dma_wait3A_288 : memref<128xi32, #tpu.memory_space<hbm>>) dst(%arg9 : memref<128xi32, #tpu.memory_space<vmem>>)
        %dma_wait3A_289 = arith.constant 0 : i32
        %dma_wait3A_290 = arith.constant 0 : i32
        %dma_wait3A_291 = tpu.memref_slice %arg4[%dma_wait3A_289, %dma_wait3A_290] : memref<2816x128xi32, #tpu.memory_space<hbm>> -> memref<1x128xi32, #tpu.memory_space<hbm>>
        %dma_wait3A_292 = tpu.memref_squeeze %dma_wait3A_291 : memref<1x128xi32, #tpu.memory_space<hbm>> -> memref<128xi32, #tpu.memory_space<hbm>>
        %dma_wait3A_293 = arith.constant 0 : i32
        %dma_wait3A_294 = tpu.memref_slice %arg4[%dma_wait3A_289, %dma_wait3A_293] : memref<2816x128xi32, #tpu.memory_space<hbm>> -> memref<1x128xi32, #tpu.memory_space<hbm>>
        %dma_wait3A_295 = tpu.memref_squeeze %dma_wait3A_294 : memref<1x128xi32, #tpu.memory_space<hbm>> -> memref<128xi32, #tpu.memory_space<hbm>>
        tpu.wait_dma2 semaphore(%arg27 : memref<!tpu.dma_semaphore, #tpu.memory_space<semaphore_mem>>) src(%dma_wait3A_295 : memref<128xi32, #tpu.memory_space<hbm>>) dst(%arg12 : memref<128xi32, #tpu.memory_space<vmem>>)
        %dma_start3A_296 = arith.constant 0 : i32
        %dma_start3A_297 = arith.constant 0 : i32
        %dma_start3A_298 = tpu.memref_slice %arg2[%dma_start3A_296, %dma_start3A_297] : memref<10000x128xf32, #tpu.memory_space<hbm>> -> memref<10000x128xf32, #tpu.memory_space<hbm>>
        tpu.enqueue_indirect_dma source(%dma_start3A_298 : memref<10000x128xf32, #tpu.memory_space<hbm>>) target(%arg18 : memref<128x128xf32, #tpu.memory_space<vmem>>) offsets(%arg9 : memref<128xi32, #tpu.memory_space<vmem>>) semaphore(%arg21 : memref<!tpu.dma_semaphore, #tpu.memory_space<semaphore_mem>>)
      } else {
      }
    }
    %scan3A_93 = arith.constant 14 : i32
    %dma_wait3A_94 = arith.constant 0 : i32
    %dma_wait3A_95 = arith.constant 0 : i32
    %dma_wait3A_96 = tpu.memref_slice %arg7[%dma_wait3A_94, %dma_wait3A_95] : memref<10016x128xf32, #tpu.memory_space<vmem_shared>> -> memref<10016x128xf32, #tpu.memory_space<vmem_shared>>
    tpu.wait_indirect_dma semaphore(%arg25 : memref<!tpu.dma_semaphore, #tpu.memory_space<semaphore_mem>>) src(%arg19 : memref<128x128xf32, #tpu.memory_space<vmem>>) dst(%dma_wait3A_96 : memref<10016x128xf32, #tpu.memory_space<vmem_shared>>)
    %barrier3A_97 = arith.constant 0 : index
    tpu.barrier barrier_id(%barrier3A_97)
    %lt3A_98 = arith.constant 15 : i32
    %lt3A_99 = arith.cmpi slt, %arg1, %lt3A_98 : i32
    %convert_element_type3A_100 = arith.extui %lt3A_99 : i1 to i32
    %cond3A_101 = arith.constant 0 : i32
    %cond3A_102 = arith.cmpi ne, %convert_element_type3A_100, %cond3A_101 : i32
    scf.if %cond3A_102 {
      %mul3A_108 = arith.constant 632 : i32
      %mul3A_109 = arith.muli %arg1, %mul3A_108 : i32
      %mul3A_110 = arith.constant 10016 : i32
      %mul3A_111 = arith.muli %arg0, %mul3A_110 : i32
      %mul3A_112 = arith.constant 632 : i32
      %mul3A_113 = arith.muli %arg1, %mul3A_112 : i32
      %add3A_114 = arith.addi %mul3A_111, %mul3A_113 : i32
      "tpu.region"() ({
        %run_scoped3A = tpu.sem_alloc : memref<!tpu.dma_semaphore, #tpu.memory_space<semaphore_mem>>
        %dma_start3A_115 = arith.constant 0 : i32
        %dma_start3A_116 = tpu.memref_slice %arg6[%add3A_114, %dma_start3A_115] : memref<20032x128xf32, #tpu.memory_space<hbm>> -> memref<632x128xf32, #tpu.memory_space<hbm>>
        %dma_start3A_117 = arith.constant 0 : i32
        %dma_start3A_118 = tpu.memref_slice %arg7[%mul3A_109, %dma_start3A_117] : memref<10016x128xf32, #tpu.memory_space<vmem_shared>> -> memref<632x128xf32, #tpu.memory_space<vmem_shared>>
        tpu.enqueue_dma source(%dma_start3A_118 : memref<632x128xf32, #tpu.memory_space<vmem_shared>>) target(%dma_start3A_116 : memref<632x128xf32, #tpu.memory_space<hbm>>) target_semaphore(%run_scoped3A : memref<!tpu.dma_semaphore, #tpu.memory_space<semaphore_mem>>)
        %dma_wait3A_119 = arith.constant 0 : i32
        %dma_wait3A_120 = tpu.memref_slice %arg6[%add3A_114, %dma_wait3A_119] : memref<20032x128xf32, #tpu.memory_space<hbm>> -> memref<632x128xf32, #tpu.memory_space<hbm>>
        %dma_wait3A_121 = arith.constant 0 : i32
        %dma_wait3A_122 = tpu.memref_slice %arg7[%mul3A_109, %dma_wait3A_121] : memref<10016x128xf32, #tpu.memory_space<vmem_shared>> -> memref<632x128xf32, #tpu.memory_space<vmem_shared>>
        tpu.wait_dma2 semaphore(%run_scoped3A : memref<!tpu.dma_semaphore, #tpu.memory_space<semaphore_mem>>) src(%dma_wait3A_122 : memref<632x128xf32, #tpu.memory_space<vmem_shared>>) dst(%dma_wait3A_120 : memref<632x128xf32, #tpu.memory_space<hbm>>)
        tpu.yield
      }) : () -> ()
    } else {
    }
    %eq3A_103 = arith.constant 15 : i32
    %eq3A_104 = arith.cmpi eq, %arg1, %eq3A_103 : i32
    %convert_element_type3A_105 = arith.extui %eq3A_104 : i1 to i32
    %cond3A_106 = arith.constant 0 : i32
    %cond3A_107 = arith.cmpi ne, %convert_element_type3A_105, %cond3A_106 : i32
    scf.if %cond3A_107 {
      %mul3A_108 = arith.constant 10016 : i32
      %mul3A_109 = arith.muli %arg0, %mul3A_108 : i32
      %add3A_110 = arith.constant 9480 : i32
      %add3A_111 = arith.addi %mul3A_109, %add3A_110 : i32
      "tpu.region"() ({
        %run_scoped3A = tpu.sem_alloc : memref<!tpu.dma_semaphore, #tpu.memory_space<semaphore_mem>>
        %dma_start3A_112 = arith.constant 0 : i32
        %dma_start3A_113 = tpu.memref_slice %arg6[%add3A_111, %dma_start3A_112] : memref<20032x128xf32, #tpu.memory_space<hbm>> -> memref<536x128xf32, #tpu.memory_space<hbm>>
        %dma_start3A_114 = arith.constant 9480 : i32
        %dma_start3A_115 = arith.constant 0 : i32
        %dma_start3A_116 = tpu.memref_slice %arg7[%dma_start3A_114, %dma_start3A_115] : memref<10016x128xf32, #tpu.memory_space<vmem_shared>> -> memref<536x128xf32, #tpu.memory_space<vmem_shared>>
        tpu.enqueue_dma source(%dma_start3A_116 : memref<536x128xf32, #tpu.memory_space<vmem_shared>>) target(%dma_start3A_113 : memref<536x128xf32, #tpu.memory_space<hbm>>) target_semaphore(%run_scoped3A : memref<!tpu.dma_semaphore, #tpu.memory_space<semaphore_mem>>)
        %dma_wait3A_117 = arith.constant 0 : i32
        %dma_wait3A_118 = tpu.memref_slice %arg6[%add3A_111, %dma_wait3A_117] : memref<20032x128xf32, #tpu.memory_space<hbm>> -> memref<536x128xf32, #tpu.memory_space<hbm>>
        %dma_wait3A_119 = arith.constant 9480 : i32
        %dma_wait3A_120 = arith.constant 0 : i32
        %dma_wait3A_121 = tpu.memref_slice %arg7[%dma_wait3A_119, %dma_wait3A_120] : memref<10016x128xf32, #tpu.memory_space<vmem_shared>> -> memref<536x128xf32, #tpu.memory_space<vmem_shared>>
        tpu.wait_dma2 semaphore(%run_scoped3A : memref<!tpu.dma_semaphore, #tpu.memory_space<semaphore_mem>>) src(%dma_wait3A_121 : memref<536x128xf32, #tpu.memory_space<vmem_shared>>) dst(%dma_wait3A_118 : memref<536x128xf32, #tpu.memory_space<hbm>>)
        tpu.yield
      }) : () -> ()
    } else {
    }
    return
  }
}

#map = affine_map<(d0, d1) -> (0, 0)>
module attributes {stable_mosaic.version = 14 : i64} {
  func.func @body(%arg0: i32, %arg1: i32, %arg2: memref<10000x128xf32, #tpu.memory_space<hbm>>, %arg3: memref<2816x128xi32, #tpu.memory_space<hbm>>, %arg4: memref<2816x128xi32, #tpu.memory_space<hbm>>, %arg5: memref<632x128xf32, #tpu.memory_space<hbm>>, %arg6: memref<20032x128xf32, #tpu.memory_space<hbm>>, %arg7: memref<10016x128xf32, #tpu.memory_space<vmem_shared>>, %arg8: memref<128xi32, #tpu.memory_space<vmem>>, %arg9: memref<128xi32, #tpu.memory_space<vmem>>, %arg10: memref<128xi32, #tpu.memory_space<vmem>>, %arg11: memref<128xi32, #tpu.memory_space<vmem>>, %arg12: memref<128xi32, #tpu.memory_space<vmem>>, %arg13: memref<128xi32, #tpu.memory_space<vmem>>, %arg14: memref<128xi32, #tpu.memory_space<vmem>>, %arg15: memref<128xi32, #tpu.memory_space<vmem>>, %arg16: memref<128xi32, #tpu.memory_space<vmem>>, %arg17: memref<128x128xf32, #tpu.memory_space<vmem>>, %arg18: memref<128x128xf32, #tpu.memory_space<vmem>>, %arg19: memref<128x128xf32, #tpu.memory_space<vmem>>, %arg20: memref<!tpu.dma_semaphore, #tpu.memory_space<semaphore_mem>>, %arg21: memref<!tpu.dma_semaphore, #tpu.memory_space<semaphore_mem>>, %arg22: memref<!tpu.dma_semaphore, #tpu.memory_space<semaphore_mem>>, %arg23: memref<!tpu.dma_semaphore, #tpu.memory_space<semaphore_mem>>, %arg24: memref<!tpu.dma_semaphore, #tpu.memory_space<semaphore_mem>>, %arg25: memref<!tpu.dma_semaphore, #tpu.memory_space<semaphore_mem>>, %arg26: memref<!tpu.dma_semaphore, #tpu.memory_space<semaphore_mem>>, %arg27: memref<!tpu.dma_semaphore, #tpu.memory_space<semaphore_mem>>, %arg28: memref<!tpu.dma_semaphore, #tpu.memory_space<semaphore_mem>>) attributes {dimension_semantics = [#tpu.dimension_semantics<core_parallel>, #tpu.dimension_semantics<subcore_parallel>], iteration_bounds = array<i64: 2, 16>, scalar_prefetch = 0 : i64, scratch_operands = 22 : i64, tpu.core_type = #tpu.core_type<sc_vector_subcore>, window_params = [{transform_indices = #map}, {transform_indices = #map}, {transform_indices = #map}, {transform_indices = #map}, {transform_indices = #map}]} {
    %mul3A = arith.constant 2 : i32
    %mul3A_0 = arith.muli %arg1, %mul3A : i32
    %add3A = arith.addi %mul3A_0, %arg0 : i32
    %mul3A_1 = arith.constant 88 : i32
    %mul3A_2 = arith.muli %add3A, %mul3A_1 : i32
    %lt3A = arith.constant 15 : i32
    %lt3A_3 = arith.cmpi slt, %arg1, %lt3A : i32
    %convert_element_type3A = arith.extui %lt3A_3 : i1 to i32
    %cond3A = arith.constant 0 : i32
    %cond3A_4 = arith.cmpi ne, %convert_element_type3A, %cond3A : i32
    scf.if %cond3A_4 {
      %mul3A_108 = arith.constant 632 : i32
      %mul3A_109 = arith.muli %arg1, %mul3A_108 : i32
      "tpu.region"() ({
        %run_scoped3A = tpu.sem_alloc : memref<!tpu.dma_semaphore, #tpu.memory_space<semaphore_mem>>
        %dma_start3A_110 = arith.constant 0 : i32
        %dma_start3A_111 = tpu.memref_slice %arg7[%mul3A_109, %dma_start3A_110] : memref<10016x128xf32, #tpu.memory_space<vmem_shared>> -> memref<632x128xf32, #tpu.memory_space<vmem_shared>>
        tpu.enqueue_dma source(%arg5 : memref<632x128xf32, #tpu.memory_space<hbm>>) target(%dma_start3A_111 : memref<632x128xf32, #tpu.memory_space<vmem_shared>>) target_semaphore(%run_scoped3A : memref<!tpu.dma_semaphore, #tpu.memory_space<semaphore_mem>>)
        %dma_wait3A_112 = arith.constant 0 : i32
        %dma_wait3A_113 = tpu.memref_slice %arg7[%mul3A_109, %dma_wait3A_112] : memref<10016x128xf32, #tpu.memory_space<vmem_shared>> -> memref<632x128xf32, #tpu.memory_space<vmem_shared>>
        tpu.wait_dma2 semaphore(%run_scoped3A : memref<!tpu.dma_semaphore, #tpu.memory_space<semaphore_mem>>) src(%arg5 : memref<632x128xf32, #tpu.memory_space<hbm>>) dst(%dma_wait3A_113 : memref<632x128xf32, #tpu.memory_space<vmem_shared>>)
        tpu.yield
      }) : () -> ()
    } else {
    }
    %eq3A = arith.constant 15 : i32
    %eq3A_5 = arith.cmpi eq, %arg1, %eq3A : i32
    %convert_element_type3A_6 = arith.extui %eq3A_5 : i1 to i32
    %cond3A_7 = arith.constant 0 : i32
    %cond3A_8 = arith.cmpi ne, %convert_element_type3A_6, %cond3A_7 : i32
    scf.if %cond3A_8 {
      "tpu.region"() ({
        %run_scoped3A = tpu.sem_alloc : memref<!tpu.dma_semaphore, #tpu.memory_space<semaphore_mem>>
        %dma_start3A_108 = arith.constant 9480 : i32
        %dma_start3A_109 = arith.constant 0 : i32
        %dma_start3A_110 = tpu.memref_slice %arg7[%dma_start3A_108, %dma_start3A_109] : memref<10016x128xf32, #tpu.memory_space<vmem_shared>> -> memref<536x128xf32, #tpu.memory_space<vmem_shared>>
        %dma_start3A_111 = arith.constant 0 : i32
        %dma_start3A_112 = arith.constant 0 : i32
        %dma_start3A_113 = tpu.memref_slice %arg5[%dma_start3A_111, %dma_start3A_112] : memref<632x128xf32, #tpu.memory_space<hbm>> -> memref<536x128xf32, #tpu.memory_space<hbm>>
        tpu.enqueue_dma source(%dma_start3A_113 : memref<536x128xf32, #tpu.memory_space<hbm>>) target(%dma_start3A_110 : memref<536x128xf32, #tpu.memory_space<vmem_shared>>) target_semaphore(%run_scoped3A : memref<!tpu.dma_semaphore, #tpu.memory_space<semaphore_mem>>)
        %dma_wait3A_114 = arith.constant 9480 : i32
        %dma_wait3A_115 = arith.constant 0 : i32
        %dma_wait3A_116 = tpu.memref_slice %arg7[%dma_wait3A_114, %dma_wait3A_115] : memref<10016x128xf32, #tpu.memory_space<vmem_shared>> -> memref<536x128xf32, #tpu.memory_space<vmem_shared>>
        %dma_wait3A_117 = arith.constant 0 : i32
        %dma_wait3A_118 = arith.constant 0 : i32
        %dma_wait3A_119 = tpu.memref_slice %arg5[%dma_wait3A_117, %dma_wait3A_118] : memref<632x128xf32, #tpu.memory_space<hbm>> -> memref<536x128xf32, #tpu.memory_space<hbm>>
        tpu.wait_dma2 semaphore(%run_scoped3A : memref<!tpu.dma_semaphore, #tpu.memory_space<semaphore_mem>>) src(%dma_wait3A_119 : memref<536x128xf32, #tpu.memory_space<hbm>>) dst(%dma_wait3A_116 : memref<536x128xf32, #tpu.memory_space<vmem_shared>>)
        tpu.yield
      }) : () -> ()
    } else {
    }
    %add3A_9 = arith.constant 0 : i32
    %add3A_10 = arith.addi %mul3A_2, %add3A_9 : i32
    %dma_start3A = arith.constant 0 : i32
    %dma_start3A_11 = tpu.memref_slice %arg3[%add3A_10, %dma_start3A] : memref<2816x128xi32, #tpu.memory_space<hbm>> -> memref<1x128xi32, #tpu.memory_space<hbm>>
    %dma_start3A_12 = tpu.memref_squeeze %dma_start3A_11 : memref<1x128xi32, #tpu.memory_space<hbm>> -> memref<128xi32, #tpu.memory_space<hbm>>
    %dma_start3A_13 = arith.constant 0 : i32
    %dma_start3A_14 = tpu.memref_slice %arg3[%add3A_10, %dma_start3A_13] : memref<2816x128xi32, #tpu.memory_space<hbm>> -> memref<1x128xi32, #tpu.memory_space<hbm>>
    %dma_start3A_15 = tpu.memref_squeeze %dma_start3A_14 : memref<1x128xi32, #tpu.memory_space<hbm>> -> memref<128xi32, #tpu.memory_space<hbm>>
    tpu.enqueue_dma source(%dma_start3A_15 : memref<128xi32, #tpu.memory_space<hbm>>) target(%arg8 : memref<128xi32, #tpu.memory_space<vmem>>) target_semaphore(%arg26 : memref<!tpu.dma_semaphore, #tpu.memory_space<semaphore_mem>>)
    %add3A_16 = arith.constant 0 : i32
    %add3A_17 = arith.addi %mul3A_2, %add3A_16 : i32
    %dma_start3A_18 = arith.constant 0 : i32
    %dma_start3A_19 = tpu.memref_slice %arg4[%add3A_17, %dma_start3A_18] : memref<2816x128xi32, #tpu.memory_space<hbm>> -> memref<1x128xi32, #tpu.memory_space<hbm>>
    %dma_start3A_20 = tpu.memref_squeeze %dma_start3A_19 : memref<1x128xi32, #tpu.memory_space<hbm>> -> memref<128xi32, #tpu.memory_space<hbm>>
    %dma_start3A_21 = arith.constant 0 : i32
    %dma_start3A_22 = tpu.memref_slice %arg4[%add3A_17, %dma_start3A_21] : memref<2816x128xi32, #tpu.memory_space<hbm>> -> memref<1x128xi32, #tpu.memory_space<hbm>>
    %dma_start3A_23 = tpu.memref_squeeze %dma_start3A_22 : memref<1x128xi32, #tpu.memory_space<hbm>> -> memref<128xi32, #tpu.memory_space<hbm>>
    tpu.enqueue_dma source(%dma_start3A_23 : memref<128xi32, #tpu.memory_space<hbm>>) target(%arg11 : memref<128xi32, #tpu.memory_space<vmem>>) target_semaphore(%arg26 : memref<!tpu.dma_semaphore, #tpu.memory_space<semaphore_mem>>)
    %add3A_24 = arith.constant 1 : i32
    %add3A_25 = arith.addi %mul3A_2, %add3A_24 : i32
    %dma_start3A_26 = arith.constant 0 : i32
    %dma_start3A_27 = tpu.memref_slice %arg3[%add3A_25, %dma_start3A_26] : memref<2816x128xi32, #tpu.memory_space<hbm>> -> memref<1x128xi32, #tpu.memory_space<hbm>>
    %dma_start3A_28 = tpu.memref_squeeze %dma_start3A_27 : memref<1x128xi32, #tpu.memory_space<hbm>> -> memref<128xi32, #tpu.memory_space<hbm>>
    %dma_start3A_29 = arith.constant 0 : i32
    %dma_start3A_30 = tpu.memref_slice %arg3[%add3A_25, %dma_start3A_29] : memref<2816x128xi32, #tpu.memory_space<hbm>> -> memref<1x128xi32, #tpu.memory_space<hbm>>
    %dma_start3A_31 = tpu.memref_squeeze %dma_start3A_30 : memref<1x128xi32, #tpu.memory_space<hbm>> -> memref<128xi32, #tpu.memory_space<hbm>>
    tpu.enqueue_dma source(%dma_start3A_31 : memref<128xi32, #tpu.memory_space<hbm>>) target(%arg9 : memref<128xi32, #tpu.memory_space<vmem>>) target_semaphore(%arg27 : memref<!tpu.dma_semaphore, #tpu.memory_space<semaphore_mem>>)
    %add3A_32 = arith.constant 1 : i32
    %add3A_33 = arith.addi %mul3A_2, %add3A_32 : i32
    %dma_start3A_34 = arith.constant 0 : i32
    %dma_start3A_35 = tpu.memref_slice %arg4[%add3A_33, %dma_start3A_34] : memref<2816x128xi32, #tpu.memory_space<hbm>> -> memref<1x128xi32, #tpu.memory_space<hbm>>
    %dma_start3A_36 = tpu.memref_squeeze %dma_start3A_35 : memref<1x128xi32, #tpu.memory_space<hbm>> -> memref<128xi32, #tpu.memory_space<hbm>>
    %dma_start3A_37 = arith.constant 0 : i32
    %dma_start3A_38 = tpu.memref_slice %arg4[%add3A_33, %dma_start3A_37] : memref<2816x128xi32, #tpu.memory_space<hbm>> -> memref<1x128xi32, #tpu.memory_space<hbm>>
    %dma_start3A_39 = tpu.memref_squeeze %dma_start3A_38 : memref<1x128xi32, #tpu.memory_space<hbm>> -> memref<128xi32, #tpu.memory_space<hbm>>
    tpu.enqueue_dma source(%dma_start3A_39 : memref<128xi32, #tpu.memory_space<hbm>>) target(%arg12 : memref<128xi32, #tpu.memory_space<vmem>>) target_semaphore(%arg27 : memref<!tpu.dma_semaphore, #tpu.memory_space<semaphore_mem>>)
    %add3A_40 = arith.constant 2 : i32
    %add3A_41 = arith.addi %mul3A_2, %add3A_40 : i32
    %dma_start3A_42 = arith.constant 0 : i32
    %dma_start3A_43 = tpu.memref_slice %arg3[%add3A_41, %dma_start3A_42] : memref<2816x128xi32, #tpu.memory_space<hbm>> -> memref<1x128xi32, #tpu.memory_space<hbm>>
    %dma_start3A_44 = tpu.memref_squeeze %dma_start3A_43 : memref<1x128xi32, #tpu.memory_space<hbm>> -> memref<128xi32, #tpu.memory_space<hbm>>
    %dma_start3A_45 = arith.constant 0 : i32
    %dma_start3A_46 = tpu.memref_slice %arg3[%add3A_41, %dma_start3A_45] : memref<2816x128xi32, #tpu.memory_space<hbm>> -> memref<1x128xi32, #tpu.memory_space<hbm>>
    %dma_start3A_47 = tpu.memref_squeeze %dma_start3A_46 : memref<1x128xi32, #tpu.memory_space<hbm>> -> memref<128xi32, #tpu.memory_space<hbm>>
    tpu.enqueue_dma source(%dma_start3A_47 : memref<128xi32, #tpu.memory_space<hbm>>) target(%arg10 : memref<128xi32, #tpu.memory_space<vmem>>) target_semaphore(%arg28 : memref<!tpu.dma_semaphore, #tpu.memory_space<semaphore_mem>>)
    %add3A_48 = arith.constant 2 : i32
    %add3A_49 = arith.addi %mul3A_2, %add3A_48 : i32
    %dma_start3A_50 = arith.constant 0 : i32
    %dma_start3A_51 = tpu.memref_slice %arg4[%add3A_49, %dma_start3A_50] : memref<2816x128xi32, #tpu.memory_space<hbm>> -> memref<1x128xi32, #tpu.memory_space<hbm>>
    %dma_start3A_52 = tpu.memref_squeeze %dma_start3A_51 : memref<1x128xi32, #tpu.memory_space<hbm>> -> memref<128xi32, #tpu.memory_space<hbm>>
    %dma_start3A_53 = arith.constant 0 : i32
    %dma_start3A_54 = tpu.memref_slice %arg4[%add3A_49, %dma_start3A_53] : memref<2816x128xi32, #tpu.memory_space<hbm>> -> memref<1x128xi32, #tpu.memory_space<hbm>>
    %dma_start3A_55 = tpu.memref_squeeze %dma_start3A_54 : memref<1x128xi32, #tpu.memory_space<hbm>> -> memref<128xi32, #tpu.memory_space<hbm>>
    tpu.enqueue_dma source(%dma_start3A_55 : memref<128xi32, #tpu.memory_space<hbm>>) target(%arg13 : memref<128xi32, #tpu.memory_space<vmem>>) target_semaphore(%arg28 : memref<!tpu.dma_semaphore, #tpu.memory_space<semaphore_mem>>)
    %dma_wait3A = arith.constant 0 : i32
    %dma_wait3A_56 = arith.constant 0 : i32
    %dma_wait3A_57 = tpu.memref_slice %arg3[%dma_wait3A, %dma_wait3A_56] : memref<2816x128xi32, #tpu.memory_space<hbm>> -> memref<1x128xi32, #tpu.memory_space<hbm>>
    %dma_wait3A_58 = tpu.memref_squeeze %dma_wait3A_57 : memref<1x128xi32, #tpu.memory_space<hbm>> -> memref<128xi32, #tpu.memory_space<hbm>>
    %dma_wait3A_59 = arith.constant 0 : i32
    %dma_wait3A_60 = tpu.memref_slice %arg3[%dma_wait3A, %dma_wait3A_59] : memref<2816x128xi32, #tpu.memory_space<hbm>> -> memref<1x128xi32, #tpu.memory_space<hbm>>
    %dma_wait3A_61 = tpu.memref_squeeze %dma_wait3A_60 : memref<1x128xi32, #tpu.memory_space<hbm>> -> memref<128xi32, #tpu.memory_space<hbm>>
    tpu.wait_dma2 semaphore(%arg26 : memref<!tpu.dma_semaphore, #tpu.memory_space<semaphore_mem>>) src(%dma_wait3A_61 : memref<128xi32, #tpu.memory_space<hbm>>) dst(%arg8 : memref<128xi32, #tpu.memory_space<vmem>>)
    %dma_wait3A_62 = arith.constant 0 : i32
    %dma_wait3A_63 = arith.constant 0 : i32
    %dma_wait3A_64 = tpu.memref_slice %arg4[%dma_wait3A_62, %dma_wait3A_63] : memref<2816x128xi32, #tpu.memory_space<hbm>> -> memref<1x128xi32, #tpu.memory_space<hbm>>
    %dma_wait3A_65 = tpu.memref_squeeze %dma_wait3A_64 : memref<1x128xi32, #tpu.memory_space<hbm>> -> memref<128xi32, #tpu.memory_space<hbm>>
    %dma_wait3A_66 = arith.constant 0 : i32
    %dma_wait3A_67 = tpu.memref_slice %arg4[%dma_wait3A_62, %dma_wait3A_66] : memref<2816x128xi32, #tpu.memory_space<hbm>> -> memref<1x128xi32, #tpu.memory_space<hbm>>
    %dma_wait3A_68 = tpu.memref_squeeze %dma_wait3A_67 : memref<1x128xi32, #tpu.memory_space<hbm>> -> memref<128xi32, #tpu.memory_space<hbm>>
    tpu.wait_dma2 semaphore(%arg26 : memref<!tpu.dma_semaphore, #tpu.memory_space<semaphore_mem>>) src(%dma_wait3A_68 : memref<128xi32, #tpu.memory_space<hbm>>) dst(%arg11 : memref<128xi32, #tpu.memory_space<vmem>>)
    %dma_start3A_69 = arith.constant 0 : i32
    %dma_start3A_70 = arith.constant 0 : i32
    %dma_start3A_71 = tpu.memref_slice %arg2[%dma_start3A_69, %dma_start3A_70] : memref<10000x128xf32, #tpu.memory_space<hbm>> -> memref<10000x128xf32, #tpu.memory_space<hbm>>
    tpu.enqueue_indirect_dma source(%dma_start3A_71 : memref<10000x128xf32, #tpu.memory_space<hbm>>) target(%arg17 : memref<128x128xf32, #tpu.memory_space<vmem>>) offsets(%arg8 : memref<128xi32, #tpu.memory_space<vmem>>) semaphore(%arg20 : memref<!tpu.dma_semaphore, #tpu.memory_space<semaphore_mem>>)
    %dma_wait3A_72 = arith.constant 0 : i32
    %dma_wait3A_73 = arith.constant 0 : i32
    %dma_wait3A_74 = tpu.memref_slice %arg3[%dma_wait3A_72, %dma_wait3A_73] : memref<2816x128xi32, #tpu.memory_space<hbm>> -> memref<1x128xi32, #tpu.memory_space<hbm>>
    %dma_wait3A_75 = tpu.memref_squeeze %dma_wait3A_74 : memref<1x128xi32, #tpu.memory_space<hbm>> -> memref<128xi32, #tpu.memory_space<hbm>>
    %dma_wait3A_76 = arith.constant 0 : i32
    %dma_wait3A_77 = tpu.memref_slice %arg3[%dma_wait3A_72, %dma_wait3A_76] : memref<2816x128xi32, #tpu.memory_space<hbm>> -> memref<1x128xi32, #tpu.memory_space<hbm>>
    %dma_wait3A_78 = tpu.memref_squeeze %dma_wait3A_77 : memref<1x128xi32, #tpu.memory_space<hbm>> -> memref<128xi32, #tpu.memory_space<hbm>>
    tpu.wait_dma2 semaphore(%arg27 : memref<!tpu.dma_semaphore, #tpu.memory_space<semaphore_mem>>) src(%dma_wait3A_78 : memref<128xi32, #tpu.memory_space<hbm>>) dst(%arg9 : memref<128xi32, #tpu.memory_space<vmem>>)
    %dma_wait3A_79 = arith.constant 0 : i32
    %dma_wait3A_80 = arith.constant 0 : i32
    %dma_wait3A_81 = tpu.memref_slice %arg4[%dma_wait3A_79, %dma_wait3A_80] : memref<2816x128xi32, #tpu.memory_space<hbm>> -> memref<1x128xi32, #tpu.memory_space<hbm>>
    %dma_wait3A_82 = tpu.memref_squeeze %dma_wait3A_81 : memref<1x128xi32, #tpu.memory_space<hbm>> -> memref<128xi32, #tpu.memory_space<hbm>>
    %dma_wait3A_83 = arith.constant 0 : i32
    %dma_wait3A_84 = tpu.memref_slice %arg4[%dma_wait3A_79, %dma_wait3A_83] : memref<2816x128xi32, #tpu.memory_space<hbm>> -> memref<1x128xi32, #tpu.memory_space<hbm>>
    %dma_wait3A_85 = tpu.memref_squeeze %dma_wait3A_84 : memref<1x128xi32, #tpu.memory_space<hbm>> -> memref<128xi32, #tpu.memory_space<hbm>>
    tpu.wait_dma2 semaphore(%arg27 : memref<!tpu.dma_semaphore, #tpu.memory_space<semaphore_mem>>) src(%dma_wait3A_85 : memref<128xi32, #tpu.memory_space<hbm>>) dst(%arg12 : memref<128xi32, #tpu.memory_space<vmem>>)
    %dma_start3A_86 = arith.constant 0 : i32
    %dma_start3A_87 = arith.constant 0 : i32
    %dma_start3A_88 = tpu.memref_slice %arg2[%dma_start3A_86, %dma_start3A_87] : memref<10000x128xf32, #tpu.memory_space<hbm>> -> memref<10000x128xf32, #tpu.memory_space<hbm>>
    tpu.enqueue_indirect_dma source(%dma_start3A_88 : memref<10000x128xf32, #tpu.memory_space<hbm>>) target(%arg18 : memref<128x128xf32, #tpu.memory_space<vmem>>) offsets(%arg9 : memref<128xi32, #tpu.memory_space<vmem>>) semaphore(%arg21 : memref<!tpu.dma_semaphore, #tpu.memory_space<semaphore_mem>>)
    %barrier3A = arith.constant 0 : index
    tpu.barrier barrier_id(%barrier3A)
    %scan3A = arith.constant 0 : i32
    %scan3A_89 = arith.constant 0 : i32
    %scan3A_90 = arith.constant 14 : i32
    %scan3A_91 = arith.addi %scan3A_89, %scan3A_90 : i32
    %scan3A_92 = arith.constant 1 : i32
    scf.for %scan3A_108 = %scan3A_89 to %scan3A_91 step %scan3A_92  : i32 {
      %mul3A_109 = arith.constant 6 : i32
      %mul3A_110 = arith.muli %scan3A_108, %mul3A_109 : i32
      %add3A_111 = arith.constant 0 : i32
      %add3A_112 = arith.addi %mul3A_110, %add3A_111 : i32
      %dma_wait3A_113 = arith.constant 0 : i32
      %dma_wait3A_114 = arith.constant 0 : i32
      %dma_wait3A_115 = tpu.memref_slice %arg2[%dma_wait3A_113, %dma_wait3A_114] : memref<10000x128xf32, #tpu.memory_space<hbm>> -> memref<10000x128xf32, #tpu.memory_space<hbm>>
      tpu.wait_indirect_dma semaphore(%arg20 : memref<!tpu.dma_semaphore, #tpu.memory_space<semaphore_mem>>) src(%dma_wait3A_115 : memref<10000x128xf32, #tpu.memory_space<hbm>>) dst(%arg17 : memref<128x128xf32, #tpu.memory_space<vmem>>)
      %add3A_116 = arith.constant 3 : i32
      %add3A_117 = arith.addi %add3A_112, %add3A_116 : i32
      %lt3A_118 = arith.constant 84 : i32
      %lt3A_119 = arith.cmpi slt, %add3A_117, %lt3A_118 : i32
      %convert_element_type3A_120 = arith.extui %lt3A_119 : i1 to i32
      %cond3A_121 = arith.constant 0 : i32
      %cond3A_122 = arith.cmpi ne, %convert_element_type3A_120, %cond3A_121 : i32
      scf.if %cond3A_122 {
        %add3A_282 = arith.addi %mul3A_2, %add3A_112 : i32
        %add3A_283 = arith.constant 3 : i32
        %add3A_284 = arith.addi %add3A_282, %add3A_283 : i32
        %dma_start3A_285 = arith.constant 0 : i32
        %dma_start3A_286 = tpu.memref_slice %arg3[%add3A_284, %dma_start3A_285] : memref<2816x128xi32, #tpu.memory_space<hbm>> -> memref<1x128xi32, #tpu.memory_space<hbm>>
        %dma_start3A_287 = tpu.memref_squeeze %dma_start3A_286 : memref<1x128xi32, #tpu.memory_space<hbm>> -> memref<128xi32, #tpu.memory_space<hbm>>
        %dma_start3A_288 = arith.constant 0 : i32
        %dma_start3A_289 = tpu.memref_slice %arg3[%add3A_284, %dma_start3A_288] : memref<2816x128xi32, #tpu.memory_space<hbm>> -> memref<1x128xi32, #tpu.memory_space<hbm>>
        %dma_start3A_290 = tpu.memref_squeeze %dma_start3A_289 : memref<1x128xi32, #tpu.memory_space<hbm>> -> memref<128xi32, #tpu.memory_space<hbm>>
        tpu.enqueue_dma source(%dma_start3A_290 : memref<128xi32, #tpu.memory_space<hbm>>) target(%arg8 : memref<128xi32, #tpu.memory_space<vmem>>) target_semaphore(%arg26 : memref<!tpu.dma_semaphore, #tpu.memory_space<semaphore_mem>>)
        %add3A_291 = arith.addi %mul3A_2, %add3A_112 : i32
        %add3A_292 = arith.constant 3 : i32
        %add3A_293 = arith.addi %add3A_291, %add3A_292 : i32
        %dma_start3A_294 = arith.constant 0 : i32
        %dma_start3A_295 = tpu.memref_slice %arg4[%add3A_293, %dma_start3A_294] : memref<2816x128xi32, #tpu.memory_space<hbm>> -> memref<1x128xi32, #tpu.memory_space<hbm>>
        %dma_start3A_296 = tpu.memref_squeeze %dma_start3A_295 : memref<1x128xi32, #tpu.memory_space<hbm>> -> memref<128xi32, #tpu.memory_space<hbm>>
        %dma_start3A_297 = arith.constant 0 : i32
        %dma_start3A_298 = tpu.memref_slice %arg4[%add3A_293, %dma_start3A_297] : memref<2816x128xi32, #tpu.memory_space<hbm>> -> memref<1x128xi32, #tpu.memory_space<hbm>>
        %dma_start3A_299 = tpu.memref_squeeze %dma_start3A_298 : memref<1x128xi32, #tpu.memory_space<hbm>> -> memref<128xi32, #tpu.memory_space<hbm>>
        tpu.enqueue_dma source(%dma_start3A_299 : memref<128xi32, #tpu.memory_space<hbm>>) target(%arg14 : memref<128xi32, #tpu.memory_space<vmem>>) target_semaphore(%arg26 : memref<!tpu.dma_semaphore, #tpu.memory_space<semaphore_mem>>)
      } else {
      }
      %dma_start3A_123 = arith.constant 0 : i32
      %dma_start3A_124 = arith.constant 0 : i32
      %dma_start3A_125 = tpu.memref_slice %arg7[%dma_start3A_123, %dma_start3A_124] : memref<10016x128xf32, #tpu.memory_space<vmem_shared>> -> memref<10016x128xf32, #tpu.memory_space<vmem_shared>>
      tpu.enqueue_indirect_dma source(%arg17 : memref<128x128xf32, #tpu.memory_space<vmem>>) target(%dma_start3A_125 : memref<10016x128xf32, #tpu.memory_space<vmem_shared>>) offsets(%arg11 : memref<128xi32, #tpu.memory_space<vmem>>) semaphore(%arg23 : memref<!tpu.dma_semaphore, #tpu.memory_space<semaphore_mem>>) {add = true}
      %ge3A = arith.constant 1 : i32
      %ge3A_126 = arith.cmpi sge, %add3A_112, %ge3A : i32
      %convert_element_type3A_127 = arith.extui %ge3A_126 : i1 to i32
      %cond3A_128 = arith.constant 0 : i32
      %cond3A_129 = arith.cmpi ne, %convert_element_type3A_127, %cond3A_128 : i32
      scf.if %cond3A_129 {
        %dma_wait3A_282 = arith.constant 0 : i32
        %dma_wait3A_283 = arith.constant 0 : i32
        %dma_wait3A_284 = tpu.memref_slice %arg7[%dma_wait3A_282, %dma_wait3A_283] : memref<10016x128xf32, #tpu.memory_space<vmem_shared>> -> memref<10016x128xf32, #tpu.memory_space<vmem_shared>>
        tpu.wait_indirect_dma semaphore(%arg25 : memref<!tpu.dma_semaphore, #tpu.memory_space<semaphore_mem>>) src(%arg19 : memref<128x128xf32, #tpu.memory_space<vmem>>) dst(%dma_wait3A_284 : memref<10016x128xf32, #tpu.memory_space<vmem_shared>>)
      } else {
      }
      %add3A_130 = arith.constant 2 : i32
      %add3A_131 = arith.addi %add3A_112, %add3A_130 : i32
      %lt3A_132 = arith.constant 84 : i32
      %lt3A_133 = arith.cmpi slt, %add3A_131, %lt3A_132 : i32
      %convert_element_type3A_134 = arith.extui %lt3A_133 : i1 to i32
      %cond3A_135 = arith.constant 0 : i32
      %cond3A_136 = arith.cmpi ne, %convert_element_type3A_134, %cond3A_135 : i32
      scf.if %cond3A_136 {
        %dma_wait3A_282 = arith.constant 0 : i32
        %dma_wait3A_283 = arith.constant 0 : i32
        %dma_wait3A_284 = tpu.memref_slice %arg3[%dma_wait3A_282, %dma_wait3A_283] : memref<2816x128xi32, #tpu.memory_space<hbm>> -> memref<1x128xi32, #tpu.memory_space<hbm>>
        %dma_wait3A_285 = tpu.memref_squeeze %dma_wait3A_284 : memref<1x128xi32, #tpu.memory_space<hbm>> -> memref<128xi32, #tpu.memory_space<hbm>>
        %dma_wait3A_286 = arith.constant 0 : i32
        %dma_wait3A_287 = tpu.memref_slice %arg3[%dma_wait3A_282, %dma_wait3A_286] : memref<2816x128xi32, #tpu.memory_space<hbm>> -> memref<1x128xi32, #tpu.memory_space<hbm>>
        %dma_wait3A_288 = tpu.memref_squeeze %dma_wait3A_287 : memref<1x128xi32, #tpu.memory_space<hbm>> -> memref<128xi32, #tpu.memory_space<hbm>>
        tpu.wait_dma2 semaphore(%arg28 : memref<!tpu.dma_semaphore, #tpu.memory_space<semaphore_mem>>) src(%dma_wait3A_288 : memref<128xi32, #tpu.memory_space<hbm>>) dst(%arg10 : memref<128xi32, #tpu.memory_space<vmem>>)
        %dma_wait3A_289 = arith.constant 0 : i32
        %dma_wait3A_290 = arith.constant 0 : i32
        %dma_wait3A_291 = tpu.memref_slice %arg4[%dma_wait3A_289, %dma_wait3A_290] : memref<2816x128xi32, #tpu.memory_space<hbm>> -> memref<1x128xi32, #tpu.memory_space<hbm>>
        %dma_wait3A_292 = tpu.memref_squeeze %dma_wait3A_291 : memref<1x128xi32, #tpu.memory_space<hbm>> -> memref<128xi32, #tpu.memory_space<hbm>>
        %dma_wait3A_293 = arith.constant 0 : i32
        %dma_wait3A_294 = tpu.memref_slice %arg4[%dma_wait3A_289, %dma_wait3A_293] : memref<2816x128xi32, #tpu.memory_space<hbm>> -> memref<1x128xi32, #tpu.memory_space<hbm>>
        %dma_wait3A_295 = tpu.memref_squeeze %dma_wait3A_294 : memref<1x128xi32, #tpu.memory_space<hbm>> -> memref<128xi32, #tpu.memory_space<hbm>>
        tpu.wait_dma2 semaphore(%arg28 : memref<!tpu.dma_semaphore, #tpu.memory_space<semaphore_mem>>) src(%dma_wait3A_295 : memref<128xi32, #tpu.memory_space<hbm>>) dst(%arg13 : memref<128xi32, #tpu.memory_space<vmem>>)
        %dma_start3A_296 = arith.constant 0 : i32
        %dma_start3A_297 = arith.constant 0 : i32
        %dma_start3A_298 = tpu.memref_slice %arg2[%dma_start3A_296, %dma_start3A_297] : memref<10000x128xf32, #tpu.memory_space<hbm>> -> memref<10000x128xf32, #tpu.memory_space<hbm>>
        tpu.enqueue_indirect_dma source(%dma_start3A_298 : memref<10000x128xf32, #tpu.memory_space<hbm>>) target(%arg19 : memref<128x128xf32, #tpu.memory_space<vmem>>) offsets(%arg10 : memref<128xi32, #tpu.memory_space<vmem>>) semaphore(%arg22 : memref<!tpu.dma_semaphore, #tpu.memory_space<semaphore_mem>>)
      } else {
      }
      %mul3A_137 = arith.constant 6 : i32
      %mul3A_138 = arith.muli %scan3A_108, %mul3A_137 : i32
      %add3A_139 = arith.constant 1 : i32
      %add3A_140 = arith.addi %mul3A_138, %add3A_139 : i32
      %dma_wait3A_141 = arith.constant 0 : i32
      %dma_wait3A_142 = arith.constant 0 : i32
      %dma_wait3A_143 = tpu.memref_slice %arg2[%dma_wait3A_141, %dma_wait3A_142] : memref<10000x128xf32, #tpu.memory_space<hbm>> -> memref<10000x128xf32, #tpu.memory_space<hbm>>
      tpu.wait_indirect_dma semaphore(%arg21 : memref<!tpu.dma_semaphore, #tpu.memory_space<semaphore_mem>>) src(%dma_wait3A_143 : memref<10000x128xf32, #tpu.memory_space<hbm>>) dst(%arg18 : memref<128x128xf32, #tpu.memory_space<vmem>>)
      %add3A_144 = arith.constant 3 : i32
      %add3A_145 = arith.addi %add3A_140, %add3A_144 : i32
      %lt3A_146 = arith.constant 84 : i32
      %lt3A_147 = arith.cmpi slt, %add3A_145, %lt3A_146 : i32
      %convert_element_type3A_148 = arith.extui %lt3A_147 : i1 to i32
      %cond3A_149 = arith.constant 0 : i32
      %cond3A_150 = arith.cmpi ne, %convert_element_type3A_148, %cond3A_149 : i32
      scf.if %cond3A_150 {
        %add3A_282 = arith.addi %mul3A_2, %add3A_140 : i32
        %add3A_283 = arith.constant 3 : i32
        %add3A_284 = arith.addi %add3A_282, %add3A_283 : i32
        %dma_start3A_285 = arith.constant 0 : i32
        %dma_start3A_286 = tpu.memref_slice %arg3[%add3A_284, %dma_start3A_285] : memref<2816x128xi32, #tpu.memory_space<hbm>> -> memref<1x128xi32, #tpu.memory_space<hbm>>
        %dma_start3A_287 = tpu.memref_squeeze %dma_start3A_286 : memref<1x128xi32, #tpu.memory_space<hbm>> -> memref<128xi32, #tpu.memory_space<hbm>>
        %dma_start3A_288 = arith.constant 0 : i32
        %dma_start3A_289 = tpu.memref_slice %arg3[%add3A_284, %dma_start3A_288] : memref<2816x128xi32, #tpu.memory_space<hbm>> -> memref<1x128xi32, #tpu.memory_space<hbm>>
        %dma_start3A_290 = tpu.memref_squeeze %dma_start3A_289 : memref<1x128xi32, #tpu.memory_space<hbm>> -> memref<128xi32, #tpu.memory_space<hbm>>
        tpu.enqueue_dma source(%dma_start3A_290 : memref<128xi32, #tpu.memory_space<hbm>>) target(%arg9 : memref<128xi32, #tpu.memory_space<vmem>>) target_semaphore(%arg27 : memref<!tpu.dma_semaphore, #tpu.memory_space<semaphore_mem>>)
        %add3A_291 = arith.addi %mul3A_2, %add3A_140 : i32
        %add3A_292 = arith.constant 3 : i32
        %add3A_293 = arith.addi %add3A_291, %add3A_292 : i32
        %dma_start3A_294 = arith.constant 0 : i32
        %dma_start3A_295 = tpu.memref_slice %arg4[%add3A_293, %dma_start3A_294] : memref<2816x128xi32, #tpu.memory_space<hbm>> -> memref<1x128xi32, #tpu.memory_space<hbm>>
        %dma_start3A_296 = tpu.memref_squeeze %dma_start3A_295 : memref<1x128xi32, #tpu.memory_space<hbm>> -> memref<128xi32, #tpu.memory_space<hbm>>
        %dma_start3A_297 = arith.constant 0 : i32
        %dma_start3A_298 = tpu.memref_slice %arg4[%add3A_293, %dma_start3A_297] : memref<2816x128xi32, #tpu.memory_space<hbm>> -> memref<1x128xi32, #tpu.memory_space<hbm>>
        %dma_start3A_299 = tpu.memref_squeeze %dma_start3A_298 : memref<1x128xi32, #tpu.memory_space<hbm>> -> memref<128xi32, #tpu.memory_space<hbm>>
        tpu.enqueue_dma source(%dma_start3A_299 : memref<128xi32, #tpu.memory_space<hbm>>) target(%arg15 : memref<128xi32, #tpu.memory_space<vmem>>) target_semaphore(%arg27 : memref<!tpu.dma_semaphore, #tpu.memory_space<semaphore_mem>>)
      } else {
      }
      %dma_start3A_151 = arith.constant 0 : i32
      %dma_start3A_152 = arith.constant 0 : i32
      %dma_start3A_153 = tpu.memref_slice %arg7[%dma_start3A_151, %dma_start3A_152] : memref<10016x128xf32, #tpu.memory_space<vmem_shared>> -> memref<10016x128xf32, #tpu.memory_space<vmem_shared>>
      tpu.enqueue_indirect_dma source(%arg18 : memref<128x128xf32, #tpu.memory_space<vmem>>) target(%dma_start3A_153 : memref<10016x128xf32, #tpu.memory_space<vmem_shared>>) offsets(%arg12 : memref<128xi32, #tpu.memory_space<vmem>>) semaphore(%arg24 : memref<!tpu.dma_semaphore, #tpu.memory_space<semaphore_mem>>) {add = true}
      %ge3A_154 = arith.constant 1 : i32
      %ge3A_155 = arith.cmpi sge, %add3A_140, %ge3A_154 : i32
      %convert_element_type3A_156 = arith.extui %ge3A_155 : i1 to i32
      %cond3A_157 = arith.constant 0 : i32
      %cond3A_158 = arith.cmpi ne, %convert_element_type3A_156, %cond3A_157 : i32
      scf.if %cond3A_158 {
        %dma_wait3A_282 = arith.constant 0 : i32
        %dma_wait3A_283 = arith.constant 0 : i32
        %dma_wait3A_284 = tpu.memref_slice %arg7[%dma_wait3A_282, %dma_wait3A_283] : memref<10016x128xf32, #tpu.memory_space<vmem_shared>> -> memref<10016x128xf32, #tpu.memory_space<vmem_shared>>
        tpu.wait_indirect_dma semaphore(%arg23 : memref<!tpu.dma_semaphore, #tpu.memory_space<semaphore_mem>>) src(%arg17 : memref<128x128xf32, #tpu.memory_space<vmem>>) dst(%dma_wait3A_284 : memref<10016x128xf32, #tpu.memory_space<vmem_shared>>)
      } else {
      }
      %add3A_159 = arith.constant 2 : i32
      %add3A_160 = arith.addi %add3A_140, %add3A_159 : i32
      %lt3A_161 = arith.constant 84 : i32
      %lt3A_162 = arith.cmpi slt, %add3A_160, %lt3A_161 : i32
      %convert_element_type3A_163 = arith.extui %lt3A_162 : i1 to i32
      %cond3A_164 = arith.constant 0 : i32
      %cond3A_165 = arith.cmpi ne, %convert_element_type3A_163, %cond3A_164 : i32
      scf.if %cond3A_165 {
        %dma_wait3A_282 = arith.constant 0 : i32
        %dma_wait3A_283 = arith.constant 0 : i32
        %dma_wait3A_284 = tpu.memref_slice %arg3[%dma_wait3A_282, %dma_wait3A_283] : memref<2816x128xi32, #tpu.memory_space<hbm>> -> memref<1x128xi32, #tpu.memory_space<hbm>>
        %dma_wait3A_285 = tpu.memref_squeeze %dma_wait3A_284 : memref<1x128xi32, #tpu.memory_space<hbm>> -> memref<128xi32, #tpu.memory_space<hbm>>
        %dma_wait3A_286 = arith.constant 0 : i32
        %dma_wait3A_287 = tpu.memref_slice %arg3[%dma_wait3A_282, %dma_wait3A_286] : memref<2816x128xi32, #tpu.memory_space<hbm>> -> memref<1x128xi32, #tpu.memory_space<hbm>>
        %dma_wait3A_288 = tpu.memref_squeeze %dma_wait3A_287 : memref<1x128xi32, #tpu.memory_space<hbm>> -> memref<128xi32, #tpu.memory_space<hbm>>
        tpu.wait_dma2 semaphore(%arg26 : memref<!tpu.dma_semaphore, #tpu.memory_space<semaphore_mem>>) src(%dma_wait3A_288 : memref<128xi32, #tpu.memory_space<hbm>>) dst(%arg8 : memref<128xi32, #tpu.memory_space<vmem>>)
        %dma_wait3A_289 = arith.constant 0 : i32
        %dma_wait3A_290 = arith.constant 0 : i32
        %dma_wait3A_291 = tpu.memref_slice %arg4[%dma_wait3A_289, %dma_wait3A_290] : memref<2816x128xi32, #tpu.memory_space<hbm>> -> memref<1x128xi32, #tpu.memory_space<hbm>>
        %dma_wait3A_292 = tpu.memref_squeeze %dma_wait3A_291 : memref<1x128xi32, #tpu.memory_space<hbm>> -> memref<128xi32, #tpu.memory_space<hbm>>
        %dma_wait3A_293 = arith.constant 0 : i32
        %dma_wait3A_294 = tpu.memref_slice %arg4[%dma_wait3A_289, %dma_wait3A_293] : memref<2816x128xi32, #tpu.memory_space<hbm>> -> memref<1x128xi32, #tpu.memory_space<hbm>>
        %dma_wait3A_295 = tpu.memref_squeeze %dma_wait3A_294 : memref<1x128xi32, #tpu.memory_space<hbm>> -> memref<128xi32, #tpu.memory_space<hbm>>
        tpu.wait_dma2 semaphore(%arg26 : memref<!tpu.dma_semaphore, #tpu.memory_space<semaphore_mem>>) src(%dma_wait3A_295 : memref<128xi32, #tpu.memory_space<hbm>>) dst(%arg14 : memref<128xi32, #tpu.memory_space<vmem>>)
        %dma_start3A_296 = arith.constant 0 : i32
        %dma_start3A_297 = arith.constant 0 : i32
        %dma_start3A_298 = tpu.memref_slice %arg2[%dma_start3A_296, %dma_start3A_297] : memref<10000x128xf32, #tpu.memory_space<hbm>> -> memref<10000x128xf32, #tpu.memory_space<hbm>>
        tpu.enqueue_indirect_dma source(%dma_start3A_298 : memref<10000x128xf32, #tpu.memory_space<hbm>>) target(%arg17 : memref<128x128xf32, #tpu.memory_space<vmem>>) offsets(%arg8 : memref<128xi32, #tpu.memory_space<vmem>>) semaphore(%arg20 : memref<!tpu.dma_semaphore, #tpu.memory_space<semaphore_mem>>)
      } else {
      }
      %mul3A_166 = arith.constant 6 : i32
      %mul3A_167 = arith.muli %scan3A_108, %mul3A_166 : i32
      %add3A_168 = arith.constant 2 : i32
      %add3A_169 = arith.addi %mul3A_167, %add3A_168 : i32
      %dma_wait3A_170 = arith.constant 0 : i32
      %dma_wait3A_171 = arith.constant 0 : i32
      %dma_wait3A_172 = tpu.memref_slice %arg2[%dma_wait3A_170, %dma_wait3A_171] : memref<10000x128xf32, #tpu.memory_space<hbm>> -> memref<10000x128xf32, #tpu.memory_space<hbm>>
      tpu.wait_indirect_dma semaphore(%arg22 : memref<!tpu.dma_semaphore, #tpu.memory_space<semaphore_mem>>) src(%dma_wait3A_172 : memref<10000x128xf32, #tpu.memory_space<hbm>>) dst(%arg19 : memref<128x128xf32, #tpu.memory_space<vmem>>)
      %add3A_173 = arith.constant 3 : i32
      %add3A_174 = arith.addi %add3A_169, %add3A_173 : i32
      %lt3A_175 = arith.constant 84 : i32
      %lt3A_176 = arith.cmpi slt, %add3A_174, %lt3A_175 : i32
      %convert_element_type3A_177 = arith.extui %lt3A_176 : i1 to i32
      %cond3A_178 = arith.constant 0 : i32
      %cond3A_179 = arith.cmpi ne, %convert_element_type3A_177, %cond3A_178 : i32
      scf.if %cond3A_179 {
        %add3A_282 = arith.addi %mul3A_2, %add3A_169 : i32
        %add3A_283 = arith.constant 3 : i32
        %add3A_284 = arith.addi %add3A_282, %add3A_283 : i32
        %dma_start3A_285 = arith.constant 0 : i32
        %dma_start3A_286 = tpu.memref_slice %arg3[%add3A_284, %dma_start3A_285] : memref<2816x128xi32, #tpu.memory_space<hbm>> -> memref<1x128xi32, #tpu.memory_space<hbm>>
        %dma_start3A_287 = tpu.memref_squeeze %dma_start3A_286 : memref<1x128xi32, #tpu.memory_space<hbm>> -> memref<128xi32, #tpu.memory_space<hbm>>
        %dma_start3A_288 = arith.constant 0 : i32
        %dma_start3A_289 = tpu.memref_slice %arg3[%add3A_284, %dma_start3A_288] : memref<2816x128xi32, #tpu.memory_space<hbm>> -> memref<1x128xi32, #tpu.memory_space<hbm>>
        %dma_start3A_290 = tpu.memref_squeeze %dma_start3A_289 : memref<1x128xi32, #tpu.memory_space<hbm>> -> memref<128xi32, #tpu.memory_space<hbm>>
        tpu.enqueue_dma source(%dma_start3A_290 : memref<128xi32, #tpu.memory_space<hbm>>) target(%arg10 : memref<128xi32, #tpu.memory_space<vmem>>) target_semaphore(%arg28 : memref<!tpu.dma_semaphore, #tpu.memory_space<semaphore_mem>>)
        %add3A_291 = arith.addi %mul3A_2, %add3A_169 : i32
        %add3A_292 = arith.constant 3 : i32
        %add3A_293 = arith.addi %add3A_291, %add3A_292 : i32
        %dma_start3A_294 = arith.constant 0 : i32
        %dma_start3A_295 = tpu.memref_slice %arg4[%add3A_293, %dma_start3A_294] : memref<2816x128xi32, #tpu.memory_space<hbm>> -> memref<1x128xi32, #tpu.memory_space<hbm>>
        %dma_start3A_296 = tpu.memref_squeeze %dma_start3A_295 : memref<1x128xi32, #tpu.memory_space<hbm>> -> memref<128xi32, #tpu.memory_space<hbm>>
        %dma_start3A_297 = arith.constant 0 : i32
        %dma_start3A_298 = tpu.memref_slice %arg4[%add3A_293, %dma_start3A_297] : memref<2816x128xi32, #tpu.memory_space<hbm>> -> memref<1x128xi32, #tpu.memory_space<hbm>>
        %dma_start3A_299 = tpu.memref_squeeze %dma_start3A_298 : memref<1x128xi32, #tpu.memory_space<hbm>> -> memref<128xi32, #tpu.memory_space<hbm>>
        tpu.enqueue_dma source(%dma_start3A_299 : memref<128xi32, #tpu.memory_space<hbm>>) target(%arg16 : memref<128xi32, #tpu.memory_space<vmem>>) target_semaphore(%arg28 : memref<!tpu.dma_semaphore, #tpu.memory_space<semaphore_mem>>)
      } else {
      }
      %dma_start3A_180 = arith.constant 0 : i32
      %dma_start3A_181 = arith.constant 0 : i32
      %dma_start3A_182 = tpu.memref_slice %arg7[%dma_start3A_180, %dma_start3A_181] : memref<10016x128xf32, #tpu.memory_space<vmem_shared>> -> memref<10016x128xf32, #tpu.memory_space<vmem_shared>>
      tpu.enqueue_indirect_dma source(%arg19 : memref<128x128xf32, #tpu.memory_space<vmem>>) target(%dma_start3A_182 : memref<10016x128xf32, #tpu.memory_space<vmem_shared>>) offsets(%arg13 : memref<128xi32, #tpu.memory_space<vmem>>) semaphore(%arg25 : memref<!tpu.dma_semaphore, #tpu.memory_space<semaphore_mem>>) {add = true}
      %ge3A_183 = arith.constant 1 : i32
      %ge3A_184 = arith.cmpi sge, %add3A_169, %ge3A_183 : i32
      %convert_element_type3A_185 = arith.extui %ge3A_184 : i1 to i32
      %cond3A_186 = arith.constant 0 : i32
      %cond3A_187 = arith.cmpi ne, %convert_element_type3A_185, %cond3A_186 : i32
      scf.if %cond3A_187 {
        %dma_wait3A_282 = arith.constant 0 : i32
        %dma_wait3A_283 = arith.constant 0 : i32
        %dma_wait3A_284 = tpu.memref_slice %arg7[%dma_wait3A_282, %dma_wait3A_283] : memref<10016x128xf32, #tpu.memory_space<vmem_shared>> -> memref<10016x128xf32, #tpu.memory_space<vmem_shared>>
        tpu.wait_indirect_dma semaphore(%arg24 : memref<!tpu.dma_semaphore, #tpu.memory_space<semaphore_mem>>) src(%arg18 : memref<128x128xf32, #tpu.memory_space<vmem>>) dst(%dma_wait3A_284 : memref<10016x128xf32, #tpu.memory_space<vmem_shared>>)
      } else {
      }
      %add3A_188 = arith.constant 2 : i32
      %add3A_189 = arith.addi %add3A_169, %add3A_188 : i32
      %lt3A_190 = arith.constant 84 : i32
      %lt3A_191 = arith.cmpi slt, %add3A_189, %lt3A_190 : i32
      %convert_element_type3A_192 = arith.extui %lt3A_191 : i1 to i32
      %cond3A_193 = arith.constant 0 : i32
      %cond3A_194 = arith.cmpi ne, %convert_element_type3A_192, %cond3A_193 : i32
      scf.if %cond3A_194 {
        %dma_wait3A_282 = arith.constant 0 : i32
        %dma_wait3A_283 = arith.constant 0 : i32
        %dma_wait3A_284 = tpu.memref_slice %arg3[%dma_wait3A_282, %dma_wait3A_283] : memref<2816x128xi32, #tpu.memory_space<hbm>> -> memref<1x128xi32, #tpu.memory_space<hbm>>
        %dma_wait3A_285 = tpu.memref_squeeze %dma_wait3A_284 : memref<1x128xi32, #tpu.memory_space<hbm>> -> memref<128xi32, #tpu.memory_space<hbm>>
        %dma_wait3A_286 = arith.constant 0 : i32
        %dma_wait3A_287 = tpu.memref_slice %arg3[%dma_wait3A_282, %dma_wait3A_286] : memref<2816x128xi32, #tpu.memory_space<hbm>> -> memref<1x128xi32, #tpu.memory_space<hbm>>
        %dma_wait3A_288 = tpu.memref_squeeze %dma_wait3A_287 : memref<1x128xi32, #tpu.memory_space<hbm>> -> memref<128xi32, #tpu.memory_space<hbm>>
        tpu.wait_dma2 semaphore(%arg27 : memref<!tpu.dma_semaphore, #tpu.memory_space<semaphore_mem>>) src(%dma_wait3A_288 : memref<128xi32, #tpu.memory_space<hbm>>) dst(%arg9 : memref<128xi32, #tpu.memory_space<vmem>>)
        %dma_wait3A_289 = arith.constant 0 : i32
        %dma_wait3A_290 = arith.constant 0 : i32
        %dma_wait3A_291 = tpu.memref_slice %arg4[%dma_wait3A_289, %dma_wait3A_290] : memref<2816x128xi32, #tpu.memory_space<hbm>> -> memref<1x128xi32, #tpu.memory_space<hbm>>
        %dma_wait3A_292 = tpu.memref_squeeze %dma_wait3A_291 : memref<1x128xi32, #tpu.memory_space<hbm>> -> memref<128xi32, #tpu.memory_space<hbm>>
        %dma_wait3A_293 = arith.constant 0 : i32
        %dma_wait3A_294 = tpu.memref_slice %arg4[%dma_wait3A_289, %dma_wait3A_293] : memref<2816x128xi32, #tpu.memory_space<hbm>> -> memref<1x128xi32, #tpu.memory_space<hbm>>
        %dma_wait3A_295 = tpu.memref_squeeze %dma_wait3A_294 : memref<1x128xi32, #tpu.memory_space<hbm>> -> memref<128xi32, #tpu.memory_space<hbm>>
        tpu.wait_dma2 semaphore(%arg27 : memref<!tpu.dma_semaphore, #tpu.memory_space<semaphore_mem>>) src(%dma_wait3A_295 : memref<128xi32, #tpu.memory_space<hbm>>) dst(%arg15 : memref<128xi32, #tpu.memory_space<vmem>>)
        %dma_start3A_296 = arith.constant 0 : i32
        %dma_start3A_297 = arith.constant 0 : i32
        %dma_start3A_298 = tpu.memref_slice %arg2[%dma_start3A_296, %dma_start3A_297] : memref<10000x128xf32, #tpu.memory_space<hbm>> -> memref<10000x128xf32, #tpu.memory_space<hbm>>
        tpu.enqueue_indirect_dma source(%dma_start3A_298 : memref<10000x128xf32, #tpu.memory_space<hbm>>) target(%arg18 : memref<128x128xf32, #tpu.memory_space<vmem>>) offsets(%arg9 : memref<128xi32, #tpu.memory_space<vmem>>) semaphore(%arg21 : memref<!tpu.dma_semaphore, #tpu.memory_space<semaphore_mem>>)
      } else {
      }
      %mul3A_195 = arith.constant 6 : i32
      %mul3A_196 = arith.muli %scan3A_108, %mul3A_195 : i32
      %add3A_197 = arith.constant 3 : i32
      %add3A_198 = arith.addi %mul3A_196, %add3A_197 : i32
      %dma_wait3A_199 = arith.constant 0 : i32
      %dma_wait3A_200 = arith.constant 0 : i32
      %dma_wait3A_201 = tpu.memref_slice %arg2[%dma_wait3A_199, %dma_wait3A_200] : memref<10000x128xf32, #tpu.memory_space<hbm>> -> memref<10000x128xf32, #tpu.memory_space<hbm>>
      tpu.wait_indirect_dma semaphore(%arg20 : memref<!tpu.dma_semaphore, #tpu.memory_space<semaphore_mem>>) src(%dma_wait3A_201 : memref<10000x128xf32, #tpu.memory_space<hbm>>) dst(%arg17 : memref<128x128xf32, #tpu.memory_space<vmem>>)
      %add3A_202 = arith.constant 3 : i32
      %add3A_203 = arith.addi %add3A_198, %add3A_202 : i32
      %lt3A_204 = arith.constant 84 : i32
      %lt3A_205 = arith.cmpi slt, %add3A_203, %lt3A_204 : i32
      %convert_element_type3A_206 = arith.extui %lt3A_205 : i1 to i32
      %cond3A_207 = arith.constant 0 : i32
      %cond3A_208 = arith.cmpi ne, %convert_element_type3A_206, %cond3A_207 : i32
      scf.if %cond3A_208 {
        %add3A_282 = arith.addi %mul3A_2, %add3A_198 : i32
        %add3A_283 = arith.constant 3 : i32
        %add3A_284 = arith.addi %add3A_282, %add3A_283 : i32
        %dma_start3A_285 = arith.constant 0 : i32
        %dma_start3A_286 = tpu.memref_slice %arg3[%add3A_284, %dma_start3A_285] : memref<2816x128xi32, #tpu.memory_space<hbm>> -> memref<1x128xi32, #tpu.memory_space<hbm>>
        %dma_start3A_287 = tpu.memref_squeeze %dma_start3A_286 : memref<1x128xi32, #tpu.memory_space<hbm>> -> memref<128xi32, #tpu.memory_space<hbm>>
        %dma_start3A_288 = arith.constant 0 : i32
        %dma_start3A_289 = tpu.memref_slice %arg3[%add3A_284, %dma_start3A_288] : memref<2816x128xi32, #tpu.memory_space<hbm>> -> memref<1x128xi32, #tpu.memory_space<hbm>>
        %dma_start3A_290 = tpu.memref_squeeze %dma_start3A_289 : memref<1x128xi32, #tpu.memory_space<hbm>> -> memref<128xi32, #tpu.memory_space<hbm>>
        tpu.enqueue_dma source(%dma_start3A_290 : memref<128xi32, #tpu.memory_space<hbm>>) target(%arg8 : memref<128xi32, #tpu.memory_space<vmem>>) target_semaphore(%arg26 : memref<!tpu.dma_semaphore, #tpu.memory_space<semaphore_mem>>)
        %add3A_291 = arith.addi %mul3A_2, %add3A_198 : i32
        %add3A_292 = arith.constant 3 : i32
        %add3A_293 = arith.addi %add3A_291, %add3A_292 : i32
        %dma_start3A_294 = arith.constant 0 : i32
        %dma_start3A_295 = tpu.memref_slice %arg4[%add3A_293, %dma_start3A_294] : memref<2816x128xi32, #tpu.memory_space<hbm>> -> memref<1x128xi32, #tpu.memory_space<hbm>>
        %dma_start3A_296 = tpu.memref_squeeze %dma_start3A_295 : memref<1x128xi32, #tpu.memory_space<hbm>> -> memref<128xi32, #tpu.memory_space<hbm>>
        %dma_start3A_297 = arith.constant 0 : i32
        %dma_start3A_298 = tpu.memref_slice %arg4[%add3A_293, %dma_start3A_297] : memref<2816x128xi32, #tpu.memory_space<hbm>> -> memref<1x128xi32, #tpu.memory_space<hbm>>
        %dma_start3A_299 = tpu.memref_squeeze %dma_start3A_298 : memref<1x128xi32, #tpu.memory_space<hbm>> -> memref<128xi32, #tpu.memory_space<hbm>>
        tpu.enqueue_dma source(%dma_start3A_299 : memref<128xi32, #tpu.memory_space<hbm>>) target(%arg11 : memref<128xi32, #tpu.memory_space<vmem>>) target_semaphore(%arg26 : memref<!tpu.dma_semaphore, #tpu.memory_space<semaphore_mem>>)
      } else {
      }
      %dma_start3A_209 = arith.constant 0 : i32
      %dma_start3A_210 = arith.constant 0 : i32
      %dma_start3A_211 = tpu.memref_slice %arg7[%dma_start3A_209, %dma_start3A_210] : memref<10016x128xf32, #tpu.memory_space<vmem_shared>> -> memref<10016x128xf32, #tpu.memory_space<vmem_shared>>
      tpu.enqueue_indirect_dma source(%arg17 : memref<128x128xf32, #tpu.memory_space<vmem>>) target(%dma_start3A_211 : memref<10016x128xf32, #tpu.memory_space<vmem_shared>>) offsets(%arg14 : memref<128xi32, #tpu.memory_space<vmem>>) semaphore(%arg23 : memref<!tpu.dma_semaphore, #tpu.memory_space<semaphore_mem>>) {add = true}
      %ge3A_212 = arith.constant 1 : i32
      %ge3A_213 = arith.cmpi sge, %add3A_198, %ge3A_212 : i32
      %convert_element_type3A_214 = arith.extui %ge3A_213 : i1 to i32
      %cond3A_215 = arith.constant 0 : i32
      %cond3A_216 = arith.cmpi ne, %convert_element_type3A_214, %cond3A_215 : i32
      scf.if %cond3A_216 {
        %dma_wait3A_282 = arith.constant 0 : i32
        %dma_wait3A_283 = arith.constant 0 : i32
        %dma_wait3A_284 = tpu.memref_slice %arg7[%dma_wait3A_282, %dma_wait3A_283] : memref<10016x128xf32, #tpu.memory_space<vmem_shared>> -> memref<10016x128xf32, #tpu.memory_space<vmem_shared>>
        tpu.wait_indirect_dma semaphore(%arg25 : memref<!tpu.dma_semaphore, #tpu.memory_space<semaphore_mem>>) src(%arg19 : memref<128x128xf32, #tpu.memory_space<vmem>>) dst(%dma_wait3A_284 : memref<10016x128xf32, #tpu.memory_space<vmem_shared>>)
      } else {
      }
      %add3A_217 = arith.constant 2 : i32
      %add3A_218 = arith.addi %add3A_198, %add3A_217 : i32
      %lt3A_219 = arith.constant 84 : i32
      %lt3A_220 = arith.cmpi slt, %add3A_218, %lt3A_219 : i32
      %convert_element_type3A_221 = arith.extui %lt3A_220 : i1 to i32
      %cond3A_222 = arith.constant 0 : i32
      %cond3A_223 = arith.cmpi ne, %convert_element_type3A_221, %cond3A_222 : i32
      scf.if %cond3A_223 {
        %dma_wait3A_282 = arith.constant 0 : i32
        %dma_wait3A_283 = arith.constant 0 : i32
        %dma_wait3A_284 = tpu.memref_slice %arg3[%dma_wait3A_282, %dma_wait3A_283] : memref<2816x128xi32, #tpu.memory_space<hbm>> -> memref<1x128xi32, #tpu.memory_space<hbm>>
        %dma_wait3A_285 = tpu.memref_squeeze %dma_wait3A_284 : memref<1x128xi32, #tpu.memory_space<hbm>> -> memref<128xi32, #tpu.memory_space<hbm>>
        %dma_wait3A_286 = arith.constant 0 : i32
        %dma_wait3A_287 = tpu.memref_slice %arg3[%dma_wait3A_282, %dma_wait3A_286] : memref<2816x128xi32, #tpu.memory_space<hbm>> -> memref<1x128xi32, #tpu.memory_space<hbm>>
        %dma_wait3A_288 = tpu.memref_squeeze %dma_wait3A_287 : memref<1x128xi32, #tpu.memory_space<hbm>> -> memref<128xi32, #tpu.memory_space<hbm>>
        tpu.wait_dma2 semaphore(%arg28 : memref<!tpu.dma_semaphore, #tpu.memory_space<semaphore_mem>>) src(%dma_wait3A_288 : memref<128xi32, #tpu.memory_space<hbm>>) dst(%arg10 : memref<128xi32, #tpu.memory_space<vmem>>)
        %dma_wait3A_289 = arith.constant 0 : i32
        %dma_wait3A_290 = arith.constant 0 : i32
        %dma_wait3A_291 = tpu.memref_slice %arg4[%dma_wait3A_289, %dma_wait3A_290] : memref<2816x128xi32, #tpu.memory_space<hbm>> -> memref<1x128xi32, #tpu.memory_space<hbm>>
        %dma_wait3A_292 = tpu.memref_squeeze %dma_wait3A_291 : memref<1x128xi32, #tpu.memory_space<hbm>> -> memref<128xi32, #tpu.memory_space<hbm>>
        %dma_wait3A_293 = arith.constant 0 : i32
        %dma_wait3A_294 = tpu.memref_slice %arg4[%dma_wait3A_289, %dma_wait3A_293] : memref<2816x128xi32, #tpu.memory_space<hbm>> -> memref<1x128xi32, #tpu.memory_space<hbm>>
        %dma_wait3A_295 = tpu.memref_squeeze %dma_wait3A_294 : memref<1x128xi32, #tpu.memory_space<hbm>> -> memref<128xi32, #tpu.memory_space<hbm>>
        tpu.wait_dma2 semaphore(%arg28 : memref<!tpu.dma_semaphore, #tpu.memory_space<semaphore_mem>>) src(%dma_wait3A_295 : memref<128xi32, #tpu.memory_space<hbm>>) dst(%arg16 : memref<128xi32, #tpu.memory_space<vmem>>)
        %dma_start3A_296 = arith.constant 0 : i32
        %dma_start3A_297 = arith.constant 0 : i32
        %dma_start3A_298 = tpu.memref_slice %arg2[%dma_start3A_296, %dma_start3A_297] : memref<10000x128xf32, #tpu.memory_space<hbm>> -> memref<10000x128xf32, #tpu.memory_space<hbm>>
        tpu.enqueue_indirect_dma source(%dma_start3A_298 : memref<10000x128xf32, #tpu.memory_space<hbm>>) target(%arg19 : memref<128x128xf32, #tpu.memory_space<vmem>>) offsets(%arg10 : memref<128xi32, #tpu.memory_space<vmem>>) semaphore(%arg22 : memref<!tpu.dma_semaphore, #tpu.memory_space<semaphore_mem>>)
      } else {
      }
      %mul3A_224 = arith.constant 6 : i32
      %mul3A_225 = arith.muli %scan3A_108, %mul3A_224 : i32
      %add3A_226 = arith.constant 4 : i32
      %add3A_227 = arith.addi %mul3A_225, %add3A_226 : i32
      %dma_wait3A_228 = arith.constant 0 : i32
      %dma_wait3A_229 = arith.constant 0 : i32
      %dma_wait3A_230 = tpu.memref_slice %arg2[%dma_wait3A_228, %dma_wait3A_229] : memref<10000x128xf32, #tpu.memory_space<hbm>> -> memref<10000x128xf32, #tpu.memory_space<hbm>>
      tpu.wait_indirect_dma semaphore(%arg21 : memref<!tpu.dma_semaphore, #tpu.memory_space<semaphore_mem>>) src(%dma_wait3A_230 : memref<10000x128xf32, #tpu.memory_space<hbm>>) dst(%arg18 : memref<128x128xf32, #tpu.memory_space<vmem>>)
      %add3A_231 = arith.constant 3 : i32
      %add3A_232 = arith.addi %add3A_227, %add3A_231 : i32
      %lt3A_233 = arith.constant 84 : i32
      %lt3A_234 = arith.cmpi slt, %add3A_232, %lt3A_233 : i32
      %convert_element_type3A_235 = arith.extui %lt3A_234 : i1 to i32
      %cond3A_236 = arith.constant 0 : i32
      %cond3A_237 = arith.cmpi ne, %convert_element_type3A_235, %cond3A_236 : i32
      scf.if %cond3A_237 {
        %add3A_282 = arith.addi %mul3A_2, %add3A_227 : i32
        %add3A_283 = arith.constant 3 : i32
        %add3A_284 = arith.addi %add3A_282, %add3A_283 : i32
        %dma_start3A_285 = arith.constant 0 : i32
        %dma_start3A_286 = tpu.memref_slice %arg3[%add3A_284, %dma_start3A_285] : memref<2816x128xi32, #tpu.memory_space<hbm>> -> memref<1x128xi32, #tpu.memory_space<hbm>>
        %dma_start3A_287 = tpu.memref_squeeze %dma_start3A_286 : memref<1x128xi32, #tpu.memory_space<hbm>> -> memref<128xi32, #tpu.memory_space<hbm>>
        %dma_start3A_288 = arith.constant 0 : i32
        %dma_start3A_289 = tpu.memref_slice %arg3[%add3A_284, %dma_start3A_288] : memref<2816x128xi32, #tpu.memory_space<hbm>> -> memref<1x128xi32, #tpu.memory_space<hbm>>
        %dma_start3A_290 = tpu.memref_squeeze %dma_start3A_289 : memref<1x128xi32, #tpu.memory_space<hbm>> -> memref<128xi32, #tpu.memory_space<hbm>>
        tpu.enqueue_dma source(%dma_start3A_290 : memref<128xi32, #tpu.memory_space<hbm>>) target(%arg9 : memref<128xi32, #tpu.memory_space<vmem>>) target_semaphore(%arg27 : memref<!tpu.dma_semaphore, #tpu.memory_space<semaphore_mem>>)
        %add3A_291 = arith.addi %mul3A_2, %add3A_227 : i32
        %add3A_292 = arith.constant 3 : i32
        %add3A_293 = arith.addi %add3A_291, %add3A_292 : i32
        %dma_start3A_294 = arith.constant 0 : i32
        %dma_start3A_295 = tpu.memref_slice %arg4[%add3A_293, %dma_start3A_294] : memref<2816x128xi32, #tpu.memory_space<hbm>> -> memref<1x128xi32, #tpu.memory_space<hbm>>
        %dma_start3A_296 = tpu.memref_squeeze %dma_start3A_295 : memref<1x128xi32, #tpu.memory_space<hbm>> -> memref<128xi32, #tpu.memory_space<hbm>>
        %dma_start3A_297 = arith.constant 0 : i32
        %dma_start3A_298 = tpu.memref_slice %arg4[%add3A_293, %dma_start3A_297] : memref<2816x128xi32, #tpu.memory_space<hbm>> -> memref<1x128xi32, #tpu.memory_space<hbm>>
        %dma_start3A_299 = tpu.memref_squeeze %dma_start3A_298 : memref<1x128xi32, #tpu.memory_space<hbm>> -> memref<128xi32, #tpu.memory_space<hbm>>
        tpu.enqueue_dma source(%dma_start3A_299 : memref<128xi32, #tpu.memory_space<hbm>>) target(%arg12 : memref<128xi32, #tpu.memory_space<vmem>>) target_semaphore(%arg27 : memref<!tpu.dma_semaphore, #tpu.memory_space<semaphore_mem>>)
      } else {
      }
      %dma_start3A_238 = arith.constant 0 : i32
      %dma_start3A_239 = arith.constant 0 : i32
      %dma_start3A_240 = tpu.memref_slice %arg7[%dma_start3A_238, %dma_start3A_239] : memref<10016x128xf32, #tpu.memory_space<vmem_shared>> -> memref<10016x128xf32, #tpu.memory_space<vmem_shared>>
      tpu.enqueue_indirect_dma source(%arg18 : memref<128x128xf32, #tpu.memory_space<vmem>>) target(%dma_start3A_240 : memref<10016x128xf32, #tpu.memory_space<vmem_shared>>) offsets(%arg15 : memref<128xi32, #tpu.memory_space<vmem>>) semaphore(%arg24 : memref<!tpu.dma_semaphore, #tpu.memory_space<semaphore_mem>>) {add = true}
      %ge3A_241 = arith.constant 1 : i32
      %ge3A_242 = arith.cmpi sge, %add3A_227, %ge3A_241 : i32
      %convert_element_type3A_243 = arith.extui %ge3A_242 : i1 to i32
      %cond3A_244 = arith.constant 0 : i32
      %cond3A_245 = arith.cmpi ne, %convert_element_type3A_243, %cond3A_244 : i32
      scf.if %cond3A_245 {
        %dma_wait3A_282 = arith.constant 0 : i32
        %dma_wait3A_283 = arith.constant 0 : i32
        %dma_wait3A_284 = tpu.memref_slice %arg7[%dma_wait3A_282, %dma_wait3A_283] : memref<10016x128xf32, #tpu.memory_space<vmem_shared>> -> memref<10016x128xf32, #tpu.memory_space<vmem_shared>>
        tpu.wait_indirect_dma semaphore(%arg23 : memref<!tpu.dma_semaphore, #tpu.memory_space<semaphore_mem>>) src(%arg17 : memref<128x128xf32, #tpu.memory_space<vmem>>) dst(%dma_wait3A_284 : memref<10016x128xf32, #tpu.memory_space<vmem_shared>>)
      } else {
      }
      %add3A_246 = arith.constant 2 : i32
      %add3A_247 = arith.addi %add3A_227, %add3A_246 : i32
      %lt3A_248 = arith.constant 84 : i32
      %lt3A_249 = arith.cmpi slt, %add3A_247, %lt3A_248 : i32
      %convert_element_type3A_250 = arith.extui %lt3A_249 : i1 to i32
      %cond3A_251 = arith.constant 0 : i32
      %cond3A_252 = arith.cmpi ne, %convert_element_type3A_250, %cond3A_251 : i32
      scf.if %cond3A_252 {
        %dma_wait3A_282 = arith.constant 0 : i32
        %dma_wait3A_283 = arith.constant 0 : i32
        %dma_wait3A_284 = tpu.memref_slice %arg3[%dma_wait3A_282, %dma_wait3A_283] : memref<2816x128xi32, #tpu.memory_space<hbm>> -> memref<1x128xi32, #tpu.memory_space<hbm>>
        %dma_wait3A_285 = tpu.memref_squeeze %dma_wait3A_284 : memref<1x128xi32, #tpu.memory_space<hbm>> -> memref<128xi32, #tpu.memory_space<hbm>>
        %dma_wait3A_286 = arith.constant 0 : i32
        %dma_wait3A_287 = tpu.memref_slice %arg3[%dma_wait3A_282, %dma_wait3A_286] : memref<2816x128xi32, #tpu.memory_space<hbm>> -> memref<1x128xi32, #tpu.memory_space<hbm>>
        %dma_wait3A_288 = tpu.memref_squeeze %dma_wait3A_287 : memref<1x128xi32, #tpu.memory_space<hbm>> -> memref<128xi32, #tpu.memory_space<hbm>>
        tpu.wait_dma2 semaphore(%arg26 : memref<!tpu.dma_semaphore, #tpu.memory_space<semaphore_mem>>) src(%dma_wait3A_288 : memref<128xi32, #tpu.memory_space<hbm>>) dst(%arg8 : memref<128xi32, #tpu.memory_space<vmem>>)
        %dma_wait3A_289 = arith.constant 0 : i32
        %dma_wait3A_290 = arith.constant 0 : i32
        %dma_wait3A_291 = tpu.memref_slice %arg4[%dma_wait3A_289, %dma_wait3A_290] : memref<2816x128xi32, #tpu.memory_space<hbm>> -> memref<1x128xi32, #tpu.memory_space<hbm>>
        %dma_wait3A_292 = tpu.memref_squeeze %dma_wait3A_291 : memref<1x128xi32, #tpu.memory_space<hbm>> -> memref<128xi32, #tpu.memory_space<hbm>>
        %dma_wait3A_293 = arith.constant 0 : i32
        %dma_wait3A_294 = tpu.memref_slice %arg4[%dma_wait3A_289, %dma_wait3A_293] : memref<2816x128xi32, #tpu.memory_space<hbm>> -> memref<1x128xi32, #tpu.memory_space<hbm>>
        %dma_wait3A_295 = tpu.memref_squeeze %dma_wait3A_294 : memref<1x128xi32, #tpu.memory_space<hbm>> -> memref<128xi32, #tpu.memory_space<hbm>>
        tpu.wait_dma2 semaphore(%arg26 : memref<!tpu.dma_semaphore, #tpu.memory_space<semaphore_mem>>) src(%dma_wait3A_295 : memref<128xi32, #tpu.memory_space<hbm>>) dst(%arg11 : memref<128xi32, #tpu.memory_space<vmem>>)
        %dma_start3A_296 = arith.constant 0 : i32
        %dma_start3A_297 = arith.constant 0 : i32
        %dma_start3A_298 = tpu.memref_slice %arg2[%dma_start3A_296, %dma_start3A_297] : memref<10000x128xf32, #tpu.memory_space<hbm>> -> memref<10000x128xf32, #tpu.memory_space<hbm>>
        tpu.enqueue_indirect_dma source(%dma_start3A_298 : memref<10000x128xf32, #tpu.memory_space<hbm>>) target(%arg17 : memref<128x128xf32, #tpu.memory_space<vmem>>) offsets(%arg8 : memref<128xi32, #tpu.memory_space<vmem>>) semaphore(%arg20 : memref<!tpu.dma_semaphore, #tpu.memory_space<semaphore_mem>>)
      } else {
      }
      %mul3A_253 = arith.constant 6 : i32
      %mul3A_254 = arith.muli %scan3A_108, %mul3A_253 : i32
      %add3A_255 = arith.constant 5 : i32
      %add3A_256 = arith.addi %mul3A_254, %add3A_255 : i32
      %dma_wait3A_257 = arith.constant 0 : i32
      %dma_wait3A_258 = arith.constant 0 : i32
      %dma_wait3A_259 = tpu.memref_slice %arg2[%dma_wait3A_257, %dma_wait3A_258] : memref<10000x128xf32, #tpu.memory_space<hbm>> -> memref<10000x128xf32, #tpu.memory_space<hbm>>
      tpu.wait_indirect_dma semaphore(%arg22 : memref<!tpu.dma_semaphore, #tpu.memory_space<semaphore_mem>>) src(%dma_wait3A_259 : memref<10000x128xf32, #tpu.memory_space<hbm>>) dst(%arg19 : memref<128x128xf32, #tpu.memory_space<vmem>>)
      %add3A_260 = arith.constant 3 : i32
      %add3A_261 = arith.addi %add3A_256, %add3A_260 : i32
      %lt3A_262 = arith.constant 84 : i32
      %lt3A_263 = arith.cmpi slt, %add3A_261, %lt3A_262 : i32
      %convert_element_type3A_264 = arith.extui %lt3A_263 : i1 to i32
      %cond3A_265 = arith.constant 0 : i32
      %cond3A_266 = arith.cmpi ne, %convert_element_type3A_264, %cond3A_265 : i32
      scf.if %cond3A_266 {
        %add3A_282 = arith.addi %mul3A_2, %add3A_256 : i32
        %add3A_283 = arith.constant 3 : i32
        %add3A_284 = arith.addi %add3A_282, %add3A_283 : i32
        %dma_start3A_285 = arith.constant 0 : i32
        %dma_start3A_286 = tpu.memref_slice %arg3[%add3A_284, %dma_start3A_285] : memref<2816x128xi32, #tpu.memory_space<hbm>> -> memref<1x128xi32, #tpu.memory_space<hbm>>
        %dma_start3A_287 = tpu.memref_squeeze %dma_start3A_286 : memref<1x128xi32, #tpu.memory_space<hbm>> -> memref<128xi32, #tpu.memory_space<hbm>>
        %dma_start3A_288 = arith.constant 0 : i32
        %dma_start3A_289 = tpu.memref_slice %arg3[%add3A_284, %dma_start3A_288] : memref<2816x128xi32, #tpu.memory_space<hbm>> -> memref<1x128xi32, #tpu.memory_space<hbm>>
        %dma_start3A_290 = tpu.memref_squeeze %dma_start3A_289 : memref<1x128xi32, #tpu.memory_space<hbm>> -> memref<128xi32, #tpu.memory_space<hbm>>
        tpu.enqueue_dma source(%dma_start3A_290 : memref<128xi32, #tpu.memory_space<hbm>>) target(%arg10 : memref<128xi32, #tpu.memory_space<vmem>>) target_semaphore(%arg28 : memref<!tpu.dma_semaphore, #tpu.memory_space<semaphore_mem>>)
        %add3A_291 = arith.addi %mul3A_2, %add3A_256 : i32
        %add3A_292 = arith.constant 3 : i32
        %add3A_293 = arith.addi %add3A_291, %add3A_292 : i32
        %dma_start3A_294 = arith.constant 0 : i32
        %dma_start3A_295 = tpu.memref_slice %arg4[%add3A_293, %dma_start3A_294] : memref<2816x128xi32, #tpu.memory_space<hbm>> -> memref<1x128xi32, #tpu.memory_space<hbm>>
        %dma_start3A_296 = tpu.memref_squeeze %dma_start3A_295 : memref<1x128xi32, #tpu.memory_space<hbm>> -> memref<128xi32, #tpu.memory_space<hbm>>
        %dma_start3A_297 = arith.constant 0 : i32
        %dma_start3A_298 = tpu.memref_slice %arg4[%add3A_293, %dma_start3A_297] : memref<2816x128xi32, #tpu.memory_space<hbm>> -> memref<1x128xi32, #tpu.memory_space<hbm>>
        %dma_start3A_299 = tpu.memref_squeeze %dma_start3A_298 : memref<1x128xi32, #tpu.memory_space<hbm>> -> memref<128xi32, #tpu.memory_space<hbm>>
        tpu.enqueue_dma source(%dma_start3A_299 : memref<128xi32, #tpu.memory_space<hbm>>) target(%arg13 : memref<128xi32, #tpu.memory_space<vmem>>) target_semaphore(%arg28 : memref<!tpu.dma_semaphore, #tpu.memory_space<semaphore_mem>>)
      } else {
      }
      %dma_start3A_267 = arith.constant 0 : i32
      %dma_start3A_268 = arith.constant 0 : i32
      %dma_start3A_269 = tpu.memref_slice %arg7[%dma_start3A_267, %dma_start3A_268] : memref<10016x128xf32, #tpu.memory_space<vmem_shared>> -> memref<10016x128xf32, #tpu.memory_space<vmem_shared>>
      tpu.enqueue_indirect_dma source(%arg19 : memref<128x128xf32, #tpu.memory_space<vmem>>) target(%dma_start3A_269 : memref<10016x128xf32, #tpu.memory_space<vmem_shared>>) offsets(%arg16 : memref<128xi32, #tpu.memory_space<vmem>>) semaphore(%arg25 : memref<!tpu.dma_semaphore, #tpu.memory_space<semaphore_mem>>) {add = true}
      %ge3A_270 = arith.constant 1 : i32
      %ge3A_271 = arith.cmpi sge, %add3A_256, %ge3A_270 : i32
      %convert_element_type3A_272 = arith.extui %ge3A_271 : i1 to i32
      %cond3A_273 = arith.constant 0 : i32
      %cond3A_274 = arith.cmpi ne, %convert_element_type3A_272, %cond3A_273 : i32
      scf.if %cond3A_274 {
        %dma_wait3A_282 = arith.constant 0 : i32
        %dma_wait3A_283 = arith.constant 0 : i32
        %dma_wait3A_284 = tpu.memref_slice %arg7[%dma_wait3A_282, %dma_wait3A_283] : memref<10016x128xf32, #tpu.memory_space<vmem_shared>> -> memref<10016x128xf32, #tpu.memory_space<vmem_shared>>
        tpu.wait_indirect_dma semaphore(%arg24 : memref<!tpu.dma_semaphore, #tpu.memory_space<semaphore_mem>>) src(%arg18 : memref<128x128xf32, #tpu.memory_space<vmem>>) dst(%dma_wait3A_284 : memref<10016x128xf32, #tpu.memory_space<vmem_shared>>)
      } else {
      }
      %add3A_275 = arith.constant 2 : i32
      %add3A_276 = arith.addi %add3A_256, %add3A_275 : i32
      %lt3A_277 = arith.constant 84 : i32
      %lt3A_278 = arith.cmpi slt, %add3A_276, %lt3A_277 : i32
      %convert_element_type3A_279 = arith.extui %lt3A_278 : i1 to i32
      %cond3A_280 = arith.constant 0 : i32
      %cond3A_281 = arith.cmpi ne, %convert_element_type3A_279, %cond3A_280 : i32
      scf.if %cond3A_281 {
        %dma_wait3A_282 = arith.constant 0 : i32
        %dma_wait3A_283 = arith.constant 0 : i32
        %dma_wait3A_284 = tpu.memref_slice %arg3[%dma_wait3A_282, %dma_wait3A_283] : memref<2816x128xi32, #tpu.memory_space<hbm>> -> memref<1x128xi32, #tpu.memory_space<hbm>>
        %dma_wait3A_285 = tpu.memref_squeeze %dma_wait3A_284 : memref<1x128xi32, #tpu.memory_space<hbm>> -> memref<128xi32, #tpu.memory_space<hbm>>
        %dma_wait3A_286 = arith.constant 0 : i32
        %dma_wait3A_287 = tpu.memref_slice %arg3[%dma_wait3A_282, %dma_wait3A_286] : memref<2816x128xi32, #tpu.memory_space<hbm>> -> memref<1x128xi32, #tpu.memory_space<hbm>>
        %dma_wait3A_288 = tpu.memref_squeeze %dma_wait3A_287 : memref<1x128xi32, #tpu.memory_space<hbm>> -> memref<128xi32, #tpu.memory_space<hbm>>
        tpu.wait_dma2 semaphore(%arg27 : memref<!tpu.dma_semaphore, #tpu.memory_space<semaphore_mem>>) src(%dma_wait3A_288 : memref<128xi32, #tpu.memory_space<hbm>>) dst(%arg9 : memref<128xi32, #tpu.memory_space<vmem>>)
        %dma_wait3A_289 = arith.constant 0 : i32
        %dma_wait3A_290 = arith.constant 0 : i32
        %dma_wait3A_291 = tpu.memref_slice %arg4[%dma_wait3A_289, %dma_wait3A_290] : memref<2816x128xi32, #tpu.memory_space<hbm>> -> memref<1x128xi32, #tpu.memory_space<hbm>>
        %dma_wait3A_292 = tpu.memref_squeeze %dma_wait3A_291 : memref<1x128xi32, #tpu.memory_space<hbm>> -> memref<128xi32, #tpu.memory_space<hbm>>
        %dma_wait3A_293 = arith.constant 0 : i32
        %dma_wait3A_294 = tpu.memref_slice %arg4[%dma_wait3A_289, %dma_wait3A_293] : memref<2816x128xi32, #tpu.memory_space<hbm>> -> memref<1x128xi32, #tpu.memory_space<hbm>>
        %dma_wait3A_295 = tpu.memref_squeeze %dma_wait3A_294 : memref<1x128xi32, #tpu.memory_space<hbm>> -> memref<128xi32, #tpu.memory_space<hbm>>
        tpu.wait_dma2 semaphore(%arg27 : memref<!tpu.dma_semaphore, #tpu.memory_space<semaphore_mem>>) src(%dma_wait3A_295 : memref<128xi32, #tpu.memory_space<hbm>>) dst(%arg12 : memref<128xi32, #tpu.memory_space<vmem>>)
        %dma_start3A_296 = arith.constant 0 : i32
        %dma_start3A_297 = arith.constant 0 : i32
        %dma_start3A_298 = tpu.memref_slice %arg2[%dma_start3A_296, %dma_start3A_297] : memref<10000x128xf32, #tpu.memory_space<hbm>> -> memref<10000x128xf32, #tpu.memory_space<hbm>>
        tpu.enqueue_indirect_dma source(%dma_start3A_298 : memref<10000x128xf32, #tpu.memory_space<hbm>>) target(%arg18 : memref<128x128xf32, #tpu.memory_space<vmem>>) offsets(%arg9 : memref<128xi32, #tpu.memory_space<vmem>>) semaphore(%arg21 : memref<!tpu.dma_semaphore, #tpu.memory_space<semaphore_mem>>)
      } else {
      }
    }
    %scan3A_93 = arith.constant 14 : i32
    %dma_wait3A_94 = arith.constant 0 : i32
    %dma_wait3A_95 = arith.constant 0 : i32
    %dma_wait3A_96 = tpu.memref_slice %arg7[%dma_wait3A_94, %dma_wait3A_95] : memref<10016x128xf32, #tpu.memory_space<vmem_shared>> -> memref<10016x128xf32, #tpu.memory_space<vmem_shared>>
    tpu.wait_indirect_dma semaphore(%arg25 : memref<!tpu.dma_semaphore, #tpu.memory_space<semaphore_mem>>) src(%arg19 : memref<128x128xf32, #tpu.memory_space<vmem>>) dst(%dma_wait3A_96 : memref<10016x128xf32, #tpu.memory_space<vmem_shared>>)
    %barrier3A_97 = arith.constant 0 : index
    tpu.barrier barrier_id(%barrier3A_97)
    %lt3A_98 = arith.constant 15 : i32
    %lt3A_99 = arith.cmpi slt, %arg1, %lt3A_98 : i32
    %convert_element_type3A_100 = arith.extui %lt3A_99 : i1 to i32
    %cond3A_101 = arith.constant 0 : i32
    %cond3A_102 = arith.cmpi ne, %convert_element_type3A_100, %cond3A_101 : i32
    scf.if %cond3A_102 {
      %mul3A_108 = arith.constant 632 : i32
      %mul3A_109 = arith.muli %arg1, %mul3A_108 : i32
      %mul3A_110 = arith.constant 10016 : i32
      %mul3A_111 = arith.muli %arg0, %mul3A_110 : i32
      %mul3A_112 = arith.constant 632 : i32
      %mul3A_113 = arith.muli %arg1, %mul3A_112 : i32
      %add3A_114 = arith.addi %mul3A_111, %mul3A_113 : i32
      "tpu.region"() ({
        %run_scoped3A = tpu.sem_alloc : memref<!tpu.dma_semaphore, #tpu.memory_space<semaphore_mem>>
        %dma_start3A_115 = arith.constant 0 : i32
        %dma_start3A_116 = tpu.memref_slice %arg6[%add3A_114, %dma_start3A_115] : memref<20032x128xf32, #tpu.memory_space<hbm>> -> memref<632x128xf32, #tpu.memory_space<hbm>>
        %dma_start3A_117 = arith.constant 0 : i32
        %dma_start3A_118 = tpu.memref_slice %arg7[%mul3A_109, %dma_start3A_117] : memref<10016x128xf32, #tpu.memory_space<vmem_shared>> -> memref<632x128xf32, #tpu.memory_space<vmem_shared>>
        tpu.enqueue_dma source(%dma_start3A_118 : memref<632x128xf32, #tpu.memory_space<vmem_shared>>) target(%dma_start3A_116 : memref<632x128xf32, #tpu.memory_space<hbm>>) target_semaphore(%run_scoped3A : memref<!tpu.dma_semaphore, #tpu.memory_space<semaphore_mem>>)
        %dma_wait3A_119 = arith.constant 0 : i32
        %dma_wait3A_120 = tpu.memref_slice %arg6[%add3A_114, %dma_wait3A_119] : memref<20032x128xf32, #tpu.memory_space<hbm>> -> memref<632x128xf32, #tpu.memory_space<hbm>>
        %dma_wait3A_121 = arith.constant 0 : i32
        %dma_wait3A_122 = tpu.memref_slice %arg7[%mul3A_109, %dma_wait3A_121] : memref<10016x128xf32, #tpu.memory_space<vmem_shared>> -> memref<632x128xf32, #tpu.memory_space<vmem_shared>>
        tpu.wait_dma2 semaphore(%run_scoped3A : memref<!tpu.dma_semaphore, #tpu.memory_space<semaphore_mem>>) src(%dma_wait3A_122 : memref<632x128xf32, #tpu.memory_space<vmem_shared>>) dst(%dma_wait3A_120 : memref<632x128xf32, #tpu.memory_space<hbm>>)
        tpu.yield
      }) : () -> ()
    } else {
    }
    %eq3A_103 = arith.constant 15 : i32
    %eq3A_104 = arith.cmpi eq, %arg1, %eq3A_103 : i32
    %convert_element_type3A_105 = arith.extui %eq3A_104 : i1 to i32
    %cond3A_106 = arith.constant 0 : i32
    %cond3A_107 = arith.cmpi ne, %convert_element_type3A_105, %cond3A_106 : i32
    scf.if %cond3A_107 {
      %mul3A_108 = arith.constant 10016 : i32
      %mul3A_109 = arith.muli %arg0, %mul3A_108 : i32
      %add3A_110 = arith.constant 9480 : i32
      %add3A_111 = arith.addi %mul3A_109, %add3A_110 : i32
      "tpu.region"() ({
        %run_scoped3A = tpu.sem_alloc : memref<!tpu.dma_semaphore, #tpu.memory_space<semaphore_mem>>
        %dma_start3A_112 = arith.constant 0 : i32
        %dma_start3A_113 = tpu.memref_slice %arg6[%add3A_111, %dma_start3A_112] : memref<20032x128xf32, #tpu.memory_space<hbm>> -> memref<536x128xf32, #tpu.memory_space<hbm>>
        %dma_start3A_114 = arith.constant 9480 : i32
        %dma_start3A_115 = arith.constant 0 : i32
        %dma_start3A_116 = tpu.memref_slice %arg7[%dma_start3A_114, %dma_start3A_115] : memref<10016x128xf32, #tpu.memory_space<vmem_shared>> -> memref<536x128xf32, #tpu.memory_space<vmem_shared>>
        tpu.enqueue_dma source(%dma_start3A_116 : memref<536x128xf32, #tpu.memory_space<vmem_shared>>) target(%dma_start3A_113 : memref<536x128xf32, #tpu.memory_space<hbm>>) target_semaphore(%run_scoped3A : memref<!tpu.dma_semaphore, #tpu.memory_space<semaphore_mem>>)
        %dma_wait3A_117 = arith.constant 0 : i32
        %dma_wait3A_118 = tpu.memref_slice %arg6[%add3A_111, %dma_wait3A_117] : memref<20032x128xf32, #tpu.memory_space<hbm>> -> memref<536x128xf32, #tpu.memory_space<hbm>>
        %dma_wait3A_119 = arith.constant 9480 : i32
        %dma_wait3A_120 = arith.constant 0 : i32
        %dma_wait3A_121 = tpu.memref_slice %arg7[%dma_wait3A_119, %dma_wait3A_120] : memref<10016x128xf32, #tpu.memory_space<vmem_shared>> -> memref<536x128xf32, #tpu.memory_space<vmem_shared>>
        tpu.wait_dma2 semaphore(%run_scoped3A : memref<!tpu.dma_semaphore, #tpu.memory_space<semaphore_mem>>) src(%dma_wait3A_121 : memref<536x128xf32, #tpu.memory_space<vmem_shared>>) dst(%dma_wait3A_118 : memref<536x128xf32, #tpu.memory_space<hbm>>)
        tpu.yield
      }) : () -> ()
    } else {
    }
    return
  }
}

module attributes {stable_mosaic.version = 14 : i64} {
  func.func @_dense_body_first(%arg0: i32, %arg1: memref<2x1000x128xf32, #tpu.memory_space<vmem>>, %arg2: memref<2x1000x128xf32, #tpu.memory_space<vmem>>, %arg3: memref<1000x128xf32, #tpu.memory_space<vmem>>, %arg4: memref<128x128xf32, #tpu.memory_space<vmem>>, %arg5: memref<1x128xf32, #tpu.memory_space<vmem>>, %arg6: memref<128x128xf32, #tpu.memory_space<vmem>>, %arg7: memref<1000x128xf32, #tpu.memory_space<vmem>>) attributes {dimension_semantics = [#tpu.dimension_semantics<arbitrary>], iteration_bounds = array<i64: 10>, scalar_prefetch = 0 : i64, scratch_operands = 0 : i64, tpu.core_type = #tpu.core_type<tc>, window_params = [{transform_indices = @transform_0, window_bounds = array<i64: 2, 1000, 128>}, {transform_indices = @transform_1, window_bounds = array<i64: 2, 1000, 128>}, {transform_indices = @transform_2, window_bounds = array<i64: 1000, 128>}, {pipeline_mode = #tpu.pipeline_mode<synchronous>, transform_indices = @transform_3, window_bounds = array<i64: 128, 128>}, {pipeline_mode = #tpu.pipeline_mode<synchronous>, transform_indices = @transform_4, window_bounds = array<i64: 1, 128>}, {pipeline_mode = #tpu.pipeline_mode<synchronous>, transform_indices = @transform_5, window_bounds = array<i64: 128, 128>}, {transform_indices = @transform_6, window_bounds = array<i64: 1000, 128>}]} {
    %get3A = arith.constant 0 : index
    %get3A_0 = arith.constant 0 : index
    %get3A_1 = arith.constant 0 : index
    %get3A_2 = vector.load %arg2[%get3A, %get3A_0, %get3A_1] : memref<2x1000x128xf32, #tpu.memory_space<vmem>>, vector<2x1000x128xf32>
    %slice3A = vector.extract_strided_slice %get3A_2 {offsets = [0, 0, 0], sizes = [1, 1000, 1], strides = [1, 1, 1]} : vector<2x1000x128xf32> to vector<1x1000x1xf32>
    %squeeze3A = vector.shape_cast %slice3A : vector<1x1000x1xf32> to vector<1000x1xf32>
    %slice3A_3 = vector.extract_strided_slice %get3A_2 {offsets = [1, 0, 0], sizes = [1, 1000, 1], strides = [1, 1, 1]} : vector<2x1000x128xf32> to vector<1x1000x1xf32>
    %squeeze3A_4 = vector.shape_cast %slice3A_3 : vector<1x1000x1xf32> to vector<1000x1xf32>
    %add3A = arith.addf %squeeze3A, %squeeze3A_4 : vector<1000x1xf32>
    %max3A = arith.constant 1.000000e+00 : f32
    %max3A_5 = vector.broadcast %max3A : f32 to vector<1000x1xf32>
    %max3A_6 = arith.maximumf %add3A, %max3A_5 : vector<1000x1xf32>
    %div3A = arith.constant 1.000000e+00 : f32
    %div3A_7 = vector.broadcast %div3A : f32 to vector<1000x1xf32>
    %div3A_8 = arith.divf %div3A_7, %max3A_6 : vector<1000x1xf32>
    %get3A_9 = arith.constant 0 : index
    %get3A_10 = arith.constant 0 : index
    %get3A_11 = arith.constant 0 : index
    %get3A_12 = vector.load %arg1[%get3A_9, %get3A_10, %get3A_11] : memref<2x1000x128xf32, #tpu.memory_space<vmem>>, vector<2x1000x128xf32>
    %slice3A_13 = vector.extract_strided_slice %get3A_12 {offsets = [0, 0, 0], sizes = [1, 1000, 128], strides = [1, 1, 1]} : vector<2x1000x128xf32> to vector<1x1000x128xf32>
    %squeeze3A_14 = vector.shape_cast %slice3A_13 : vector<1x1000x128xf32> to vector<1000x128xf32>
    %slice3A_15 = vector.extract_strided_slice %get3A_12 {offsets = [1, 0, 0], sizes = [1, 1000, 128], strides = [1, 1, 1]} : vector<2x1000x128xf32> to vector<1x1000x128xf32>
    %squeeze3A_16 = vector.shape_cast %slice3A_15 : vector<1x1000x128xf32> to vector<1000x128xf32>
    %add3A_17 = arith.addf %squeeze3A_14, %squeeze3A_16 : vector<1000x128xf32>
    %mul3A = vector.broadcast %div3A_8 : vector<1000x1xf32> to vector<1000x128xf32>
    %mul3A_18 = arith.mulf %add3A_17, %mul3A : vector<1000x128xf32>
    %get3A_19 = arith.constant 0 : index
    %get3A_20 = arith.constant 0 : index
    %get3A_21 = vector.load %arg4[%get3A_19, %get3A_20] : memref<128x128xf32, #tpu.memory_space<vmem>>, vector<128x128xf32>
    %dot_general3A = arith.constant dense<0.000000e+00> : vector<1000x128xf32>
    %dot_general3A_22 = tpu.matmul %mul3A_18, %get3A_21, %dot_general3A {dimension_numbers = #tpu.dot_dimension_numbers<[1], [0], [0], [1], [0, 0, 1, 1], [], []>, transpose_lhs_hint = false} : vector<1000x128xf32>, vector<128x128xf32>, vector<1000x128xf32> -> vector<1000x128xf32>
    %get3A_23 = arith.constant 0 : index
    %get3A_24 = arith.constant 0 : index
    %get3A_25 = vector.load %arg5[%get3A_23, %get3A_24] : memref<1x128xf32, #tpu.memory_space<vmem>>, vector<1x128xf32>
    %add3A_26 = vector.broadcast %get3A_25 : vector<1x128xf32> to vector<1000x128xf32>
    %add3A_27 = arith.addf %dot_general3A_22, %add3A_26 : vector<1000x128xf32>
    %get3A_28 = arith.constant 0 : index
    %get3A_29 = arith.constant 0 : index
    %get3A_30 = vector.load %arg3[%get3A_28, %get3A_29] : memref<1000x128xf32, #tpu.memory_space<vmem>>, vector<1000x128xf32>
    %get3A_31 = arith.constant 0 : index
    %get3A_32 = arith.constant 0 : index
    %get3A_33 = vector.load %arg6[%get3A_31, %get3A_32] : memref<128x128xf32, #tpu.memory_space<vmem>>, vector<128x128xf32>
    %dot_general3A_34 = arith.constant dense<0.000000e+00> : vector<1000x128xf32>
    %dot_general3A_35 = tpu.matmul %get3A_30, %get3A_33, %dot_general3A_34 {dimension_numbers = #tpu.dot_dimension_numbers<[1], [0], [0], [1], [0, 0, 1, 1], [], []>, transpose_lhs_hint = false} : vector<1000x128xf32>, vector<128x128xf32>, vector<1000x128xf32> -> vector<1000x128xf32>
    %add3A_36 = arith.addf %add3A_27, %dot_general3A_35 : vector<1000x128xf32>
    %max3A_37 = arith.constant 0.000000e+00 : f32
    %max3A_38 = vector.broadcast %max3A_37 : f32 to vector<1000x128xf32>
    %max3A_39 = arith.maximumf %add3A_36, %max3A_38 : vector<1000x128xf32>
    %swap3A = arith.constant 0 : index
    %swap3A_40 = arith.constant 0 : index
    %swap3A_41 = vector.load %arg7[%swap3A, %swap3A_40] : memref<1000x128xf32, #tpu.memory_space<vmem>>, vector<1000x128xf32>
    tpu.vector_store %arg7[%swap3A, %swap3A_40], %max3A_39 {strides = array<i32>} : memref<1000x128xf32, #tpu.memory_space<vmem>>, vector<1000x128xf32>,
    return
  }
  func.func @transform_0(%arg0: i32) -> (i32, i32, i32) {
    %c0_i32 = arith.constant 0 : i32
    %c0_i32_0 = arith.constant 0 : i32
    %c0_i32_1 = arith.constant 0 : i32
    return %c0_i32, %arg0, %c0_i32_0 : i32, i32, i32
  }
  func.func @transform_1(%arg0: i32) -> (i32, i32, i32) {
    %c0_i32 = arith.constant 0 : i32
    %c0_i32_0 = arith.constant 0 : i32
    %c0_i32_1 = arith.constant 0 : i32
    return %c0_i32, %arg0, %c0_i32_0 : i32, i32, i32
  }
  func.func @transform_2(%arg0: i32) -> (i32, i32) {
    %c0_i32 = arith.constant 0 : i32
    %c0_i32_0 = arith.constant 0 : i32
    return %arg0, %c0_i32 : i32, i32
  }
  func.func @transform_3(%arg0: i32) -> (i32, i32) {
    %c0_i32 = arith.constant 0 : i32
    %c0_i32_0 = arith.constant 0 : i32
    %c0_i32_1 = arith.constant 0 : i32
    return %c0_i32, %c0_i32_0 : i32, i32
  }
  func.func @transform_4(%arg0: i32) -> (i32, i32) {
    %c0_i32 = arith.constant 0 : i32
    %c0_i32_0 = arith.constant 0 : i32
    %c0_i32_1 = arith.constant 0 : i32
    return %c0_i32, %c0_i32_0 : i32, i32
  }
  func.func @transform_5(%arg0: i32) -> (i32, i32) {
    %c0_i32 = arith.constant 0 : i32
    %c0_i32_0 = arith.constant 0 : i32
    %c0_i32_1 = arith.constant 0 : i32
    return %c0_i32, %c0_i32_0 : i32, i32
  }
  func.func @transform_6(%arg0: i32) -> (i32, i32) {
    %c0_i32 = arith.constant 0 : i32
    %c0_i32_0 = arith.constant 0 : i32
    return %arg0, %c0_i32 : i32, i32
  }
}

module attributes {stable_mosaic.version = 14 : i64} {
  func.func @_dense_body_resid(%arg0: i32, %arg1: memref<2x1000x128xf32, #tpu.memory_space<vmem>>, %arg2: memref<2x1000x128xf32, #tpu.memory_space<vmem>>, %arg3: memref<1000x128xf32, #tpu.memory_space<vmem>>, %arg4: memref<128x128xf32, #tpu.memory_space<vmem>>, %arg5: memref<1x128xf32, #tpu.memory_space<vmem>>, %arg6: memref<128x128xf32, #tpu.memory_space<vmem>>, %arg7: memref<1000x128xf32, #tpu.memory_space<vmem>>) attributes {dimension_semantics = [#tpu.dimension_semantics<arbitrary>], iteration_bounds = array<i64: 10>, scalar_prefetch = 0 : i64, scratch_operands = 0 : i64, tpu.core_type = #tpu.core_type<tc>, window_params = [{transform_indices = @transform_0, window_bounds = array<i64: 2, 1000, 128>}, {transform_indices = @transform_1, window_bounds = array<i64: 2, 1000, 128>}, {transform_indices = @transform_2, window_bounds = array<i64: 1000, 128>}, {pipeline_mode = #tpu.pipeline_mode<synchronous>, transform_indices = @transform_3, window_bounds = array<i64: 128, 128>}, {pipeline_mode = #tpu.pipeline_mode<synchronous>, transform_indices = @transform_4, window_bounds = array<i64: 1, 128>}, {pipeline_mode = #tpu.pipeline_mode<synchronous>, transform_indices = @transform_5, window_bounds = array<i64: 128, 128>}, {transform_indices = @transform_6, window_bounds = array<i64: 1000, 128>}]} {
    %get3A = arith.constant 0 : index
    %get3A_0 = arith.constant 0 : index
    %get3A_1 = arith.constant 0 : index
    %get3A_2 = vector.load %arg2[%get3A, %get3A_0, %get3A_1] : memref<2x1000x128xf32, #tpu.memory_space<vmem>>, vector<2x1000x128xf32>
    %slice3A = vector.extract_strided_slice %get3A_2 {offsets = [0, 0, 0], sizes = [1, 1000, 1], strides = [1, 1, 1]} : vector<2x1000x128xf32> to vector<1x1000x1xf32>
    %squeeze3A = vector.shape_cast %slice3A : vector<1x1000x1xf32> to vector<1000x1xf32>
    %slice3A_3 = vector.extract_strided_slice %get3A_2 {offsets = [1, 0, 0], sizes = [1, 1000, 1], strides = [1, 1, 1]} : vector<2x1000x128xf32> to vector<1x1000x1xf32>
    %squeeze3A_4 = vector.shape_cast %slice3A_3 : vector<1x1000x1xf32> to vector<1000x1xf32>
    %add3A = arith.addf %squeeze3A, %squeeze3A_4 : vector<1000x1xf32>
    %max3A = arith.constant 1.000000e+00 : f32
    %max3A_5 = vector.broadcast %max3A : f32 to vector<1000x1xf32>
    %max3A_6 = arith.maximumf %add3A, %max3A_5 : vector<1000x1xf32>
    %div3A = arith.constant 1.000000e+00 : f32
    %div3A_7 = vector.broadcast %div3A : f32 to vector<1000x1xf32>
    %div3A_8 = arith.divf %div3A_7, %max3A_6 : vector<1000x1xf32>
    %get3A_9 = arith.constant 0 : index
    %get3A_10 = arith.constant 0 : index
    %get3A_11 = arith.constant 0 : index
    %get3A_12 = vector.load %arg1[%get3A_9, %get3A_10, %get3A_11] : memref<2x1000x128xf32, #tpu.memory_space<vmem>>, vector<2x1000x128xf32>
    %slice3A_13 = vector.extract_strided_slice %get3A_12 {offsets = [0, 0, 0], sizes = [1, 1000, 128], strides = [1, 1, 1]} : vector<2x1000x128xf32> to vector<1x1000x128xf32>
    %squeeze3A_14 = vector.shape_cast %slice3A_13 : vector<1x1000x128xf32> to vector<1000x128xf32>
    %slice3A_15 = vector.extract_strided_slice %get3A_12 {offsets = [1, 0, 0], sizes = [1, 1000, 128], strides = [1, 1, 1]} : vector<2x1000x128xf32> to vector<1x1000x128xf32>
    %squeeze3A_16 = vector.shape_cast %slice3A_15 : vector<1x1000x128xf32> to vector<1000x128xf32>
    %add3A_17 = arith.addf %squeeze3A_14, %squeeze3A_16 : vector<1000x128xf32>
    %mul3A = vector.broadcast %div3A_8 : vector<1000x1xf32> to vector<1000x128xf32>
    %mul3A_18 = arith.mulf %add3A_17, %mul3A : vector<1000x128xf32>
    %get3A_19 = arith.constant 0 : index
    %get3A_20 = arith.constant 0 : index
    %get3A_21 = vector.load %arg4[%get3A_19, %get3A_20] : memref<128x128xf32, #tpu.memory_space<vmem>>, vector<128x128xf32>
    %dot_general3A = arith.constant dense<0.000000e+00> : vector<1000x128xf32>
    %dot_general3A_22 = tpu.matmul %mul3A_18, %get3A_21, %dot_general3A {dimension_numbers = #tpu.dot_dimension_numbers<[1], [0], [0], [1], [0, 0, 1, 1], [], []>, transpose_lhs_hint = false} : vector<1000x128xf32>, vector<128x128xf32>, vector<1000x128xf32> -> vector<1000x128xf32>
    %get3A_23 = arith.constant 0 : index
    %get3A_24 = arith.constant 0 : index
    %get3A_25 = vector.load %arg5[%get3A_23, %get3A_24] : memref<1x128xf32, #tpu.memory_space<vmem>>, vector<1x128xf32>
    %add3A_26 = vector.broadcast %get3A_25 : vector<1x128xf32> to vector<1000x128xf32>
    %add3A_27 = arith.addf %dot_general3A_22, %add3A_26 : vector<1000x128xf32>
    %get3A_28 = arith.constant 0 : index
    %get3A_29 = arith.constant 0 : index
    %get3A_30 = vector.load %arg3[%get3A_28, %get3A_29] : memref<1000x128xf32, #tpu.memory_space<vmem>>, vector<1000x128xf32>
    %get3A_31 = arith.constant 0 : index
    %get3A_32 = arith.constant 0 : index
    %get3A_33 = vector.load %arg6[%get3A_31, %get3A_32] : memref<128x128xf32, #tpu.memory_space<vmem>>, vector<128x128xf32>
    %dot_general3A_34 = arith.constant dense<0.000000e+00> : vector<1000x128xf32>
    %dot_general3A_35 = tpu.matmul %get3A_30, %get3A_33, %dot_general3A_34 {dimension_numbers = #tpu.dot_dimension_numbers<[1], [0], [0], [1], [0, 0, 1, 1], [], []>, transpose_lhs_hint = false} : vector<1000x128xf32>, vector<128x128xf32>, vector<1000x128xf32> -> vector<1000x128xf32>
    %add3A_36 = arith.addf %add3A_27, %dot_general3A_35 : vector<1000x128xf32>
    %max3A_37 = arith.constant 0.000000e+00 : f32
    %max3A_38 = vector.broadcast %max3A_37 : f32 to vector<1000x128xf32>
    %max3A_39 = arith.maximumf %add3A_36, %max3A_38 : vector<1000x128xf32>
    %get3A_40 = arith.constant 0 : index
    %get3A_41 = arith.constant 0 : index
    %get3A_42 = vector.load %arg3[%get3A_40, %get3A_41] : memref<1000x128xf32, #tpu.memory_space<vmem>>, vector<1000x128xf32>
    %add3A_43 = arith.addf %max3A_39, %get3A_42 : vector<1000x128xf32>
    %swap3A = arith.constant 0 : index
    %swap3A_44 = arith.constant 0 : index
    %swap3A_45 = vector.load %arg7[%swap3A, %swap3A_44] : memref<1000x128xf32, #tpu.memory_space<vmem>>, vector<1000x128xf32>
    tpu.vector_store %arg7[%swap3A, %swap3A_44], %add3A_43 {strides = array<i32>} : memref<1000x128xf32, #tpu.memory_space<vmem>>, vector<1000x128xf32>,
    return
  }
  func.func @transform_0(%arg0: i32) -> (i32, i32, i32) {
    %c0_i32 = arith.constant 0 : i32
    %c0_i32_0 = arith.constant 0 : i32
    %c0_i32_1 = arith.constant 0 : i32
    return %c0_i32, %arg0, %c0_i32_0 : i32, i32, i32
  }
  func.func @transform_1(%arg0: i32) -> (i32, i32, i32) {
    %c0_i32 = arith.constant 0 : i32
    %c0_i32_0 = arith.constant 0 : i32
    %c0_i32_1 = arith.constant 0 : i32
    return %c0_i32, %arg0, %c0_i32_0 : i32, i32, i32
  }
  func.func @transform_2(%arg0: i32) -> (i32, i32) {
    %c0_i32 = arith.constant 0 : i32
    %c0_i32_0 = arith.constant 0 : i32
    return %arg0, %c0_i32 : i32, i32
  }
  func.func @transform_3(%arg0: i32) -> (i32, i32) {
    %c0_i32 = arith.constant 0 : i32
    %c0_i32_0 = arith.constant 0 : i32
    %c0_i32_1 = arith.constant 0 : i32
    return %c0_i32, %c0_i32_0 : i32, i32
  }
  func.func @transform_4(%arg0: i32) -> (i32, i32) {
    %c0_i32 = arith.constant 0 : i32
    %c0_i32_0 = arith.constant 0 : i32
    %c0_i32_1 = arith.constant 0 : i32
    return %c0_i32, %c0_i32_0 : i32, i32
  }
  func.func @transform_5(%arg0: i32) -> (i32, i32) {
    %c0_i32 = arith.constant 0 : i32
    %c0_i32_0 = arith.constant 0 : i32
    %c0_i32_1 = arith.constant 0 : i32
    return %c0_i32, %c0_i32_0 : i32, i32
  }
  func.func @transform_6(%arg0: i32) -> (i32, i32) {
    %c0_i32 = arith.constant 0 : i32
    %c0_i32_0 = arith.constant 0 : i32
    return %arg0, %c0_i32 : i32, i32
  }
}

module attributes {stable_mosaic.version = 14 : i64} {
  func.func @_dense_body_resid(%arg0: i32, %arg1: memref<2x1000x128xf32, #tpu.memory_space<vmem>>, %arg2: memref<2x1000x128xf32, #tpu.memory_space<vmem>>, %arg3: memref<1000x128xf32, #tpu.memory_space<vmem>>, %arg4: memref<128x128xf32, #tpu.memory_space<vmem>>, %arg5: memref<1x128xf32, #tpu.memory_space<vmem>>, %arg6: memref<128x128xf32, #tpu.memory_space<vmem>>, %arg7: memref<1000x128xf32, #tpu.memory_space<vmem>>) attributes {dimension_semantics = [#tpu.dimension_semantics<arbitrary>], iteration_bounds = array<i64: 10>, scalar_prefetch = 0 : i64, scratch_operands = 0 : i64, tpu.core_type = #tpu.core_type<tc>, window_params = [{transform_indices = @transform_0, window_bounds = array<i64: 2, 1000, 128>}, {transform_indices = @transform_1, window_bounds = array<i64: 2, 1000, 128>}, {transform_indices = @transform_2, window_bounds = array<i64: 1000, 128>}, {pipeline_mode = #tpu.pipeline_mode<synchronous>, transform_indices = @transform_3, window_bounds = array<i64: 128, 128>}, {pipeline_mode = #tpu.pipeline_mode<synchronous>, transform_indices = @transform_4, window_bounds = array<i64: 1, 128>}, {pipeline_mode = #tpu.pipeline_mode<synchronous>, transform_indices = @transform_5, window_bounds = array<i64: 128, 128>}, {transform_indices = @transform_6, window_bounds = array<i64: 1000, 128>}]} {
    %get3A = arith.constant 0 : index
    %get3A_0 = arith.constant 0 : index
    %get3A_1 = arith.constant 0 : index
    %get3A_2 = vector.load %arg2[%get3A, %get3A_0, %get3A_1] : memref<2x1000x128xf32, #tpu.memory_space<vmem>>, vector<2x1000x128xf32>
    %slice3A = vector.extract_strided_slice %get3A_2 {offsets = [0, 0, 0], sizes = [1, 1000, 1], strides = [1, 1, 1]} : vector<2x1000x128xf32> to vector<1x1000x1xf32>
    %squeeze3A = vector.shape_cast %slice3A : vector<1x1000x1xf32> to vector<1000x1xf32>
    %slice3A_3 = vector.extract_strided_slice %get3A_2 {offsets = [1, 0, 0], sizes = [1, 1000, 1], strides = [1, 1, 1]} : vector<2x1000x128xf32> to vector<1x1000x1xf32>
    %squeeze3A_4 = vector.shape_cast %slice3A_3 : vector<1x1000x1xf32> to vector<1000x1xf32>
    %add3A = arith.addf %squeeze3A, %squeeze3A_4 : vector<1000x1xf32>
    %max3A = arith.constant 1.000000e+00 : f32
    %max3A_5 = vector.broadcast %max3A : f32 to vector<1000x1xf32>
    %max3A_6 = arith.maximumf %add3A, %max3A_5 : vector<1000x1xf32>
    %div3A = arith.constant 1.000000e+00 : f32
    %div3A_7 = vector.broadcast %div3A : f32 to vector<1000x1xf32>
    %div3A_8 = arith.divf %div3A_7, %max3A_6 : vector<1000x1xf32>
    %get3A_9 = arith.constant 0 : index
    %get3A_10 = arith.constant 0 : index
    %get3A_11 = arith.constant 0 : index
    %get3A_12 = vector.load %arg1[%get3A_9, %get3A_10, %get3A_11] : memref<2x1000x128xf32, #tpu.memory_space<vmem>>, vector<2x1000x128xf32>
    %slice3A_13 = vector.extract_strided_slice %get3A_12 {offsets = [0, 0, 0], sizes = [1, 1000, 128], strides = [1, 1, 1]} : vector<2x1000x128xf32> to vector<1x1000x128xf32>
    %squeeze3A_14 = vector.shape_cast %slice3A_13 : vector<1x1000x128xf32> to vector<1000x128xf32>
    %slice3A_15 = vector.extract_strided_slice %get3A_12 {offsets = [1, 0, 0], sizes = [1, 1000, 128], strides = [1, 1, 1]} : vector<2x1000x128xf32> to vector<1x1000x128xf32>
    %squeeze3A_16 = vector.shape_cast %slice3A_15 : vector<1x1000x128xf32> to vector<1000x128xf32>
    %add3A_17 = arith.addf %squeeze3A_14, %squeeze3A_16 : vector<1000x128xf32>
    %mul3A = vector.broadcast %div3A_8 : vector<1000x1xf32> to vector<1000x128xf32>
    %mul3A_18 = arith.mulf %add3A_17, %mul3A : vector<1000x128xf32>
    %get3A_19 = arith.constant 0 : index
    %get3A_20 = arith.constant 0 : index
    %get3A_21 = vector.load %arg4[%get3A_19, %get3A_20] : memref<128x128xf32, #tpu.memory_space<vmem>>, vector<128x128xf32>
    %dot_general3A = arith.constant dense<0.000000e+00> : vector<1000x128xf32>
    %dot_general3A_22 = tpu.matmul %mul3A_18, %get3A_21, %dot_general3A {dimension_numbers = #tpu.dot_dimension_numbers<[1], [0], [0], [1], [0, 0, 1, 1], [], []>, transpose_lhs_hint = false} : vector<1000x128xf32>, vector<128x128xf32>, vector<1000x128xf32> -> vector<1000x128xf32>
    %get3A_23 = arith.constant 0 : index
    %get3A_24 = arith.constant 0 : index
    %get3A_25 = vector.load %arg5[%get3A_23, %get3A_24] : memref<1x128xf32, #tpu.memory_space<vmem>>, vector<1x128xf32>
    %add3A_26 = vector.broadcast %get3A_25 : vector<1x128xf32> to vector<1000x128xf32>
    %add3A_27 = arith.addf %dot_general3A_22, %add3A_26 : vector<1000x128xf32>
    %get3A_28 = arith.constant 0 : index
    %get3A_29 = arith.constant 0 : index
    %get3A_30 = vector.load %arg3[%get3A_28, %get3A_29] : memref<1000x128xf32, #tpu.memory_space<vmem>>, vector<1000x128xf32>
    %get3A_31 = arith.constant 0 : index
    %get3A_32 = arith.constant 0 : index
    %get3A_33 = vector.load %arg6[%get3A_31, %get3A_32] : memref<128x128xf32, #tpu.memory_space<vmem>>, vector<128x128xf32>
    %dot_general3A_34 = arith.constant dense<0.000000e+00> : vector<1000x128xf32>
    %dot_general3A_35 = tpu.matmul %get3A_30, %get3A_33, %dot_general3A_34 {dimension_numbers = #tpu.dot_dimension_numbers<[1], [0], [0], [1], [0, 0, 1, 1], [], []>, transpose_lhs_hint = false} : vector<1000x128xf32>, vector<128x128xf32>, vector<1000x128xf32> -> vector<1000x128xf32>
    %add3A_36 = arith.addf %add3A_27, %dot_general3A_35 : vector<1000x128xf32>
    %max3A_37 = arith.constant 0.000000e+00 : f32
    %max3A_38 = vector.broadcast %max3A_37 : f32 to vector<1000x128xf32>
    %max3A_39 = arith.maximumf %add3A_36, %max3A_38 : vector<1000x128xf32>
    %get3A_40 = arith.constant 0 : index
    %get3A_41 = arith.constant 0 : index
    %get3A_42 = vector.load %arg3[%get3A_40, %get3A_41] : memref<1000x128xf32, #tpu.memory_space<vmem>>, vector<1000x128xf32>
    %add3A_43 = arith.addf %max3A_39, %get3A_42 : vector<1000x128xf32>
    %swap3A = arith.constant 0 : index
    %swap3A_44 = arith.constant 0 : index
    %swap3A_45 = vector.load %arg7[%swap3A, %swap3A_44] : memref<1000x128xf32, #tpu.memory_space<vmem>>, vector<1000x128xf32>
    tpu.vector_store %arg7[%swap3A, %swap3A_44], %add3A_43 {strides = array<i32>} : memref<1000x128xf32, #tpu.memory_space<vmem>>, vector<1000x128xf32>,
    return
  }
  func.func @transform_0(%arg0: i32) -> (i32, i32, i32) {
    %c0_i32 = arith.constant 0 : i32
    %c0_i32_0 = arith.constant 0 : i32
    %c0_i32_1 = arith.constant 0 : i32
    return %c0_i32, %arg0, %c0_i32_0 : i32, i32, i32
  }
  func.func @transform_1(%arg0: i32) -> (i32, i32, i32) {
    %c0_i32 = arith.constant 0 : i32
    %c0_i32_0 = arith.constant 0 : i32
    %c0_i32_1 = arith.constant 0 : i32
    return %c0_i32, %arg0, %c0_i32_0 : i32, i32, i32
  }
  func.func @transform_2(%arg0: i32) -> (i32, i32) {
    %c0_i32 = arith.constant 0 : i32
    %c0_i32_0 = arith.constant 0 : i32
    return %arg0, %c0_i32 : i32, i32
  }
  func.func @transform_3(%arg0: i32) -> (i32, i32) {
    %c0_i32 = arith.constant 0 : i32
    %c0_i32_0 = arith.constant 0 : i32
    %c0_i32_1 = arith.constant 0 : i32
    return %c0_i32, %c0_i32_0 : i32, i32
  }
  func.func @transform_4(%arg0: i32) -> (i32, i32) {
    %c0_i32 = arith.constant 0 : i32
    %c0_i32_0 = arith.constant 0 : i32
    %c0_i32_1 = arith.constant 0 : i32
    return %c0_i32, %c0_i32_0 : i32, i32
  }
  func.func @transform_5(%arg0: i32) -> (i32, i32) {
    %c0_i32 = arith.constant 0 : i32
    %c0_i32_0 = arith.constant 0 : i32
    %c0_i32_1 = arith.constant 0 : i32
    return %c0_i32, %c0_i32_0 : i32, i32
  }
  func.func @transform_6(%arg0: i32) -> (i32, i32) {
    %c0_i32 = arith.constant 0 : i32
    %c0_i32_0 = arith.constant 0 : i32
    return %arg0, %c0_i32 : i32, i32
  }
}

</mosaic_0001>

<sc_bundles>
// kernel: kernel.11.cloned.1.call-start
scs
__scs_entry_jumppad:
0x0: {  	(pc) =	sbr.rel $0x88, $3  }
0x1: {  	(tag) =	ssettag $0x0;
	lr =	simm.s32 $0x1  }
0x2: {  	[smem:$0x3F93] =	sst lr;
	_ =	strace $0xD0000000  }
0x3: {  	_ = 	snop  }
0x4: {  	_ = 	snop  }
0x5: {  	_ = 	snop  }
0x6: {  	_ = 	snop  }
0x7: {  	_ = 	snop  }
__scs_overlays_trampoline_lowered:
0x8: {  	[smem:$0x3FA2] =	sst s0  }
0x9: {  	[smem:$0x3FA3] =	sst s1  }
0xa: {  	[smem:$0x3FA4] =	sst s2  }
0xb: {  	[smem:$0x3FA5] =	sst s3  }
0xc: {  	[smem:$0x3FA6] =	sst s4  }
0xd: {  	[smem:$0x3FA7] =	sst s5  }
0xe: {  	[smem:$0x3FA8] =	sst s6  }
0xf: {  	[smem:$0x3FA9] =	sst s7  }
0x10: {  	[smem:$0x3FAA] =	sst s8  }
0x11: {  	[smem:$0x3FAB] =	sst s9;
	s0 =	simm.s32 @!p0 $0x0  }
0x12: {  	s1 =	sld [smem:$0x3F91];
	s0 =	simm.s32 @p0 $0x1  }
0x13: {  	[smem:$0x3FAC] =	sst s0;
	s0 =	simm.s32 @!p1 $0x0  }
0x14: {  	s2 =	sld [smem:$0x3F90];
	s0 =	simm.s32 @p1 $0x1  }
0x15: {  	[smem:$0x3FAD] =	sst s0;
	s0 =	simm.s32 @!p2 $0x0  }
0x16: {  	s3 =	sld [smem:$0x3FDB];
	s0 =	simm.s32 @p2 $0x1  }
0x17: {  	s4 =	simm.s32 $0x1BF5;
	[smem:$0x3FAF] =	sst s0  }
0x18: {  	s0 =	sld [smem:$0x3F92];
	_ =	swait.ge [sflag:s4], $0x0  }
0x19: {  	s7 =	sld [smem:$0x3F93]  }
0x1a: {  	s8 =	sadd.s32 $0xFFFFE003, lr  }
0x1b: {  	s9 =	sadd.s32 $0xFFFFFEF7, lr;
	s5 =	simm.s32 $0xFFFFFFFF;
	p2 =	slt.u32 s8, $0xFFFFF086  }
0x1c: {  	p1 =	slt.u32 s9, $0xF7A;
	s5 =	simm.s32 @!p2 $0x0  }
0x1d: {  	s5 =	simm.s32 @p1 $0x1;
	p0 =	seq.s32 s7, s2  }
0x1e: {  	s7 =	smul.u32 @!p0 $0xF7A, s2;
	p2 =	seq.s32 @!p0 s5, $0x0  }
0x1f: {  	s9 =	smul.u32 $0xF7A, s1;
	s8 =	simm.s32 @!p0 $0x1BF5;
	p2 =	por !p2, p0  }
0x20: {  	[sflag:s8] =	ssyncset.s32 @!p0 $0xFFFFF086;
	s6 =	sadd.s32 @!p0 s3, s7;
	s7 =	simm.s32 @!p0 $0x108  }
0x21: {  	s3 =	sadd.s32 s3, s9;
	s6 =	sadd.s32 @!p0 $0x88, s6;
	s7 =	simm.s32 @p2 $0x1082  }
0x22: {  	[simem:s7], [sflag:s8] =	dma.local @!p0 [hbm:s6], $0xF7A  }
0x23: {  	s9 =	sor.u32 $0xD0000000, s2;
	s6 =	simm.s32 $0x108;
	_ =	swait.ge @!p0 [sflag:s8], $0x0  }
0x24: {  	s3 =	sadd.s32 $0x88, s3;
	s6 =	simm.s32 @!p1 $0x1082;
	[sflag:s4] =	ssyncset.s32 $0xFFFFF086  }
0x25: {  	[simem:s6], [sflag:s4] =	dma.local [hbm:s3], $0xF7A  }
0x26: {  	[smem:$0x3F93] =	sst s1;
	(tag) =	ssettag s2;
	_ =	strace s9  }
0x27: {  	s1 =	sld [smem:$0x3FA3]  }
0x28: {  	s2 =	sld [smem:$0x3FA4]  }
0x29: {  	s4 =	sld [smem:$0x3FA6]  }
0x2a: {  	p0 =	seq.s32 s5, $0x0;
	s5 =	sld [smem:$0x3FA7]  }
0x2b: {  	s6 =	sld [smem:$0x3FA8]  }
0x2c: {  	s7 =	sld [smem:$0x3FA9]  }
0x2d: {  	s3 =	simm.s32 $0x108;
	s8 =	sld [smem:$0x3FAA]  }
0x2e: {  	s3 =	simm.s32 @!p0 $0x1082;
	s9 =	sld [smem:$0x3FAB]  }
0x2f: {  	lr =	sadd.s32 s0, s3;
	s0 =	sld [smem:$0x3FA2]  }
0x30: {  	s3 =	sld [smem:$0x3FA5]  }
0x31: {  	[smem:$0x3FAE] =	sst s10  }
0x32: {  	s10 =	sld [smem:$0x3FAC];
	_ =	sdelay $0x3  }
0x33: {  	p0 =	seq.s32 s10, $0x1;
	s10 =	sld [smem:$0x3FAE];
	_ =	sdelay $0x3  }
0x34: {  	[smem:$0x3FAE] =	sst s10  }
0x35: {  	s10 =	sld [smem:$0x3FAD];
	_ =	sdelay $0x3  }
0x36: {  	p1 =	seq.s32 s10, $0x1;
	s10 =	sld [smem:$0x3FAE];
	_ =	sdelay $0x3  }
0x37: {  	[smem:$0x3FAE] =	sst s10  }
0x38: {  	s10 =	sld [smem:$0x3FAF]  }
0x39: {  	_ = 	snop;
	(pc) =	sbr.ind lr, $3  }
0x3a: {  	_ = 	snop  }
0x3b: {  	_ = 	snop  }
0x3c: {  	p2 =	seq.s32 s10, $0x1;
	s10 =	sld [smem:$0x3FAE]  }
0x3d: {  	_ =	shalt  }
0x3e: {  	_ =	shalt  }
0x3f: {  	_ =	shalt  }
0x40: {  	_ =	shalt  }
0x41: {  	_ =	shalt  }
0x42: {  	_ =	shalt  }
0x43: {  	_ =	shalt  }
0x44: {  	_ =	shalt  }
0x45: {  	_ =	shalt  }
0x46: {  	_ =	shalt  }
0x47: {  	_ =	shalt  }
0x48: {  	_ =	shalt  }
0x49: {  	_ =	shalt  }
0x4a: {  	_ =	shalt  }
0x4b: {  	_ =	shalt  }
0x4c: {  	_ =	shalt  }
0x4d: {  	_ =	shalt  }
0x4e: {  	_ =	shalt  }
0x4f: {  	_ =	shalt  }
0x50: {  	_ =	shalt  }
0x51: {  	_ =	shalt  }
0x52: {  	_ =	shalt  }
0x53: {  	_ =	shalt  }
0x54: {  	_ =	shalt  }
0x55: {  	_ =	shalt  }
0x56: {  	_ =	shalt  }
0x57: {  	_ =	shalt  }
0x58: {  	_ =	shalt  }
0x59: {  	_ =	shalt  }
0x5a: {  	_ =	shalt  }
0x5b: {  	_ =	shalt  }
0x5c: {  	_ =	shalt  }
0x5d: {  	_ =	shalt  }
0x5e: {  	_ =	shalt  }
0x5f: {  	_ =	shalt  }
0x60: {  	_ =	shalt  }
0x61: {  	_ =	shalt  }
0x62: {  	_ =	shalt  }
0x63: {  	_ =	shalt  }
0x64: {  	_ =	shalt  }
0x65: {  	_ =	shalt  }
0x66: {  	_ =	shalt  }
0x67: {  	_ =	shalt  }
0x68: {  	_ =	shalt  }
0x69: {  	_ =	shalt  }
0x6a: {  	_ =	shalt  }
0x6b: {  	_ =	shalt  }
0x6c: {  	_ =	shalt  }
0x6d: {  	_ =	shalt  }
0x6e: {  	_ =	shalt  }
0x6f: {  	_ =	shalt  }
0x70: {  	_ =	shalt  }
0x71: {  	_ =	shalt  }
0x72: {  	_ =	shalt  }
0x73: {  	_ =	shalt  }
0x74: {  	_ =	shalt  }
0x75: {  	_ =	shalt  }
0x76: {  	_ =	shalt  }
0x77: {  	_ =	shalt  }
0x78: {  	_ =	shalt  }
0x79: {  	_ =	shalt  }
0x7a: {  	_ =	shalt  }
0x7b: {  	_ =	shalt  }
0x7c: {  	_ =	shalt  }
0x7d: {  	_ =	shalt  }
0x7e: {  	_ =	shalt  }
0x7f: {  	_ =	shalt  }
0x80: {  	_ =	shalt  }
0x81: {  	_ =	shalt  }
0x82: {  	_ =	shalt  }
0x83: {  	_ =	shalt  }
0x84: {  	_ =	shalt  }
0x85: {  	_ =	shalt  }
0x86: {  	_ =	shalt  }
0x87: {  	_ =	shalt  }
.Lfunc_end0:
.L_simem_size_0:
called_computation_lowered:
.L_overlay_start_0:
0x88: {  	s2 =	sld [smem:$0x3FD9]  }
0x89: {  	s3 =	sld [smem:$0x3FFE];
	_ =	sdelay $0x1  }
0x8a: {  	s1 =	srdreg.scid  }
0x8b: {  	s0 =	sand.u32 $0x1, s1  }
0x8c: {  	s17 =	sshll.u32 s0, $0xA;
	s2 =	sadd.s32 s3, s2  }
0x8d: {  	s2 =	sadd.s32 s2, s17  }
0x8e: {  	[smem:$0x3FBA] =	sst s2  }
0x8f: {  	_ = 	snop  }
0x90: {  	s18 =	sld [smem:$0x3FD0];
	(tm) =	ssettm $0x1  }
0x91: {  	s19 =	sld [smem:$0x3FFB];
	_ =	sdelay $0x3  }
0x92: {  	_ =	strace s19  }
0x93: {  	s2 =	sld [smem:$0x3FFC];
	_ =	sdelay $0x3  }
0x94: {  	_ =	strace s2  }
0x95: {  	s2 =	sld [smem:$0x3FFD];
	_ =	sdelay $0x3  }
0x96: {  	_ =	strace s2  }
0x97: {  	_ =	strace $0x8FFFFFFF  }
0x98: {  	s20 =	sld [smem:$0x3FDB];
	_ =	sdelay $0x1  }
0x99: {  	s4 =	simm.s32 $_scs_section_size  }
0x9a: {  	s5 =	simm.s32 $_size__tile_overlayer_lowered;
	s6 =	simm.s32 $_tile_overlayer_lowered  }
0x9b: {  	s7 =	simm.s32 $0x1BFF;
	s21 =	sshll.u32 s6, $0x1;
	s4 =	sadd.s32 s4, s20  }
0x9c: {  	s22 =	simm.s32 $0x0;
	s5 =	sshll.u32 s5, $0x1;
	s6 =	sadd.s32 s21, s4  }
0x9d: {  	[timem:s22], [sflag:s7] =	dma.local [hbm:s6], s5  }
0x9e: {  	_ =	swait.ge [sflag:s7], s5  }
0x9f: {  	s5 =	ssub.s32 $0x0, s5;
	[sflag:s7] =	ssyncset.done $0x0  }
0xa0: {  	[sflag:s7] =	ssyncadd.s32 s5;
	_ =	sdelay $0x1  }
0xa1: {  	s23 =	simm.s32 $0x1B8B  }
0xa2: {  	_ =	swait.ge [sflag:s23], $0x1  }
0xa3: {  	[sflag:s23] =	ssyncset.done $0x0  }
0xa4: {  	[sflag:s23] =	ssyncadd.s32 $0xFFFFFFFF  }
0xa5: {  	s5 =	sld [smem:$0x0]  }
0xa6: {  	s6 =	sand.u32 $0xFFFFFFFE, s1  }
0xa7: {  	p0 =	sne.s32 s1, s6  }
0xa8: {  	s6 =	sshll.u32 @p0 s6, $0xE  }
0xa9: {  	s6 =	sadd.s32 @p0 $0x11B8D, s6;
	s7 =	sshll.u32 @p0 s5, $0x11  }
0xaa: {  	s6 =	sor.u32 @p0 s7, s6  }
0xab: {  	[sflag:s6] =	ssyncadd.remote.s32 @p0 $0x1;
	_ =	sdelay $0x1  }
0xac: {  	s6 =	simm.s32 @p0 $0x1B8D  }
0xad: {  	_ =	swait.eq @p0 [sflag:s6], $0x1  }
0xae: {  	[sflag:s6] =	ssyncadd.s32 @p0 $0xFFFFFFFF  }
0xaf: {  	s7 =	sshll.u32 @!p0 s1, $0xE  }
0xb0: {  	s7 =	sor.u32 @!p0 $0x4000, s7;
	s6 =	simm.s32 @!p0 $0x1B8D  }
0xb1: {  	s5 =	sshll.u32 @!p0 s5, $0x11;
	s7 =	sadd.s32 @!p0 $0x11B8D, s7;
	_ =	swait.eq @!p0 [sflag:s6], $0x1  }
0xb2: {  	s5 =	sor.u32 @!p0 s5, s7;
	[sflag:s6] =	ssyncadd.s32 @!p0 $0xFFFFFFFF  }
0xb3: {  	s25 =	simm.s32 $0x1B8E;
	s24 =	sld [smem:$0x3FFE];
	[sflag:s5] =	ssyncadd.remote.s32 @!p0 $0x1  }
0xb4: {  	s26 =	simm.s32 $execute0_lowered;
	[smem:$0x3FD2] =	sst s25  }
0xb5: {  	s6 =	sshll.u32 s26, $0x1;
	_ =	strace $0x80000049;
	[dreg:$0x1] =	wrdreg $0xFFFFFFFF  }
0xb6: {  	s28 =	simm.s32 $_size_execute0_lowered;
	s4 =	sadd.s32 s4, s6;
	[dreg:$0x0] =	wrdreg $0x0  }
0xb7: {  	s6 =	sshll.u32 s28, $0x1;
	[dreg:$0x2] =	wrdreg s4  }
0xb8: {  	[dreg:$0x3] =	wrdreg s6  }
0xb9: {  	[dreg:$0x4] =	wrdreg $0xC0  }
0xba: {  	_ =	task [dreg:s22], $0x5FFFF  }
0xbb: {  	[dreg:$0x1] =	wrdreg $0xFFFFFFFF  }
0xbc: {  	[dreg:$0x0] =	wrdreg $0x60  }
0xbd: {  	[dreg:$0x2] =	wrdreg s18  }
0xbe: {  	[dreg:$0x3] =	wrdreg s24  }
0xbf: {  	[dreg:$0x4] =	wrdreg $0x0  }
0xc0: {  	[dreg:$0x5] =	wrdreg $0x9  }
0xc1: {  	_ =	task.clear_ibuf [dreg:s22], $0x6FFFF;
	_ =	strace $0x90000049  }
0xc2: {  	s29 =	simm.s32 $0x9;
	_ =	strace $0x8000004B  }
0xc3: {  	_ =	swait.ge [sflag:s29], $0x1  }
0xc4: {  	[sflag:s29] =	ssyncadd.s32 $0xFFFFFFFF  }
0xc5: {  	_ =	strace $0x9000004B  }
0xc6: {  	_ =	sfence  }
0xc7: {  	s30 =	sld [smem:$0x0];
	_ =	sdelay $0x2  }
0xc8: {  	s31 =	sshll.u32 s1, $0xD;
	s1 =	sshrl.u32 s1, $0x2  }
0xc9: {  	s4 =	sand.u32 $0x4000, s31;
	s1 =	sadd.s32 s1, s30  }
0xca: {  	s0 =	sor.u32 s4, s0;
	s1 =	sshll.u32 s1, $0x11  }
0xcb: {  	s0 =	sor.u32 s1, s0  }
0xcc: {  	s0 =	sadd.s32 $0x8F2B, s0  }
0xcd: {  	[sflag:s0] =	ssyncadd.remote.s32 $0x1  }
0xce: {  	_ =	sfence.sel $0xFFFF  }
0xcf: {  	[dreg:$0x0] =	wrdreg $0xFFFFFFFF;
	(pc) =	sbr.abs _section_cstart, $3  }
0xd0: {  	[dreg:$0x1] =	wrdreg $0xFFFFFFFF  }
0xd1: {  	_ =	task.clear_ibuf [dreg:s22], $0x2FFFF;
	_ =	strace $0x9FFFFFFF  }
0xd2: {  	(tm) =	ssettm $0x7FFFFFFF  }
0xd3: {  	_ =	shalt  }
tec
execute0_lowered:
.L_overlay_start_1:
0x0: {  	(tag) =	ssettag $0x1  }
0x1: {  	s1 =	rddreg [dreg:$0x0]  }
0x2: {  	s6 =	rddreg [dreg:$0x1]  }
0x3: {  	s2 =	srdreg.scid;
	s0 =	stileid.u32  }
0x4: {  	s3 =	rddreg [dreg:$0x2];
	s4 =	simm.s32 $0x0;
	s15 =	simm.s32 $0x16500  }
0x5: {  	s16 =	simm.s32 $0x80;
	s17 =	simm.s32 $0x13980;
	s18 =	simm.s32 $0x1  }
0x6: {  	s19 =	simm.s32 $0x2;
	s20 =	simm.s32 $0x0;
	s7 =	sand.u32 $0x1, s2  }
0x7: {  	s5 =	sshll.u32 s0, $0x1;
	s2 =	rddreg [dreg:$0x3];
	s9 =	smul.u32 $0x4F000, s0  }
0x8: {  	[smem:$0x7FF] =	sst s4;
	s10 =	sadd.s32 $0x6AE00, s6;
	s29 =	smul.u32 $0x2780, s0  }
0x9: {  	s14 =	sadd.s32 $0x128400, s3;
	p0 =	seq.s32 s0, $0xF;
	s5 =	sor.u32 s7, s5  }
0xa: {  	_ =	strace $0x8000004A;
	s28 =	ssub.s32 $0x2, s7;
	s11 =	smul.u32 $0x27200, s7  }
0xb: {  	s7 =	smul.u32 $0x139000, s7;
	s12 =	sshrl.u32 s28, $0x1;
	s9 =	sshrl.u32 s9, $0x2  }
0xc: {  	s5 =	smul.u32 $0x580, s5;
	s12 =	ssub.s32 s28, s12;
	s13 =	sadd.s32 s9, s3  }
0xd: {  	s7 =	sshrl.u32 s7, $0x3;
	s30 =	sadd.s32 s29, s11;
	s11 =	sshll.u32 @!p0 s0, $0x6  }
0xe: {  	s8 =	sadd.s32 s5, s6;
	s5 =	sadd.s32 $0x1A200, s6;
	s31 =	sadd.s32 s10, s7  }
0xf: {  	s7 =	sadd.s32 s10, s30;
	s9 =	smax.u32 s12, $0x1;
	s10 =	sshrl.u32 @p0 s14, $0x3  }
0x10: {  	s11 =	sor.u32 @!p0 $0x1C03, s11;
	s12 =	sshrl.u32 @!p0 s13, $0x3;
	s13 =	simm.s32 $0x13900  }
0x11: {  	s14 =	simm.s32 $0x3;
	s6 =	sadd.s32 $0x4200, s8;
	s8 =	sadd.s32 $0x25080, s31  }
.LBB2_1:
0x12: {  	s21 =	simm.s32 @p0 $0x1FC3  }
0x13: {  	[spmem:s10], [sflag:s21] =	dma.local @p0 [hbm:s5], $0x2180  }
0x14: {  	s21 =	simm.s32 @p0 $0x3  }
0x15: {  	_ =	swait.ge @p0 [sflag:s21], $0x2180  }
0x16: {  	[sflag:s21] =	ssyncset.done @p0 $0x0  }
0x17: {  	[sflag:s21] =	ssyncadd.s32 @p0 $0xFFFFDE80;
	s21 =	simm.s32 @!p0 $0x3  }
0x18: {  	[spmem:s12], [sflag:s11] =	dma.local @!p0 [hbm:s5], $0x2780  }
0x19: {  	_ =	swait.ge @!p0 [sflag:s21], $0x2780  }
0x1a: {  	[sflag:s21] =	ssyncset.done @!p0 $0x0  }
0x1b: {  	[sflag:s21] =	ssyncadd.s32 @!p0 $0xFFFFD880  }
0x1c: {  	[tilespmem:s13], [sflag:$0x3] =	stream.linear.gather [hbm4b:s6+s4], $0x2C00, $0x38;
	[tilespmem:$0x1A500] =	vst v63  }
0x1d: {  	_ =	swait.ge [sflag:s14], $0x2C00  }
0x1e: {  	[sflag:s14] =	ssyncset.done $0x0  }
0x1f: {  	[sflag:s14] =	ssyncadd.s32 $0xFFFFD400  }
0x20: {  	[tilespmem:s15], [sflag:$0x3] =	stream.linear.gather [hbm4b:s1+s4], $0x4000, $0x38;
	[tilespmem:$0x1A500] =	vst v63  }
0x21: {  	_ =	swait.ge [sflag:s14], $0x4000  }
0x22: {  	[sflag:s14] =	ssyncset.done $0x0  }
0x23: {  	[sflag:s14] =	ssyncadd.s32 $0xFFFFC000  }
0x24: {  	[bflag:$0x0] =	sbarrier.arrive $0xFFFF  }
0x25: {  	[spmem:s3] =	stream.indirect.scatter.add.f32 [tilespmem:s15], [sflag:$0x1], $0x80, s13, s16, $0xb8;
	[tilespmem:$0x1A500] =	vst v63  }
0x26: {  	_ = 	snop  }
0x27: {  	[spmem:s3] =	stream.indirect.scatter.add.f32 [tilespmem:s15], [sflag:$0x2], $0x80, s17, s16, $0xb8;
	[tilespmem:$0x1A500] =	vst v63  }
0x28: {  	_ =	swait.ge [sflag:s18], $0x4000  }
0x29: {  	[sflag:s18] =	ssyncset.done $0x0  }
0x2a: {  	s30 =	simm.s32 $0x13A00;
	[sflag:s18] =	ssyncadd.s32 $0xFFFFC000  }
0x2b: {  	[spmem:s3] =	stream.indirect.scatter.add.f32 [tilespmem:s15], [sflag:$0x1], $0x80, s30, s16, $0xb8;
	[tilespmem:$0x1A500] =	vst v63  }
0x2c: {  	_ =	swait.ge [sflag:s19], $0x4000  }
0x2d: {  	[sflag:s19] =	ssyncset.done $0x0  }
0x2e: {  	s31 =	simm.s32 $0x13A80;
	[sflag:s19] =	ssyncadd.s32 $0xFFFFC000  }
0x2f: {  	[spmem:s3] =	stream.indirect.scatter.add.f32 [tilespmem:s15], [sflag:$0x2], $0x80, s31, s16, $0xb8;
	[tilespmem:$0x1A500] =	vst v63  }
0x30: {  	_ =	swait.ge [sflag:s18], $0x4000  }
0x31: {  	s22 =	simm.s32 $0xFFFF6400;
	s21 =	simm.s32 $0xFFFFD800;
	[sflag:s18] =	ssyncset.done $0x0  }
.LBB2_2:
0x32: {  	s23 =	sadd.s32 $0x16300, s21  }
0x33: {  	[sflag:s18] =	ssyncadd.s32 $0xFFFFC000;
	s24 =	smov.u32 s22;
	s25 =	sadd.s32 $0x400, s22  }
0x34: {  	[spmem:s3] =	stream.indirect.scatter.add.f32 [tilespmem:s15], [sflag:$0x1], $0x80, s23, s16, $0xb8;
	[tilespmem:$0x1A500] =	vst v63  }
0x35: {  	p1 =	sne.s32 s22, $0xFFFFFC00;
	_ =	swait.ge [sflag:s19], $0x4000  }
.Ltmp0:
0x36: {  	[sflag:s19] =	ssyncset.done $0x0;
	(pc) =	sbr.rel @p1 .LBB2_2-.Ltmp0, $4  }
0x37: {  	s21 =	sadd.s32 $0x16380, s21;
	[sflag:s19] =	ssyncadd.s32 $0xFFFFC000  }
0x38: {  	[spmem:s3] =	stream.indirect.scatter.add.f32 [tilespmem:s15], [sflag:$0x2], $0x80, s21, s16, $0xb8;
	[tilespmem:$0x1A500] =	vst v63  }
0x39: {  	_ =	swait.ge [sflag:s18], $0x4000  }
0x3a: {  	s22 =	smov.u32 s25;
	s21 =	sshra.s32 s24, $0x2;
	[sflag:s18] =	ssyncset.done $0x0  }
0x3b: {  	s22 =	sadd.s32 $0x16300, s21;
	[sflag:s18] =	ssyncadd.s32 $0xFFFFC000  }
0x3c: {  	[spmem:s3] =	stream.indirect.scatter.add.f32 [tilespmem:s15], [sflag:$0x1], $0x80, s22, s16, $0xb8;
	[tilespmem:$0x1A500] =	vst v63  }
0x3d: {  	_ =	swait.ge [sflag:s19], $0x4000  }
0x3e: {  	[sflag:s19] =	ssyncset.done $0x0  }
0x3f: {  	s31 =	sadd.s32 $0x16380, s21;
	[sflag:s19] =	ssyncadd.s32 $0xFFFFC000  }
0x40: {  	[spmem:s3] =	stream.indirect.scatter.add.f32 [tilespmem:s15], [sflag:$0x2], $0x80, s31, s16, $0xb8;
	[tilespmem:$0x1A500] =	vst v63  }
0x41: {  	_ =	swait.ge [sflag:s18], $0x4000  }
0x42: {  	[sflag:s18] =	ssyncset.done $0x0  }
0x43: {  	[sflag:s18] =	ssyncadd.s32 $0xFFFFC000  }
0x44: {  	_ =	swait.ge [sflag:s19], $0x4000  }
0x45: {  	[sflag:s19] =	ssyncset.done $0x0  }
0x46: {  	[sflag:s19] =	ssyncadd.s32 $0xFFFFC000  }
0x47: {  	s21 =	simm.s32 @p0 $0x1FC3;
	[bflag:$0x0] =	sbarrier.arrive $0xFFFF  }
0x48: {  	[hbm:s8], [sflag:s21] =	dma.local @p0 [spmem:s10], $0x2180  }
0x49: {  	s21 =	simm.s32 @p0 $0x3  }
0x4a: {  	s20 =	sadd.s32 $0x1, s20;
	_ =	swait.ge @p0 [sflag:s21], $0x2180  }
0x4b: {  	p1 =	sne.s32 s20, s9;
	[sflag:s21] =	ssyncset.done @p0 $0x0  }
.Ltmp1:
0x4c: {  	[sflag:s21] =	ssyncadd.s32 @p0 $0xFFFFDE80;
	s21 =	simm.s32 @!p0 $0x3;
	(pc) =	sbr.rel @p1 .LBB2_1-.Ltmp1, $4  }
0x4d: {  	[hbm:s7], [sflag:s11] =	dma.local @!p0 [spmem:s12], $0x2780  }
0x4e: {  	_ =	swait.ge @!p0 [sflag:s21], $0x2780  }
0x4f: {  	[sflag:s21] =	ssyncset.done @!p0 $0x0  }
0x50: {  	[sflag:s21] =	ssyncadd.s32 @!p0 $0xFFFFD880  }
0x51: {  	_ =	sfence.sel $0x180000  }
0x52: {  	[bflag:$0x0] =	sbarrier.arrive $0xFFFF  }
0x53: {  	p0 =	sne.s32 s0, $0x0;
	_ =	strace $0x9000004A  }
0x54: {  	s0 =	sadd.s32 @!p0 $0x100000, s2;
	[bflag:$0x2] =	sbarrier.arrive $0xFFFF  }
0x55: {  	[sflag:s0] =	ssyncadd.tile.s32 @!p0 $0x1;
	_ =	shalt  }
.Lfunc_end2:
_tile_overlayer_lowered:
.L_overlay_start_2:
0x56: {  	(tag) =	ssettag $0x2  }
0x57: {  	s0 =	rddreg [dreg:$0x0];
	s2 =	stileid.u32  }
0x58: {  	s1 =	rddreg [dreg:$0x1];
	p0 =	sne.s32 s2, $0x0  }
0x59: {  	s3 =	rddreg [dreg:$0x2];
	[bflag:$0x3] =	sbarrier.arrive $0xFFFF;
	s2 =	simm.s32 @!p0 $0x1C03  }
0x5a: {  	[timem:s3], [sflag:s2] =	dma.local @!p0 [hbm:s0], s1  }
0x5b: {  	s0 =	simm.s32 @!p0 $0x3  }
0x5c: {  	_ =	swait.ge @!p0 [sflag:s0], s1  }
0x5d: {  	s1 =	ssub.s32 @!p0 $0x0, s1;
	[sflag:s0] =	ssyncset.done @!p0 $0x0  }
0x5e: {  	[sflag:s0] =	ssyncadd.s32 @!p0 s1  }
0x5f: {  	[bflag:$0x3] =	sbarrier.arrive $0xFFFF  }
0x60: {  	_ =	shalt  }

// kernel: kernel.14.cloned.1.call-start
scs
__scs_entry_jumppad:
0x0: {  	(pc) =	sbr.rel $0x88, $3  }
0x1: {  	(tag) =	ssettag $0x0;
	lr =	simm.s32 $0x1  }
0x2: {  	[smem:$0x3F93] =	sst lr;
	_ =	strace $0xD0000000  }
0x3: {  	_ = 	snop  }
0x4: {  	_ = 	snop  }
0x5: {  	_ = 	snop  }
0x6: {  	_ = 	snop  }
0x7: {  	_ = 	snop  }
__scs_overlays_trampoline_lowered:
0x8: {  	[smem:$0x3FA2] =	sst s0  }
0x9: {  	[smem:$0x3FA3] =	sst s1  }
0xa: {  	[smem:$0x3FA4] =	sst s2  }
0xb: {  	[smem:$0x3FA5] =	sst s3  }
0xc: {  	[smem:$0x3FA6] =	sst s4  }
0xd: {  	[smem:$0x3FA7] =	sst s5  }
0xe: {  	[smem:$0x3FA8] =	sst s6  }
0xf: {  	[smem:$0x3FA9] =	sst s7  }
0x10: {  	[smem:$0x3FAA] =	sst s8  }
0x11: {  	[smem:$0x3FAB] =	sst s9;
	s0 =	simm.s32 @!p0 $0x0  }
0x12: {  	s1 =	sld [smem:$0x3F91];
	s0 =	simm.s32 @p0 $0x1  }
0x13: {  	[smem:$0x3FAC] =	sst s0;
	s0 =	simm.s32 @!p1 $0x0  }
0x14: {  	s2 =	sld [smem:$0x3F90];
	s0 =	simm.s32 @p1 $0x1  }
0x15: {  	[smem:$0x3FAD] =	sst s0;
	s0 =	simm.s32 @!p2 $0x0  }
0x16: {  	s3 =	sld [smem:$0x3FDB];
	s0 =	simm.s32 @p2 $0x1  }
0x17: {  	s4 =	simm.s32 $0x1BF5;
	[smem:$0x3FAF] =	sst s0  }
0x18: {  	s0 =	sld [smem:$0x3F92];
	_ =	swait.ge [sflag:s4], $0x0  }
0x19: {  	s7 =	sld [smem:$0x3F93]  }
0x1a: {  	s8 =	sadd.s32 $0xFFFFE003, lr  }
0x1b: {  	s9 =	sadd.s32 $0xFFFFFEF7, lr;
	s5 =	simm.s32 $0xFFFFFFFF;
	p2 =	slt.u32 s8, $0xFFFFF086  }
0x1c: {  	p1 =	slt.u32 s9, $0xF7A;
	s5 =	simm.s32 @!p2 $0x0  }
0x1d: {  	s5 =	simm.s32 @p1 $0x1;
	p0 =	seq.s32 s7, s2  }
0x1e: {  	s7 =	smul.u32 @!p0 $0xF7A, s2;
	p2 =	seq.s32 @!p0 s5, $0x0  }
0x1f: {  	s9 =	smul.u32 $0xF7A, s1;
	s8 =	simm.s32 @!p0 $0x1BF5;
	p2 =	por !p2, p0  }
0x20: {  	[sflag:s8] =	ssyncset.s32 @!p0 $0xFFFFF086;
	s6 =	sadd.s32 @!p0 s3, s7;
	s7 =	simm.s32 @!p0 $0x108  }
0x21: {  	s3 =	sadd.s32 s3, s9;
	s6 =	sadd.s32 @!p0 $0x88, s6;
	s7 =	simm.s32 @p2 $0x1082  }
0x22: {  	[simem:s7], [sflag:s8] =	dma.local @!p0 [hbm:s6], $0xF7A  }
0x23: {  	s9 =	sor.u32 $0xD0000000, s2;
	s6 =	simm.s32 $0x108;
	_ =	swait.ge @!p0 [sflag:s8], $0x0  }
0x24: {  	s3 =	sadd.s32 $0x88, s3;
	s6 =	simm.s32 @!p1 $0x1082;
	[sflag:s4] =	ssyncset.s32 $0xFFFFF086  }
0x25: {  	[simem:s6], [sflag:s4] =	dma.local [hbm:s3], $0xF7A  }
0x26: {  	[smem:$0x3F93] =	sst s1;
	(tag) =	ssettag s2;
	_ =	strace s9  }
0x27: {  	s1 =	sld [smem:$0x3FA3]  }
0x28: {  	s2 =	sld [smem:$0x3FA4]  }
0x29: {  	s4 =	sld [smem:$0x3FA6]  }
0x2a: {  	p0 =	seq.s32 s5, $0x0;
	s5 =	sld [smem:$0x3FA7]  }
0x2b: {  	s6 =	sld [smem:$0x3FA8]  }
0x2c: {  	s7 =	sld [smem:$0x3FA9]  }
0x2d: {  	s3 =	simm.s32 $0x108;
	s8 =	sld [smem:$0x3FAA]  }
0x2e: {  	s3 =	simm.s32 @!p0 $0x1082;
	s9 =	sld [smem:$0x3FAB]  }
0x2f: {  	lr =	sadd.s32 s0, s3;
	s0 =	sld [smem:$0x3FA2]  }
0x30: {  	s3 =	sld [smem:$0x3FA5]  }
0x31: {  	[smem:$0x3FAE] =	sst s10  }
0x32: {  	s10 =	sld [smem:$0x3FAC];
	_ =	sdelay $0x3  }
0x33: {  	p0 =	seq.s32 s10, $0x1;
	s10 =	sld [smem:$0x3FAE];
	_ =	sdelay $0x3  }
0x34: {  	[smem:$0x3FAE] =	sst s10  }
0x35: {  	s10 =	sld [smem:$0x3FAD];
	_ =	sdelay $0x3  }
0x36: {  	p1 =	seq.s32 s10, $0x1;
	s10 =	sld [smem:$0x3FAE];
	_ =	sdelay $0x3  }
0x37: {  	[smem:$0x3FAE] =	sst s10  }
0x38: {  	s10 =	sld [smem:$0x3FAF]  }
0x39: {  	_ = 	snop;
	(pc) =	sbr.ind lr, $3  }
0x3a: {  	_ = 	snop  }
0x3b: {  	_ = 	snop  }
0x3c: {  	p2 =	seq.s32 s10, $0x1;
	s10 =	sld [smem:$0x3FAE]  }
0x3d: {  	_ =	shalt  }
0x3e: {  	_ =	shalt  }
0x3f: {  	_ =	shalt  }
0x40: {  	_ =	shalt  }
0x41: {  	_ =	shalt  }
0x42: {  	_ =	shalt  }
0x43: {  	_ =	shalt  }
0x44: {  	_ =	shalt  }
0x45: {  	_ =	shalt  }
0x46: {  	_ =	shalt  }
0x47: {  	_ =	shalt  }
0x48: {  	_ =	shalt  }
0x49: {  	_ =	shalt  }
0x4a: {  	_ =	shalt  }
0x4b: {  	_ =	shalt  }
0x4c: {  	_ =	shalt  }
0x4d: {  	_ =	shalt  }
0x4e: {  	_ =	shalt  }
0x4f: {  	_ =	shalt  }
0x50: {  	_ =	shalt  }
0x51: {  	_ =	shalt  }
0x52: {  	_ =	shalt  }
0x53: {  	_ =	shalt  }
0x54: {  	_ =	shalt  }
0x55: {  	_ =	shalt  }
0x56: {  	_ =	shalt  }
0x57: {  	_ =	shalt  }
0x58: {  	_ =	shalt  }
0x59: {  	_ =	shalt  }
0x5a: {  	_ =	shalt  }
0x5b: {  	_ =	shalt  }
0x5c: {  	_ =	shalt  }
0x5d: {  	_ =	shalt  }
0x5e: {  	_ =	shalt  }
0x5f: {  	_ =	shalt  }
0x60: {  	_ =	shalt  }
0x61: {  	_ =	shalt  }
0x62: {  	_ =	shalt  }
0x63: {  	_ =	shalt  }
0x64: {  	_ =	shalt  }
0x65: {  	_ =	shalt  }
0x66: {  	_ =	shalt  }
0x67: {  	_ =	shalt  }
0x68: {  	_ =	shalt  }
0x69: {  	_ =	shalt  }
0x6a: {  	_ =	shalt  }
0x6b: {  	_ =	shalt  }
0x6c: {  	_ =	shalt  }
0x6d: {  	_ =	shalt  }
0x6e: {  	_ =	shalt  }
0x6f: {  	_ =	shalt  }
0x70: {  	_ =	shalt  }
0x71: {  	_ =	shalt  }
0x72: {  	_ =	shalt  }
0x73: {  	_ =	shalt  }
0x74: {  	_ =	shalt  }
0x75: {  	_ =	shalt  }
0x76: {  	_ =	shalt  }
0x77: {  	_ =	shalt  }
0x78: {  	_ =	shalt  }
0x79: {  	_ =	shalt  }
0x7a: {  	_ =	shalt  }
0x7b: {  	_ =	shalt  }
0x7c: {  	_ =	shalt  }
0x7d: {  	_ =	shalt  }
0x7e: {  	_ =	shalt  }
0x7f: {  	_ =	shalt  }
0x80: {  	_ =	shalt  }
0x81: {  	_ =	shalt  }
0x82: {  	_ =	shalt  }
0x83: {  	_ =	shalt  }
0x84: {  	_ =	shalt  }
0x85: {  	_ =	shalt  }
0x86: {  	_ =	shalt  }
0x87: {  	_ =	shalt  }
.Lfunc_end0:
.L_simem_size_0:
called_computation.1_lowered:
.L_overlay_start_0:
0x88: {  	s2 =	sld [smem:$0x3FD9]  }
0x89: {  	s3 =	sld [smem:$0x3FFE];
	_ =	sdelay $0x1  }
0x8a: {  	s1 =	srdreg.scid  }
0x8b: {  	s0 =	sand.u32 $0x1, s1  }
0x8c: {  	s17 =	sshll.u32 s0, $0xA;
	s2 =	sadd.s32 s3, s2  }
0x8d: {  	s2 =	sadd.s32 s2, s17  }
0x8e: {  	[smem:$0x3FBA] =	sst s2  }
0x8f: {  	_ = 	snop  }
0x90: {  	s2 =	sld [smem:$0x3FC9];
	(tm) =	ssettm $0x1  }
0x91: {  	s18 =	sld [smem:$0x3FFB];
	_ =	sdelay $0x3  }
0x92: {  	_ =	strace s18  }
0x93: {  	s3 =	sld [smem:$0x3FFC];
	_ =	sdelay $0x3  }
0x94: {  	_ =	strace s3  }
0x95: {  	s3 =	sld [smem:$0x3FFD];
	_ =	sdelay $0x3  }
0x96: {  	_ =	strace s3  }
0x97: {  	_ =	strace $0x8FFFFFFF  }
0x98: {  	s19 =	sld [smem:$0x3FDB];
	_ =	sdelay $0x1  }
0x99: {  	s4 =	simm.s32 $_scs_section_size  }
0x9a: {  	s5 =	simm.s32 $_size__tile_overlayer_lowered;
	s6 =	simm.s32 $_tile_overlayer_lowered  }
0x9b: {  	s22 =	simm.s32 $0x1BFF;
	s21 =	sshll.u32 s6, $0x1;
	s3 =	sadd.s32 s4, s19  }
0x9c: {  	s7 =	simm.s32 $0x0;
	s20 =	sshll.u32 s5, $0x1;
	s5 =	sadd.s32 s21, s3  }
0x9d: {  	[timem:s7], [sflag:s22] =	dma.local [hbm:s5], s20  }
0x9e: {  	_ =	swait.ge [sflag:s22], s20  }
0x9f: {  	s4 =	ssub.s32 $0x0, s20;
	[sflag:s22] =	ssyncset.done $0x0  }
0xa0: {  	[sflag:s22] =	ssyncadd.s32 s4;
	_ =	sdelay $0x1  }
0xa1: {  	s23 =	simm.s32 $0x1B8B  }
0xa2: {  	_ =	swait.ge [sflag:s23], $0x1  }
0xa3: {  	[sflag:s23] =	ssyncset.done $0x0  }
0xa4: {  	s25 =	simm.s32 $0x1B8E;
	s24 =	sld [smem:$0x3FFE];
	[sflag:s23] =	ssyncadd.s32 $0xFFFFFFFF  }
0xa5: {  	s26 =	simm.s32 $execute0_lowered;
	[smem:$0x3FD2] =	sst s25  }
0xa6: {  	s5 =	sshll.u32 s26, $0x1;
	_ =	strace $0x80000046;
	[dreg:$0x1] =	wrdreg $0xFFFFFFFF  }
0xa7: {  	s28 =	simm.s32 $_size_execute0_lowered;
	s3 =	sadd.s32 s3, s5;
	[dreg:$0x0] =	wrdreg $0x0  }
0xa8: {  	s5 =	sshll.u32 s28, $0x1;
	[dreg:$0x2] =	wrdreg s3  }
0xa9: {  	[dreg:$0x3] =	wrdreg s5  }
0xaa: {  	[dreg:$0x4] =	wrdreg $0xC0  }
0xab: {  	_ =	task [dreg:s7], $0x5FFFF  }
0xac: {  	[dreg:$0x1] =	wrdreg $0xFFFFFFFF  }
0xad: {  	[dreg:$0x0] =	wrdreg $0x60  }
0xae: {  	[dreg:$0x2] =	wrdreg s2  }
0xaf: {  	[dreg:$0x3] =	wrdreg s24  }
0xb0: {  	[dreg:$0x4] =	wrdreg $0x0  }
0xb1: {  	[dreg:$0x5] =	wrdreg $0xA  }
0xb2: {  	_ =	task.clear_ibuf [dreg:s7], $0x6FFFF;
	_ =	strace $0x90000046  }
0xb3: {  	s29 =	simm.s32 $0xA;
	_ =	strace $0x80000048  }
0xb4: {  	_ =	swait.ge [sflag:s29], $0x1  }
0xb5: {  	[sflag:s29] =	ssyncadd.s32 $0xFFFFFFFF  }
0xb6: {  	_ =	strace $0x90000048  }
0xb7: {  	_ =	sfence  }
0xb8: {  	s30 =	sld [smem:$0x0];
	_ =	sdelay $0x2  }
0xb9: {  	s31 =	sshll.u32 s1, $0xD;
	s1 =	sshrl.u32 s1, $0x2  }
0xba: {  	s3 =	sand.u32 $0x4000, s31;
	s1 =	sadd.s32 s1, s30  }
0xbb: {  	s0 =	sor.u32 s3, s0;
	s1 =	sshll.u32 s1, $0x11  }
0xbc: {  	s0 =	sor.u32 s1, s0  }
0xbd: {  	s0 =	sadd.s32 $0x8F2B, s0  }
0xbe: {  	[sflag:s0] =	ssyncadd.remote.s32 $0x1  }
0xbf: {  	_ =	sfence.sel $0xFFFF  }
0xc0: {  	[dreg:$0x0] =	wrdreg $0xFFFFFFFF;
	(pc) =	sbr.abs _section_cstart, $3  }
0xc1: {  	[dreg:$0x1] =	wrdreg $0xFFFFFFFF  }
0xc2: {  	_ =	task.clear_ibuf [dreg:s7], $0x2FFFF;
	_ =	strace $0x9FFFFFFF  }
0xc3: {  	(tm) =	ssettm $0x7FFFFFFF  }
tec
execute0_lowered:
.L_overlay_start_1:
0x0: {  	(tag) =	ssettag $0x1  }
0x1: {  	s1 =	rddreg [dreg:$0x0]  }
0x2: {  	s0 =	rddreg [dreg:$0x1]  }
0x3: {  	s2 =	rddreg [dreg:$0x2];
	s3 =	simm.s32 $0x0;
	s16 =	srdreg.scid  }
0x4: {  	s13 =	stileid.u32;
	s28 =	simm.s32 $0x13D80;
	s29 =	simm.s32 $0x8  }
0x5: {  	s30 =	simm.s32 $0x17D80;
	s31 =	simm.s32 $0x1;
	s8 =	smul.u32 $0x4F000, s13  }
0x6: {  	[smem:$0x7FF] =	sst s3;
	s4 =	sadd.s32 $0xF200, s0;
	s21 =	smul.u32 $0x2780, s13  }
0x7: {  	s5 =	sadd.s32 $0x4200, s0;
	s6 =	sadd.s32 $0x1A200, s0;
	s23 =	smul.u32 $0xB00, s13  }
0x8: {  	_ =	strace $0x80000047;
	[dreg:$0x4] =	wrdreg s6;
	s6 =	sand.u32 $0x1, s16  }
0x9: {  	s7 =	sshll.u32 s13, $0x1;
	s0 =	sadd.s32 $0x1CA00, s0;
	s11 =	smul.u32 $0x27200, s6  }
0xa: {  	p0 =	seq.s32 s13, $0xF;
	s13 =	simm.s32 $0x6;
	s20 =	smul.u32 $0x139000, s6  }
0xb: {  	s9 =	ssub.s32 $0x2, s6;
	s7 =	sor.u32 s6, s7;
	s25 =	smul.u32 $0x580, s6  }
0xc: {  	s8 =	sshrl.u32 s8, $0x2;
	s10 =	sshrl.u32 s9, $0x1;
	s7 =	smul.u32 $0x580, s7  }
0xd: {  	s6 =	simm.s32 $0x1BD80;
	s8 =	sadd.s32 s8, s2;
	s9 =	ssub.s32 s9, s10  }
0xe: {  	[dreg:$0x5] =	wrdreg s8;
	s8 =	sadd.s32 $0x128400, s2;
	s17 =	sadd.s32 s4, s7  }
0xf: {  	s22 =	sshrl.u32 s20, $0x3;
	s12 =	sadd.s32 s5, s7;
	[dreg:$0x6] =	wrdreg s17  }
0x10: {  	s18 =	sor.u32 $0x10, s7;
	s26 =	smax.u32 s9, $0x1;
	[dreg:$0x7] =	wrdreg s12  }
0x11: {  	s7 =	sor.u32 $0x20, s7;
	s15 =	sshrl.u32 @p0 s8, $0x3;
	[dreg:$0xe] =	wrdreg s26  }
0x12: {  	s9 =	simm.s32 $0x4;
	s19 =	sadd.s32 s4, s18;
	[dreg:$0xf] =	wrdreg s15  }
0x13: {  	s10 =	sadd.s32 s5, s18;
	s14 =	sadd.s32 s4, s7;
	[dreg:$0x8] =	wrdreg s19  }
0x14: {  	s7 =	sadd.s32 s5, s7;
	s4 =	sadd.s32 s23, s4;
	[dreg:$0x9] =	wrdreg s10  }
0x15: {  	s5 =	sadd.s32 s23, s5;
	s23 =	simm.s32 $0x13A00;
	[dreg:$0xa] =	wrdreg s14  }
0x16: {  	s26 =	simm.s32 $0x80;
	s12 =	simm.s32 $0x5;
	[dreg:$0xb] =	wrdreg s7  }
0x17: {  	s10 =	sadd.s32 s21, s11;
	s7 =	sadd.s32 s0, s22;
	s16 =	sadd.s32 s25, s4  }
.Ltmp0:
0x18: {  	s17 =	sadd.s32 s25, s5;
	s19 =	simm.s32 $0x13900;
	(pc) =	sbr.rel .LBB2_1-.Ltmp0, $4  }
0x19: {  	s21 =	simm.s32 $0x13980;
	s25 =	simm.s32 $0x7;
	s4 =	simm.s32 $0x9  }
0x1a: {  	s11 =	simm.s32 $0x13D00;
	s14 =	simm.s32 $0x0;
	s0 =	sadd.s32 s0, s10  }
0x1b: {  	s24 =	sadd.s32 $0x25080, s7;
	s7 =	simm.s32 $0x2;
	[dreg:$0xc] =	wrdreg s0  }
0x1c: {  	s10 =	simm.s32 $0x3;
	[dreg:$0xd] =	wrdreg s24;
	s0 =	simm.s32 $0x13C00  }
.LBB2_4:
0x1d: {  	_ =	swait.ge [sflag:s13], $0x4000  }
0x1e: {  	[sflag:s13] =	ssyncset.done $0x0  }
0x1f: {  	[sflag:s13] =	ssyncadd.s32 $0xFFFFC000  }
0x20: {  	[bflag:$0x0] =	sbarrier.arrive $0xFFFF  }
0x21: {  	s8 =	rddreg [dreg:$0xd]  }
0x22: {  	s5 =	simm.s32 @p0 $0x1FCA;
	s15 =	rddreg [dreg:$0xf]  }
0x23: {  	[hbm:s8], [sflag:s5] =	dma.local @p0 [spmem:s15], $0x2180  }
0x24: {  	s5 =	simm.s32 @p0 $0xA  }
0x25: {  	_ =	swait.ge @p0 [sflag:s5], $0x2180  }
0x26: {  	s8 =	rddreg [dreg:$0x11]  }
0x27: {  	[sflag:s5] =	ssyncset.done @p0 $0x0;
	s14 =	rddreg [dreg:$0x12]  }
0x28: {  	[sflag:s5] =	ssyncadd.s32 @p0 $0xFFFFDE80;
	s5 =	rddreg [dreg:$0xc]  }
0x29: {  	[hbm:s5], [sflag:s8] =	dma.local @!p0 [spmem:s14], $0x2780  }
0x2a: {  	s5 =	simm.s32 @!p0 $0xA  }
0x2b: {  	_ =	swait.ge @!p0 [sflag:s5], $0x2780  }
0x2c: {  	s22 =	rddreg [dreg:$0x10]  }
0x2d: {  	s24 =	rddreg [dreg:$0xe];
	s14 =	sadd.s32 $0x1, s22  }
0x2e: {  	p1 =	sne.s32 s14, s24  }
.Ltmp1:
0x2f: {  	_ = 	snop;
	(pc) =	sbr.rel @!p1 .LBB2_5-.Ltmp1, $3  }
0x30: {  	_ =	sdelay $0x1  }
0x31: {  	[sflag:s5] =	ssyncset.done @!p0 $0x0  }
0x32: {  	[sflag:s5] =	ssyncadd.s32 @!p0 $0xFFFFD880  }
.LBB2_1:
0x33: {  	[dreg:$0x10] =	wrdreg s14  }
0x34: {  	s5 =	simm.s32 @p0 $0x1FCA;
	s14 =	rddreg [dreg:$0x4]  }
0x35: {  	[spmem:s15], [sflag:s5] =	dma.local @p0 [hbm:s14], $0x2180  }
0x36: {  	s5 =	simm.s32 @p0 $0xA  }
0x37: {  	s8 =	stileid.u32;
	_ =	swait.ge @p0 [sflag:s5], $0x2180  }
0x38: {  	s15 =	sshll.u32 @!p0 s8, $0x6;
	[sflag:s5] =	ssyncset.done @p0 $0x0  }
0x39: {  	s8 =	sor.u32 @!p0 $0x1C0A, s15;
	[sflag:s5] =	ssyncadd.s32 @p0 $0xFFFFDE80;
	s5 =	rddreg [dreg:$0x5]  }
0x3a: {  	[dreg:$0x11] =	wrdreg s8;
	s5 =	sshrl.u32 @!p0 s5, $0x3  }
0x3b: {  	s15 =	simm.s32 @!p0 $0xA;
	[dreg:$0x12] =	wrdreg s5  }
0x3c: {  	[spmem:s5], [sflag:s8] =	dma.local @!p0 [hbm:s14], $0x2780  }
0x3d: {  	_ =	swait.ge @!p0 [sflag:s15], $0x2780  }
0x3e: {  	[sflag:s15] =	ssyncset.done @!p0 $0x0  }
0x3f: {  	s20 =	rddreg [dreg:$0x6];
	[sflag:s15] =	ssyncadd.s32 @!p0 $0xFFFFD880  }
0x40: {  	[tilespmem:s19], [sflag:$0x7] =	stream.linear.gather [hbm4b:s20+s3], $0x80, $0x38;
	[tilespmem:$0x1FD80] =	vst v63  }
0x41: {  	s24 =	simm.s32 $0x13A80;
	s22 =	rddreg [dreg:$0x7]  }
0x42: {  	[tilespmem:s24], [sflag:$0x7] =	stream.linear.gather [hbm4b:s22+s3], $0x80, $0x38;
	[tilespmem:$0x1FD80] =	vst v63  }
0x43: {  	s14 =	rddreg [dreg:$0x8]  }
0x44: {  	[tilespmem:s21], [sflag:$0x8] =	stream.linear.gather [hbm4b:s14+s3], $0x80, $0x38;
	[tilespmem:$0x1FD80] =	vst v63  }
0x45: {  	s18 =	simm.s32 $0x13B00;
	s15 =	rddreg [dreg:$0x9]  }
0x46: {  	[tilespmem:s18], [sflag:$0x8] =	stream.linear.gather [hbm4b:s15+s3], $0x80, $0x38;
	[tilespmem:$0x1FD80] =	vst v63  }
0x47: {  	s20 =	rddreg [dreg:$0xa]  }
0x48: {  	[tilespmem:s23], [sflag:$0x9] =	stream.linear.gather [hbm4b:s20+s3], $0x80, $0x38;
	[tilespmem:$0x1FD80] =	vst v63  }
0x49: {  	s22 =	rddreg [dreg:$0xb];
	s24 =	simm.s32 $0x13B80  }
0x4a: {  	[tilespmem:s24], [sflag:$0x9] =	stream.linear.gather [hbm4b:s22+s3], $0x80, $0x38;
	[tilespmem:$0x1FD80] =	vst v63  }
0x4b: {  	_ =	swait.ge [sflag:s25], $0x80  }
0x4c: {  	[sflag:s25] =	ssyncset.done $0x0  }
0x4d: {  	[sflag:s25] =	ssyncadd.s32 $0xFFFFFF80  }
0x4e: {  	_ =	swait.ge [sflag:s25], $0x80  }
0x4f: {  	[sflag:s25] =	ssyncset.done $0x0  }
0x50: {  	[sflag:s25] =	ssyncadd.s32 $0xFFFFFF80  }
0x51: {  	[tilespmem:s28], [sflag:$0x1] =	stream.indirect.gather [hbm4b:s1+s26], $0x80, s19, s26, $0xb8;
	[tilespmem:$0x1FD80] =	vst v63  }
0x52: {  	_ =	swait.ge [sflag:s29], $0x80  }
0x53: {  	[sflag:s29] =	ssyncset.done $0x0  }
0x54: {  	[sflag:s29] =	ssyncadd.s32 $0xFFFFFF80  }
0x55: {  	_ =	swait.ge [sflag:s29], $0x80  }
0x56: {  	[sflag:s29] =	ssyncset.done $0x0  }
0x57: {  	[sflag:s29] =	ssyncadd.s32 $0xFFFFFF80  }
0x58: {  	[tilespmem:s30], [sflag:$0x2] =	stream.indirect.gather [hbm4b:s1+s26], $0x80, s21, s26, $0xb8;
	[tilespmem:$0x1FD80] =	vst v63  }
0x59: {  	s18 =	simm.s32 $0x0;
	[bflag:$0x0] =	sbarrier.arrive $0xFFFF  }
.LBB2_2:
0x5a: {  	_ =	swait.ge [sflag:s31], $0x4000  }
0x5b: {  	s15 =	sadd.s32 s18, s16;
	[sflag:s31] =	ssyncset.done $0x0  }
0x5c: {  	s5 =	sadd.s32 $0x30, s15;
	[sflag:s31] =	ssyncadd.s32 $0xFFFFC000  }
0x5d: {  	[tilespmem:s19], [sflag:$0x7] =	stream.linear.gather [hbm4b:s5+s3], $0x80, $0x38;
	[tilespmem:$0x1FD80] =	vst v63  }
0x5e: {  	s5 =	sadd.s32 s18, s17  }
0x5f: {  	p1 =	seq.s32 s18, $0x0;
	s14 =	sadd.s32 $0x30, s5  }
0x60: {  	[tilespmem:s0], [sflag:$0x7] =	stream.linear.gather [hbm4b:s14+s3], $0x80, $0x38;
	[tilespmem:$0x1FD80] =	vst v63  }
0x61: {  	s8 =	simm.s32 $0x13A80;
	s14 =	simm.s32 @!p1 $0x6  }
0x62: {  	[spmem:s2] =	stream.indirect.scatter.add.f32 [tilespmem:s28], [sflag:$0x4], $0x80, s8, s26, $0xb8;
	[tilespmem:$0x1FD80] =	vst v63  }
0x63: {  	_ =	swait.ge @!p1 [sflag:s14], $0x4000  }
0x64: {  	[sflag:s14] =	ssyncset.done @!p1 $0x0  }
0x65: {  	[sflag:s14] =	ssyncadd.s32 @!p1 $0xFFFFC000  }
0x66: {  	_ =	swait.ge [sflag:s4], $0x80  }
0x67: {  	[sflag:s4] =	ssyncset.done $0x0  }
0x68: {  	[sflag:s4] =	ssyncadd.s32 $0xFFFFFF80  }
0x69: {  	_ =	swait.ge [sflag:s4], $0x80  }
0x6a: {  	[sflag:s4] =	ssyncset.done $0x0  }
0x6b: {  	[sflag:s4] =	ssyncadd.s32 $0xFFFFFF80  }
0x6c: {  	[tilespmem:s6], [sflag:$0x3] =	stream.indirect.gather [hbm4b:s1+s26], $0x80, s23, s26, $0xb8;
	[tilespmem:$0x1FD80] =	vst v63  }
0x6d: {  	_ =	swait.ge [sflag:s7], $0x4000  }
0x6e: {  	[sflag:s7] =	ssyncset.done $0x0  }
0x6f: {  	s20 =	sadd.s32 $0x40, s15;
	[sflag:s7] =	ssyncadd.s32 $0xFFFFC000  }
0x70: {  	[tilespmem:s21], [sflag:$0x8] =	stream.linear.gather [hbm4b:s20+s3], $0x80, $0x38;
	[tilespmem:$0x1FD80] =	vst v63  }
0x71: {  	s24 =	simm.s32 $0x13C80;
	s22 =	sadd.s32 $0x40, s5  }
0x72: {  	[tilespmem:s24], [sflag:$0x8] =	stream.linear.gather [hbm4b:s22+s3], $0x80, $0x38;
	[tilespmem:$0x1FD80] =	vst v63  }
0x73: {  	s20 =	simm.s32 $0x13B00  }
0x74: {  	[spmem:s2] =	stream.indirect.scatter.add.f32 [tilespmem:s30], [sflag:$0x5], $0x80, s20, s26, $0xb8;
	[tilespmem:$0x1FD80] =	vst v63  }
0x75: {  	_ =	swait.ge [sflag:s9], $0x4000  }
0x76: {  	[sflag:s9] =	ssyncset.done $0x0  }
0x77: {  	[sflag:s9] =	ssyncadd.s32 $0xFFFFC000  }
0x78: {  	_ =	swait.ge [sflag:s25], $0x80  }
0x79: {  	[sflag:s25] =	ssyncset.done $0x0  }
0x7a: {  	[sflag:s25] =	ssyncadd.s32 $0xFFFFFF80  }
0x7b: {  	_ =	swait.ge [sflag:s25], $0x80  }
0x7c: {  	[sflag:s25] =	ssyncset.done $0x0  }
0x7d: {  	[sflag:s25] =	ssyncadd.s32 $0xFFFFFF80  }
0x7e: {  	[tilespmem:s28], [sflag:$0x1] =	stream.indirect.gather [hbm4b:s1+s26], $0x80, s19, s26, $0xb8;
	[tilespmem:$0x1FD80] =	vst v63  }
0x7f: {  	_ =	swait.ge [sflag:s10], $0x4000  }
0x80: {  	[sflag:s10] =	ssyncset.done $0x0  }
0x81: {  	s22 =	sadd.s32 $0x50, s15;
	[sflag:s10] =	ssyncadd.s32 $0xFFFFC000  }
0x82: {  	[tilespmem:s23], [sflag:$0x9] =	stream.linear.gather [hbm4b:s22+s3], $0x80, $0x38;
	[tilespmem:$0x1FD80] =	vst v63  }
0x83: {  	s5 =	sadd.s32 $0x50, s5  }
0x84: {  	[tilespmem:s11], [sflag:$0x9] =	stream.linear.gather [hbm4b:s5+s3], $0x80, $0x38;
	[tilespmem:$0x1FD80] =	vst v63  }
0x85: {  	s24 =	simm.s32 $0x13B80  }
0x86: {  	[spmem:s2] =	stream.indirect.scatter.add.f32 [tilespmem:s6], [sflag:$0x6], $0x80, s24, s26, $0xb8;
	[tilespmem:$0x1FD80] =	vst v63  }
0x87: {  	_ =	swait.ge [sflag:s12], $0x4000  }
0x88: {  	[sflag:s12] =	ssyncset.done $0x0  }
0x89: {  	[sflag:s12] =	ssyncadd.s32 $0xFFFFC000  }
0x8a: {  	_ =	swait.ge [sflag:s29], $0x80  }
0x8b: {  	[sflag:s29] =	ssyncset.done $0x0  }
0x8c: {  	[sflag:s29] =	ssyncadd.s32 $0xFFFFFF80  }
0x8d: {  	_ =	swait.ge [sflag:s29], $0x80  }
0x8e: {  	[sflag:s29] =	ssyncset.done $0x0  }
0x8f: {  	[sflag:s29] =	ssyncadd.s32 $0xFFFFFF80  }
0x90: {  	[tilespmem:s30], [sflag:$0x2] =	stream.indirect.gather [hbm4b:s1+s26], $0x80, s21, s26, $0xb8;
	[tilespmem:$0x1FD80] =	vst v63  }
0x91: {  	p1 =	seq.s32 s18, $0x4E0;
	_ =	swait.ge [sflag:s31], $0x4000  }
0x92: {  	s15 =	simm.s32 @!p1 $0x0;
	s5 =	sadd.s32 @!p1 s18, s16;
	[sflag:s31] =	ssyncset.done $0x0  }
0x93: {  	s20 =	simm.s32 @!p1 $0x13900;
	s14 =	sadd.s32 @!p1 $0x60, s5;
	[sflag:s31] =	ssyncadd.s32 $0xFFFFC000  }
0x94: {  	[tilespmem:s20], [sflag:$0x7] =	stream.linear.gather @!p1 [hbm4b:s14+s15], $0x80, $0x38;
	[tilespmem:$0x1FD80] =	vst v63  }
0x95: {  	s14 =	sadd.s32 @!p1 s18, s17  }
0x96: {  	s24 =	simm.s32 @!p1 $0x13A80;
	s22 =	sadd.s32 @!p1 $0x60, s14  }
0x97: {  	[tilespmem:s24], [sflag:$0x7] =	stream.linear.gather @!p1 [hbm4b:s22+s15], $0x80, $0x38;
	[tilespmem:$0x1FD80] =	vst v63  }
0x98: {  	_ = 	snop  }
0x99: {  	[spmem:s2] =	stream.indirect.scatter.add.f32 [tilespmem:s28], [sflag:$0x4], $0x80, s0, s26, $0xb8;
	[tilespmem:$0x1FD80] =	vst v63  }
0x9a: {  	_ =	swait.ge [sflag:s13], $0x4000  }
0x9b: {  	[sflag:s13] =	ssyncset.done $0x0  }
0x9c: {  	[sflag:s13] =	ssyncadd.s32 $0xFFFFC000  }
0x9d: {  	_ =	swait.ge [sflag:s4], $0x80  }
0x9e: {  	[sflag:s4] =	ssyncset.done $0x0  }
0x9f: {  	[sflag:s4] =	ssyncadd.s32 $0xFFFFFF80  }
0xa0: {  	_ =	swait.ge [sflag:s4], $0x80  }
0xa1: {  	[sflag:s4] =	ssyncset.done $0x0  }
0xa2: {  	[sflag:s4] =	ssyncadd.s32 $0xFFFFFF80  }
0xa3: {  	[tilespmem:s6], [sflag:$0x3] =	stream.indirect.gather [hbm4b:s1+s26], $0x80, s23, s26, $0xb8;
	[tilespmem:$0x1FD80] =	vst v63  }
0xa4: {  	_ =	swait.ge [sflag:s7], $0x4000  }
0xa5: {  	s8 =	simm.s32 @p1 $0x17D80;
	[sflag:s7] =	ssyncset.done $0x0  }
0xa6: {  	s22 =	simm.s32 @p1 $0x80;
	s24 =	simm.s32 @p1 $0x13C80;
	[sflag:s7] =	ssyncadd.s32 $0xFFFFC000  }
0xa7: {  	[spmem:s2] =	stream.indirect.scatter.add.f32 @p1 [tilespmem:s8], [sflag:$0x5], $0x80, s24, s22, $0xb8;
	[tilespmem:$0x1FD80] =	vst v63  }
0xa8: {  	s8 =	simm.s32 @p1 $0x4  }
0xa9: {  	_ =	swait.ge @p1 [sflag:s8], $0x4000  }
0xaa: {  	[sflag:s8] =	ssyncset.done @p1 $0x0  }
0xab: {  	[sflag:s8] =	ssyncadd.s32 @p1 $0xFFFFC000;
	s8 =	simm.s32 @p1 $0x3  }
0xac: {  	_ =	swait.ge @p1 [sflag:s8], $0x4000  }
0xad: {  	[sflag:s8] =	ssyncset.done @p1 $0x0  }
0xae: {  	s22 =	simm.s32 @!p1 $0x13980;
	[sflag:s8] =	ssyncadd.s32 @p1 $0xFFFFC000;
	s8 =	sadd.s32 @!p1 $0x70, s5  }
0xaf: {  	[tilespmem:s22], [sflag:$0x8] =	stream.linear.gather @!p1 [hbm4b:s8+s15], $0x80, $0x38;
	[tilespmem:$0x1FD80] =	vst v63  }
0xb0: {  	s8 =	sadd.s32 @!p1 $0x70, s14;
	s22 =	simm.s32 @!p1 $0x13B00  }
0xb1: {  	[tilespmem:s22], [sflag:$0x8] =	stream.linear.gather @!p1 [hbm4b:s8+s15], $0x80, $0x38;
	[tilespmem:$0x1FD80] =	vst v63  }
0xb2: {  	s24 =	simm.s32 @!p1 $0x17D80;
	s8 =	simm.s32 @!p1 $0x80;
	s22 =	simm.s32 @!p1 $0x13C80  }
0xb3: {  	[spmem:s2] =	stream.indirect.scatter.add.f32 @!p1 [tilespmem:s24], [sflag:$0x5], $0x80, s22, s8, $0xb8;
	[tilespmem:$0x1FD80] =	vst v63  }
0xb4: {  	s22 =	simm.s32 @!p1 $0x4  }
0xb5: {  	_ =	swait.ge @!p1 [sflag:s22], $0x4000  }
0xb6: {  	[sflag:s22] =	ssyncset.done @!p1 $0x0  }
0xb7: {  	[sflag:s22] =	ssyncadd.s32 @!p1 $0xFFFFC000;
	s22 =	simm.s32 @!p1 $0x7  }
0xb8: {  	_ =	swait.ge @!p1 [sflag:s22], $0x80  }
0xb9: {  	[sflag:s22] =	ssyncset.done @!p1 $0x0  }
0xba: {  	[sflag:s22] =	ssyncadd.s32 @!p1 $0xFFFFFF80  }
0xbb: {  	_ =	swait.ge @!p1 [sflag:s22], $0x80  }
0xbc: {  	[sflag:s22] =	ssyncset.done @!p1 $0x0  }
0xbd: {  	[sflag:s22] =	ssyncadd.s32 @!p1 $0xFFFFFF80;
	s22 =	simm.s32 @!p1 $0x13D80  }
0xbe: {  	[tilespmem:s22], [sflag:$0x1] =	stream.indirect.gather @!p1 [hbm4b:s1+s8], $0x80, s20, s8, $0xb8;
	[tilespmem:$0x1FD80] =	vst v63  }
0xbf: {  	s8 =	simm.s32 @!p1 $0x3  }
0xc0: {  	_ =	swait.ge @!p1 [sflag:s8], $0x4000  }
0xc1: {  	[sflag:s8] =	ssyncset.done @!p1 $0x0  }
0xc2: {  	s5 =	sadd.s32 @!p1 $0x80, s5;
	[sflag:s8] =	ssyncadd.s32 @!p1 $0xFFFFC000;
	s8 =	simm.s32 @!p1 $0x13A00  }
0xc3: {  	[tilespmem:s8], [sflag:$0x9] =	stream.linear.gather @!p1 [hbm4b:s5+s15], $0x80, $0x38;
	[tilespmem:$0x1FD80] =	vst v63  }
0xc4: {  	s5 =	sadd.s32 @!p1 $0x80, s14;
	s8 =	simm.s32 @!p1 $0x13B80  }
0xc5: {  	[tilespmem:s8], [sflag:$0x9] =	stream.linear.gather @!p1 [hbm4b:s5+s15], $0x80, $0x38;
	[tilespmem:$0x1FD80] =	vst v63  }
.Ltmp2:
0xc6: {  	_ = 	snop;
	(pc) =	sbr.rel @p1 .LBB2_4-.Ltmp2, $4  }
0xc7: {  	[spmem:s2] =	stream.indirect.scatter.add.f32 [tilespmem:s6], [sflag:$0x6], $0x80, s11, s26, $0xb8;
	[tilespmem:$0x1FD80] =	vst v63  }
0xc8: {  	_ =	swait.ge [sflag:s12], $0x4000  }
0xc9: {  	[sflag:s12] =	ssyncset.done $0x0  }
0xca: {  	[sflag:s12] =	ssyncadd.s32 $0xFFFFC000  }
0xcb: {  	_ =	swait.ge [sflag:s29], $0x80  }
0xcc: {  	[sflag:s29] =	ssyncset.done $0x0  }
.Ltmp3:
0xcd: {  	[sflag:s29] =	ssyncadd.s32 $0xFFFFFF80;
	(pc) =	sbr.rel .LBB2_2-.Ltmp3, $4  }
0xce: {  	_ =	swait.ge [sflag:s29], $0x80  }
0xcf: {  	[sflag:s29] =	ssyncset.done $0x0  }
0xd0: {  	s18 =	sadd.s32 $0x60, s18;
	[sflag:s29] =	ssyncadd.s32 $0xFFFFFF80  }
0xd1: {  	[tilespmem:s30], [sflag:$0x2] =	stream.indirect.gather [hbm4b:s1+s26], $0x80, s21, s26, $0xb8;
	[tilespmem:$0x1FD80] =	vst v63  }
.LBB2_5:
0xd2: {  	_ =	sfence.sel $0x180000  }
0xd3: {  	[bflag:$0x0] =	sbarrier.arrive $0xFFFF  }
0xd4: {  	_ =	strace $0x90000047  }
0xd5: {  	s0 =	stileid.u32;
	[bflag:$0x2] =	sbarrier.arrive $0xFFFF  }
0xd6: {  	p0 =	sne.s32 s0, $0x0;
	s0 =	rddreg [dreg:$0x3]  }
0xd7: {  	s0 =	sadd.s32 @!p0 $0x100000, s0  }
0xd8: {  	[sflag:s0] =	ssyncadd.tile.s32 @!p0 $0x1;
	_ =	shalt  }
.Lfunc_end2:
_tile_overlayer_lowered:
.L_overlay_start_2:
0xd9: {  	(tag) =	ssettag $0x2  }
0xda: {  	s0 =	rddreg [dreg:$0x0];
	s2 =	stileid.u32  }
0xdb: {  	s1 =	rddreg [dreg:$0x1];
	p0 =	sne.s32 s2, $0x0  }
0xdc: {  	s3 =	rddreg [dreg:$0x2];
	[bflag:$0x3] =	sbarrier.arrive $0xFFFF;
	s2 =	simm.s32 @!p0 $0x1C0A  }
0xdd: {  	[timem:s3], [sflag:s2] =	dma.local @!p0 [hbm:s0], s1  }
0xde: {  	s0 =	simm.s32 @!p0 $0xA  }
0xdf: {  	_ =	swait.ge @!p0 [sflag:s0], s1  }
0xe0: {  	s1 =	ssub.s32 @!p0 $0x0, s1;
	[sflag:s0] =	ssyncset.done @!p0 $0x0  }
0xe1: {  	[sflag:s0] =	ssyncadd.s32 @!p0 s1  }
0xe2: {  	[bflag:$0x3] =	sbarrier.arrive $0xFFFF  }
0xe3: {  	_ =	shalt  }

// kernel: kernel.17.cloned.1.call-start
scs
__scs_entry_jumppad:
0x0: {  	(pc) =	sbr.rel $0x88, $3  }
0x1: {  	(tag) =	ssettag $0x0;
	lr =	simm.s32 $0x1  }
0x2: {  	[smem:$0x3F93] =	sst lr;
	_ =	strace $0xD0000000  }
0x3: {  	_ = 	snop  }
0x4: {  	_ = 	snop  }
0x5: {  	_ = 	snop  }
0x6: {  	_ = 	snop  }
0x7: {  	_ = 	snop  }
__scs_overlays_trampoline_lowered:
0x8: {  	[smem:$0x3FA2] =	sst s0  }
0x9: {  	[smem:$0x3FA3] =	sst s1  }
0xa: {  	[smem:$0x3FA4] =	sst s2  }
0xb: {  	[smem:$0x3FA5] =	sst s3  }
0xc: {  	[smem:$0x3FA6] =	sst s4  }
0xd: {  	[smem:$0x3FA7] =	sst s5  }
0xe: {  	[smem:$0x3FA8] =	sst s6  }
0xf: {  	[smem:$0x3FA9] =	sst s7  }
0x10: {  	[smem:$0x3FAA] =	sst s8  }
0x11: {  	[smem:$0x3FAB] =	sst s9;
	s0 =	simm.s32 @!p0 $0x0  }
0x12: {  	s1 =	sld [smem:$0x3F91];
	s0 =	simm.s32 @p0 $0x1  }
0x13: {  	[smem:$0x3FAC] =	sst s0;
	s0 =	simm.s32 @!p1 $0x0  }
0x14: {  	s2 =	sld [smem:$0x3F90];
	s0 =	simm.s32 @p1 $0x1  }
0x15: {  	[smem:$0x3FAD] =	sst s0;
	s0 =	simm.s32 @!p2 $0x0  }
0x16: {  	s3 =	sld [smem:$0x3FDB];
	s0 =	simm.s32 @p2 $0x1  }
0x17: {  	s4 =	simm.s32 $0x1BF5;
	[smem:$0x3FAF] =	sst s0  }
0x18: {  	s0 =	sld [smem:$0x3F92];
	_ =	swait.ge [sflag:s4], $0x0  }
0x19: {  	s7 =	sld [smem:$0x3F93]  }
0x1a: {  	s8 =	sadd.s32 $0xFFFFE003, lr  }
0x1b: {  	s9 =	sadd.s32 $0xFFFFFEF7, lr;
	s5 =	simm.s32 $0xFFFFFFFF;
	p2 =	slt.u32 s8, $0xFFFFF086  }
0x1c: {  	p1 =	slt.u32 s9, $0xF7A;
	s5 =	simm.s32 @!p2 $0x0  }
0x1d: {  	s5 =	simm.s32 @p1 $0x1;
	p0 =	seq.s32 s7, s2  }
0x1e: {  	s7 =	smul.u32 @!p0 $0xF7A, s2;
	p2 =	seq.s32 @!p0 s5, $0x0  }
0x1f: {  	s9 =	smul.u32 $0xF7A, s1;
	s8 =	simm.s32 @!p0 $0x1BF5;
	p2 =	por !p2, p0  }
0x20: {  	[sflag:s8] =	ssyncset.s32 @!p0 $0xFFFFF086;
	s6 =	sadd.s32 @!p0 s3, s7;
	s7 =	simm.s32 @!p0 $0x108  }
0x21: {  	s3 =	sadd.s32 s3, s9;
	s6 =	sadd.s32 @!p0 $0x88, s6;
	s7 =	simm.s32 @p2 $0x1082  }
0x22: {  	[simem:s7], [sflag:s8] =	dma.local @!p0 [hbm:s6], $0xF7A  }
0x23: {  	s9 =	sor.u32 $0xD0000000, s2;
	s6 =	simm.s32 $0x108;
	_ =	swait.ge @!p0 [sflag:s8], $0x0  }
0x24: {  	s3 =	sadd.s32 $0x88, s3;
	s6 =	simm.s32 @!p1 $0x1082;
	[sflag:s4] =	ssyncset.s32 $0xFFFFF086  }
0x25: {  	[simem:s6], [sflag:s4] =	dma.local [hbm:s3], $0xF7A  }
0x26: {  	[smem:$0x3F93] =	sst s1;
	(tag) =	ssettag s2;
	_ =	strace s9  }
0x27: {  	s1 =	sld [smem:$0x3FA3]  }
0x28: {  	s2 =	sld [smem:$0x3FA4]  }
0x29: {  	s4 =	sld [smem:$0x3FA6]  }
0x2a: {  	p0 =	seq.s32 s5, $0x0;
	s5 =	sld [smem:$0x3FA7]  }
0x2b: {  	s6 =	sld [smem:$0x3FA8]  }
0x2c: {  	s7 =	sld [smem:$0x3FA9]  }
0x2d: {  	s3 =	simm.s32 $0x108;
	s8 =	sld [smem:$0x3FAA]  }
0x2e: {  	s3 =	simm.s32 @!p0 $0x1082;
	s9 =	sld [smem:$0x3FAB]  }
0x2f: {  	lr =	sadd.s32 s0, s3;
	s0 =	sld [smem:$0x3FA2]  }
0x30: {  	s3 =	sld [smem:$0x3FA5]  }
0x31: {  	[smem:$0x3FAE] =	sst s10  }
0x32: {  	s10 =	sld [smem:$0x3FAC];
	_ =	sdelay $0x3  }
0x33: {  	p0 =	seq.s32 s10, $0x1;
	s10 =	sld [smem:$0x3FAE];
	_ =	sdelay $0x3  }
0x34: {  	[smem:$0x3FAE] =	sst s10  }
0x35: {  	s10 =	sld [smem:$0x3FAD];
	_ =	sdelay $0x3  }
0x36: {  	p1 =	seq.s32 s10, $0x1;
	s10 =	sld [smem:$0x3FAE];
	_ =	sdelay $0x3  }
0x37: {  	[smem:$0x3FAE] =	sst s10  }
0x38: {  	s10 =	sld [smem:$0x3FAF]  }
0x39: {  	_ = 	snop;
	(pc) =	sbr.ind lr, $3  }
0x3a: {  	_ = 	snop  }
0x3b: {  	_ = 	snop  }
0x3c: {  	p2 =	seq.s32 s10, $0x1;
	s10 =	sld [smem:$0x3FAE]  }
0x3d: {  	_ =	shalt  }
0x3e: {  	_ =	shalt  }
0x3f: {  	_ =	shalt  }
0x40: {  	_ =	shalt  }
0x41: {  	_ =	shalt  }
0x42: {  	_ =	shalt  }
0x43: {  	_ =	shalt  }
0x44: {  	_ =	shalt  }
0x45: {  	_ =	shalt  }
0x46: {  	_ =	shalt  }
0x47: {  	_ =	shalt  }
0x48: {  	_ =	shalt  }
0x49: {  	_ =	shalt  }
0x4a: {  	_ =	shalt  }
0x4b: {  	_ =	shalt  }
0x4c: {  	_ =	shalt  }
0x4d: {  	_ =	shalt  }
0x4e: {  	_ =	shalt  }
0x4f: {  	_ =	shalt  }
0x50: {  	_ =	shalt  }
0x51: {  	_ =	shalt  }
0x52: {  	_ =	shalt  }
0x53: {  	_ =	shalt  }
0x54: {  	_ =	shalt  }
0x55: {  	_ =	shalt  }
0x56: {  	_ =	shalt  }
0x57: {  	_ =	shalt  }
0x58: {  	_ =	shalt  }
0x59: {  	_ =	shalt  }
0x5a: {  	_ =	shalt  }
0x5b: {  	_ =	shalt  }
0x5c: {  	_ =	shalt  }
0x5d: {  	_ =	shalt  }
0x5e: {  	_ =	shalt  }
0x5f: {  	_ =	shalt  }
0x60: {  	_ =	shalt  }
0x61: {  	_ =	shalt  }
0x62: {  	_ =	shalt  }
0x63: {  	_ =	shalt  }
0x64: {  	_ =	shalt  }
0x65: {  	_ =	shalt  }
0x66: {  	_ =	shalt  }
0x67: {  	_ =	shalt  }
0x68: {  	_ =	shalt  }
0x69: {  	_ =	shalt  }
0x6a: {  	_ =	shalt  }
0x6b: {  	_ =	shalt  }
0x6c: {  	_ =	shalt  }
0x6d: {  	_ =	shalt  }
0x6e: {  	_ =	shalt  }
0x6f: {  	_ =	shalt  }
0x70: {  	_ =	shalt  }
0x71: {  	_ =	shalt  }
0x72: {  	_ =	shalt  }
0x73: {  	_ =	shalt  }
0x74: {  	_ =	shalt  }
0x75: {  	_ =	shalt  }
0x76: {  	_ =	shalt  }
0x77: {  	_ =	shalt  }
0x78: {  	_ =	shalt  }
0x79: {  	_ =	shalt  }
0x7a: {  	_ =	shalt  }
0x7b: {  	_ =	shalt  }
0x7c: {  	_ =	shalt  }
0x7d: {  	_ =	shalt  }
0x7e: {  	_ =	shalt  }
0x7f: {  	_ =	shalt  }
0x80: {  	_ =	shalt  }
0x81: {  	_ =	shalt  }
0x82: {  	_ =	shalt  }
0x83: {  	_ =	shalt  }
0x84: {  	_ =	shalt  }
0x85: {  	_ =	shalt  }
0x86: {  	_ =	shalt  }
0x87: {  	_ =	shalt  }
.Lfunc_end0:
.L_simem_size_0:
called_computation.2_lowered:
.L_overlay_start_0:
0x88: {  	s2 =	sld [smem:$0x3FD9]  }
0x89: {  	s3 =	sld [smem:$0x3FFE];
	_ =	sdelay $0x1  }
0x8a: {  	s1 =	srdreg.scid  }
0x8b: {  	s0 =	sand.u32 $0x1, s1  }
0x8c: {  	s17 =	sshll.u32 s0, $0xA;
	s2 =	sadd.s32 s3, s2  }
0x8d: {  	s2 =	sadd.s32 s2, s17  }
0x8e: {  	[smem:$0x3FBA] =	sst s2  }
0x8f: {  	_ = 	snop  }
0x90: {  	s2 =	sld [smem:$0x3FD0];
	(tm) =	ssettm $0x1  }
0x91: {  	s18 =	sld [smem:$0x3FFB];
	_ =	sdelay $0x3  }
0x92: {  	_ =	strace s18  }
0x93: {  	s3 =	sld [smem:$0x3FFC];
	_ =	sdelay $0x3  }
0x94: {  	_ =	strace s3  }
0x95: {  	s3 =	sld [smem:$0x3FFD];
	_ =	sdelay $0x3  }
0x96: {  	_ =	strace s3  }
0x97: {  	_ =	strace $0x8FFFFFFF  }
0x98: {  	s19 =	sld [smem:$0x3FDB];
	_ =	sdelay $0x1  }
0x99: {  	s4 =	simm.s32 $_scs_section_size  }
0x9a: {  	s5 =	simm.s32 $_size__tile_overlayer_lowered;
	s6 =	simm.s32 $_tile_overlayer_lowered  }
0x9b: {  	s22 =	simm.s32 $0x1BFF;
	s21 =	sshll.u32 s6, $0x1;
	s3 =	sadd.s32 s4, s19  }
0x9c: {  	s7 =	simm.s32 $0x0;
	s20 =	sshll.u32 s5, $0x1;
	s5 =	sadd.s32 s21, s3  }
0x9d: {  	[timem:s7], [sflag:s22] =	dma.local [hbm:s5], s20  }
0x9e: {  	_ =	swait.ge [sflag:s22], s20  }
0x9f: {  	s4 =	ssub.s32 $0x0, s20;
	[sflag:s22] =	ssyncset.done $0x0  }
0xa0: {  	[sflag:s22] =	ssyncadd.s32 s4;
	_ =	sdelay $0x1  }
0xa1: {  	s23 =	simm.s32 $0x1B8B  }
0xa2: {  	_ =	swait.ge [sflag:s23], $0x1  }
0xa3: {  	[sflag:s23] =	ssyncset.done $0x0  }
0xa4: {  	s25 =	simm.s32 $0x1B8E;
	s24 =	sld [smem:$0x3FFE];
	[sflag:s23] =	ssyncadd.s32 $0xFFFFFFFF  }
0xa5: {  	s26 =	simm.s32 $execute0_lowered;
	[smem:$0x3FD2] =	sst s25  }
0xa6: {  	s5 =	sshll.u32 s26, $0x1;
	_ =	strace $0x8000004C;
	[dreg:$0x1] =	wrdreg $0xFFFFFFFF  }
0xa7: {  	s28 =	simm.s32 $_size_execute0_lowered;
	s3 =	sadd.s32 s3, s5;
	[dreg:$0x0] =	wrdreg $0x0  }
0xa8: {  	s5 =	sshll.u32 s28, $0x1;
	[dreg:$0x2] =	wrdreg s3  }
0xa9: {  	[dreg:$0x3] =	wrdreg s5  }
0xaa: {  	[dreg:$0x4] =	wrdreg $0xC0  }
0xab: {  	_ =	task [dreg:s7], $0x5FFFF  }
0xac: {  	[dreg:$0x1] =	wrdreg $0xFFFFFFFF  }
0xad: {  	[dreg:$0x0] =	wrdreg $0x60  }
0xae: {  	[dreg:$0x2] =	wrdreg s2  }
0xaf: {  	[dreg:$0x3] =	wrdreg s24  }
0xb0: {  	[dreg:$0x4] =	wrdreg $0x0  }
0xb1: {  	[dreg:$0x5] =	wrdreg $0x9  }
0xb2: {  	_ =	task.clear_ibuf [dreg:s7], $0x6FFFF;
	_ =	strace $0x9000004C  }
0xb3: {  	s29 =	simm.s32 $0x9;
	_ =	strace $0x8000004E  }
0xb4: {  	_ =	swait.ge [sflag:s29], $0x1  }
0xb5: {  	[sflag:s29] =	ssyncadd.s32 $0xFFFFFFFF  }
0xb6: {  	_ =	strace $0x9000004E  }
0xb7: {  	_ =	sfence  }
0xb8: {  	s30 =	sld [smem:$0x0];
	_ =	sdelay $0x2  }
0xb9: {  	s31 =	sshll.u32 s1, $0xD;
	s1 =	sshrl.u32 s1, $0x2  }
0xba: {  	s3 =	sand.u32 $0x4000, s31;
	s1 =	sadd.s32 s1, s30  }
0xbb: {  	s0 =	sor.u32 s3, s0;
	s1 =	sshll.u32 s1, $0x11  }
0xbc: {  	s0 =	sor.u32 s1, s0  }
0xbd: {  	s0 =	sadd.s32 $0x8F2B, s0  }
0xbe: {  	[sflag:s0] =	ssyncadd.remote.s32 $0x1  }
0xbf: {  	_ =	sfence.sel $0xFFFF  }
0xc0: {  	[dreg:$0x0] =	wrdreg $0xFFFFFFFF;
	(pc) =	sbr.abs _section_cstart, $3  }
0xc1: {  	[dreg:$0x1] =	wrdreg $0xFFFFFFFF  }
0xc2: {  	_ =	task.clear_ibuf [dreg:s7], $0x2FFFF;
	_ =	strace $0x9FFFFFFF  }
0xc3: {  	(tm) =	ssettm $0x7FFFFFFF  }
tec
execute0_lowered:
.L_overlay_start_1:
0x0: {  	(tag) =	ssettag $0x1  }
0x1: {  	s1 =	rddreg [dreg:$0x0]  }
0x2: {  	s0 =	rddreg [dreg:$0x1]  }
0x3: {  	s2 =	rddreg [dreg:$0x2];
	s3 =	simm.s32 $0x0;
	s16 =	srdreg.scid  }
0x4: {  	s13 =	stileid.u32;
	s28 =	simm.s32 $0x13D80;
	s29 =	simm.s32 $0x8  }
0x5: {  	s30 =	simm.s32 $0x17D80;
	s31 =	simm.s32 $0x1;
	s8 =	smul.u32 $0x4F000, s13  }
0x6: {  	[smem:$0x7FF] =	sst s3;
	s4 =	sadd.s32 $0xF200, s0;
	s21 =	smul.u32 $0x2780, s13  }
0x7: {  	s5 =	sadd.s32 $0x4200, s0;
	s6 =	sadd.s32 $0x1A200, s0;
	s23 =	smul.u32 $0xB00, s13  }
0x8: {  	_ =	strace $0x8000004D;
	[dreg:$0x4] =	wrdreg s6;
	s6 =	sand.u32 $0x1, s16  }
0x9: {  	s7 =	sshll.u32 s13, $0x1;
	s0 =	sadd.s32 $0x1CA00, s0;
	s11 =	smul.u32 $0x27200, s6  }
0xa: {  	p0 =	seq.s32 s13, $0xF;
	s13 =	simm.s32 $0x6;
	s20 =	smul.u32 $0x139000, s6  }
0xb: {  	s9 =	ssub.s32 $0x2, s6;
	s7 =	sor.u32 s6, s7;
	s25 =	smul.u32 $0x580, s6  }
0xc: {  	s8 =	sshrl.u32 s8, $0x2;
	s10 =	sshrl.u32 s9, $0x1;
	s7 =	smul.u32 $0x580, s7  }
0xd: {  	s6 =	simm.s32 $0x1BD80;
	s8 =	sadd.s32 s8, s2;
	s9 =	ssub.s32 s9, s10  }
0xe: {  	[dreg:$0x5] =	wrdreg s8;
	s8 =	sadd.s32 $0x128400, s2;
	s17 =	sadd.s32 s4, s7  }
0xf: {  	s22 =	sshrl.u32 s20, $0x3;
	s12 =	sadd.s32 s5, s7;
	[dreg:$0x6] =	wrdreg s17  }
0x10: {  	s18 =	sor.u32 $0x10, s7;
	s26 =	smax.u32 s9, $0x1;
	[dreg:$0x7] =	wrdreg s12  }
0x11: {  	s7 =	sor.u32 $0x20, s7;
	s15 =	sshrl.u32 @p0 s8, $0x3;
	[dreg:$0xe] =	wrdreg s26  }
0x12: {  	s9 =	simm.s32 $0x4;
	s19 =	sadd.s32 s4, s18;
	[dreg:$0xf] =	wrdreg s15  }
0x13: {  	s10 =	sadd.s32 s5, s18;
	s14 =	sadd.s32 s4, s7;
	[dreg:$0x8] =	wrdreg s19  }
0x14: {  	s7 =	sadd.s32 s5, s7;
	s4 =	sadd.s32 s23, s4;
	[dreg:$0x9] =	wrdreg s10  }
0x15: {  	s5 =	sadd.s32 s23, s5;
	s23 =	simm.s32 $0x13A00;
	[dreg:$0xa] =	wrdreg s14  }
0x16: {  	s26 =	simm.s32 $0x80;
	s12 =	simm.s32 $0x5;
	[dreg:$0xb] =	wrdreg s7  }
0x17: {  	s10 =	sadd.s32 s21, s11;
	s7 =	sadd.s32 s0, s22;
	s16 =	sadd.s32 s25, s4  }
.Ltmp0:
0x18: {  	s17 =	sadd.s32 s25, s5;
	s19 =	simm.s32 $0x13900;
	(pc) =	sbr.rel .LBB2_1-.Ltmp0, $4  }
0x19: {  	s21 =	simm.s32 $0x13980;
	s25 =	simm.s32 $0x7;
	s4 =	simm.s32 $0x9  }
0x1a: {  	s11 =	simm.s32 $0x13D00;
	s14 =	simm.s32 $0x0;
	s0 =	sadd.s32 s0, s10  }
0x1b: {  	s24 =	sadd.s32 $0x25080, s7;
	s7 =	simm.s32 $0x2;
	[dreg:$0xc] =	wrdreg s0  }
0x1c: {  	s10 =	simm.s32 $0x3;
	[dreg:$0xd] =	wrdreg s24;
	s0 =	simm.s32 $0x13C00  }
.LBB2_4:
0x1d: {  	_ =	swait.ge [sflag:s13], $0x4000  }
0x1e: {  	[sflag:s13] =	ssyncset.done $0x0  }
0x1f: {  	[sflag:s13] =	ssyncadd.s32 $0xFFFFC000  }
0x20: {  	[bflag:$0x0] =	sbarrier.arrive $0xFFFF  }
0x21: {  	s8 =	rddreg [dreg:$0xd]  }
0x22: {  	s5 =	simm.s32 @p0 $0x1FCA;
	s15 =	rddreg [dreg:$0xf]  }
0x23: {  	[hbm:s8], [sflag:s5] =	dma.local @p0 [spmem:s15], $0x2180  }
0x24: {  	s5 =	simm.s32 @p0 $0xA  }
0x25: {  	_ =	swait.ge @p0 [sflag:s5], $0x2180  }
0x26: {  	s8 =	rddreg [dreg:$0x11]  }
0x27: {  	[sflag:s5] =	ssyncset.done @p0 $0x0;
	s14 =	rddreg [dreg:$0x12]  }
0x28: {  	[sflag:s5] =	ssyncadd.s32 @p0 $0xFFFFDE80;
	s5 =	rddreg [dreg:$0xc]  }
0x29: {  	[hbm:s5], [sflag:s8] =	dma.local @!p0 [spmem:s14], $0x2780  }
0x2a: {  	s5 =	simm.s32 @!p0 $0xA  }
0x2b: {  	_ =	swait.ge @!p0 [sflag:s5], $0x2780  }
0x2c: {  	s22 =	rddreg [dreg:$0x10]  }
0x2d: {  	s24 =	rddreg [dreg:$0xe];
	s14 =	sadd.s32 $0x1, s22  }
0x2e: {  	p1 =	sne.s32 s14, s24  }
.Ltmp1:
0x2f: {  	_ = 	snop;
	(pc) =	sbr.rel @!p1 .LBB2_5-.Ltmp1, $3  }
0x30: {  	_ =	sdelay $0x1  }
0x31: {  	[sflag:s5] =	ssyncset.done @!p0 $0x0  }
0x32: {  	[sflag:s5] =	ssyncadd.s32 @!p0 $0xFFFFD880  }
.LBB2_1:
0x33: {  	[dreg:$0x10] =	wrdreg s14  }
0x34: {  	s5 =	simm.s32 @p0 $0x1FCA;
	s14 =	rddreg [dreg:$0x4]  }
0x35: {  	[spmem:s15], [sflag:s5] =	dma.local @p0 [hbm:s14], $0x2180  }
0x36: {  	s5 =	simm.s32 @p0 $0xA  }
0x37: {  	s8 =	stileid.u32;
	_ =	swait.ge @p0 [sflag:s5], $0x2180  }
0x38: {  	s15 =	sshll.u32 @!p0 s8, $0x6;
	[sflag:s5] =	ssyncset.done @p0 $0x0  }
0x39: {  	s8 =	sor.u32 @!p0 $0x1C0A, s15;
	[sflag:s5] =	ssyncadd.s32 @p0 $0xFFFFDE80;
	s5 =	rddreg [dreg:$0x5]  }
0x3a: {  	[dreg:$0x11] =	wrdreg s8;
	s5 =	sshrl.u32 @!p0 s5, $0x3  }
0x3b: {  	s15 =	simm.s32 @!p0 $0xA;
	[dreg:$0x12] =	wrdreg s5  }
0x3c: {  	[spmem:s5], [sflag:s8] =	dma.local @!p0 [hbm:s14], $0x2780  }
0x3d: {  	_ =	swait.ge @!p0 [sflag:s15], $0x2780  }
0x3e: {  	[sflag:s15] =	ssyncset.done @!p0 $0x0  }
0x3f: {  	s20 =	rddreg [dreg:$0x6];
	[sflag:s15] =	ssyncadd.s32 @!p0 $0xFFFFD880  }
0x40: {  	[tilespmem:s19], [sflag:$0x7] =	stream.linear.gather [hbm4b:s20+s3], $0x80, $0x38;
	[tilespmem:$0x1FD80] =	vst v63  }
0x41: {  	s24 =	simm.s32 $0x13A80;
	s22 =	rddreg [dreg:$0x7]  }
0x42: {  	[tilespmem:s24], [sflag:$0x7] =	stream.linear.gather [hbm4b:s22+s3], $0x80, $0x38;
	[tilespmem:$0x1FD80] =	vst v63  }
0x43: {  	s14 =	rddreg [dreg:$0x8]  }
0x44: {  	[tilespmem:s21], [sflag:$0x8] =	stream.linear.gather [hbm4b:s14+s3], $0x80, $0x38;
	[tilespmem:$0x1FD80] =	vst v63  }
0x45: {  	s18 =	simm.s32 $0x13B00;
	s15 =	rddreg [dreg:$0x9]  }
0x46: {  	[tilespmem:s18], [sflag:$0x8] =	stream.linear.gather [hbm4b:s15+s3], $0x80, $0x38;
	[tilespmem:$0x1FD80] =	vst v63  }
0x47: {  	s20 =	rddreg [dreg:$0xa]  }
0x48: {  	[tilespmem:s23], [sflag:$0x9] =	stream.linear.gather [hbm4b:s20+s3], $0x80, $0x38;
	[tilespmem:$0x1FD80] =	vst v63  }
0x49: {  	s22 =	rddreg [dreg:$0xb];
	s24 =	simm.s32 $0x13B80  }
0x4a: {  	[tilespmem:s24], [sflag:$0x9] =	stream.linear.gather [hbm4b:s22+s3], $0x80, $0x38;
	[tilespmem:$0x1FD80] =	vst v63  }
0x4b: {  	_ =	swait.ge [sflag:s25], $0x80  }
0x4c: {  	[sflag:s25] =	ssyncset.done $0x0  }
0x4d: {  	[sflag:s25] =	ssyncadd.s32 $0xFFFFFF80  }
0x4e: {  	_ =	swait.ge [sflag:s25], $0x80  }
0x4f: {  	[sflag:s25] =	ssyncset.done $0x0  }
0x50: {  	[sflag:s25] =	ssyncadd.s32 $0xFFFFFF80  }
0x51: {  	[tilespmem:s28], [sflag:$0x1] =	stream.indirect.gather [hbm4b:s1+s26], $0x80, s19, s26, $0xb8;
	[tilespmem:$0x1FD80] =	vst v63  }
0x52: {  	_ =	swait.ge [sflag:s29], $0x80  }
0x53: {  	[sflag:s29] =	ssyncset.done $0x0  }
0x54: {  	[sflag:s29] =	ssyncadd.s32 $0xFFFFFF80  }
0x55: {  	_ =	swait.ge [sflag:s29], $0x80  }
0x56: {  	[sflag:s29] =	ssyncset.done $0x0  }
0x57: {  	[sflag:s29] =	ssyncadd.s32 $0xFFFFFF80  }
0x58: {  	[tilespmem:s30], [sflag:$0x2] =	stream.indirect.gather [hbm4b:s1+s26], $0x80, s21, s26, $0xb8;
	[tilespmem:$0x1FD80] =	vst v63  }
0x59: {  	s18 =	simm.s32 $0x0;
	[bflag:$0x0] =	sbarrier.arrive $0xFFFF  }
.LBB2_2:
0x5a: {  	_ =	swait.ge [sflag:s31], $0x4000  }
0x5b: {  	s15 =	sadd.s32 s18, s16;
	[sflag:s31] =	ssyncset.done $0x0  }
0x5c: {  	s5 =	sadd.s32 $0x30, s15;
	[sflag:s31] =	ssyncadd.s32 $0xFFFFC000  }
0x5d: {  	[tilespmem:s19], [sflag:$0x7] =	stream.linear.gather [hbm4b:s5+s3], $0x80, $0x38;
	[tilespmem:$0x1FD80] =	vst v63  }
0x5e: {  	s5 =	sadd.s32 s18, s17  }
0x5f: {  	p1 =	seq.s32 s18, $0x0;
	s14 =	sadd.s32 $0x30, s5  }
0x60: {  	[tilespmem:s0], [sflag:$0x7] =	stream.linear.gather [hbm4b:s14+s3], $0x80, $0x38;
	[tilespmem:$0x1FD80] =	vst v63  }
0x61: {  	s8 =	simm.s32 $0x13A80;
	s14 =	simm.s32 @!p1 $0x6  }
0x62: {  	[spmem:s2] =	stream.indirect.scatter.add.f32 [tilespmem:s28], [sflag:$0x4], $0x80, s8, s26, $0xb8;
	[tilespmem:$0x1FD80] =	vst v63  }
0x63: {  	_ =	swait.ge @!p1 [sflag:s14], $0x4000  }
0x64: {  	[sflag:s14] =	ssyncset.done @!p1 $0x0  }
0x65: {  	[sflag:s14] =	ssyncadd.s32 @!p1 $0xFFFFC000  }
0x66: {  	_ =	swait.ge [sflag:s4], $0x80  }
0x67: {  	[sflag:s4] =	ssyncset.done $0x0  }
0x68: {  	[sflag:s4] =	ssyncadd.s32 $0xFFFFFF80  }
0x69: {  	_ =	swait.ge [sflag:s4], $0x80  }
0x6a: {  	[sflag:s4] =	ssyncset.done $0x0  }
0x6b: {  	[sflag:s4] =	ssyncadd.s32 $0xFFFFFF80  }
0x6c: {  	[tilespmem:s6], [sflag:$0x3] =	stream.indirect.gather [hbm4b:s1+s26], $0x80, s23, s26, $0xb8;
	[tilespmem:$0x1FD80] =	vst v63  }
0x6d: {  	_ =	swait.ge [sflag:s7], $0x4000  }
0x6e: {  	[sflag:s7] =	ssyncset.done $0x0  }
0x6f: {  	s20 =	sadd.s32 $0x40, s15;
	[sflag:s7] =	ssyncadd.s32 $0xFFFFC000  }
0x70: {  	[tilespmem:s21], [sflag:$0x8] =	stream.linear.gather [hbm4b:s20+s3], $0x80, $0x38;
	[tilespmem:$0x1FD80] =	vst v63  }
0x71: {  	s24 =	simm.s32 $0x13C80;
	s22 =	sadd.s32 $0x40, s5  }
0x72: {  	[tilespmem:s24], [sflag:$0x8] =	stream.linear.gather [hbm4b:s22+s3], $0x80, $0x38;
	[tilespmem:$0x1FD80] =	vst v63  }
0x73: {  	s20 =	simm.s32 $0x13B00  }
0x74: {  	[spmem:s2] =	stream.indirect.scatter.add.f32 [tilespmem:s30], [sflag:$0x5], $0x80, s20, s26, $0xb8;
	[tilespmem:$0x1FD80] =	vst v63  }
0x75: {  	_ =	swait.ge [sflag:s9], $0x4000  }
0x76: {  	[sflag:s9] =	ssyncset.done $0x0  }
0x77: {  	[sflag:s9] =	ssyncadd.s32 $0xFFFFC000  }
0x78: {  	_ =	swait.ge [sflag:s25], $0x80  }
0x79: {  	[sflag:s25] =	ssyncset.done $0x0  }
0x7a: {  	[sflag:s25] =	ssyncadd.s32 $0xFFFFFF80  }
0x7b: {  	_ =	swait.ge [sflag:s25], $0x80  }
0x7c: {  	[sflag:s25] =	ssyncset.done $0x0  }
0x7d: {  	[sflag:s25] =	ssyncadd.s32 $0xFFFFFF80  }
0x7e: {  	[tilespmem:s28], [sflag:$0x1] =	stream.indirect.gather [hbm4b:s1+s26], $0x80, s19, s26, $0xb8;
	[tilespmem:$0x1FD80] =	vst v63  }
0x7f: {  	_ =	swait.ge [sflag:s10], $0x4000  }
0x80: {  	[sflag:s10] =	ssyncset.done $0x0  }
0x81: {  	s22 =	sadd.s32 $0x50, s15;
	[sflag:s10] =	ssyncadd.s32 $0xFFFFC000  }
0x82: {  	[tilespmem:s23], [sflag:$0x9] =	stream.linear.gather [hbm4b:s22+s3], $0x80, $0x38;
	[tilespmem:$0x1FD80] =	vst v63  }
0x83: {  	s5 =	sadd.s32 $0x50, s5  }
0x84: {  	[tilespmem:s11], [sflag:$0x9] =	stream.linear.gather [hbm4b:s5+s3], $0x80, $0x38;
	[tilespmem:$0x1FD80] =	vst v63  }
0x85: {  	s24 =	simm.s32 $0x13B80  }
0x86: {  	[spmem:s2] =	stream.indirect.scatter.add.f32 [tilespmem:s6], [sflag:$0x6], $0x80, s24, s26, $0xb8;
	[tilespmem:$0x1FD80] =	vst v63  }
0x87: {  	_ =	swait.ge [sflag:s12], $0x4000  }
0x88: {  	[sflag:s12] =	ssyncset.done $0x0  }
0x89: {  	[sflag:s12] =	ssyncadd.s32 $0xFFFFC000  }
0x8a: {  	_ =	swait.ge [sflag:s29], $0x80  }
0x8b: {  	[sflag:s29] =	ssyncset.done $0x0  }
0x8c: {  	[sflag:s29] =	ssyncadd.s32 $0xFFFFFF80  }
0x8d: {  	_ =	swait.ge [sflag:s29], $0x80  }
0x8e: {  	[sflag:s29] =	ssyncset.done $0x0  }
0x8f: {  	[sflag:s29] =	ssyncadd.s32 $0xFFFFFF80  }
0x90: {  	[tilespmem:s30], [sflag:$0x2] =	stream.indirect.gather [hbm4b:s1+s26], $0x80, s21, s26, $0xb8;
	[tilespmem:$0x1FD80] =	vst v63  }
0x91: {  	p1 =	seq.s32 s18, $0x4E0;
	_ =	swait.ge [sflag:s31], $0x4000  }
0x92: {  	s15 =	simm.s32 @!p1 $0x0;
	s5 =	sadd.s32 @!p1 s18, s16;
	[sflag:s31] =	ssyncset.done $0x0  }
0x93: {  	s20 =	simm.s32 @!p1 $0x13900;
	s14 =	sadd.s32 @!p1 $0x60, s5;
	[sflag:s31] =	ssyncadd.s32 $0xFFFFC000  }
0x94: {  	[tilespmem:s20], [sflag:$0x7] =	stream.linear.gather @!p1 [hbm4b:s14+s15], $0x80, $0x38;
	[tilespmem:$0x1FD80] =	vst v63  }
0x95: {  	s14 =	sadd.s32 @!p1 s18, s17  }
0x96: {  	s24 =	simm.s32 @!p1 $0x13A80;
	s22 =	sadd.s32 @!p1 $0x60, s14  }
0x97: {  	[tilespmem:s24], [sflag:$0x7] =	stream.linear.gather @!p1 [hbm4b:s22+s15], $0x80, $0x38;
	[tilespmem:$0x1FD80] =	vst v63  }
0x98: {  	_ = 	snop  }
0x99: {  	[spmem:s2] =	stream.indirect.scatter.add.f32 [tilespmem:s28], [sflag:$0x4], $0x80, s0, s26, $0xb8;
	[tilespmem:$0x1FD80] =	vst v63  }
0x9a: {  	_ =	swait.ge [sflag:s13], $0x4000  }
0x9b: {  	[sflag:s13] =	ssyncset.done $0x0  }
0x9c: {  	[sflag:s13] =	ssyncadd.s32 $0xFFFFC000  }
0x9d: {  	_ =	swait.ge [sflag:s4], $0x80  }
0x9e: {  	[sflag:s4] =	ssyncset.done $0x0  }
0x9f: {  	[sflag:s4] =	ssyncadd.s32 $0xFFFFFF80  }
0xa0: {  	_ =	swait.ge [sflag:s4], $0x80  }
0xa1: {  	[sflag:s4] =	ssyncset.done $0x0  }
0xa2: {  	[sflag:s4] =	ssyncadd.s32 $0xFFFFFF80  }
0xa3: {  	[tilespmem:s6], [sflag:$0x3] =	stream.indirect.gather [hbm4b:s1+s26], $0x80, s23, s26, $0xb8;
	[tilespmem:$0x1FD80] =	vst v63  }
0xa4: {  	_ =	swait.ge [sflag:s7], $0x4000  }
0xa5: {  	s8 =	simm.s32 @p1 $0x17D80;
	[sflag:s7] =	ssyncset.done $0x0  }
0xa6: {  	s22 =	simm.s32 @p1 $0x80;
	s24 =	simm.s32 @p1 $0x13C80;
	[sflag:s7] =	ssyncadd.s32 $0xFFFFC000  }
0xa7: {  	[spmem:s2] =	stream.indirect.scatter.add.f32 @p1 [tilespmem:s8], [sflag:$0x5], $0x80, s24, s22, $0xb8;
	[tilespmem:$0x1FD80] =	vst v63  }
0xa8: {  	s8 =	simm.s32 @p1 $0x4  }
0xa9: {  	_ =	swait.ge @p1 [sflag:s8], $0x4000  }
0xaa: {  	[sflag:s8] =	ssyncset.done @p1 $0x0  }
0xab: {  	[sflag:s8] =	ssyncadd.s32 @p1 $0xFFFFC000;
	s8 =	simm.s32 @p1 $0x3  }
0xac: {  	_ =	swait.ge @p1 [sflag:s8], $0x4000  }
0xad: {  	[sflag:s8] =	ssyncset.done @p1 $0x0  }
0xae: {  	s22 =	simm.s32 @!p1 $0x13980;
	[sflag:s8] =	ssyncadd.s32 @p1 $0xFFFFC000;
	s8 =	sadd.s32 @!p1 $0x70, s5  }
0xaf: {  	[tilespmem:s22], [sflag:$0x8] =	stream.linear.gather @!p1 [hbm4b:s8+s15], $0x80, $0x38;
	[tilespmem:$0x1FD80] =	vst v63  }
0xb0: {  	s8 =	sadd.s32 @!p1 $0x70, s14;
	s22 =	simm.s32 @!p1 $0x13B00  }
0xb1: {  	[tilespmem:s22], [sflag:$0x8] =	stream.linear.gather @!p1 [hbm4b:s8+s15], $0x80, $0x38;
	[tilespmem:$0x1FD80] =	vst v63  }
0xb2: {  	s24 =	simm.s32 @!p1 $0x17D80;
	s8 =	simm.s32 @!p1 $0x80;
	s22 =	simm.s32 @!p1 $0x13C80  }
0xb3: {  	[spmem:s2] =	stream.indirect.scatter.add.f32 @!p1 [tilespmem:s24], [sflag:$0x5], $0x80, s22, s8, $0xb8;
	[tilespmem:$0x1FD80] =	vst v63  }
0xb4: {  	s22 =	simm.s32 @!p1 $0x4  }
0xb5: {  	_ =	swait.ge @!p1 [sflag:s22], $0x4000  }
0xb6: {  	[sflag:s22] =	ssyncset.done @!p1 $0x0  }
0xb7: {  	[sflag:s22] =	ssyncadd.s32 @!p1 $0xFFFFC000;
	s22 =	simm.s32 @!p1 $0x7  }
0xb8: {  	_ =	swait.ge @!p1 [sflag:s22], $0x80  }
0xb9: {  	[sflag:s22] =	ssyncset.done @!p1 $0x0  }
0xba: {  	[sflag:s22] =	ssyncadd.s32 @!p1 $0xFFFFFF80  }
0xbb: {  	_ =	swait.ge @!p1 [sflag:s22], $0x80  }
0xbc: {  	[sflag:s22] =	ssyncset.done @!p1 $0x0  }
0xbd: {  	[sflag:s22] =	ssyncadd.s32 @!p1 $0xFFFFFF80;
	s22 =	simm.s32 @!p1 $0x13D80  }
0xbe: {  	[tilespmem:s22], [sflag:$0x1] =	stream.indirect.gather @!p1 [hbm4b:s1+s8], $0x80, s20, s8, $0xb8;
	[tilespmem:$0x1FD80] =	vst v63  }
0xbf: {  	s8 =	simm.s32 @!p1 $0x3  }
0xc0: {  	_ =	swait.ge @!p1 [sflag:s8], $0x4000  }
0xc1: {  	[sflag:s8] =	ssyncset.done @!p1 $0x0  }
0xc2: {  	s5 =	sadd.s32 @!p1 $0x80, s5;
	[sflag:s8] =	ssyncadd.s32 @!p1 $0xFFFFC000;
	s8 =	simm.s32 @!p1 $0x13A00  }
0xc3: {  	[tilespmem:s8], [sflag:$0x9] =	stream.linear.gather @!p1 [hbm4b:s5+s15], $0x80, $0x38;
	[tilespmem:$0x1FD80] =	vst v63  }
0xc4: {  	s5 =	sadd.s32 @!p1 $0x80, s14;
	s8 =	simm.s32 @!p1 $0x13B80  }
0xc5: {  	[tilespmem:s8], [sflag:$0x9] =	stream.linear.gather @!p1 [hbm4b:s5+s15], $0x80, $0x38;
	[tilespmem:$0x1FD80] =	vst v63  }
.Ltmp2:
0xc6: {  	_ = 	snop;
	(pc) =	sbr.rel @p1 .LBB2_4-.Ltmp2, $4  }
0xc7: {  	[spmem:s2] =	stream.indirect.scatter.add.f32 [tilespmem:s6], [sflag:$0x6], $0x80, s11, s26, $0xb8;
	[tilespmem:$0x1FD80] =	vst v63  }
0xc8: {  	_ =	swait.ge [sflag:s12], $0x4000  }
0xc9: {  	[sflag:s12] =	ssyncset.done $0x0  }
0xca: {  	[sflag:s12] =	ssyncadd.s32 $0xFFFFC000  }
0xcb: {  	_ =	swait.ge [sflag:s29], $0x80  }
0xcc: {  	[sflag:s29] =	ssyncset.done $0x0  }
.Ltmp3:
0xcd: {  	[sflag:s29] =	ssyncadd.s32 $0xFFFFFF80;
	(pc) =	sbr.rel .LBB2_2-.Ltmp3, $4  }
0xce: {  	_ =	swait.ge [sflag:s29], $0x80  }
0xcf: {  	[sflag:s29] =	ssyncset.done $0x0  }
0xd0: {  	s18 =	sadd.s32 $0x60, s18;
	[sflag:s29] =	ssyncadd.s32 $0xFFFFFF80  }
0xd1: {  	[tilespmem:s30], [sflag:$0x2] =	stream.indirect.gather [hbm4b:s1+s26], $0x80, s21, s26, $0xb8;
	[tilespmem:$0x1FD80] =	vst v63  }
.LBB2_5:
0xd2: {  	_ =	sfence.sel $0x180000  }
0xd3: {  	[bflag:$0x0] =	sbarrier.arrive $0xFFFF  }
0xd4: {  	_ =	strace $0x9000004D  }
0xd5: {  	s0 =	stileid.u32;
	[bflag:$0x2] =	sbarrier.arrive $0xFFFF  }
0xd6: {  	p0 =	sne.s32 s0, $0x0;
	s0 =	rddreg [dreg:$0x3]  }
0xd7: {  	s0 =	sadd.s32 @!p0 $0x100000, s0  }
0xd8: {  	[sflag:s0] =	ssyncadd.tile.s32 @!p0 $0x1;
	_ =	shalt  }
.Lfunc_end2:
_tile_overlayer_lowered:
.L_overlay_start_2:
0xd9: {  	(tag) =	ssettag $0x2  }
0xda: {  	s0 =	rddreg [dreg:$0x0];
	s2 =	stileid.u32  }
0xdb: {  	s1 =	rddreg [dreg:$0x1];
	p0 =	sne.s32 s2, $0x0  }
0xdc: {  	s3 =	rddreg [dreg:$0x2];
	[bflag:$0x3] =	sbarrier.arrive $0xFFFF;
	s2 =	simm.s32 @!p0 $0x1C0A  }
0xdd: {  	[timem:s3], [sflag:s2] =	dma.local @!p0 [hbm:s0], s1  }
0xde: {  	s0 =	simm.s32 @!p0 $0xA  }
0xdf: {  	_ =	swait.ge @!p0 [sflag:s0], s1  }
0xe0: {  	s1 =	ssub.s32 @!p0 $0x0, s1;
	[sflag:s0] =	ssyncset.done @!p0 $0x0  }
0xe1: {  	[sflag:s0] =	ssyncadd.s32 @!p0 s1  }
0xe2: {  	[bflag:$0x3] =	sbarrier.arrive $0xFFFF  }
0xe3: {  	_ =	shalt  }

// kernel: kernel.20.cloned.1.call-start
scs
__scs_entry_jumppad:
0x0: {  	(pc) =	sbr.rel $0x88, $3  }
0x1: {  	(tag) =	ssettag $0x0;
	lr =	simm.s32 $0x1  }
0x2: {  	[smem:$0x3F93] =	sst lr;
	_ =	strace $0xD0000000  }
0x3: {  	_ = 	snop  }
0x4: {  	_ = 	snop  }
0x5: {  	_ = 	snop  }
0x6: {  	_ = 	snop  }
0x7: {  	_ = 	snop  }
__scs_overlays_trampoline_lowered:
0x8: {  	[smem:$0x3FA2] =	sst s0  }
0x9: {  	[smem:$0x3FA3] =	sst s1  }
0xa: {  	[smem:$0x3FA4] =	sst s2  }
0xb: {  	[smem:$0x3FA5] =	sst s3  }
0xc: {  	[smem:$0x3FA6] =	sst s4  }
0xd: {  	[smem:$0x3FA7] =	sst s5  }
0xe: {  	[smem:$0x3FA8] =	sst s6  }
0xf: {  	[smem:$0x3FA9] =	sst s7  }
0x10: {  	[smem:$0x3FAA] =	sst s8  }
0x11: {  	[smem:$0x3FAB] =	sst s9;
	s0 =	simm.s32 @!p0 $0x0  }
0x12: {  	s1 =	sld [smem:$0x3F91];
	s0 =	simm.s32 @p0 $0x1  }
0x13: {  	[smem:$0x3FAC] =	sst s0;
	s0 =	simm.s32 @!p1 $0x0  }
0x14: {  	s2 =	sld [smem:$0x3F90];
	s0 =	simm.s32 @p1 $0x1  }
0x15: {  	[smem:$0x3FAD] =	sst s0;
	s0 =	simm.s32 @!p2 $0x0  }
0x16: {  	s3 =	sld [smem:$0x3FDB];
	s0 =	simm.s32 @p2 $0x1  }
0x17: {  	s4 =	simm.s32 $0x1BF5;
	[smem:$0x3FAF] =	sst s0  }
0x18: {  	s0 =	sld [smem:$0x3F92];
	_ =	swait.ge [sflag:s4], $0x0  }
0x19: {  	s7 =	sld [smem:$0x3F93]  }
0x1a: {  	s8 =	sadd.s32 $0xFFFFE003, lr  }
0x1b: {  	s9 =	sadd.s32 $0xFFFFFEF7, lr;
	s5 =	simm.s32 $0xFFFFFFFF;
	p2 =	slt.u32 s8, $0xFFFFF086  }
0x1c: {  	p1 =	slt.u32 s9, $0xF7A;
	s5 =	simm.s32 @!p2 $0x0  }
0x1d: {  	s5 =	simm.s32 @p1 $0x1;
	p0 =	seq.s32 s7, s2  }
0x1e: {  	s7 =	smul.u32 @!p0 $0xF7A, s2;
	p2 =	seq.s32 @!p0 s5, $0x0  }
0x1f: {  	s9 =	smul.u32 $0xF7A, s1;
	s8 =	simm.s32 @!p0 $0x1BF5;
	p2 =	por !p2, p0  }
0x20: {  	[sflag:s8] =	ssyncset.s32 @!p0 $0xFFFFF086;
	s6 =	sadd.s32 @!p0 s3, s7;
	s7 =	simm.s32 @!p0 $0x108  }
0x21: {  	s3 =	sadd.s32 s3, s9;
	s6 =	sadd.s32 @!p0 $0x88, s6;
	s7 =	simm.s32 @p2 $0x1082  }
0x22: {  	[simem:s7], [sflag:s8] =	dma.local @!p0 [hbm:s6], $0xF7A  }
0x23: {  	s9 =	sor.u32 $0xD0000000, s2;
	s6 =	simm.s32 $0x108;
	_ =	swait.ge @!p0 [sflag:s8], $0x0  }
0x24: {  	s3 =	sadd.s32 $0x88, s3;
	s6 =	simm.s32 @!p1 $0x1082;
	[sflag:s4] =	ssyncset.s32 $0xFFFFF086  }
0x25: {  	[simem:s6], [sflag:s4] =	dma.local [hbm:s3], $0xF7A  }
0x26: {  	[smem:$0x3F93] =	sst s1;
	(tag) =	ssettag s2;
	_ =	strace s9  }
0x27: {  	s1 =	sld [smem:$0x3FA3]  }
0x28: {  	s2 =	sld [smem:$0x3FA4]  }
0x29: {  	s4 =	sld [smem:$0x3FA6]  }
0x2a: {  	p0 =	seq.s32 s5, $0x0;
	s5 =	sld [smem:$0x3FA7]  }
0x2b: {  	s6 =	sld [smem:$0x3FA8]  }
0x2c: {  	s7 =	sld [smem:$0x3FA9]  }
0x2d: {  	s3 =	simm.s32 $0x108;
	s8 =	sld [smem:$0x3FAA]  }
0x2e: {  	s3 =	simm.s32 @!p0 $0x1082;
	s9 =	sld [smem:$0x3FAB]  }
0x2f: {  	lr =	sadd.s32 s0, s3;
	s0 =	sld [smem:$0x3FA2]  }
0x30: {  	s3 =	sld [smem:$0x3FA5]  }
0x31: {  	[smem:$0x3FAE] =	sst s10  }
0x32: {  	s10 =	sld [smem:$0x3FAC];
	_ =	sdelay $0x3  }
0x33: {  	p0 =	seq.s32 s10, $0x1;
	s10 =	sld [smem:$0x3FAE];
	_ =	sdelay $0x3  }
0x34: {  	[smem:$0x3FAE] =	sst s10  }
0x35: {  	s10 =	sld [smem:$0x3FAD];
	_ =	sdelay $0x3  }
0x36: {  	p1 =	seq.s32 s10, $0x1;
	s10 =	sld [smem:$0x3FAE];
	_ =	sdelay $0x3  }
0x37: {  	[smem:$0x3FAE] =	sst s10  }
0x38: {  	s10 =	sld [smem:$0x3FAF]  }
0x39: {  	_ = 	snop;
	(pc) =	sbr.ind lr, $3  }
0x3a: {  	_ = 	snop  }
0x3b: {  	_ = 	snop  }
0x3c: {  	p2 =	seq.s32 s10, $0x1;
	s10 =	sld [smem:$0x3FAE]  }
0x3d: {  	_ =	shalt  }
0x3e: {  	_ =	shalt  }
0x3f: {  	_ =	shalt  }
0x40: {  	_ =	shalt  }
0x41: {  	_ =	shalt  }
0x42: {  	_ =	shalt  }
0x43: {  	_ =	shalt  }
0x44: {  	_ =	shalt  }
0x45: {  	_ =	shalt  }
0x46: {  	_ =	shalt  }
0x47: {  	_ =	shalt  }
0x48: {  	_ =	shalt  }
0x49: {  	_ =	shalt  }
0x4a: {  	_ =	shalt  }
0x4b: {  	_ =	shalt  }
0x4c: {  	_ =	shalt  }
0x4d: {  	_ =	shalt  }
0x4e: {  	_ =	shalt  }
0x4f: {  	_ =	shalt  }
0x50: {  	_ =	shalt  }
0x51: {  	_ =	shalt  }
0x52: {  	_ =	shalt  }
0x53: {  	_ =	shalt  }
0x54: {  	_ =	shalt  }
0x55: {  	_ =	shalt  }
0x56: {  	_ =	shalt  }
0x57: {  	_ =	shalt  }
0x58: {  	_ =	shalt  }
0x59: {  	_ =	shalt  }
0x5a: {  	_ =	shalt  }
0x5b: {  	_ =	shalt  }
0x5c: {  	_ =	shalt  }
0x5d: {  	_ =	shalt  }
0x5e: {  	_ =	shalt  }
0x5f: {  	_ =	shalt  }
0x60: {  	_ =	shalt  }
0x61: {  	_ =	shalt  }
0x62: {  	_ =	shalt  }
0x63: {  	_ =	shalt  }
0x64: {  	_ =	shalt  }
0x65: {  	_ =	shalt  }
0x66: {  	_ =	shalt  }
0x67: {  	_ =	shalt  }
0x68: {  	_ =	shalt  }
0x69: {  	_ =	shalt  }
0x6a: {  	_ =	shalt  }
0x6b: {  	_ =	shalt  }
0x6c: {  	_ =	shalt  }
0x6d: {  	_ =	shalt  }
0x6e: {  	_ =	shalt  }
0x6f: {  	_ =	shalt  }
0x70: {  	_ =	shalt  }
0x71: {  	_ =	shalt  }
0x72: {  	_ =	shalt  }
0x73: {  	_ =	shalt  }
0x74: {  	_ =	shalt  }
0x75: {  	_ =	shalt  }
0x76: {  	_ =	shalt  }
0x77: {  	_ =	shalt  }
0x78: {  	_ =	shalt  }
0x79: {  	_ =	shalt  }
0x7a: {  	_ =	shalt  }
0x7b: {  	_ =	shalt  }
0x7c: {  	_ =	shalt  }
0x7d: {  	_ =	shalt  }
0x7e: {  	_ =	shalt  }
0x7f: {  	_ =	shalt  }
0x80: {  	_ =	shalt  }
0x81: {  	_ =	shalt  }
0x82: {  	_ =	shalt  }
0x83: {  	_ =	shalt  }
0x84: {  	_ =	shalt  }
0x85: {  	_ =	shalt  }
0x86: {  	_ =	shalt  }
0x87: {  	_ =	shalt  }
.Lfunc_end0:
.L_simem_size_0:
called_computation.3_lowered:
.L_overlay_start_0:
0x88: {  	s2 =	sld [smem:$0x3FD9]  }
0x89: {  	s3 =	sld [smem:$0x3FFE];
	_ =	sdelay $0x1  }
0x8a: {  	s1 =	srdreg.scid  }
0x8b: {  	s0 =	sand.u32 $0x1, s1  }
0x8c: {  	s17 =	sshll.u32 s0, $0xA;
	s2 =	sadd.s32 s3, s2  }
0x8d: {  	s2 =	sadd.s32 s2, s17  }
0x8e: {  	[smem:$0x3FBA] =	sst s2  }
0x8f: {  	_ = 	snop  }
0x90: {  	s2 =	sld [smem:$0x3FD0];
	(tm) =	ssettm $0x1  }
0x91: {  	s18 =	sld [smem:$0x3FFB];
	_ =	sdelay $0x3  }
0x92: {  	_ =	strace s18  }
0x93: {  	s3 =	sld [smem:$0x3FFC];
	_ =	sdelay $0x3  }
0x94: {  	_ =	strace s3  }
0x95: {  	s3 =	sld [smem:$0x3FFD];
	_ =	sdelay $0x3  }
0x96: {  	_ =	strace s3  }
0x97: {  	_ =	strace $0x8FFFFFFF  }
0x98: {  	s19 =	sld [smem:$0x3FDB];
	_ =	sdelay $0x1  }
0x99: {  	s4 =	simm.s32 $_scs_section_size  }
0x9a: {  	s5 =	simm.s32 $_size__tile_overlayer_lowered;
	s6 =	simm.s32 $_tile_overlayer_lowered  }
0x9b: {  	s22 =	simm.s32 $0x1BFF;
	s21 =	sshll.u32 s6, $0x1;
	s3 =	sadd.s32 s4, s19  }
0x9c: {  	s7 =	simm.s32 $0x0;
	s20 =	sshll.u32 s5, $0x1;
	s5 =	sadd.s32 s21, s3  }
0x9d: {  	[timem:s7], [sflag:s22] =	dma.local [hbm:s5], s20  }
0x9e: {  	_ =	swait.ge [sflag:s22], s20  }
0x9f: {  	s4 =	ssub.s32 $0x0, s20;
	[sflag:s22] =	ssyncset.done $0x0  }
0xa0: {  	[sflag:s22] =	ssyncadd.s32 s4;
	_ =	sdelay $0x1  }
0xa1: {  	s23 =	simm.s32 $0x1B8B  }
0xa2: {  	_ =	swait.ge [sflag:s23], $0x1  }
0xa3: {  	[sflag:s23] =	ssyncset.done $0x0  }
0xa4: {  	s25 =	simm.s32 $0x1B8E;
	s24 =	sld [smem:$0x3FFE];
	[sflag:s23] =	ssyncadd.s32 $0xFFFFFFFF  }
0xa5: {  	s26 =	simm.s32 $execute0_lowered;
	[smem:$0x3FD2] =	sst s25  }
0xa6: {  	s5 =	sshll.u32 s26, $0x1;
	_ =	strace $0x8000004F;
	[dreg:$0x1] =	wrdreg $0xFFFFFFFF  }
0xa7: {  	s28 =	simm.s32 $_size_execute0_lowered;
	s3 =	sadd.s32 s3, s5;
	[dreg:$0x0] =	wrdreg $0x0  }
0xa8: {  	s5 =	sshll.u32 s28, $0x1;
	[dreg:$0x2] =	wrdreg s3  }
0xa9: {  	[dreg:$0x3] =	wrdreg s5  }
0xaa: {  	[dreg:$0x4] =	wrdreg $0xC0  }
0xab: {  	_ =	task [dreg:s7], $0x5FFFF  }
0xac: {  	[dreg:$0x1] =	wrdreg $0xFFFFFFFF  }
0xad: {  	[dreg:$0x0] =	wrdreg $0x60  }
0xae: {  	[dreg:$0x2] =	wrdreg s2  }
0xaf: {  	[dreg:$0x3] =	wrdreg s24  }
0xb0: {  	[dreg:$0x4] =	wrdreg $0x0  }
0xb1: {  	[dreg:$0x5] =	wrdreg $0x9  }
0xb2: {  	_ =	task.clear_ibuf [dreg:s7], $0x6FFFF;
	_ =	strace $0x9000004F  }
0xb3: {  	s29 =	simm.s32 $0x9;
	_ =	strace $0x80000051  }
0xb4: {  	_ =	swait.ge [sflag:s29], $0x1  }
0xb5: {  	[sflag:s29] =	ssyncadd.s32 $0xFFFFFFFF  }
0xb6: {  	_ =	strace $0x90000051  }
0xb7: {  	_ =	sfence  }
0xb8: {  	s30 =	sld [smem:$0x0];
	_ =	sdelay $0x2  }
0xb9: {  	s31 =	sshll.u32 s1, $0xD;
	s1 =	sshrl.u32 s1, $0x2  }
0xba: {  	s3 =	sand.u32 $0x4000, s31;
	s1 =	sadd.s32 s1, s30  }
0xbb: {  	s0 =	sor.u32 s3, s0;
	s1 =	sshll.u32 s1, $0x11  }
0xbc: {  	s0 =	sor.u32 s1, s0  }
0xbd: {  	s0 =	sadd.s32 $0x8F2B, s0  }
0xbe: {  	[sflag:s0] =	ssyncadd.remote.s32 $0x1  }
0xbf: {  	_ =	sfence.sel $0xFFFF  }
0xc0: {  	[dreg:$0x0] =	wrdreg $0xFFFFFFFF;
	(pc) =	sbr.abs _section_cstart, $3  }
0xc1: {  	[dreg:$0x1] =	wrdreg $0xFFFFFFFF  }
0xc2: {  	_ =	task.clear_ibuf [dreg:s7], $0x2FFFF;
	_ =	strace $0x9FFFFFFF  }
0xc3: {  	(tm) =	ssettm $0x7FFFFFFF  }
tec
execute0_lowered:
.L_overlay_start_1:
0x0: {  	(tag) =	ssettag $0x1  }
0x1: {  	s1 =	rddreg [dreg:$0x0]  }
0x2: {  	s0 =	rddreg [dreg:$0x1]  }
0x3: {  	s2 =	rddreg [dreg:$0x2];
	s3 =	simm.s32 $0x0;
	s16 =	srdreg.scid  }
0x4: {  	s13 =	stileid.u32;
	s28 =	simm.s32 $0x13D80;
	s29 =	simm.s32 $0x8  }
0x5: {  	s30 =	simm.s32 $0x17D80;
	s31 =	simm.s32 $0x1;
	s8 =	smul.u32 $0x4F000, s13  }
0x6: {  	[smem:$0x7FF] =	sst s3;
	s4 =	sadd.s32 $0xF200, s0;
	s21 =	smul.u32 $0x2780, s13  }
0x7: {  	s5 =	sadd.s32 $0x4200, s0;
	s6 =	sadd.s32 $0x1A200, s0;
	s23 =	smul.u32 $0xB00, s13  }
0x8: {  	_ =	strace $0x80000050;
	[dreg:$0x4] =	wrdreg s6;
	s6 =	sand.u32 $0x1, s16  }
0x9: {  	s7 =	sshll.u32 s13, $0x1;
	s0 =	sadd.s32 $0x1CA00, s0;
	s11 =	smul.u32 $0x27200, s6  }
0xa: {  	p0 =	seq.s32 s13, $0xF;
	s13 =	simm.s32 $0x6;
	s20 =	smul.u32 $0x139000, s6  }
0xb: {  	s9 =	ssub.s32 $0x2, s6;
	s7 =	sor.u32 s6, s7;
	s25 =	smul.u32 $0x580, s6  }
0xc: {  	s8 =	sshrl.u32 s8, $0x2;
	s10 =	sshrl.u32 s9, $0x1;
	s7 =	smul.u32 $0x580, s7  }
0xd: {  	s6 =	simm.s32 $0x1BD80;
	s8 =	sadd.s32 s8, s2;
	s9 =	ssub.s32 s9, s10  }
0xe: {  	[dreg:$0x5] =	wrdreg s8;
	s8 =	sadd.s32 $0x128400, s2;
	s17 =	sadd.s32 s4, s7  }
0xf: {  	s22 =	sshrl.u32 s20, $0x3;
	s12 =	sadd.s32 s5, s7;
	[dreg:$0x6] =	wrdreg s17  }
0x10: {  	s18 =	sor.u32 $0x10, s7;
	s26 =	smax.u32 s9, $0x1;
	[dreg:$0x7] =	wrdreg s12  }
0x11: {  	s7 =	sor.u32 $0x20, s7;
	s15 =	sshrl.u32 @p0 s8, $0x3;
	[dreg:$0xe] =	wrdreg s26  }
0x12: {  	s9 =	simm.s32 $0x4;
	s19 =	sadd.s32 s4, s18;
	[dreg:$0xf] =	wrdreg s15  }
0x13: {  	s10 =	sadd.s32 s5, s18;
	s14 =	sadd.s32 s4, s7;
	[dreg:$0x8] =	wrdreg s19  }
0x14: {  	s7 =	sadd.s32 s5, s7;
	s4 =	sadd.s32 s23, s4;
	[dreg:$0x9] =	wrdreg s10  }
0x15: {  	s5 =	sadd.s32 s23, s5;
	s23 =	simm.s32 $0x13A00;
	[dreg:$0xa] =	wrdreg s14  }
0x16: {  	s26 =	simm.s32 $0x80;
	s12 =	simm.s32 $0x5;
	[dreg:$0xb] =	wrdreg s7  }
0x17: {  	s10 =	sadd.s32 s21, s11;
	s7 =	sadd.s32 s0, s22;
	s16 =	sadd.s32 s25, s4  }
.Ltmp0:
0x18: {  	s17 =	sadd.s32 s25, s5;
	s19 =	simm.s32 $0x13900;
	(pc) =	sbr.rel .LBB2_1-.Ltmp0, $4  }
0x19: {  	s21 =	simm.s32 $0x13980;
	s25 =	simm.s32 $0x7;
	s4 =	simm.s32 $0x9  }
0x1a: {  	s11 =	simm.s32 $0x13D00;
	s14 =	simm.s32 $0x0;
	s0 =	sadd.s32 s0, s10  }
0x1b: {  	s24 =	sadd.s32 $0x25080, s7;
	s7 =	simm.s32 $0x2;
	[dreg:$0xc] =	wrdreg s0  }
0x1c: {  	s10 =	simm.s32 $0x3;
	[dreg:$0xd] =	wrdreg s24;
	s0 =	simm.s32 $0x13C00  }
.LBB2_4:
0x1d: {  	_ =	swait.ge [sflag:s13], $0x4000  }
0x1e: {  	[sflag:s13] =	ssyncset.done $0x0  }
0x1f: {  	[sflag:s13] =	ssyncadd.s32 $0xFFFFC000  }
0x20: {  	[bflag:$0x0] =	sbarrier.arrive $0xFFFF  }
0x21: {  	s8 =	rddreg [dreg:$0xd]  }
0x22: {  	s5 =	simm.s32 @p0 $0x1FCA;
	s15 =	rddreg [dreg:$0xf]  }
0x23: {  	[hbm:s8], [sflag:s5] =	dma.local @p0 [spmem:s15], $0x2180  }
0x24: {  	s5 =	simm.s32 @p0 $0xA  }
0x25: {  	_ =	swait.ge @p0 [sflag:s5], $0x2180  }
0x26: {  	s8 =	rddreg [dreg:$0x11]  }
0x27: {  	[sflag:s5] =	ssyncset.done @p0 $0x0;
	s14 =	rddreg [dreg:$0x12]  }
0x28: {  	[sflag:s5] =	ssyncadd.s32 @p0 $0xFFFFDE80;
	s5 =	rddreg [dreg:$0xc]  }
0x29: {  	[hbm:s5], [sflag:s8] =	dma.local @!p0 [spmem:s14], $0x2780  }
0x2a: {  	s5 =	simm.s32 @!p0 $0xA  }
0x2b: {  	_ =	swait.ge @!p0 [sflag:s5], $0x2780  }
0x2c: {  	s22 =	rddreg [dreg:$0x10]  }
0x2d: {  	s24 =	rddreg [dreg:$0xe];
	s14 =	sadd.s32 $0x1, s22  }
0x2e: {  	p1 =	sne.s32 s14, s24  }
.Ltmp1:
0x2f: {  	_ = 	snop;
	(pc) =	sbr.rel @!p1 .LBB2_5-.Ltmp1, $3  }
0x30: {  	_ =	sdelay $0x1  }
0x31: {  	[sflag:s5] =	ssyncset.done @!p0 $0x0  }
0x32: {  	[sflag:s5] =	ssyncadd.s32 @!p0 $0xFFFFD880  }
.LBB2_1:
0x33: {  	[dreg:$0x10] =	wrdreg s14  }
0x34: {  	s5 =	simm.s32 @p0 $0x1FCA;
	s14 =	rddreg [dreg:$0x4]  }
0x35: {  	[spmem:s15], [sflag:s5] =	dma.local @p0 [hbm:s14], $0x2180  }
0x36: {  	s5 =	simm.s32 @p0 $0xA  }
0x37: {  	s8 =	stileid.u32;
	_ =	swait.ge @p0 [sflag:s5], $0x2180  }
0x38: {  	s15 =	sshll.u32 @!p0 s8, $0x6;
	[sflag:s5] =	ssyncset.done @p0 $0x0  }
0x39: {  	s8 =	sor.u32 @!p0 $0x1C0A, s15;
	[sflag:s5] =	ssyncadd.s32 @p0 $0xFFFFDE80;
	s5 =	rddreg [dreg:$0x5]  }
0x3a: {  	[dreg:$0x11] =	wrdreg s8;
	s5 =	sshrl.u32 @!p0 s5, $0x3  }
0x3b: {  	s15 =	simm.s32 @!p0 $0xA;
	[dreg:$0x12] =	wrdreg s5  }
0x3c: {  	[spmem:s5], [sflag:s8] =	dma.local @!p0 [hbm:s14], $0x2780  }
0x3d: {  	_ =	swait.ge @!p0 [sflag:s15], $0x2780  }
0x3e: {  	[sflag:s15] =	ssyncset.done @!p0 $0x0  }
0x3f: {  	s20 =	rddreg [dreg:$0x6];
	[sflag:s15] =	ssyncadd.s32 @!p0 $0xFFFFD880  }
0x40: {  	[tilespmem:s19], [sflag:$0x7] =	stream.linear.gather [hbm4b:s20+s3], $0x80, $0x38;
	[tilespmem:$0x1FD80] =	vst v63  }
0x41: {  	s24 =	simm.s32 $0x13A80;
	s22 =	rddreg [dreg:$0x7]  }
0x42: {  	[tilespmem:s24], [sflag:$0x7] =	stream.linear.gather [hbm4b:s22+s3], $0x80, $0x38;
	[tilespmem:$0x1FD80] =	vst v63  }
0x43: {  	s14 =	rddreg [dreg:$0x8]  }
0x44: {  	[tilespmem:s21], [sflag:$0x8] =	stream.linear.gather [hbm4b:s14+s3], $0x80, $0x38;
	[tilespmem:$0x1FD80] =	vst v63  }
0x45: {  	s18 =	simm.s32 $0x13B00;
	s15 =	rddreg [dreg:$0x9]  }
0x46: {  	[tilespmem:s18], [sflag:$0x8] =	stream.linear.gather [hbm4b:s15+s3], $0x80, $0x38;
	[tilespmem:$0x1FD80] =	vst v63  }
0x47: {  	s20 =	rddreg [dreg:$0xa]  }
0x48: {  	[tilespmem:s23], [sflag:$0x9] =	stream.linear.gather [hbm4b:s20+s3], $0x80, $0x38;
	[tilespmem:$0x1FD80] =	vst v63  }
0x49: {  	s22 =	rddreg [dreg:$0xb];
	s24 =	simm.s32 $0x13B80  }
0x4a: {  	[tilespmem:s24], [sflag:$0x9] =	stream.linear.gather [hbm4b:s22+s3], $0x80, $0x38;
	[tilespmem:$0x1FD80] =	vst v63  }
0x4b: {  	_ =	swait.ge [sflag:s25], $0x80  }
0x4c: {  	[sflag:s25] =	ssyncset.done $0x0  }
0x4d: {  	[sflag:s25] =	ssyncadd.s32 $0xFFFFFF80  }
0x4e: {  	_ =	swait.ge [sflag:s25], $0x80  }
0x4f: {  	[sflag:s25] =	ssyncset.done $0x0  }
0x50: {  	[sflag:s25] =	ssyncadd.s32 $0xFFFFFF80  }
0x51: {  	[tilespmem:s28], [sflag:$0x1] =	stream.indirect.gather [hbm4b:s1+s26], $0x80, s19, s26, $0xb8;
	[tilespmem:$0x1FD80] =	vst v63  }
0x52: {  	_ =	swait.ge [sflag:s29], $0x80  }
0x53: {  	[sflag:s29] =	ssyncset.done $0x0  }
0x54: {  	[sflag:s29] =	ssyncadd.s32 $0xFFFFFF80  }
0x55: {  	_ =	swait.ge [sflag:s29], $0x80  }
0x56: {  	[sflag:s29] =	ssyncset.done $0x0  }
0x57: {  	[sflag:s29] =	ssyncadd.s32 $0xFFFFFF80  }
0x58: {  	[tilespmem:s30], [sflag:$0x2] =	stream.indirect.gather [hbm4b:s1+s26], $0x80, s21, s26, $0xb8;
	[tilespmem:$0x1FD80] =	vst v63  }
0x59: {  	s18 =	simm.s32 $0x0;
	[bflag:$0x0] =	sbarrier.arrive $0xFFFF  }
.LBB2_2:
0x5a: {  	_ =	swait.ge [sflag:s31], $0x4000  }
0x5b: {  	s15 =	sadd.s32 s18, s16;
	[sflag:s31] =	ssyncset.done $0x0  }
0x5c: {  	s5 =	sadd.s32 $0x30, s15;
	[sflag:s31] =	ssyncadd.s32 $0xFFFFC000  }
0x5d: {  	[tilespmem:s19], [sflag:$0x7] =	stream.linear.gather [hbm4b:s5+s3], $0x80, $0x38;
	[tilespmem:$0x1FD80] =	vst v63  }
0x5e: {  	s5 =	sadd.s32 s18, s17  }
0x5f: {  	p1 =	seq.s32 s18, $0x0;
	s14 =	sadd.s32 $0x30, s5  }
0x60: {  	[tilespmem:s0], [sflag:$0x7] =	stream.linear.gather [hbm4b:s14+s3], $0x80, $0x38;
	[tilespmem:$0x1FD80] =	vst v63  }
0x61: {  	s8 =	simm.s32 $0x13A80;
	s14 =	simm.s32 @!p1 $0x6  }
0x62: {  	[spmem:s2] =	stream.indirect.scatter.add.f32 [tilespmem:s28], [sflag:$0x4], $0x80, s8, s26, $0xb8;
	[tilespmem:$0x1FD80] =	vst v63  }
0x63: {  	_ =	swait.ge @!p1 [sflag:s14], $0x4000  }
0x64: {  	[sflag:s14] =	ssyncset.done @!p1 $0x0  }
0x65: {  	[sflag:s14] =	ssyncadd.s32 @!p1 $0xFFFFC000  }
0x66: {  	_ =	swait.ge [sflag:s4], $0x80  }
0x67: {  	[sflag:s4] =	ssyncset.done $0x0  }
0x68: {  	[sflag:s4] =	ssyncadd.s32 $0xFFFFFF80  }
0x69: {  	_ =	swait.ge [sflag:s4], $0x80  }
0x6a: {  	[sflag:s4] =	ssyncset.done $0x0  }
0x6b: {  	[sflag:s4] =	ssyncadd.s32 $0xFFFFFF80  }
0x6c: {  	[tilespmem:s6], [sflag:$0x3] =	stream.indirect.gather [hbm4b:s1+s26], $0x80, s23, s26, $0xb8;
	[tilespmem:$0x1FD80] =	vst v63  }
0x6d: {  	_ =	swait.ge [sflag:s7], $0x4000  }
0x6e: {  	[sflag:s7] =	ssyncset.done $0x0  }
0x6f: {  	s20 =	sadd.s32 $0x40, s15;
	[sflag:s7] =	ssyncadd.s32 $0xFFFFC000  }
0x70: {  	[tilespmem:s21], [sflag:$0x8] =	stream.linear.gather [hbm4b:s20+s3], $0x80, $0x38;
	[tilespmem:$0x1FD80] =	vst v63  }
0x71: {  	s24 =	simm.s32 $0x13C80;
	s22 =	sadd.s32 $0x40, s5  }
0x72: {  	[tilespmem:s24], [sflag:$0x8] =	stream.linear.gather [hbm4b:s22+s3], $0x80, $0x38;
	[tilespmem:$0x1FD80] =	vst v63  }
0x73: {  	s20 =	simm.s32 $0x13B00  }
0x74: {  	[spmem:s2] =	stream.indirect.scatter.add.f32 [tilespmem:s30], [sflag:$0x5], $0x80, s20, s26, $0xb8;
	[tilespmem:$0x1FD80] =	vst v63  }
0x75: {  	_ =	swait.ge [sflag:s9], $0x4000  }
0x76: {  	[sflag:s9] =	ssyncset.done $0x0  }
0x77: {  	[sflag:s9] =	ssyncadd.s32 $0xFFFFC000  }
0x78: {  	_ =	swait.ge [sflag:s25], $0x80  }
0x79: {  	[sflag:s25] =	ssyncset.done $0x0  }
0x7a: {  	[sflag:s25] =	ssyncadd.s32 $0xFFFFFF80  }
0x7b: {  	_ =	swait.ge [sflag:s25], $0x80  }
0x7c: {  	[sflag:s25] =	ssyncset.done $0x0  }
0x7d: {  	[sflag:s25] =	ssyncadd.s32 $0xFFFFFF80  }
0x7e: {  	[tilespmem:s28], [sflag:$0x1] =	stream.indirect.gather [hbm4b:s1+s26], $0x80, s19, s26, $0xb8;
	[tilespmem:$0x1FD80] =	vst v63  }
0x7f: {  	_ =	swait.ge [sflag:s10], $0x4000  }
0x80: {  	[sflag:s10] =	ssyncset.done $0x0  }
0x81: {  	s22 =	sadd.s32 $0x50, s15;
	[sflag:s10] =	ssyncadd.s32 $0xFFFFC000  }
0x82: {  	[tilespmem:s23], [sflag:$0x9] =	stream.linear.gather [hbm4b:s22+s3], $0x80, $0x38;
	[tilespmem:$0x1FD80] =	vst v63  }
0x83: {  	s5 =	sadd.s32 $0x50, s5  }
0x84: {  	[tilespmem:s11], [sflag:$0x9] =	stream.linear.gather [hbm4b:s5+s3], $0x80, $0x38;
	[tilespmem:$0x1FD80] =	vst v63  }
0x85: {  	s24 =	simm.s32 $0x13B80  }
0x86: {  	[spmem:s2] =	stream.indirect.scatter.add.f32 [tilespmem:s6], [sflag:$0x6], $0x80, s24, s26, $0xb8;
	[tilespmem:$0x1FD80] =	vst v63  }
0x87: {  	_ =	swait.ge [sflag:s12], $0x4000  }
0x88: {  	[sflag:s12] =	ssyncset.done $0x0  }
0x89: {  	[sflag:s12] =	ssyncadd.s32 $0xFFFFC000  }
0x8a: {  	_ =	swait.ge [sflag:s29], $0x80  }
0x8b: {  	[sflag:s29] =	ssyncset.done $0x0  }
0x8c: {  	[sflag:s29] =	ssyncadd.s32 $0xFFFFFF80  }
0x8d: {  	_ =	swait.ge [sflag:s29], $0x80  }
0x8e: {  	[sflag:s29] =	ssyncset.done $0x0  }
0x8f: {  	[sflag:s29] =	ssyncadd.s32 $0xFFFFFF80  }
0x90: {  	[tilespmem:s30], [sflag:$0x2] =	stream.indirect.gather [hbm4b:s1+s26], $0x80, s21, s26, $0xb8;
	[tilespmem:$0x1FD80] =	vst v63  }
0x91: {  	p1 =	seq.s32 s18, $0x4E0;
	_ =	swait.ge [sflag:s31], $0x4000  }
0x92: {  	s15 =	simm.s32 @!p1 $0x0;
	s5 =	sadd.s32 @!p1 s18, s16;
	[sflag:s31] =	ssyncset.done $0x0  }
0x93: {  	s20 =	simm.s32 @!p1 $0x13900;
	s14 =	sadd.s32 @!p1 $0x60, s5;
	[sflag:s31] =	ssyncadd.s32 $0xFFFFC000  }
0x94: {  	[tilespmem:s20], [sflag:$0x7] =	stream.linear.gather @!p1 [hbm4b:s14+s15], $0x80, $0x38;
	[tilespmem:$0x1FD80] =	vst v63  }
0x95: {  	s14 =	sadd.s32 @!p1 s18, s17  }
0x96: {  	s24 =	simm.s32 @!p1 $0x13A80;
	s22 =	sadd.s32 @!p1 $0x60, s14  }
0x97: {  	[tilespmem:s24], [sflag:$0x7] =	stream.linear.gather @!p1 [hbm4b:s22+s15], $0x80, $0x38;
	[tilespmem:$0x1FD80] =	vst v63  }
0x98: {  	_ = 	snop  }
0x99: {  	[spmem:s2] =	stream.indirect.scatter.add.f32 [tilespmem:s28], [sflag:$0x4], $0x80, s0, s26, $0xb8;
	[tilespmem:$0x1FD80] =	vst v63  }
0x9a: {  	_ =	swait.ge [sflag:s13], $0x4000  }
0x9b: {  	[sflag:s13] =	ssyncset.done $0x0  }
0x9c: {  	[sflag:s13] =	ssyncadd.s32 $0xFFFFC000  }
0x9d: {  	_ =	swait.ge [sflag:s4], $0x80  }
0x9e: {  	[sflag:s4] =	ssyncset.done $0x0  }
0x9f: {  	[sflag:s4] =	ssyncadd.s32 $0xFFFFFF80  }
0xa0: {  	_ =	swait.ge [sflag:s4], $0x80  }
0xa1: {  	[sflag:s4] =	ssyncset.done $0x0  }
0xa2: {  	[sflag:s4] =	ssyncadd.s32 $0xFFFFFF80  }
0xa3: {  	[tilespmem:s6], [sflag:$0x3] =	stream.indirect.gather [hbm4b:s1+s26], $0x80, s23, s26, $0xb8;
	[tilespmem:$0x1FD80] =	vst v63  }
0xa4: {  	_ =	swait.ge [sflag:s7], $0x4000  }
0xa5: {  	s8 =	simm.s32 @p1 $0x17D80;
	[sflag:s7] =	ssyncset.done $0x0  }
0xa6: {  	s22 =	simm.s32 @p1 $0x80;
	s24 =	simm.s32 @p1 $0x13C80;
	[sflag:s7] =	ssyncadd.s32 $0xFFFFC000  }
0xa7: {  	[spmem:s2] =	stream.indirect.scatter.add.f32 @p1 [tilespmem:s8], [sflag:$0x5], $0x80, s24, s22, $0xb8;
	[tilespmem:$0x1FD80] =	vst v63  }
0xa8: {  	s8 =	simm.s32 @p1 $0x4  }
0xa9: {  	_ =	swait.ge @p1 [sflag:s8], $0x4000  }
0xaa: {  	[sflag:s8] =	ssyncset.done @p1 $0x0  }
0xab: {  	[sflag:s8] =	ssyncadd.s32 @p1 $0xFFFFC000;
	s8 =	simm.s32 @p1 $0x3  }
0xac: {  	_ =	swait.ge @p1 [sflag:s8], $0x4000  }
0xad: {  	[sflag:s8] =	ssyncset.done @p1 $0x0  }
0xae: {  	s22 =	simm.s32 @!p1 $0x13980;
	[sflag:s8] =	ssyncadd.s32 @p1 $0xFFFFC000;
	s8 =	sadd.s32 @!p1 $0x70, s5  }
0xaf: {  	[tilespmem:s22], [sflag:$0x8] =	stream.linear.gather @!p1 [hbm4b:s8+s15], $0x80, $0x38;
	[tilespmem:$0x1FD80] =	vst v63  }
0xb0: {  	s8 =	sadd.s32 @!p1 $0x70, s14;
	s22 =	simm.s32 @!p1 $0x13B00  }
0xb1: {  	[tilespmem:s22], [sflag:$0x8] =	stream.linear.gather @!p1 [hbm4b:s8+s15], $0x80, $0x38;
	[tilespmem:$0x1FD80] =	vst v63  }
0xb2: {  	s24 =	simm.s32 @!p1 $0x17D80;
	s8 =	simm.s32 @!p1 $0x80;
	s22 =	simm.s32 @!p1 $0x13C80  }
0xb3: {  	[spmem:s2] =	stream.indirect.scatter.add.f32 @!p1 [tilespmem:s24], [sflag:$0x5], $0x80, s22, s8, $0xb8;
	[tilespmem:$0x1FD80] =	vst v63  }
0xb4: {  	s22 =	simm.s32 @!p1 $0x4  }
0xb5: {  	_ =	swait.ge @!p1 [sflag:s22], $0x4000  }
0xb6: {  	[sflag:s22] =	ssyncset.done @!p1 $0x0  }
0xb7: {  	[sflag:s22] =	ssyncadd.s32 @!p1 $0xFFFFC000;
	s22 =	simm.s32 @!p1 $0x7  }
0xb8: {  	_ =	swait.ge @!p1 [sflag:s22], $0x80  }
0xb9: {  	[sflag:s22] =	ssyncset.done @!p1 $0x0  }
0xba: {  	[sflag:s22] =	ssyncadd.s32 @!p1 $0xFFFFFF80  }
0xbb: {  	_ =	swait.ge @!p1 [sflag:s22], $0x80  }
0xbc: {  	[sflag:s22] =	ssyncset.done @!p1 $0x0  }
0xbd: {  	[sflag:s22] =	ssyncadd.s32 @!p1 $0xFFFFFF80;
	s22 =	simm.s32 @!p1 $0x13D80  }
0xbe: {  	[tilespmem:s22], [sflag:$0x1] =	stream.indirect.gather @!p1 [hbm4b:s1+s8], $0x80, s20, s8, $0xb8;
	[tilespmem:$0x1FD80] =	vst v63  }
0xbf: {  	s8 =	simm.s32 @!p1 $0x3  }
0xc0: {  	_ =	swait.ge @!p1 [sflag:s8], $0x4000  }
0xc1: {  	[sflag:s8] =	ssyncset.done @!p1 $0x0  }
0xc2: {  	s5 =	sadd.s32 @!p1 $0x80, s5;
	[sflag:s8] =	ssyncadd.s32 @!p1 $0xFFFFC000;
	s8 =	simm.s32 @!p1 $0x13A00  }
0xc3: {  	[tilespmem:s8], [sflag:$0x9] =	stream.linear.gather @!p1 [hbm4b:s5+s15], $0x80, $0x38;
	[tilespmem:$0x1FD80] =	vst v63  }
0xc4: {  	s5 =	sadd.s32 @!p1 $0x80, s14;
	s8 =	simm.s32 @!p1 $0x13B80  }
0xc5: {  	[tilespmem:s8], [sflag:$0x9] =	stream.linear.gather @!p1 [hbm4b:s5+s15], $0x80, $0x38;
	[tilespmem:$0x1FD80] =	vst v63  }
.Ltmp2:
0xc6: {  	_ = 	snop;
	(pc) =	sbr.rel @p1 .LBB2_4-.Ltmp2, $4  }
0xc7: {  	[spmem:s2] =	stream.indirect.scatter.add.f32 [tilespmem:s6], [sflag:$0x6], $0x80, s11, s26, $0xb8;
	[tilespmem:$0x1FD80] =	vst v63  }
0xc8: {  	_ =	swait.ge [sflag:s12], $0x4000  }
0xc9: {  	[sflag:s12] =	ssyncset.done $0x0  }
0xca: {  	[sflag:s12] =	ssyncadd.s32 $0xFFFFC000  }
0xcb: {  	_ =	swait.ge [sflag:s29], $0x80  }
0xcc: {  	[sflag:s29] =	ssyncset.done $0x0  }
.Ltmp3:
0xcd: {  	[sflag:s29] =	ssyncadd.s32 $0xFFFFFF80;
	(pc) =	sbr.rel .LBB2_2-.Ltmp3, $4  }
0xce: {  	_ =	swait.ge [sflag:s29], $0x80  }
0xcf: {  	[sflag:s29] =	ssyncset.done $0x0  }
0xd0: {  	s18 =	sadd.s32 $0x60, s18;
	[sflag:s29] =	ssyncadd.s32 $0xFFFFFF80  }
0xd1: {  	[tilespmem:s30], [sflag:$0x2] =	stream.indirect.gather [hbm4b:s1+s26], $0x80, s21, s26, $0xb8;
	[tilespmem:$0x1FD80] =	vst v63  }
.LBB2_5:
0xd2: {  	_ =	sfence.sel $0x180000  }
0xd3: {  	[bflag:$0x0] =	sbarrier.arrive $0xFFFF  }
0xd4: {  	_ =	strace $0x90000050  }
0xd5: {  	s0 =	stileid.u32;
	[bflag:$0x2] =	sbarrier.arrive $0xFFFF  }
0xd6: {  	p0 =	sne.s32 s0, $0x0;
	s0 =	rddreg [dreg:$0x3]  }
0xd7: {  	s0 =	sadd.s32 @!p0 $0x100000, s0  }
0xd8: {  	[sflag:s0] =	ssyncadd.tile.s32 @!p0 $0x1;
	_ =	shalt  }
.Lfunc_end2:
_tile_overlayer_lowered:
.L_overlay_start_2:
0xd9: {  	(tag) =	ssettag $0x2  }
0xda: {  	s0 =	rddreg [dreg:$0x0];
	s2 =	stileid.u32  }
0xdb: {  	s1 =	rddreg [dreg:$0x1];
	p0 =	sne.s32 s2, $0x0  }
0xdc: {  	s3 =	rddreg [dreg:$0x2];
	[bflag:$0x3] =	sbarrier.arrive $0xFFFF;
	s2 =	simm.s32 @!p0 $0x1C0A  }
0xdd: {  	[timem:s3], [sflag:s2] =	dma.local @!p0 [hbm:s0], s1  }
0xde: {  	s0 =	simm.s32 @!p0 $0xA  }
0xdf: {  	_ =	swait.ge @!p0 [sflag:s0], s1  }
0xe0: {  	s1 =	ssub.s32 @!p0 $0x0, s1;
	[sflag:s0] =	ssyncset.done @!p0 $0x0  }
0xe1: {  	[sflag:s0] =	ssyncadd.s32 @!p0 s1  }
0xe2: {  	[bflag:$0x3] =	sbarrier.arrive $0xFFFF  }
0xe3: {  	_ =	shalt  }

// kernel: kernel.23.cloned.1.call-start
scs
__scs_entry_jumppad:
0x0: {  	(pc) =	sbr.rel $0x88, $3  }
0x1: {  	(tag) =	ssettag $0x0;
	lr =	simm.s32 $0x1  }
0x2: {  	[smem:$0x3F93] =	sst lr;
	_ =	strace $0xD0000000  }
0x3: {  	_ = 	snop  }
0x4: {  	_ = 	snop  }
0x5: {  	_ = 	snop  }
0x6: {  	_ = 	snop  }
0x7: {  	_ = 	snop  }
__scs_overlays_trampoline_lowered:
0x8: {  	[smem:$0x3FA2] =	sst s0  }
0x9: {  	[smem:$0x3FA3] =	sst s1  }
0xa: {  	[smem:$0x3FA4] =	sst s2  }
0xb: {  	[smem:$0x3FA5] =	sst s3  }
0xc: {  	[smem:$0x3FA6] =	sst s4  }
0xd: {  	[smem:$0x3FA7] =	sst s5  }
0xe: {  	[smem:$0x3FA8] =	sst s6  }
0xf: {  	[smem:$0x3FA9] =	sst s7  }
0x10: {  	[smem:$0x3FAA] =	sst s8  }
0x11: {  	[smem:$0x3FAB] =	sst s9;
	s0 =	simm.s32 @!p0 $0x0  }
0x12: {  	s1 =	sld [smem:$0x3F91];
	s0 =	simm.s32 @p0 $0x1  }
0x13: {  	[smem:$0x3FAC] =	sst s0;
	s0 =	simm.s32 @!p1 $0x0  }
0x14: {  	s2 =	sld [smem:$0x3F90];
	s0 =	simm.s32 @p1 $0x1  }
0x15: {  	[smem:$0x3FAD] =	sst s0;
	s0 =	simm.s32 @!p2 $0x0  }
0x16: {  	s3 =	sld [smem:$0x3FDB];
	s0 =	simm.s32 @p2 $0x1  }
0x17: {  	s4 =	simm.s32 $0x1BF5;
	[smem:$0x3FAF] =	sst s0  }
0x18: {  	s0 =	sld [smem:$0x3F92];
	_ =	swait.ge [sflag:s4], $0x0  }
0x19: {  	s7 =	sld [smem:$0x3F93]  }
0x1a: {  	s8 =	sadd.s32 $0xFFFFE003, lr  }
0x1b: {  	s9 =	sadd.s32 $0xFFFFFEF7, lr;
	s5 =	simm.s32 $0xFFFFFFFF;
	p2 =	slt.u32 s8, $0xFFFFF086  }
0x1c: {  	p1 =	slt.u32 s9, $0xF7A;
	s5 =	simm.s32 @!p2 $0x0  }
0x1d: {  	s5 =	simm.s32 @p1 $0x1;
	p0 =	seq.s32 s7, s2  }
0x1e: {  	s7 =	smul.u32 @!p0 $0xF7A, s2;
	p2 =	seq.s32 @!p0 s5, $0x0  }
0x1f: {  	s9 =	smul.u32 $0xF7A, s1;
	s8 =	simm.s32 @!p0 $0x1BF5;
	p2 =	por !p2, p0  }
0x20: {  	[sflag:s8] =	ssyncset.s32 @!p0 $0xFFFFF086;
	s6 =	sadd.s32 @!p0 s3, s7;
	s7 =	simm.s32 @!p0 $0x108  }
0x21: {  	s3 =	sadd.s32 s3, s9;
	s6 =	sadd.s32 @!p0 $0x88, s6;
	s7 =	simm.s32 @p2 $0x1082  }
0x22: {  	[simem:s7], [sflag:s8] =	dma.local @!p0 [hbm:s6], $0xF7A  }
0x23: {  	s9 =	sor.u32 $0xD0000000, s2;
	s6 =	simm.s32 $0x108;
	_ =	swait.ge @!p0 [sflag:s8], $0x0  }
0x24: {  	s3 =	sadd.s32 $0x88, s3;
	s6 =	simm.s32 @!p1 $0x1082;
	[sflag:s4] =	ssyncset.s32 $0xFFFFF086  }
0x25: {  	[simem:s6], [sflag:s4] =	dma.local [hbm:s3], $0xF7A  }
0x26: {  	[smem:$0x3F93] =	sst s1;
	(tag) =	ssettag s2;
	_ =	strace s9  }
0x27: {  	s1 =	sld [smem:$0x3FA3]  }
0x28: {  	s2 =	sld [smem:$0x3FA4]  }
0x29: {  	s4 =	sld [smem:$0x3FA6]  }
0x2a: {  	p0 =	seq.s32 s5, $0x0;
	s5 =	sld [smem:$0x3FA7]  }
0x2b: {  	s6 =	sld [smem:$0x3FA8]  }
0x2c: {  	s7 =	sld [smem:$0x3FA9]  }
0x2d: {  	s3 =	simm.s32 $0x108;
	s8 =	sld [smem:$0x3FAA]  }
0x2e: {  	s3 =	simm.s32 @!p0 $0x1082;
	s9 =	sld [smem:$0x3FAB]  }
0x2f: {  	lr =	sadd.s32 s0, s3;
	s0 =	sld [smem:$0x3FA2]  }
0x30: {  	s3 =	sld [smem:$0x3FA5]  }
0x31: {  	[smem:$0x3FAE] =	sst s10  }
0x32: {  	s10 =	sld [smem:$0x3FAC];
	_ =	sdelay $0x3  }
0x33: {  	p0 =	seq.s32 s10, $0x1;
	s10 =	sld [smem:$0x3FAE];
	_ =	sdelay $0x3  }
0x34: {  	[smem:$0x3FAE] =	sst s10  }
0x35: {  	s10 =	sld [smem:$0x3FAD];
	_ =	sdelay $0x3  }
0x36: {  	p1 =	seq.s32 s10, $0x1;
	s10 =	sld [smem:$0x3FAE];
	_ =	sdelay $0x3  }
0x37: {  	[smem:$0x3FAE] =	sst s10  }
0x38: {  	s10 =	sld [smem:$0x3FAF]  }
0x39: {  	_ = 	snop;
	(pc) =	sbr.ind lr, $3  }
0x3a: {  	_ = 	snop  }
0x3b: {  	_ = 	snop  }
0x3c: {  	p2 =	seq.s32 s10, $0x1;
	s10 =	sld [smem:$0x3FAE]  }
0x3d: {  	_ =	shalt  }
0x3e: {  	_ =	shalt  }
0x3f: {  	_ =	shalt  }
0x40: {  	_ =	shalt  }
0x41: {  	_ =	shalt  }
0x42: {  	_ =	shalt  }
0x43: {  	_ =	shalt  }
0x44: {  	_ =	shalt  }
0x45: {  	_ =	shalt  }
0x46: {  	_ =	shalt  }
0x47: {  	_ =	shalt  }
0x48: {  	_ =	shalt  }
0x49: {  	_ =	shalt  }
0x4a: {  	_ =	shalt  }
0x4b: {  	_ =	shalt  }
0x4c: {  	_ =	shalt  }
0x4d: {  	_ =	shalt  }
0x4e: {  	_ =	shalt  }
0x4f: {  	_ =	shalt  }
0x50: {  	_ =	shalt  }
0x51: {  	_ =	shalt  }
0x52: {  	_ =	shalt  }
0x53: {  	_ =	shalt  }
0x54: {  	_ =	shalt  }
0x55: {  	_ =	shalt  }
0x56: {  	_ =	shalt  }
0x57: {  	_ =	shalt  }
0x58: {  	_ =	shalt  }
0x59: {  	_ =	shalt  }
0x5a: {  	_ =	shalt  }
0x5b: {  	_ =	shalt  }
0x5c: {  	_ =	shalt  }
0x5d: {  	_ =	shalt  }
0x5e: {  	_ =	shalt  }
0x5f: {  	_ =	shalt  }
0x60: {  	_ =	shalt  }
0x61: {  	_ =	shalt  }
0x62: {  	_ =	shalt  }
0x63: {  	_ =	shalt  }
0x64: {  	_ =	shalt  }
0x65: {  	_ =	shalt  }
0x66: {  	_ =	shalt  }
0x67: {  	_ =	shalt  }
0x68: {  	_ =	shalt  }
0x69: {  	_ =	shalt  }
0x6a: {  	_ =	shalt  }
0x6b: {  	_ =	shalt  }
0x6c: {  	_ =	shalt  }
0x6d: {  	_ =	shalt  }
0x6e: {  	_ =	shalt  }
0x6f: {  	_ =	shalt  }
0x70: {  	_ =	shalt  }
0x71: {  	_ =	shalt  }
0x72: {  	_ =	shalt  }
0x73: {  	_ =	shalt  }
0x74: {  	_ =	shalt  }
0x75: {  	_ =	shalt  }
0x76: {  	_ =	shalt  }
0x77: {  	_ =	shalt  }
0x78: {  	_ =	shalt  }
0x79: {  	_ =	shalt  }
0x7a: {  	_ =	shalt  }
0x7b: {  	_ =	shalt  }
0x7c: {  	_ =	shalt  }
0x7d: {  	_ =	shalt  }
0x7e: {  	_ =	shalt  }
0x7f: {  	_ =	shalt  }
0x80: {  	_ =	shalt  }
0x81: {  	_ =	shalt  }
0x82: {  	_ =	shalt  }
0x83: {  	_ =	shalt  }
0x84: {  	_ =	shalt  }
0x85: {  	_ =	shalt  }
0x86: {  	_ =	shalt  }
0x87: {  	_ =	shalt  }
.Lfunc_end0:
.L_simem_size_0:
called_computation.4_lowered:
.L_overlay_start_0:
0x88: {  	s2 =	sld [smem:$0x3FD9]  }
0x89: {  	s3 =	sld [smem:$0x3FFE];
	_ =	sdelay $0x1  }
0x8a: {  	s1 =	srdreg.scid  }
0x8b: {  	s0 =	sand.u32 $0x1, s1  }
0x8c: {  	s17 =	sshll.u32 s0, $0xA;
	s2 =	sadd.s32 s3, s2  }
0x8d: {  	s2 =	sadd.s32 s2, s17  }
0x8e: {  	[smem:$0x3FBA] =	sst s2  }
0x8f: {  	_ = 	snop  }
0x90: {  	s2 =	sld [smem:$0x3FD0];
	(tm) =	ssettm $0x1  }
0x91: {  	s18 =	sld [smem:$0x3FFB];
	_ =	sdelay $0x3  }
0x92: {  	_ =	strace s18  }
0x93: {  	s3 =	sld [smem:$0x3FFC];
	_ =	sdelay $0x3  }
0x94: {  	_ =	strace s3  }
0x95: {  	s3 =	sld [smem:$0x3FFD];
	_ =	sdelay $0x3  }
0x96: {  	_ =	strace s3  }
0x97: {  	_ =	strace $0x8FFFFFFF  }
0x98: {  	s19 =	sld [smem:$0x3FDB];
	_ =	sdelay $0x1  }
0x99: {  	s4 =	simm.s32 $_scs_section_size  }
0x9a: {  	s5 =	simm.s32 $_size__tile_overlayer_lowered;
	s6 =	simm.s32 $_tile_overlayer_lowered  }
0x9b: {  	s22 =	simm.s32 $0x1BFF;
	s21 =	sshll.u32 s6, $0x1;
	s3 =	sadd.s32 s4, s19  }
0x9c: {  	s7 =	simm.s32 $0x0;
	s20 =	sshll.u32 s5, $0x1;
	s5 =	sadd.s32 s21, s3  }
0x9d: {  	[timem:s7], [sflag:s22] =	dma.local [hbm:s5], s20  }
0x9e: {  	_ =	swait.ge [sflag:s22], s20  }
0x9f: {  	s4 =	ssub.s32 $0x0, s20;
	[sflag:s22] =	ssyncset.done $0x0  }
0xa0: {  	[sflag:s22] =	ssyncadd.s32 s4;
	_ =	sdelay $0x1  }
0xa1: {  	s23 =	simm.s32 $0x1B8B  }
0xa2: {  	_ =	swait.ge [sflag:s23], $0x1  }
0xa3: {  	[sflag:s23] =	ssyncset.done $0x0  }
0xa4: {  	s25 =	simm.s32 $0x1B8E;
	s24 =	sld [smem:$0x3FFE];
	[sflag:s23] =	ssyncadd.s32 $0xFFFFFFFF  }
0xa5: {  	s26 =	simm.s32 $execute0_lowered;
	[smem:$0x3FD2] =	sst s25  }
0xa6: {  	s5 =	sshll.u32 s26, $0x1;
	_ =	strace $0x80000052;
	[dreg:$0x1] =	wrdreg $0xFFFFFFFF  }
0xa7: {  	s28 =	simm.s32 $_size_execute0_lowered;
	s3 =	sadd.s32 s3, s5;
	[dreg:$0x0] =	wrdreg $0x0  }
0xa8: {  	s5 =	sshll.u32 s28, $0x1;
	[dreg:$0x2] =	wrdreg s3  }
0xa9: {  	[dreg:$0x3] =	wrdreg s5  }
0xaa: {  	[dreg:$0x4] =	wrdreg $0xC0  }
0xab: {  	_ =	task [dreg:s7], $0x5FFFF  }
0xac: {  	[dreg:$0x1] =	wrdreg $0xFFFFFFFF  }
0xad: {  	[dreg:$0x0] =	wrdreg $0x60  }
0xae: {  	[dreg:$0x2] =	wrdreg s2  }
0xaf: {  	[dreg:$0x3] =	wrdreg s24  }
0xb0: {  	[dreg:$0x4] =	wrdreg $0x0  }
0xb1: {  	[dreg:$0x5] =	wrdreg $0x9  }
0xb2: {  	_ =	task.clear_ibuf [dreg:s7], $0x6FFFF;
	_ =	strace $0x90000052  }
0xb3: {  	s29 =	simm.s32 $0x9;
	_ =	strace $0x80000054  }
0xb4: {  	_ =	swait.ge [sflag:s29], $0x1  }
0xb5: {  	[sflag:s29] =	ssyncadd.s32 $0xFFFFFFFF  }
0xb6: {  	_ =	strace $0x90000054  }
0xb7: {  	_ =	sfence  }
0xb8: {  	s30 =	sld [smem:$0x0];
	_ =	sdelay $0x2  }
0xb9: {  	s31 =	sshll.u32 s1, $0xD;
	s1 =	sshrl.u32 s1, $0x2  }
0xba: {  	s3 =	sand.u32 $0x4000, s31;
	s1 =	sadd.s32 s1, s30  }
0xbb: {  	s0 =	sor.u32 s3, s0;
	s1 =	sshll.u32 s1, $0x11  }
0xbc: {  	s0 =	sor.u32 s1, s0  }
0xbd: {  	s0 =	sadd.s32 $0x8F2B, s0  }
0xbe: {  	[sflag:s0] =	ssyncadd.remote.s32 $0x1  }
0xbf: {  	_ =	sfence.sel $0xFFFF  }
0xc0: {  	[dreg:$0x0] =	wrdreg $0xFFFFFFFF;
	(pc) =	sbr.abs _section_cstart, $3  }
0xc1: {  	[dreg:$0x1] =	wrdreg $0xFFFFFFFF  }
0xc2: {  	_ =	task.clear_ibuf [dreg:s7], $0x2FFFF;
	_ =	strace $0x9FFFFFFF  }
0xc3: {  	(tm) =	ssettm $0x7FFFFFFF  }
tec
execute0_lowered:
.L_overlay_start_1:
0x0: {  	(tag) =	ssettag $0x1  }
0x1: {  	s1 =	rddreg [dreg:$0x0]  }
0x2: {  	s0 =	rddreg [dreg:$0x1]  }
0x3: {  	s2 =	rddreg [dreg:$0x2];
	s3 =	simm.s32 $0x0;
	s16 =	srdreg.scid  }
0x4: {  	s13 =	stileid.u32;
	s28 =	simm.s32 $0x13D80;
	s29 =	simm.s32 $0x8  }
0x5: {  	s30 =	simm.s32 $0x17D80;
	s31 =	simm.s32 $0x1;
	s8 =	smul.u32 $0x4F000, s13  }
0x6: {  	[smem:$0x7FF] =	sst s3;
	s4 =	sadd.s32 $0xF200, s0;
	s21 =	smul.u32 $0x2780, s13  }
0x7: {  	s5 =	sadd.s32 $0x4200, s0;
	s6 =	sadd.s32 $0x1A200, s0;
	s23 =	smul.u32 $0xB00, s13  }
0x8: {  	_ =	strace $0x80000053;
	[dreg:$0x4] =	wrdreg s6;
	s6 =	sand.u32 $0x1, s16  }
0x9: {  	s7 =	sshll.u32 s13, $0x1;
	s0 =	sadd.s32 $0x1CA00, s0;
	s11 =	smul.u32 $0x27200, s6  }
0xa: {  	p0 =	seq.s32 s13, $0xF;
	s13 =	simm.s32 $0x6;
	s20 =	smul.u32 $0x139000, s6  }
0xb: {  	s9 =	ssub.s32 $0x2, s6;
	s7 =	sor.u32 s6, s7;
	s25 =	smul.u32 $0x580, s6  }
0xc: {  	s8 =	sshrl.u32 s8, $0x2;
	s10 =	sshrl.u32 s9, $0x1;
	s7 =	smul.u32 $0x580, s7  }
0xd: {  	s6 =	simm.s32 $0x1BD80;
	s8 =	sadd.s32 s8, s2;
	s9 =	ssub.s32 s9, s10  }
0xe: {  	[dreg:$0x5] =	wrdreg s8;
	s8 =	sadd.s32 $0x128400, s2;
	s17 =	sadd.s32 s4, s7  }
0xf: {  	s22 =	sshrl.u32 s20, $0x3;
	s12 =	sadd.s32 s5, s7;
	[dreg:$0x6] =	wrdreg s17  }
0x10: {  	s18 =	sor.u32 $0x10, s7;
	s26 =	smax.u32 s9, $0x1;
	[dreg:$0x7] =	wrdreg s12  }
0x11: {  	s7 =	sor.u32 $0x20, s7;
	s15 =	sshrl.u32 @p0 s8, $0x3;
	[dreg:$0xe] =	wrdreg s26  }
0x12: {  	s9 =	simm.s32 $0x4;
	s19 =	sadd.s32 s4, s18;
	[dreg:$0xf] =	wrdreg s15  }
0x13: {  	s10 =	sadd.s32 s5, s18;
	s14 =	sadd.s32 s4, s7;
	[dreg:$0x8] =	wrdreg s19  }
0x14: {  	s7 =	sadd.s32 s5, s7;
	s4 =	sadd.s32 s23, s4;
	[dreg:$0x9] =	wrdreg s10  }
0x15: {  	s5 =	sadd.s32 s23, s5;
	s23 =	simm.s32 $0x13A00;
	[dreg:$0xa] =	wrdreg s14  }
0x16: {  	s26 =	simm.s32 $0x80;
	s12 =	simm.s32 $0x5;
	[dreg:$0xb] =	wrdreg s7  }
0x17: {  	s10 =	sadd.s32 s21, s11;
	s7 =	sadd.s32 s0, s22;
	s16 =	sadd.s32 s25, s4  }
.Ltmp0:
0x18: {  	s17 =	sadd.s32 s25, s5;
	s19 =	simm.s32 $0x13900;
	(pc) =	sbr.rel .LBB2_1-.Ltmp0, $4  }
0x19: {  	s21 =	simm.s32 $0x13980;
	s25 =	simm.s32 $0x7;
	s4 =	simm.s32 $0x9  }
0x1a: {  	s11 =	simm.s32 $0x13D00;
	s14 =	simm.s32 $0x0;
	s0 =	sadd.s32 s0, s10  }
0x1b: {  	s24 =	sadd.s32 $0x25080, s7;
	s7 =	simm.s32 $0x2;
	[dreg:$0xc] =	wrdreg s0  }
0x1c: {  	s10 =	simm.s32 $0x3;
	[dreg:$0xd] =	wrdreg s24;
	s0 =	simm.s32 $0x13C00  }
.LBB2_4:
0x1d: {  	_ =	swait.ge [sflag:s13], $0x4000  }
0x1e: {  	[sflag:s13] =	ssyncset.done $0x0  }
0x1f: {  	[sflag:s13] =	ssyncadd.s32 $0xFFFFC000  }
0x20: {  	[bflag:$0x0] =	sbarrier.arrive $0xFFFF  }
0x21: {  	s8 =	rddreg [dreg:$0xd]  }
0x22: {  	s5 =	simm.s32 @p0 $0x1FCA;
	s15 =	rddreg [dreg:$0xf]  }
0x23: {  	[hbm:s8], [sflag:s5] =	dma.local @p0 [spmem:s15], $0x2180  }
0x24: {  	s5 =	simm.s32 @p0 $0xA  }
0x25: {  	_ =	swait.ge @p0 [sflag:s5], $0x2180  }
0x26: {  	s8 =	rddreg [dreg:$0x11]  }
0x27: {  	[sflag:s5] =	ssyncset.done @p0 $0x0;
	s14 =	rddreg [dreg:$0x12]  }
0x28: {  	[sflag:s5] =	ssyncadd.s32 @p0 $0xFFFFDE80;
	s5 =	rddreg [dreg:$0xc]  }
0x29: {  	[hbm:s5], [sflag:s8] =	dma.local @!p0 [spmem:s14], $0x2780  }
0x2a: {  	s5 =	simm.s32 @!p0 $0xA  }
0x2b: {  	_ =	swait.ge @!p0 [sflag:s5], $0x2780  }
0x2c: {  	s22 =	rddreg [dreg:$0x10]  }
0x2d: {  	s24 =	rddreg [dreg:$0xe];
	s14 =	sadd.s32 $0x1, s22  }
0x2e: {  	p1 =	sne.s32 s14, s24  }
.Ltmp1:
0x2f: {  	_ = 	snop;
	(pc) =	sbr.rel @!p1 .LBB2_5-.Ltmp1, $3  }
0x30: {  	_ =	sdelay $0x1  }
0x31: {  	[sflag:s5] =	ssyncset.done @!p0 $0x0  }
0x32: {  	[sflag:s5] =	ssyncadd.s32 @!p0 $0xFFFFD880  }
.LBB2_1:
0x33: {  	[dreg:$0x10] =	wrdreg s14  }
0x34: {  	s5 =	simm.s32 @p0 $0x1FCA;
	s14 =	rddreg [dreg:$0x4]  }
0x35: {  	[spmem:s15], [sflag:s5] =	dma.local @p0 [hbm:s14], $0x2180  }
0x36: {  	s5 =	simm.s32 @p0 $0xA  }
0x37: {  	s8 =	stileid.u32;
	_ =	swait.ge @p0 [sflag:s5], $0x2180  }
0x38: {  	s15 =	sshll.u32 @!p0 s8, $0x6;
	[sflag:s5] =	ssyncset.done @p0 $0x0  }
0x39: {  	s8 =	sor.u32 @!p0 $0x1C0A, s15;
	[sflag:s5] =	ssyncadd.s32 @p0 $0xFFFFDE80;
	s5 =	rddreg [dreg:$0x5]  }
0x3a: {  	[dreg:$0x11] =	wrdreg s8;
	s5 =	sshrl.u32 @!p0 s5, $0x3  }
0x3b: {  	s15 =	simm.s32 @!p0 $0xA;
	[dreg:$0x12] =	wrdreg s5  }
0x3c: {  	[spmem:s5], [sflag:s8] =	dma.local @!p0 [hbm:s14], $0x2780  }
0x3d: {  	_ =	swait.ge @!p0 [sflag:s15], $0x2780  }
0x3e: {  	[sflag:s15] =	ssyncset.done @!p0 $0x0  }
0x3f: {  	s20 =	rddreg [dreg:$0x6];
	[sflag:s15] =	ssyncadd.s32 @!p0 $0xFFFFD880  }
0x40: {  	[tilespmem:s19], [sflag:$0x7] =	stream.linear.gather [hbm4b:s20+s3], $0x80, $0x38;
	[tilespmem:$0x1FD80] =	vst v63  }
0x41: {  	s24 =	simm.s32 $0x13A80;
	s22 =	rddreg [dreg:$0x7]  }
0x42: {  	[tilespmem:s24], [sflag:$0x7] =	stream.linear.gather [hbm4b:s22+s3], $0x80, $0x38;
	[tilespmem:$0x1FD80] =	vst v63  }
0x43: {  	s14 =	rddreg [dreg:$0x8]  }
0x44: {  	[tilespmem:s21], [sflag:$0x8] =	stream.linear.gather [hbm4b:s14+s3], $0x80, $0x38;
	[tilespmem:$0x1FD80] =	vst v63  }
0x45: {  	s18 =	simm.s32 $0x13B00;
	s15 =	rddreg [dreg:$0x9]  }
0x46: {  	[tilespmem:s18], [sflag:$0x8] =	stream.linear.gather [hbm4b:s15+s3], $0x80, $0x38;
	[tilespmem:$0x1FD80] =	vst v63  }
0x47: {  	s20 =	rddreg [dreg:$0xa]  }
0x48: {  	[tilespmem:s23], [sflag:$0x9] =	stream.linear.gather [hbm4b:s20+s3], $0x80, $0x38;
	[tilespmem:$0x1FD80] =	vst v63  }
0x49: {  	s22 =	rddreg [dreg:$0xb];
	s24 =	simm.s32 $0x13B80  }
0x4a: {  	[tilespmem:s24], [sflag:$0x9] =	stream.linear.gather [hbm4b:s22+s3], $0x80, $0x38;
	[tilespmem:$0x1FD80] =	vst v63  }
0x4b: {  	_ =	swait.ge [sflag:s25], $0x80  }
0x4c: {  	[sflag:s25] =	ssyncset.done $0x0  }
0x4d: {  	[sflag:s25] =	ssyncadd.s32 $0xFFFFFF80  }
0x4e: {  	_ =	swait.ge [sflag:s25], $0x80  }
0x4f: {  	[sflag:s25] =	ssyncset.done $0x0  }
0x50: {  	[sflag:s25] =	ssyncadd.s32 $0xFFFFFF80  }
0x51: {  	[tilespmem:s28], [sflag:$0x1] =	stream.indirect.gather [hbm4b:s1+s26], $0x80, s19, s26, $0xb8;
	[tilespmem:$0x1FD80] =	vst v63  }
0x52: {  	_ =	swait.ge [sflag:s29], $0x80  }
0x53: {  	[sflag:s29] =	ssyncset.done $0x0  }
0x54: {  	[sflag:s29] =	ssyncadd.s32 $0xFFFFFF80  }
0x55: {  	_ =	swait.ge [sflag:s29], $0x80  }
0x56: {  	[sflag:s29] =	ssyncset.done $0x0  }
0x57: {  	[sflag:s29] =	ssyncadd.s32 $0xFFFFFF80  }
0x58: {  	[tilespmem:s30], [sflag:$0x2] =	stream.indirect.gather [hbm4b:s1+s26], $0x80, s21, s26, $0xb8;
	[tilespmem:$0x1FD80] =	vst v63  }
0x59: {  	s18 =	simm.s32 $0x0;
	[bflag:$0x0] =	sbarrier.arrive $0xFFFF  }
.LBB2_2:
0x5a: {  	_ =	swait.ge [sflag:s31], $0x4000  }
0x5b: {  	s15 =	sadd.s32 s18, s16;
	[sflag:s31] =	ssyncset.done $0x0  }
0x5c: {  	s5 =	sadd.s32 $0x30, s15;
	[sflag:s31] =	ssyncadd.s32 $0xFFFFC000  }
0x5d: {  	[tilespmem:s19], [sflag:$0x7] =	stream.linear.gather [hbm4b:s5+s3], $0x80, $0x38;
	[tilespmem:$0x1FD80] =	vst v63  }
0x5e: {  	s5 =	sadd.s32 s18, s17  }
0x5f: {  	p1 =	seq.s32 s18, $0x0;
	s14 =	sadd.s32 $0x30, s5  }
0x60: {  	[tilespmem:s0], [sflag:$0x7] =	stream.linear.gather [hbm4b:s14+s3], $0x80, $0x38;
	[tilespmem:$0x1FD80] =	vst v63  }
0x61: {  	s8 =	simm.s32 $0x13A80;
	s14 =	simm.s32 @!p1 $0x6  }
0x62: {  	[spmem:s2] =	stream.indirect.scatter.add.f32 [tilespmem:s28], [sflag:$0x4], $0x80, s8, s26, $0xb8;
	[tilespmem:$0x1FD80] =	vst v63  }
0x63: {  	_ =	swait.ge @!p1 [sflag:s14], $0x4000  }
0x64: {  	[sflag:s14] =	ssyncset.done @!p1 $0x0  }
0x65: {  	[sflag:s14] =	ssyncadd.s32 @!p1 $0xFFFFC000  }
0x66: {  	_ =	swait.ge [sflag:s4], $0x80  }
0x67: {  	[sflag:s4] =	ssyncset.done $0x0  }
0x68: {  	[sflag:s4] =	ssyncadd.s32 $0xFFFFFF80  }
0x69: {  	_ =	swait.ge [sflag:s4], $0x80  }
0x6a: {  	[sflag:s4] =	ssyncset.done $0x0  }
0x6b: {  	[sflag:s4] =	ssyncadd.s32 $0xFFFFFF80  }
0x6c: {  	[tilespmem:s6], [sflag:$0x3] =	stream.indirect.gather [hbm4b:s1+s26], $0x80, s23, s26, $0xb8;
	[tilespmem:$0x1FD80] =	vst v63  }
0x6d: {  	_ =	swait.ge [sflag:s7], $0x4000  }
0x6e: {  	[sflag:s7] =	ssyncset.done $0x0  }
0x6f: {  	s20 =	sadd.s32 $0x40, s15;
	[sflag:s7] =	ssyncadd.s32 $0xFFFFC000  }
0x70: {  	[tilespmem:s21], [sflag:$0x8] =	stream.linear.gather [hbm4b:s20+s3], $0x80, $0x38;
	[tilespmem:$0x1FD80] =	vst v63  }
0x71: {  	s24 =	simm.s32 $0x13C80;
	s22 =	sadd.s32 $0x40, s5  }
0x72: {  	[tilespmem:s24], [sflag:$0x8] =	stream.linear.gather [hbm4b:s22+s3], $0x80, $0x38;
	[tilespmem:$0x1FD80] =	vst v63  }
0x73: {  	s20 =	simm.s32 $0x13B00  }
0x74: {  	[spmem:s2] =	stream.indirect.scatter.add.f32 [tilespmem:s30], [sflag:$0x5], $0x80, s20, s26, $0xb8;
	[tilespmem:$0x1FD80] =	vst v63  }
0x75: {  	_ =	swait.ge [sflag:s9], $0x4000  }
0x76: {  	[sflag:s9] =	ssyncset.done $0x0  }
0x77: {  	[sflag:s9] =	ssyncadd.s32 $0xFFFFC000  }
0x78: {  	_ =	swait.ge [sflag:s25], $0x80  }
0x79: {  	[sflag:s25] =	ssyncset.done $0x0  }
0x7a: {  	[sflag:s25] =	ssyncadd.s32 $0xFFFFFF80  }
0x7b: {  	_ =	swait.ge [sflag:s25], $0x80  }
0x7c: {  	[sflag:s25] =	ssyncset.done $0x0  }
0x7d: {  	[sflag:s25] =	ssyncadd.s32 $0xFFFFFF80  }
0x7e: {  	[tilespmem:s28], [sflag:$0x1] =	stream.indirect.gather [hbm4b:s1+s26], $0x80, s19, s26, $0xb8;
	[tilespmem:$0x1FD80] =	vst v63  }
0x7f: {  	_ =	swait.ge [sflag:s10], $0x4000  }
0x80: {  	[sflag:s10] =	ssyncset.done $0x0  }
0x81: {  	s22 =	sadd.s32 $0x50, s15;
	[sflag:s10] =	ssyncadd.s32 $0xFFFFC000  }
0x82: {  	[tilespmem:s23], [sflag:$0x9] =	stream.linear.gather [hbm4b:s22+s3], $0x80, $0x38;
	[tilespmem:$0x1FD80] =	vst v63  }
0x83: {  	s5 =	sadd.s32 $0x50, s5  }
0x84: {  	[tilespmem:s11], [sflag:$0x9] =	stream.linear.gather [hbm4b:s5+s3], $0x80, $0x38;
	[tilespmem:$0x1FD80] =	vst v63  }
0x85: {  	s24 =	simm.s32 $0x13B80  }
0x86: {  	[spmem:s2] =	stream.indirect.scatter.add.f32 [tilespmem:s6], [sflag:$0x6], $0x80, s24, s26, $0xb8;
	[tilespmem:$0x1FD80] =	vst v63  }
0x87: {  	_ =	swait.ge [sflag:s12], $0x4000  }
0x88: {  	[sflag:s12] =	ssyncset.done $0x0  }
0x89: {  	[sflag:s12] =	ssyncadd.s32 $0xFFFFC000  }
0x8a: {  	_ =	swait.ge [sflag:s29], $0x80  }
0x8b: {  	[sflag:s29] =	ssyncset.done $0x0  }
0x8c: {  	[sflag:s29] =	ssyncadd.s32 $0xFFFFFF80  }
0x8d: {  	_ =	swait.ge [sflag:s29], $0x80  }
0x8e: {  	[sflag:s29] =	ssyncset.done $0x0  }
0x8f: {  	[sflag:s29] =	ssyncadd.s32 $0xFFFFFF80  }
0x90: {  	[tilespmem:s30], [sflag:$0x2] =	stream.indirect.gather [hbm4b:s1+s26], $0x80, s21, s26, $0xb8;
	[tilespmem:$0x1FD80] =	vst v63  }
0x91: {  	p1 =	seq.s32 s18, $0x4E0;
	_ =	swait.ge [sflag:s31], $0x4000  }
0x92: {  	s15 =	simm.s32 @!p1 $0x0;
	s5 =	sadd.s32 @!p1 s18, s16;
	[sflag:s31] =	ssyncset.done $0x0  }
0x93: {  	s20 =	simm.s32 @!p1 $0x13900;
	s14 =	sadd.s32 @!p1 $0x60, s5;
	[sflag:s31] =	ssyncadd.s32 $0xFFFFC000  }
0x94: {  	[tilespmem:s20], [sflag:$0x7] =	stream.linear.gather @!p1 [hbm4b:s14+s15], $0x80, $0x38;
	[tilespmem:$0x1FD80] =	vst v63  }
0x95: {  	s14 =	sadd.s32 @!p1 s18, s17  }
0x96: {  	s24 =	simm.s32 @!p1 $0x13A80;
	s22 =	sadd.s32 @!p1 $0x60, s14  }
0x97: {  	[tilespmem:s24], [sflag:$0x7] =	stream.linear.gather @!p1 [hbm4b:s22+s15], $0x80, $0x38;
	[tilespmem:$0x1FD80] =	vst v63  }
0x98: {  	_ = 	snop  }
0x99: {  	[spmem:s2] =	stream.indirect.scatter.add.f32 [tilespmem:s28], [sflag:$0x4], $0x80, s0, s26, $0xb8;
	[tilespmem:$0x1FD80] =	vst v63  }
0x9a: {  	_ =	swait.ge [sflag:s13], $0x4000  }
0x9b: {  	[sflag:s13] =	ssyncset.done $0x0  }
0x9c: {  	[sflag:s13] =	ssyncadd.s32 $0xFFFFC000  }
0x9d: {  	_ =	swait.ge [sflag:s4], $0x80  }
0x9e: {  	[sflag:s4] =	ssyncset.done $0x0  }
0x9f: {  	[sflag:s4] =	ssyncadd.s32 $0xFFFFFF80  }
0xa0: {  	_ =	swait.ge [sflag:s4], $0x80  }
0xa1: {  	[sflag:s4] =	ssyncset.done $0x0  }
0xa2: {  	[sflag:s4] =	ssyncadd.s32 $0xFFFFFF80  }
0xa3: {  	[tilespmem:s6], [sflag:$0x3] =	stream.indirect.gather [hbm4b:s1+s26], $0x80, s23, s26, $0xb8;
	[tilespmem:$0x1FD80] =	vst v63  }
0xa4: {  	_ =	swait.ge [sflag:s7], $0x4000  }
0xa5: {  	s8 =	simm.s32 @p1 $0x17D80;
	[sflag:s7] =	ssyncset.done $0x0  }
0xa6: {  	s22 =	simm.s32 @p1 $0x80;
	s24 =	simm.s32 @p1 $0x13C80;
	[sflag:s7] =	ssyncadd.s32 $0xFFFFC000  }
0xa7: {  	[spmem:s2] =	stream.indirect.scatter.add.f32 @p1 [tilespmem:s8], [sflag:$0x5], $0x80, s24, s22, $0xb8;
	[tilespmem:$0x1FD80] =	vst v63  }
0xa8: {  	s8 =	simm.s32 @p1 $0x4  }
0xa9: {  	_ =	swait.ge @p1 [sflag:s8], $0x4000  }
0xaa: {  	[sflag:s8] =	ssyncset.done @p1 $0x0  }
0xab: {  	[sflag:s8] =	ssyncadd.s32 @p1 $0xFFFFC000;
	s8 =	simm.s32 @p1 $0x3  }
0xac: {  	_ =	swait.ge @p1 [sflag:s8], $0x4000  }
0xad: {  	[sflag:s8] =	ssyncset.done @p1 $0x0  }
0xae: {  	s22 =	simm.s32 @!p1 $0x13980;
	[sflag:s8] =	ssyncadd.s32 @p1 $0xFFFFC000;
	s8 =	sadd.s32 @!p1 $0x70, s5  }
0xaf: {  	[tilespmem:s22], [sflag:$0x8] =	stream.linear.gather @!p1 [hbm4b:s8+s15], $0x80, $0x38;
	[tilespmem:$0x1FD80] =	vst v63  }
0xb0: {  	s8 =	sadd.s32 @!p1 $0x70, s14;
	s22 =	simm.s32 @!p1 $0x13B00  }
0xb1: {  	[tilespmem:s22], [sflag:$0x8] =	stream.linear.gather @!p1 [hbm4b:s8+s15], $0x80, $0x38;
	[tilespmem:$0x1FD80] =	vst v63  }
0xb2: {  	s24 =	simm.s32 @!p1 $0x17D80;
	s8 =	simm.s32 @!p1 $0x80;
	s22 =	simm.s32 @!p1 $0x13C80  }
0xb3: {  	[spmem:s2] =	stream.indirect.scatter.add.f32 @!p1 [tilespmem:s24], [sflag:$0x5], $0x80, s22, s8, $0xb8;
	[tilespmem:$0x1FD80] =	vst v63  }
0xb4: {  	s22 =	simm.s32 @!p1 $0x4  }
0xb5: {  	_ =	swait.ge @!p1 [sflag:s22], $0x4000  }
0xb6: {  	[sflag:s22] =	ssyncset.done @!p1 $0x0  }
0xb7: {  	[sflag:s22] =	ssyncadd.s32 @!p1 $0xFFFFC000;
	s22 =	simm.s32 @!p1 $0x7  }
0xb8: {  	_ =	swait.ge @!p1 [sflag:s22], $0x80  }
0xb9: {  	[sflag:s22] =	ssyncset.done @!p1 $0x0  }
0xba: {  	[sflag:s22] =	ssyncadd.s32 @!p1 $0xFFFFFF80  }
0xbb: {  	_ =	swait.ge @!p1 [sflag:s22], $0x80  }
0xbc: {  	[sflag:s22] =	ssyncset.done @!p1 $0x0  }
0xbd: {  	[sflag:s22] =	ssyncadd.s32 @!p1 $0xFFFFFF80;
	s22 =	simm.s32 @!p1 $0x13D80  }
0xbe: {  	[tilespmem:s22], [sflag:$0x1] =	stream.indirect.gather @!p1 [hbm4b:s1+s8], $0x80, s20, s8, $0xb8;
	[tilespmem:$0x1FD80] =	vst v63  }
0xbf: {  	s8 =	simm.s32 @!p1 $0x3  }
0xc0: {  	_ =	swait.ge @!p1 [sflag:s8], $0x4000  }
0xc1: {  	[sflag:s8] =	ssyncset.done @!p1 $0x0  }
0xc2: {  	s5 =	sadd.s32 @!p1 $0x80, s5;
	[sflag:s8] =	ssyncadd.s32 @!p1 $0xFFFFC000;
	s8 =	simm.s32 @!p1 $0x13A00  }
0xc3: {  	[tilespmem:s8], [sflag:$0x9] =	stream.linear.gather @!p1 [hbm4b:s5+s15], $0x80, $0x38;
	[tilespmem:$0x1FD80] =	vst v63  }
0xc4: {  	s5 =	sadd.s32 @!p1 $0x80, s14;
	s8 =	simm.s32 @!p1 $0x13B80  }
0xc5: {  	[tilespmem:s8], [sflag:$0x9] =	stream.linear.gather @!p1 [hbm4b:s5+s15], $0x80, $0x38;
	[tilespmem:$0x1FD80] =	vst v63  }
.Ltmp2:
0xc6: {  	_ = 	snop;
	(pc) =	sbr.rel @p1 .LBB2_4-.Ltmp2, $4  }
0xc7: {  	[spmem:s2] =	stream.indirect.scatter.add.f32 [tilespmem:s6], [sflag:$0x6], $0x80, s11, s26, $0xb8;
	[tilespmem:$0x1FD80] =	vst v63  }
0xc8: {  	_ =	swait.ge [sflag:s12], $0x4000  }
0xc9: {  	[sflag:s12] =	ssyncset.done $0x0  }
0xca: {  	[sflag:s12] =	ssyncadd.s32 $0xFFFFC000  }
0xcb: {  	_ =	swait.ge [sflag:s29], $0x80  }
0xcc: {  	[sflag:s29] =	ssyncset.done $0x0  }
.Ltmp3:
0xcd: {  	[sflag:s29] =	ssyncadd.s32 $0xFFFFFF80;
	(pc) =	sbr.rel .LBB2_2-.Ltmp3, $4  }
0xce: {  	_ =	swait.ge [sflag:s29], $0x80  }
0xcf: {  	[sflag:s29] =	ssyncset.done $0x0  }
0xd0: {  	s18 =	sadd.s32 $0x60, s18;
	[sflag:s29] =	ssyncadd.s32 $0xFFFFFF80  }
0xd1: {  	[tilespmem:s30], [sflag:$0x2] =	stream.indirect.gather [hbm4b:s1+s26], $0x80, s21, s26, $0xb8;
	[tilespmem:$0x1FD80] =	vst v63  }
.LBB2_5:
0xd2: {  	_ =	sfence.sel $0x180000  }
0xd3: {  	[bflag:$0x0] =	sbarrier.arrive $0xFFFF  }
0xd4: {  	_ =	strace $0x90000053  }
0xd5: {  	s0 =	stileid.u32;
	[bflag:$0x2] =	sbarrier.arrive $0xFFFF  }
0xd6: {  	p0 =	sne.s32 s0, $0x0;
	s0 =	rddreg [dreg:$0x3]  }
0xd7: {  	s0 =	sadd.s32 @!p0 $0x100000, s0  }
0xd8: {  	[sflag:s0] =	ssyncadd.tile.s32 @!p0 $0x1;
	_ =	shalt  }
.Lfunc_end2:
_tile_overlayer_lowered:
.L_overlay_start_2:
0xd9: {  	(tag) =	ssettag $0x2  }
0xda: {  	s0 =	rddreg [dreg:$0x0];
	s2 =	stileid.u32  }
0xdb: {  	s1 =	rddreg [dreg:$0x1];
	p0 =	sne.s32 s2, $0x0  }
0xdc: {  	s3 =	rddreg [dreg:$0x2];
	[bflag:$0x3] =	sbarrier.arrive $0xFFFF;
	s2 =	simm.s32 @!p0 $0x1C0A  }
0xdd: {  	[timem:s3], [sflag:s2] =	dma.local @!p0 [hbm:s0], s1  }
0xde: {  	s0 =	simm.s32 @!p0 $0xA  }
0xdf: {  	_ =	swait.ge @!p0 [sflag:s0], s1  }
0xe0: {  	s1 =	ssub.s32 @!p0 $0x0, s1;
	[sflag:s0] =	ssyncset.done @!p0 $0x0  }
0xe1: {  	[sflag:s0] =	ssyncadd.s32 @!p0 s1  }
0xe2: {  	[bflag:$0x3] =	sbarrier.arrive $0xFFFF  }
0xe3: {  	_ =	shalt  }

</sc_bundles>
